<compile_context>
chip_gen: v7x
topology: tpu7x:2x2x1
jax: 0.10.2.dev20260603
libtpu: 0.0.44.dev20260713+nightly
codegen_flags: <defaults>
</compile_context>

<pallas_src>
import jax
import jax.numpy as jnp
from jax import lax
from jax.experimental import pallas as pl
from jax.experimental.pallas import tpu as pltpu
from jax.experimental.pallas import tpu_sc as plsc

N = 10000
E = 160000
F = 256
NH = 4
HD = 64
NC = 2
NS = 16
LANES = 16
EPT = E // NS
EPTP = 10080
CH = 80
NCHUNK = EPTP // CH
NPAD = 10240
RPT = NPAD // NS

_SC_MESH = dict(core_axis_name="c", subcore_axis_name="s",
                num_cores=NC, num_subcores=NS)
_SC_PARAMS = pltpu.CompilerParams(needs_layout_passes=False,
                                  use_tc_tiling_on_sc=False)


def _proj_body(h_ref, w_ref, b_ref, asrc_ref, adst_ref, whq_ref, ss_ref, sd_ref):
    hb = h_ref[...]
    wm = w_ref[...]
    wh = lax.dot_general(hb, wm, (((1,), (1,)), ((), ())),
                         preferred_element_type=jnp.float32)
    wh = wh + b_ref[...]
    bn = wh.shape[0]
    asrc = asrc_ref[...]
    adst = adst_ref[...]
    scols, dcols = [], []
    for hh in range(NH):
        seg = wh[:, hh * HD:(hh + 1) * HD]
        whq_ref[hh:hh + 1, :, :] = seg.reshape(1, bn, HD)
        scols.append((seg * asrc[hh:hh + 1, :]).sum(axis=1).reshape(bn, 1))
        dcols.append((seg * adst[hh:hh + 1, :]).sum(axis=1).reshape(bn, 1))
    ss_ref[...] = jnp.concatenate(scols, axis=1)
    sd_ref[...] = jnp.concatenate(dcols, axis=1)


def _project(h, W, b, a_src, a_dst):
    bn = 2000
    return pl.pallas_call(
        _proj_body,
        grid=(N // bn,),
        in_specs=[
            pl.BlockSpec((bn, F), lambda i: (i, 0)),
            pl.BlockSpec((F, F), lambda i: (0, 0)),
            pl.BlockSpec((1, F), lambda i: (0, 0)),
            pl.BlockSpec((NH, HD), lambda i: (0, 0)),
            pl.BlockSpec((NH, HD), lambda i: (0, 0)),
        ],
        out_specs=[
            pl.BlockSpec((NH, bn, HD), lambda i: (0, i, 0)),
            pl.BlockSpec((bn, NH), lambda i: (i, 0)),
            pl.BlockSpec((bn, NH), lambda i: (i, 0)),
        ],
        out_shape=[
            jax.ShapeDtypeStruct((NH, N, HD), jnp.float32),
            jax.ShapeDtypeStruct((N, NH), jnp.float32),
            jax.ShapeDtypeStruct((N, NH), jnp.float32),
        ],
    )(h, W, b.reshape(1, F), a_src, a_dst)


RW = 4 * CH


def _scores_body(ss_hbm, sd_hbm, idxi_hbm, idxj_hbm,
                 pck_hbm,
                 ssv, sdv, idxi_v, idxj_v, pck_v):
    c = lax.axis_index("c")
    s = lax.axis_index("s")
    e0 = s * EPT
    pltpu.sync_copy(idxi_hbm.at[pl.ds(e0, EPT)], idxi_v)
    pltpu.sync_copy(idxj_hbm.at[pl.ds(e0, EPT)], idxj_v)

    zero16i = jnp.zeros((LANES,), jnp.int32)
    iota16 = lax.iota(jnp.int32, LANES)

    def zpad(i, cc):
        pck_v[pl.ds((EPT // CH) * RW + i * LANES, LANES)] = zero16i
        return cc
    lax.fori_loop(0, (EPTP - (EPT // CH) * CH) * 4 // LANES, zpad, 0)
    for pc in range(EPT // CH, NCHUNK):
        for g in range(CH // LANES):
            spread = g * LANES + iota16
            pck_v[pl.ds(pc * RW + g * LANES, LANES)] = spread
            pck_v[pl.ds(pc * RW + CH + g * LANES, LANES)] = spread

    def pass_body(hp, carry):
        hh = 2 * c + hp
        pltpu.sync_copy(ss_hbm.at[pl.ds(hh * N, N)], ssv)
        pltpu.sync_copy(sd_hbm.at[pl.ds(hh * N, N)], sdv)

        def group(g, cc):
            sl = pl.ds(g * LANES, LANES)
            ii = idxi_v[sl]
            jj = idxj_v[sl]
            ge = plsc.load_gather(ssv, [ii]) + plsc.load_gather(sdv, [jj])
            ge = jnp.where(ge >= 0.0, ge, 0.2 * ge)
            w = jnp.exp(ge)
            t = g // (CH // LANES)
            o = (g % (CH // LANES)) * LANES
            rec = t * RW + o
            pck_v[pl.ds(rec + (2 + hp) * CH, LANES)] = plsc.bitcast(w, jnp.int32)

            @pl.when(hp == 0)
            def _():
                pck_v[pl.ds(rec, LANES)] = ii
                pck_v[pl.ds(rec + CH, LANES)] = jj
            return cc
        lax.fori_loop(0, EPT // LANES, group, 0)
        return carry
    lax.fori_loop(0, 2, pass_body, 0)

    base = (c * NS + s) * (EPTP * 4)
    pltpu.sync_copy(pck_v, pck_hbm.at[pl.ds(base, EPTP * 4)])


def _sc_scores(ss, sd, idx_i, idx_j):
    f = pl.kernel(
        _scores_body,
        out_type=jax.ShapeDtypeStruct((NC * NS * EPTP * 4,), jnp.int32),
        mesh=plsc.VectorSubcoreMesh(**_SC_MESH),
        compiler_params=_SC_PARAMS,
        scratch_types=[
            pltpu.VMEM((N,), jnp.float32),
            pltpu.VMEM((N,), jnp.float32),
            pltpu.VMEM((EPT,), jnp.int32),
            pltpu.VMEM((EPT,), jnp.int32),
            pltpu.VMEM((EPTP * 4,), jnp.int32),
        ],
    )
    return f(ss, sd, idx_i, idx_j)


def _agg_body(whq_hbm, pck_hbm,
              acc_hbm, accw_hbm,
              pck_b, gidx, sidx, rows, wbuf,
              acc_sh, accw_sh, gsem, ssem, psem):
    c = lax.axis_index("c")
    s = lax.axis_index("s")
    zero16 = jnp.zeros((LANES,), jnp.float32)
    lane_iota = lax.iota(jnp.int32, LANES)
    col0 = jnp.zeros((LANES,), jnp.int32)
    rec_base = (c * NS + s) * (EPTP * 4)
    NG = CH // LANES

    def drain_scatter(q):
        pltpu.make_async_copy(rows[q], acc_sh.at[sidx[q]], ssem[q]).wait()
        pltpu.make_async_copy(wbuf[q], accw_sh.at[sidx[q]], ssem[q]).wait()

    def load_record(t, q, sync):
        src = pck_hbm.at[pl.ds(rec_base + t * RW, RW)]
        if sync:
            pltpu.sync_copy(src, pck_b[q])
        else:
            pltpu.async_copy(src, pck_b[q], psem[q])

    def wait_record(q):
        pltpu.make_async_copy(pck_hbm.at[pl.ds(rec_base, RW)],
                              pck_b[q], psem[q]).wait()

    def issue_gather(q, hh):
        for g in range(NG):
            gidx[q][pl.ds(g * LANES, LANES)] = (
                pck_b[q][pl.ds(CH + g * LANES, LANES)] + hh * N)
        pltpu.async_copy(whq_hbm.at[gidx[q]], rows[q], gsem[q])

    def body(t, p, hh, hp, tail):
        q = 1 - p

        @pl.when(t >= 1)
        def _():
            drain_scatter(q)

        if not tail:
            wait_record(q)
            issue_gather(q, hh)

        pltpu.make_async_copy(whq_hbm.at[gidx[p]], rows[p], gsem[p]).wait()

        for g in range(NG):
            sl = pl.ds(g * LANES, LANES)
            sidx[p][sl] = pck_b[p][sl]
            wv = plsc.bitcast(
                pck_b[p][pl.ds((2 + hp) * CH + g * LANES, LANES)], jnp.float32)
            plsc.store_scatter(wbuf[p], [g * LANES + lane_iota, col0], wv)

        def mul(r, cc):
            w0 = wbuf[p][r, :][0]
            for qq in range(HD // LANES):
                sl = pl.ds(qq * LANES, LANES)
                rows[p][r, sl] = rows[p][r, sl] * w0
            return cc
        lax.fori_loop(0, CH, mul, 0, unroll=8)

        pltpu.async_copy(rows[p], acc_sh.at[sidx[p]], ssem[p], add=True)
        pltpu.async_copy(wbuf[p], accw_sh.at[sidx[p]], ssem[p], add=True)

        if not tail:
            @pl.when(t + 2 < NCHUNK)
            def _():
                load_record(t + 2, p, sync=False)

    def pass_body(hp, carry):
        hh = 2 * c + hp

        def zbuf(i, cc):
            for qq in range(HD // LANES):
                rows[0][i, pl.ds(qq * LANES, LANES)] = zero16
            wbuf[0][i, :] = zero16
            wbuf[1][i, :] = zero16
            return cc
        lax.fori_loop(0, CH, zbuf, 0)

        def zacc(k, cc):
            pltpu.sync_copy(rows[0], acc_sh.at[pl.ds(s * RPT + k * CH, CH), :])
            pltpu.sync_copy(wbuf[0], accw_sh.at[pl.ds(s * RPT + k * CH, CH), :])
            return cc
        lax.fori_loop(0, RPT // CH, zacc, 0)
        plsc.subcore_barrier()

        load_record(0, 0, sync=True)
        issue_gather(0, hh)
        load_record(1, 1, sync=False)

        def pair(t2, cc):
            body(2 * t2, 0, hh, hp, False)
            body(2 * t2 + 1, 1, hh, hp, False)
            return cc
        lax.fori_loop(0, NCHUNK // 2 - 1, pair, 0)
        body(jnp.int32(NCHUNK - 2), 0, hh, hp, False)
        body(jnp.int32(NCHUNK - 1), 1, hh, hp, True)
        drain_scatter(1)
        plsc.subcore_barrier()

        pltpu.sync_copy(acc_sh.at[pl.ds(s * RPT, RPT), :],
                        acc_hbm.at[pl.ds(hh * NPAD + s * RPT, RPT), :])
        pltpu.sync_copy(accw_sh.at[pl.ds(s * RPT, RPT), :],
                        accw_hbm.at[pl.ds(hh * NPAD + s * RPT, RPT), :])
        return carry

    lax.fori_loop(0, 2, pass_body, 0)


def _sc_aggregate(whq, pck):
    f = pl.kernel(
        _agg_body,
        out_type=[
            jax.ShapeDtypeStruct((NH * NPAD, HD), jnp.float32),
            jax.ShapeDtypeStruct((NH * NPAD, LANES), jnp.float32),
        ],
        mesh=plsc.VectorSubcoreMesh(**_SC_MESH),
        compiler_params=_SC_PARAMS,
        scratch_types=[
            [pltpu.VMEM((RW,), jnp.int32)] * 2,
            [pltpu.VMEM((CH,), jnp.int32)] * 2,
            [pltpu.VMEM((CH,), jnp.int32)] * 2,
            [pltpu.VMEM((CH, HD), jnp.float32)] * 2,
            [pltpu.VMEM((CH, LANES), jnp.float32)] * 2,
            pltpu.VMEM_SHARED((NPAD, HD), jnp.float32),
            pltpu.VMEM_SHARED((NPAD, LANES), jnp.float32),
            [pltpu.SemaphoreType.DMA] * 2,
            [pltpu.SemaphoreType.DMA] * 2,
            [pltpu.SemaphoreType.DMA] * 2,
        ],
    )
    return f(whq.reshape(NH * N, HD), pck)


def _norm_body(acc_ref, accw_ref, out_ref):
    acc = acc_ref[...]
    den = accw_ref[...]
    parts = []
    for hh in range(NH):
        d = den[hh, :, 0:1]
        parts.append(jnp.where(d > 0.0, acc[hh] / d, 0.0))
    out_ref[...] = jnp.concatenate(parts, axis=1)


def _normalize(acc, accw):
    bn = 2000
    return pl.pallas_call(
        _norm_body,
        grid=(N // bn,),
        in_specs=[
            pl.BlockSpec((NH, bn, HD), lambda i: (0, i, 0)),
            pl.BlockSpec((NH, bn, LANES), lambda i: (0, i, 0)),
        ],
        out_specs=pl.BlockSpec((bn, F), lambda i: (i, 0)),
        out_shape=jax.ShapeDtypeStruct((N, F), jnp.float32),
    )(acc.reshape(NH, NPAD, HD), accw.reshape(NH, NPAD, LANES))


def kernel(h, adj_indices, W, b, a_src, a_dst):
    idx_i = adj_indices[0].astype(jnp.int32)
    idx_j = adj_indices[1].astype(jnp.int32)
    whq, ss, sd = _project(h, W, b, a_src, a_dst)
    pck = _sc_scores(ss.T.reshape(NH * N), sd.T.reshape(NH * N), idx_i, idx_j)
    acc, accw = _sc_aggregate(whq, pck)
    return _normalize(acc, accw)

# --- scband reference (transcript-rebuilt; emitter-appended) ---
"""Pipeline reference for scband-graph-attention-layer-9612136808772 (READ-ONLY COPY).

The authoritative reference and input builder live on the scoring server;
editing this copy changes nothing except your own understanding.
"""

import jax, jax.numpy as jnp
import numpy as np

N_NODES = 10000
N_EDGES = 160000
IN_DIM = 256
OUT_DIM = 256
HEADS = 4
HEAD_DIM = OUT_DIM // HEADS


def _xavier(key, shape):
    fan_in, fan_out = shape[-1], shape[0]
    a = float(np.sqrt(6.0 / (fan_in + fan_out)))
    return jax.random.uniform(key, shape, dtype=jnp.float32, minval=-a, maxval=a)


def setup_inputs(seed: int = 0) -> dict:
    key = jax.random.key(seed)
    k_h, k_idx, k_w, k_as, k_ad = jax.random.split(key, 5)
    h = jax.random.normal(k_h, (N_NODES, IN_DIM), dtype=jnp.float32)
    adj_indices = jax.random.randint(k_idx, (2, N_EDGES), 0, N_NODES, dtype=jnp.int64 if jax.config.jax_enable_x64 else jnp.int32)
    W = _xavier(k_w, (OUT_DIM, IN_DIM))
    b = jnp.zeros((OUT_DIM,), dtype=jnp.float32)
    a_src = _xavier(k_as, (HEADS, HEAD_DIM))
    a_dst = _xavier(k_ad, (HEADS, HEAD_DIM))
    return {"h": h, "adj_indices": adj_indices, "W": W, "b": b, "a_src": a_src, "a_dst": a_dst}


def reference(h, adj_indices, W, b, a_src, a_dst):
    N = h.shape[0]
    # Linear projection: Wh = h @ W^T + b, view as [N, heads, head_dim]
    Wh = (h @ W.T + b).reshape(N, HEADS, HEAD_DIM)
    idx_i = adj_indices[0]  # dst row of sparse adj
    idx_j = adj_indices[1]  # src col
    Wh_i = Wh[idx_i]  # [E, H, D] gather
    Wh_j = Wh[idx_j]  # [E, H, D] gather
    e = (Wh_i * a_src[None, :, :]).sum(-1) + (Wh_j * a_dst[None, :, :]).sum(-1)  # [E, H]
    e = jnp.where(e >= 0, e, 0.2 * e)  # LeakyReLU(0.2)
    # sparse softmax over dim=1 (per row idx_i, over existing entries)
    m = jax.ops.segment_max(e, idx_i, num_segments=N)  # [N, H]
    e_exp = jnp.exp(e - m[idx_i])
    denom = jax.ops.segment_sum(e_exp, idx_i, num_segments=N)  # [N, H]
    alpha = e_exp / denom[idx_i]  # [E, H]
    # sparse.mm(att, Wh_h) per head: out[i] = sum_j alpha[ij] * Wh_j
    out = jax.ops.segment_sum(alpha[:, :, None] * Wh_j, idx_i, num_segments=N)  # [N, H, D]
    # torch.cat over heads along dim=1 == reshape since head blocks are contiguous
    return out.reshape(N, HEADS * HEAD_DIM)

if __name__ == "__main__":
    import jax
    _d = setup_inputs()
    print(jax.jit(kernel)(*tuple(_d.values())))

</pallas_src>

<mosaic_0001>
#map = affine_map<(d0, d1) -> (0)>
module attributes {stable_mosaic.version = 14 : i64} {
  func.func @_scores_body(%arg0: i32, %arg1: i32, %arg2: memref<40000xf32, #tpu.memory_space<hbm>>, %arg3: memref<40000xf32, #tpu.memory_space<hbm>>, %arg4: memref<160000xi32, #tpu.memory_space<hbm>>, %arg5: memref<160000xi32, #tpu.memory_space<hbm>>, %arg6: memref<1290240xi32, #tpu.memory_space<hbm>>, %arg7: memref<10000xf32, #tpu.memory_space<vmem>>, %arg8: memref<10000xf32, #tpu.memory_space<vmem>>, %arg9: memref<10000xi32, #tpu.memory_space<vmem>>, %arg10: memref<10000xi32, #tpu.memory_space<vmem>>, %arg11: memref<40320xi32, #tpu.memory_space<vmem>>) attributes {dimension_semantics = [#tpu.dimension_semantics<core_parallel>, #tpu.dimension_semantics<subcore_parallel>], iteration_bounds = array<i64: 2, 16>, scalar_prefetch = 0 : i64, scratch_operands = 5 : i64, tpu.core_type = #tpu.core_type<sc_vector_subcore>, window_params = [{transform_indices = #map}, {transform_indices = #map}, {transform_indices = #map}, {transform_indices = #map}, {transform_indices = #map}]} {
    %mul3A = arith.constant 10000 : i32
    %mul3A_0 = arith.muli %arg1, %mul3A : i32
    "tpu.region"() ({
      %run_scoped3A = tpu.sem_alloc : memref<!tpu.dma_semaphore, #tpu.memory_space<semaphore_mem>>
      %dma_start3A = tpu.memref_slice %arg4[%mul3A_0] : memref<160000xi32, #tpu.memory_space<hbm>> -> memref<10000xi32, #tpu.memory_space<hbm>>
      %dma_start3A_51 = tpu.memref_slice %arg4[%mul3A_0] : memref<160000xi32, #tpu.memory_space<hbm>> -> memref<10000xi32, #tpu.memory_space<hbm>>
      tpu.enqueue_dma source(%dma_start3A_51 : memref<10000xi32, #tpu.memory_space<hbm>>) target(%arg9 : memref<10000xi32, #tpu.memory_space<vmem>>) target_semaphore(%run_scoped3A : memref<!tpu.dma_semaphore, #tpu.memory_space<semaphore_mem>>)
      %dma_wait3A = tpu.memref_slice %arg4[%mul3A_0] : memref<160000xi32, #tpu.memory_space<hbm>> -> memref<10000xi32, #tpu.memory_space<hbm>>
      %dma_wait3A_52 = tpu.memref_slice %arg4[%mul3A_0] : memref<160000xi32, #tpu.memory_space<hbm>> -> memref<10000xi32, #tpu.memory_space<hbm>>
      tpu.wait_dma2 semaphore(%run_scoped3A : memref<!tpu.dma_semaphore, #tpu.memory_space<semaphore_mem>>) src(%dma_wait3A_52 : memref<10000xi32, #tpu.memory_space<hbm>>) dst(%arg9 : memref<10000xi32, #tpu.memory_space<vmem>>)
      tpu.yield
    }) : () -> ()
    "tpu.region"() ({
      %run_scoped3A = tpu.sem_alloc : memref<!tpu.dma_semaphore, #tpu.memory_space<semaphore_mem>>
      %dma_start3A = tpu.memref_slice %arg5[%mul3A_0] : memref<160000xi32, #tpu.memory_space<hbm>> -> memref<10000xi32, #tpu.memory_space<hbm>>
      %dma_start3A_51 = tpu.memref_slice %arg5[%mul3A_0] : memref<160000xi32, #tpu.memory_space<hbm>> -> memref<10000xi32, #tpu.memory_space<hbm>>
      tpu.enqueue_dma source(%dma_start3A_51 : memref<10000xi32, #tpu.memory_space<hbm>>) target(%arg10 : memref<10000xi32, #tpu.memory_space<vmem>>) target_semaphore(%run_scoped3A : memref<!tpu.dma_semaphore, #tpu.memory_space<semaphore_mem>>)
      %dma_wait3A = tpu.memref_slice %arg5[%mul3A_0] : memref<160000xi32, #tpu.memory_space<hbm>> -> memref<10000xi32, #tpu.memory_space<hbm>>
      %dma_wait3A_52 = tpu.memref_slice %arg5[%mul3A_0] : memref<160000xi32, #tpu.memory_space<hbm>> -> memref<10000xi32, #tpu.memory_space<hbm>>
      tpu.wait_dma2 semaphore(%run_scoped3A : memref<!tpu.dma_semaphore, #tpu.memory_space<semaphore_mem>>) src(%dma_wait3A_52 : memref<10000xi32, #tpu.memory_space<hbm>>) dst(%arg10 : memref<10000xi32, #tpu.memory_space<vmem>>)
      tpu.yield
    }) : () -> ()
    %broadcast_in_dim3A = arith.constant 0 : i32
    %broadcast_in_dim3A_1 = vector.broadcast %broadcast_in_dim3A : i32 to vector<16xi32>
    %iota3A = tpu.iota {dimensions = array<i32: 0>} : vector<16xi32>
    %scan3A = arith.constant 0 : i32
    %scan3A_2 = arith.constant 0 : i32
    %scan3A_3 = arith.constant 20 : i32
    %scan3A_4 = arith.addi %scan3A_2, %scan3A_3 : i32
    %scan3A_5 = arith.constant 1 : i32
    scf.for %scan3A_51 = %scan3A_2 to %scan3A_4 step %scan3A_5  : i32 {
      %mul3A_52 = arith.constant 16 : i32
      %mul3A_53 = arith.muli %scan3A_51, %mul3A_52 : i32
      %add3A_54 = arith.constant 40000 : i32
      %add3A_55 = arith.addi %add3A_54, %mul3A_53 : i32
      %swap3A_56 = arith.index_cast %add3A_55 : i32 to index
      %swap3A_57 = tpu.vector_load %arg11[%swap3A_56] {strides = array<i32>} : memref<40320xi32, #tpu.memory_space<vmem>>, vector<16xi32>,
      tpu.vector_store %arg11[%swap3A_56], %broadcast_in_dim3A_1 {strides = array<i32>} : memref<40320xi32, #tpu.memory_space<vmem>>, vector<16xi32>,
    }
    %scan3A_6 = arith.constant 20 : i32
    %add3A = arith.constant 0 : i32
    %add3A_7 = vector.broadcast %add3A : i32 to vector<16xi32>
    %add3A_8 = arith.addi %add3A_7, %iota3A : vector<16xi32>
    %swap3A = arith.constant 40000 : index
    %swap3A_9 = tpu.vector_load %arg11[%swap3A] {strides = array<i32>} : memref<40320xi32, #tpu.memory_space<vmem>>, vector<16xi32>,
    tpu.vector_store %arg11[%swap3A], %add3A_8 {strides = array<i32>} : memref<40320xi32, #tpu.memory_space<vmem>>, vector<16xi32>,
    %swap3A_10 = arith.constant 40080 : index
    %swap3A_11 = tpu.vector_load %arg11[%swap3A_10] {strides = array<i32>} : memref<40320xi32, #tpu.memory_space<vmem>>, vector<16xi32>,
    tpu.vector_store %arg11[%swap3A_10], %add3A_8 {strides = array<i32>} : memref<40320xi32, #tpu.memory_space<vmem>>, vector<16xi32>,
    %add3A_12 = arith.constant 16 : i32
    %add3A_13 = vector.broadcast %add3A_12 : i32 to vector<16xi32>
    %add3A_14 = arith.addi %add3A_13, %iota3A : vector<16xi32>
    %swap3A_15 = arith.constant 40016 : index
    %swap3A_16 = tpu.vector_load %arg11[%swap3A_15] {strides = array<i32>} : memref<40320xi32, #tpu.memory_space<vmem>>, vector<16xi32>,
    tpu.vector_store %arg11[%swap3A_15], %add3A_14 {strides = array<i32>} : memref<40320xi32, #tpu.memory_space<vmem>>, vector<16xi32>,
    %swap3A_17 = arith.constant 40096 : index
    %swap3A_18 = tpu.vector_load %arg11[%swap3A_17] {strides = array<i32>} : memref<40320xi32, #tpu.memory_space<vmem>>, vector<16xi32>,
    tpu.vector_store %arg11[%swap3A_17], %add3A_14 {strides = array<i32>} : memref<40320xi32, #tpu.memory_space<vmem>>, vector<16xi32>,
    %add3A_19 = arith.constant 32 : i32
    %add3A_20 = vector.broadcast %add3A_19 : i32 to vector<16xi32>
    %add3A_21 = arith.addi %add3A_20, %iota3A : vector<16xi32>
    %swap3A_22 = arith.constant 40032 : index
    %swap3A_23 = tpu.vector_load %arg11[%swap3A_22] {strides = array<i32>} : memref<40320xi32, #tpu.memory_space<vmem>>, vector<16xi32>,
    tpu.vector_store %arg11[%swap3A_22], %add3A_21 {strides = array<i32>} : memref<40320xi32, #tpu.memory_space<vmem>>, vector<16xi32>,
    %swap3A_24 = arith.constant 40112 : index
    %swap3A_25 = tpu.vector_load %arg11[%swap3A_24] {strides = array<i32>} : memref<40320xi32, #tpu.memory_space<vmem>>, vector<16xi32>,
    tpu.vector_store %arg11[%swap3A_24], %add3A_21 {strides = array<i32>} : memref<40320xi32, #tpu.memory_space<vmem>>, vector<16xi32>,
    %add3A_26 = arith.constant 48 : i32
    %add3A_27 = vector.broadcast %add3A_26 : i32 to vector<16xi32>
    %add3A_28 = arith.addi %add3A_27, %iota3A : vector<16xi32>
    %swap3A_29 = arith.constant 40048 : index
    %swap3A_30 = tpu.vector_load %arg11[%swap3A_29] {strides = array<i32>} : memref<40320xi32, #tpu.memory_space<vmem>>, vector<16xi32>,
    tpu.vector_store %arg11[%swap3A_29], %add3A_28 {strides = array<i32>} : memref<40320xi32, #tpu.memory_space<vmem>>, vector<16xi32>,
    %swap3A_31 = arith.constant 40128 : index
    %swap3A_32 = tpu.vector_load %arg11[%swap3A_31] {strides = array<i32>} : memref<40320xi32, #tpu.memory_space<vmem>>, vector<16xi32>,
    tpu.vector_store %arg11[%swap3A_31], %add3A_28 {strides = array<i32>} : memref<40320xi32, #tpu.memory_space<vmem>>, vector<16xi32>,
    %add3A_33 = arith.constant 64 : i32
    %add3A_34 = vector.broadcast %add3A_33 : i32 to vector<16xi32>
    %add3A_35 = arith.addi %add3A_34, %iota3A : vector<16xi32>
    %swap3A_36 = arith.constant 40064 : index
    %swap3A_37 = tpu.vector_load %arg11[%swap3A_36] {strides = array<i32>} : memref<40320xi32, #tpu.memory_space<vmem>>, vector<16xi32>,
    tpu.vector_store %arg11[%swap3A_36], %add3A_35 {strides = array<i32>} : memref<40320xi32, #tpu.memory_space<vmem>>, vector<16xi32>,
    %swap3A_38 = arith.constant 40144 : index
    %swap3A_39 = tpu.vector_load %arg11[%swap3A_38] {strides = array<i32>} : memref<40320xi32, #tpu.memory_space<vmem>>, vector<16xi32>,
    tpu.vector_store %arg11[%swap3A_38], %add3A_35 {strides = array<i32>} : memref<40320xi32, #tpu.memory_space<vmem>>, vector<16xi32>,
    %scan3A_40 = arith.constant 0 : i32
    %scan3A_41 = arith.constant 0 : i32
    %scan3A_42 = arith.constant 2 : i32
    %scan3A_43 = arith.addi %scan3A_41, %scan3A_42 : i32
    %scan3A_44 = arith.constant 1 : i32
    scf.for %scan3A_51 = %scan3A_41 to %scan3A_43 step %scan3A_44  : i32 {
      %mul3A_52 = arith.constant 2 : i32
      %mul3A_53 = arith.muli %mul3A_52, %arg0 : i32
      %add3A_54 = arith.addi %mul3A_53, %scan3A_51 : i32
      %mul3A_55 = arith.constant 10000 : i32
      %mul3A_56 = arith.muli %add3A_54, %mul3A_55 : i32
      "tpu.region"() ({
        %run_scoped3A = tpu.sem_alloc : memref<!tpu.dma_semaphore, #tpu.memory_space<semaphore_mem>>
        %dma_start3A = tpu.memref_slice %arg2[%mul3A_56] : memref<40000xf32, #tpu.memory_space<hbm>> -> memref<10000xf32, #tpu.memory_space<hbm>>
        %dma_start3A_65 = tpu.memref_slice %arg2[%mul3A_56] : memref<40000xf32, #tpu.memory_space<hbm>> -> memref<10000xf32, #tpu.memory_space<hbm>>
        tpu.enqueue_dma source(%dma_start3A_65 : memref<10000xf32, #tpu.memory_space<hbm>>) target(%arg7 : memref<10000xf32, #tpu.memory_space<vmem>>) target_semaphore(%run_scoped3A : memref<!tpu.dma_semaphore, #tpu.memory_space<semaphore_mem>>)
        %dma_wait3A = tpu.memref_slice %arg2[%mul3A_56] : memref<40000xf32, #tpu.memory_space<hbm>> -> memref<10000xf32, #tpu.memory_space<hbm>>
        %dma_wait3A_66 = tpu.memref_slice %arg2[%mul3A_56] : memref<40000xf32, #tpu.memory_space<hbm>> -> memref<10000xf32, #tpu.memory_space<hbm>>
        tpu.wait_dma2 semaphore(%run_scoped3A : memref<!tpu.dma_semaphore, #tpu.memory_space<semaphore_mem>>) src(%dma_wait3A_66 : memref<10000xf32, #tpu.memory_space<hbm>>) dst(%arg7 : memref<10000xf32, #tpu.memory_space<vmem>>)
        tpu.yield
      }) : () -> ()
      %mul3A_57 = arith.constant 10000 : i32
      %mul3A_58 = arith.muli %add3A_54, %mul3A_57 : i32
      "tpu.region"() ({
        %run_scoped3A = tpu.sem_alloc : memref<!tpu.dma_semaphore, #tpu.memory_space<semaphore_mem>>
        %dma_start3A = tpu.memref_slice %arg3[%mul3A_58] : memref<40000xf32, #tpu.memory_space<hbm>> -> memref<10000xf32, #tpu.memory_space<hbm>>
        %dma_start3A_65 = tpu.memref_slice %arg3[%mul3A_58] : memref<40000xf32, #tpu.memory_space<hbm>> -> memref<10000xf32, #tpu.memory_space<hbm>>
        tpu.enqueue_dma source(%dma_start3A_65 : memref<10000xf32, #tpu.memory_space<hbm>>) target(%arg8 : memref<10000xf32, #tpu.memory_space<vmem>>) target_semaphore(%run_scoped3A : memref<!tpu.dma_semaphore, #tpu.memory_space<semaphore_mem>>)
        %dma_wait3A = tpu.memref_slice %arg3[%mul3A_58] : memref<40000xf32, #tpu.memory_space<hbm>> -> memref<10000xf32, #tpu.memory_space<hbm>>
        %dma_wait3A_66 = tpu.memref_slice %arg3[%mul3A_58] : memref<40000xf32, #tpu.memory_space<hbm>> -> memref<10000xf32, #tpu.memory_space<hbm>>
        tpu.wait_dma2 semaphore(%run_scoped3A : memref<!tpu.dma_semaphore, #tpu.memory_space<semaphore_mem>>) src(%dma_wait3A_66 : memref<10000xf32, #tpu.memory_space<hbm>>) dst(%arg8 : memref<10000xf32, #tpu.memory_space<vmem>>)
        tpu.yield
      }) : () -> ()
      %scan3A_59 = arith.constant 0 : i32
      %scan3A_60 = arith.constant 0 : i32
      %scan3A_61 = arith.constant 625 : i32
      %scan3A_62 = arith.addi %scan3A_60, %scan3A_61 : i32
      %scan3A_63 = arith.constant 1 : i32
      scf.for %scan3A_65 = %scan3A_60 to %scan3A_62 step %scan3A_63  : i32 {
        %mul3A_66 = arith.constant 16 : i32
        %mul3A_67 = arith.muli %scan3A_65, %mul3A_66 : i32
        %get3A = arith.index_cast %mul3A_67 : i32 to index
        %get3A_68 = tpu.vector_load %arg9[%get3A] {strides = array<i32>} : memref<10000xi32, #tpu.memory_space<vmem>>, vector<16xi32>,
        %get3A_69 = arith.index_cast %mul3A_67 : i32 to index
        %get3A_70 = tpu.vector_load %arg10[%get3A_69] {strides = array<i32>} : memref<10000xi32, #tpu.memory_space<vmem>>, vector<16xi32>,
        %gather3A = tpu.vector_load_idx %arg7[%get3A_68] : memref<10000xf32, #tpu.memory_space<vmem>>[vector<16xi32>], vector<16xf32>,
        %gather3A_71 = tpu.vector_load_idx %arg8[%get3A_70] : memref<10000xf32, #tpu.memory_space<vmem>>[vector<16xi32>], vector<16xf32>,
        %add3A_72 = arith.addf %gather3A, %gather3A_71 : vector<16xf32>
        %ge3A = arith.constant 0.000000e+00 : f32
        %ge3A_73 = vector.broadcast %ge3A : f32 to vector<16xf32>
        %ge3A_74 = arith.cmpf oge, %add3A_72, %ge3A_73 : vector<16xf32>
        %mul3A_75 = arith.constant 2.000000e-01 : f32
        %mul3A_76 = vector.broadcast %mul3A_75 : f32 to vector<16xf32>
        %mul3A_77 = arith.mulf %mul3A_76, %add3A_72 : vector<16xf32>
        %select_n3A = arith.select %ge3A_74, %add3A_72, %mul3A_77 : vector<16xi1>, vector<16xf32>
        %exp3A = math.exp %select_n3A : vector<16xf32>
        %jit3A = arith.constant 5 : i32
        %div3A = arith.divsi %scan3A_65, %jit3A : i32
        %sign3A = arith.constant 0 : i32
        %sign3A_78 = arith.cmpi sgt, %scan3A_65, %sign3A : i32
        %sign3A_79 = arith.extui %sign3A_78 : i1 to i32
        %sign3A_80 = arith.constant 0 : i32
        %sign3A_81 = arith.cmpi slt, %scan3A_65, %sign3A_80 : i32
        %sign3A_82 = arith.extui %sign3A_81 : i1 to i32
        %sign3A_83 = arith.subi %sign3A_79, %sign3A_82 : i32
        %sign3A_84 = arith.constant 0 : i32
        %sign3A_85 = arith.cmpi sgt, %jit3A, %sign3A_84 : i32
        %sign3A_86 = arith.extui %sign3A_85 : i1 to i32
        %sign3A_87 = arith.constant 0 : i32
        %sign3A_88 = arith.cmpi slt, %jit3A, %sign3A_87 : i32
        %sign3A_89 = arith.extui %sign3A_88 : i1 to i32
        %sign3A_90 = arith.subi %sign3A_86, %sign3A_89 : i32
        %ne3A = arith.cmpi ne, %sign3A_83, %sign3A_90 : i32
        %rem3A = arith.remsi %scan3A_65, %jit3A : i32
        %ne3A_91 = arith.constant 0 : i32
        %ne3A_92 = arith.cmpi ne, %rem3A, %ne3A_91 : i32
        %and3A = arith.andi %ne3A, %ne3A_92 : i1
        %sub3A = arith.constant 1 : i32
        %sub3A_93 = arith.subi %div3A, %sub3A : i32
        %select_n3A_94 = arith.select %and3A, %sub3A_93, %div3A : i32
        %jit3A_95 = arith.constant 5 : i32
        %eq3A = arith.constant 0 : i32
        %eq3A_96 = arith.cmpi eq, %jit3A_95, %eq3A : i32
        %jit3A_97 = arith.constant 1 : i32
        %select_n3A_98 = arith.select %eq3A_96, %jit3A_97, %jit3A_95 : i32
        %rem3A_99 = arith.remsi %scan3A_65, %select_n3A_98 : i32
        %ne3A_100 = arith.constant 0 : i32
        %ne3A_101 = arith.cmpi ne, %rem3A_99, %ne3A_100 : i32
        %lt3A = arith.constant 0 : i32
        %lt3A_102 = arith.cmpi slt, %rem3A_99, %lt3A : i32
        %lt3A_103 = arith.constant 0 : i32
        %lt3A_104 = arith.cmpi slt, %select_n3A_98, %lt3A_103 : i32
        %ne3A_105 = arith.xori %lt3A_102, %lt3A_104 : i1
        %and3A_106 = arith.andi %ne3A_105, %ne3A_101 : i1
        %add3A_107 = arith.addi %rem3A_99, %select_n3A_98 : i32
        %select_n3A_108 = arith.select %and3A_106, %add3A_107, %rem3A_99 : i32
        %mul3A_109 = arith.constant 16 : i32
        %mul3A_110 = arith.muli %select_n3A_108, %mul3A_109 : i32
        %mul3A_111 = arith.constant 320 : i32
        %mul3A_112 = arith.muli %select_n3A_94, %mul3A_111 : i32
        %add3A_113 = arith.addi %mul3A_112, %mul3A_110 : i32
        %bitcast3A = vector.bitcast %exp3A : vector<16xf32> to vector<16xi32>
        %add3A_114 = arith.constant 2 : i32
        %add3A_115 = arith.addi %add3A_114, %scan3A_51 : i32
        %mul3A_116 = arith.constant 80 : i32
        %mul3A_117 = arith.muli %add3A_115, %mul3A_116 : i32
        %add3A_118 = arith.addi %add3A_113, %mul3A_117 : i32
        %swap3A_119 = arith.index_cast %add3A_118 : i32 to index
        %swap3A_120 = tpu.vector_load %arg11[%swap3A_119] {strides = array<i32>} : memref<40320xi32, #tpu.memory_space<vmem>>, vector<16xi32>,
        tpu.vector_store %arg11[%swap3A_119], %bitcast3A {strides = array<i32>} : memref<40320xi32, #tpu.memory_space<vmem>>, vector<16xi32>,
        %eq3A_121 = arith.constant 0 : i32
        %eq3A_122 = arith.cmpi eq, %scan3A_51, %eq3A_121 : i32
        %convert_element_type3A = arith.extui %eq3A_122 : i1 to i32
        %cond3A = arith.constant 0 : i32
        %cond3A_123 = arith.cmpi ne, %convert_element_type3A, %cond3A : i32
        scf.if %cond3A_123 {
          %swap3A_124 = arith.index_cast %add3A_113 : i32 to index
          %swap3A_125 = tpu.vector_load %arg11[%swap3A_124] {strides = array<i32>} : memref<40320xi32, #tpu.memory_space<vmem>>, vector<16xi32>,
          tpu.vector_store %arg11[%swap3A_124], %get3A_68 {strides = array<i32>} : memref<40320xi32, #tpu.memory_space<vmem>>, vector<16xi32>,
          %add3A_126 = arith.constant 80 : i32
          %add3A_127 = arith.addi %add3A_113, %add3A_126 : i32
          %swap3A_128 = arith.index_cast %add3A_127 : i32 to index
          %swap3A_129 = tpu.vector_load %arg11[%swap3A_128] {strides = array<i32>} : memref<40320xi32, #tpu.memory_space<vmem>>, vector<16xi32>,
          tpu.vector_store %arg11[%swap3A_128], %get3A_70 {strides = array<i32>} : memref<40320xi32, #tpu.memory_space<vmem>>, vector<16xi32>,
        } else {
        }
      }
      %scan3A_64 = arith.constant 625 : i32
    }
    %scan3A_45 = arith.constant 2 : i32
    %mul3A_46 = arith.constant 16 : i32
    %mul3A_47 = arith.muli %arg0, %mul3A_46 : i32
    %add3A_48 = arith.addi %mul3A_47, %arg1 : i32
    %mul3A_49 = arith.constant 40320 : i32
    %mul3A_50 = arith.muli %add3A_48, %mul3A_49 : i32
    "tpu.region"() ({
      %run_scoped3A = tpu.sem_alloc : memref<!tpu.dma_semaphore, #tpu.memory_space<semaphore_mem>>
      %dma_start3A = tpu.memref_slice %arg6[%mul3A_50] : memref<1290240xi32, #tpu.memory_space<hbm>> -> memref<40320xi32, #tpu.memory_space<hbm>>
      %dma_start3A_51 = tpu.memref_slice %arg6[%mul3A_50] : memref<1290240xi32, #tpu.memory_space<hbm>> -> memref<40320xi32, #tpu.memory_space<hbm>>
      tpu.enqueue_dma source(%arg11 : memref<40320xi32, #tpu.memory_space<vmem>>) target(%dma_start3A_51 : memref<40320xi32, #tpu.memory_space<hbm>>) target_semaphore(%run_scoped3A : memref<!tpu.dma_semaphore, #tpu.memory_space<semaphore_mem>>)
      %dma_wait3A = tpu.memref_slice %arg6[%mul3A_50] : memref<1290240xi32, #tpu.memory_space<hbm>> -> memref<40320xi32, #tpu.memory_space<hbm>>
      %dma_wait3A_52 = tpu.memref_slice %arg6[%mul3A_50] : memref<1290240xi32, #tpu.memory_space<hbm>> -> memref<40320xi32, #tpu.memory_space<hbm>>
      tpu.wait_dma2 semaphore(%run_scoped3A : memref<!tpu.dma_semaphore, #tpu.memory_space<semaphore_mem>>) src(%arg11 : memref<40320xi32, #tpu.memory_space<vmem>>) dst(%dma_wait3A_52 : memref<40320xi32, #tpu.memory_space<hbm>>)
      tpu.yield
    }) : () -> ()
    return
  }
}

#map = affine_map<(d0, d1) -> (0, 0)>
#map1 = affine_map<(d0, d1) -> (0)>
module attributes {stable_mosaic.version = 14 : i64} {
  func.func @_agg_body(%arg0: i32, %arg1: i32, %arg2: memref<40000x64xf32, #tpu.memory_space<hbm>>, %arg3: memref<1290240xi32, #tpu.memory_space<hbm>>, %arg4: memref<40960x64xf32, #tpu.memory_space<hbm>>, %arg5: memref<40960x16xf32, #tpu.memory_space<hbm>>, %arg6: memref<320xi32, #tpu.memory_space<vmem>>, %arg7: memref<320xi32, #tpu.memory_space<vmem>>, %arg8: memref<80xi32, #tpu.memory_space<vmem>>, %arg9: memref<80xi32, #tpu.memory_space<vmem>>, %arg10: memref<80xi32, #tpu.memory_space<vmem>>, %arg11: memref<80xi32, #tpu.memory_space<vmem>>, %arg12: memref<80x64xf32, #tpu.memory_space<vmem>>, %arg13: memref<80x64xf32, #tpu.memory_space<vmem>>, %arg14: memref<80x16xf32, #tpu.memory_space<vmem>>, %arg15: memref<80x16xf32, #tpu.memory_space<vmem>>, %arg16: memref<10240x64xf32, #tpu.memory_space<vmem_shared>>, %arg17: memref<10240x16xf32, #tpu.memory_space<vmem_shared>>, %arg18: memref<!tpu.dma_semaphore, #tpu.memory_space<semaphore_mem>>, %arg19: memref<!tpu.dma_semaphore, #tpu.memory_space<semaphore_mem>>, %arg20: memref<!tpu.dma_semaphore, #tpu.memory_space<semaphore_mem>>, %arg21: memref<!tpu.dma_semaphore, #tpu.memory_space<semaphore_mem>>, %arg22: memref<!tpu.dma_semaphore, #tpu.memory_space<semaphore_mem>>, %arg23: memref<!tpu.dma_semaphore, #tpu.memory_space<semaphore_mem>>) attributes {dimension_semantics = [#tpu.dimension_semantics<core_parallel>, #tpu.dimension_semantics<subcore_parallel>], iteration_bounds = array<i64: 2, 16>, scalar_prefetch = 0 : i64, scratch_operands = 18 : i64, tpu.core_type = #tpu.core_type<sc_vector_subcore>, window_params = [{transform_indices = #map}, {transform_indices = #map1}, {transform_indices = #map}, {transform_indices = #map}]} {
    %broadcast_in_dim3A = arith.constant 0.000000e+00 : f32
    %broadcast_in_dim3A_0 = vector.broadcast %broadcast_in_dim3A : f32 to vector<16xf32>
    %iota3A = tpu.iota {dimensions = array<i32: 0>} : vector<16xi32>
    %broadcast_in_dim3A_1 = arith.constant 0 : i32
    %broadcast_in_dim3A_2 = vector.broadcast %broadcast_in_dim3A_1 : i32 to vector<16xi32>
    %mul3A = arith.constant 16 : i32
    %mul3A_3 = arith.muli %arg0, %mul3A : i32
    %add3A = arith.addi %mul3A_3, %arg1 : i32
    %mul3A_4 = arith.constant 40320 : i32
    %mul3A_5 = arith.muli %add3A, %mul3A_4 : i32
    %scan3A = arith.constant 0 : i32
    %scan3A_6 = arith.constant 0 : i32
    %scan3A_7 = arith.constant 2 : i32
    %scan3A_8 = arith.addi %scan3A_6, %scan3A_7 : i32
    %scan3A_9 = arith.constant 1 : i32
    scf.for %scan3A_11 = %scan3A_6 to %scan3A_8 step %scan3A_9  : i32 {
      %mul3A_12 = arith.constant 2 : i32
      %mul3A_13 = arith.muli %mul3A_12, %arg0 : i32
      %add3A_14 = arith.addi %mul3A_13, %scan3A_11 : i32
      %scan3A_15 = arith.constant 0 : i32
      %scan3A_16 = arith.constant 0 : i32
      %scan3A_17 = arith.constant 80 : i32
      %scan3A_18 = arith.addi %scan3A_16, %scan3A_17 : i32
      %scan3A_19 = arith.constant 1 : i32
      scf.for %scan3A_350 = %scan3A_16 to %scan3A_18 step %scan3A_19  : i32 {
        %swap3A_351 = arith.index_cast %scan3A_350 : i32 to index
        %swap3A_352 = arith.constant 0 : index
        %swap3A_353 = tpu.vector_load %arg12[%swap3A_351, %swap3A_352] {strides = array<i32>} : memref<80x64xf32, #tpu.memory_space<vmem>>, vector<16xf32>,
        tpu.vector_store %arg12[%swap3A_351, %swap3A_352], %broadcast_in_dim3A_0 {strides = array<i32>} : memref<80x64xf32, #tpu.memory_space<vmem>>, vector<16xf32>,
        %swap3A_354 = arith.index_cast %scan3A_350 : i32 to index
        %swap3A_355 = arith.constant 16 : index
        %swap3A_356 = tpu.vector_load %arg12[%swap3A_354, %swap3A_355] {strides = array<i32>} : memref<80x64xf32, #tpu.memory_space<vmem>>, vector<16xf32>,
        tpu.vector_store %arg12[%swap3A_354, %swap3A_355], %broadcast_in_dim3A_0 {strides = array<i32>} : memref<80x64xf32, #tpu.memory_space<vmem>>, vector<16xf32>,
        %swap3A_357 = arith.index_cast %scan3A_350 : i32 to index
        %swap3A_358 = arith.constant 32 : index
        %swap3A_359 = tpu.vector_load %arg12[%swap3A_357, %swap3A_358] {strides = array<i32>} : memref<80x64xf32, #tpu.memory_space<vmem>>, vector<16xf32>,
        tpu.vector_store %arg12[%swap3A_357, %swap3A_358], %broadcast_in_dim3A_0 {strides = array<i32>} : memref<80x64xf32, #tpu.memory_space<vmem>>, vector<16xf32>,
        %swap3A_360 = arith.index_cast %scan3A_350 : i32 to index
        %swap3A_361 = arith.constant 48 : index
        %swap3A_362 = tpu.vector_load %arg12[%swap3A_360, %swap3A_361] {strides = array<i32>} : memref<80x64xf32, #tpu.memory_space<vmem>>, vector<16xf32>,
        tpu.vector_store %arg12[%swap3A_360, %swap3A_361], %broadcast_in_dim3A_0 {strides = array<i32>} : memref<80x64xf32, #tpu.memory_space<vmem>>, vector<16xf32>,
        %swap3A_363 = arith.index_cast %scan3A_350 : i32 to index
        %swap3A_364 = arith.constant 0 : index
        %swap3A_365 = tpu.vector_load %arg14[%swap3A_363, %swap3A_364] {strides = array<i32>} : memref<80x16xf32, #tpu.memory_space<vmem>>, vector<16xf32>,
        tpu.vector_store %arg14[%swap3A_363, %swap3A_364], %broadcast_in_dim3A_0 {strides = array<i32>} : memref<80x16xf32, #tpu.memory_space<vmem>>, vector<16xf32>,
        %swap3A_366 = arith.index_cast %scan3A_350 : i32 to index
        %swap3A_367 = arith.constant 0 : index
        %swap3A_368 = tpu.vector_load %arg15[%swap3A_366, %swap3A_367] {strides = array<i32>} : memref<80x16xf32, #tpu.memory_space<vmem>>, vector<16xf32>,
        tpu.vector_store %arg15[%swap3A_366, %swap3A_367], %broadcast_in_dim3A_0 {strides = array<i32>} : memref<80x16xf32, #tpu.memory_space<vmem>>, vector<16xf32>,
      }
      %scan3A_20 = arith.constant 80 : i32
      %scan3A_21 = arith.constant 0 : i32
      %scan3A_22 = arith.constant 0 : i32
      %scan3A_23 = arith.constant 8 : i32
      %scan3A_24 = arith.addi %scan3A_22, %scan3A_23 : i32
      %scan3A_25 = arith.constant 1 : i32
      scf.for %scan3A_350 = %scan3A_22 to %scan3A_24 step %scan3A_25  : i32 {
        %mul3A_351 = arith.constant 640 : i32
        %mul3A_352 = arith.muli %arg1, %mul3A_351 : i32
        %mul3A_353 = arith.constant 80 : i32
        %mul3A_354 = arith.muli %scan3A_350, %mul3A_353 : i32
        %add3A_355 = arith.addi %mul3A_352, %mul3A_354 : i32
        "tpu.region"() ({
          %run_scoped3A = tpu.sem_alloc : memref<!tpu.dma_semaphore, #tpu.memory_space<semaphore_mem>>
          %dma_start3A_361 = arith.constant 0 : i32
          %dma_start3A_362 = tpu.memref_slice %arg16[%add3A_355, %dma_start3A_361] : memref<10240x64xf32, #tpu.memory_space<vmem_shared>> -> memref<80x64xf32, #tpu.memory_space<vmem_shared>>
          %dma_start3A_363 = arith.constant 0 : i32
          %dma_start3A_364 = tpu.memref_slice %arg16[%add3A_355, %dma_start3A_363] : memref<10240x64xf32, #tpu.memory_space<vmem_shared>> -> memref<80x64xf32, #tpu.memory_space<vmem_shared>>
          tpu.enqueue_dma source(%arg12 : memref<80x64xf32, #tpu.memory_space<vmem>>) target(%dma_start3A_364 : memref<80x64xf32, #tpu.memory_space<vmem_shared>>) target_semaphore(%run_scoped3A : memref<!tpu.dma_semaphore, #tpu.memory_space<semaphore_mem>>)
          %dma_wait3A_365 = arith.constant 0 : i32
          %dma_wait3A_366 = tpu.memref_slice %arg16[%add3A_355, %dma_wait3A_365] : memref<10240x64xf32, #tpu.memory_space<vmem_shared>> -> memref<80x64xf32, #tpu.memory_space<vmem_shared>>
          %dma_wait3A_367 = arith.constant 0 : i32
          %dma_wait3A_368 = tpu.memref_slice %arg16[%add3A_355, %dma_wait3A_367] : memref<10240x64xf32, #tpu.memory_space<vmem_shared>> -> memref<80x64xf32, #tpu.memory_space<vmem_shared>>
          tpu.wait_dma2 semaphore(%run_scoped3A : memref<!tpu.dma_semaphore, #tpu.memory_space<semaphore_mem>>) src(%arg12 : memref<80x64xf32, #tpu.memory_space<vmem>>) dst(%dma_wait3A_368 : memref<80x64xf32, #tpu.memory_space<vmem_shared>>)
          tpu.yield
        }) : () -> ()
        %mul3A_356 = arith.constant 640 : i32
        %mul3A_357 = arith.muli %arg1, %mul3A_356 : i32
        %mul3A_358 = arith.constant 80 : i32
        %mul3A_359 = arith.muli %scan3A_350, %mul3A_358 : i32
        %add3A_360 = arith.addi %mul3A_357, %mul3A_359 : i32
        "tpu.region"() ({
          %run_scoped3A = tpu.sem_alloc : memref<!tpu.dma_semaphore, #tpu.memory_space<semaphore_mem>>
          %dma_start3A_361 = arith.constant 0 : i32
          %dma_start3A_362 = tpu.memref_slice %arg17[%add3A_360, %dma_start3A_361] : memref<10240x16xf32, #tpu.memory_space<vmem_shared>> -> memref<80x16xf32, #tpu.memory_space<vmem_shared>>
          %dma_start3A_363 = arith.constant 0 : i32
          %dma_start3A_364 = tpu.memref_slice %arg17[%add3A_360, %dma_start3A_363] : memref<10240x16xf32, #tpu.memory_space<vmem_shared>> -> memref<80x16xf32, #tpu.memory_space<vmem_shared>>
          tpu.enqueue_dma source(%arg14 : memref<80x16xf32, #tpu.memory_space<vmem>>) target(%dma_start3A_364 : memref<80x16xf32, #tpu.memory_space<vmem_shared>>) target_semaphore(%run_scoped3A : memref<!tpu.dma_semaphore, #tpu.memory_space<semaphore_mem>>)
          %dma_wait3A_365 = arith.constant 0 : i32
          %dma_wait3A_366 = tpu.memref_slice %arg17[%add3A_360, %dma_wait3A_365] : memref<10240x16xf32, #tpu.memory_space<vmem_shared>> -> memref<80x16xf32, #tpu.memory_space<vmem_shared>>
          %dma_wait3A_367 = arith.constant 0 : i32
          %dma_wait3A_368 = tpu.memref_slice %arg17[%add3A_360, %dma_wait3A_367] : memref<10240x16xf32, #tpu.memory_space<vmem_shared>> -> memref<80x16xf32, #tpu.memory_space<vmem_shared>>
          tpu.wait_dma2 semaphore(%run_scoped3A : memref<!tpu.dma_semaphore, #tpu.memory_space<semaphore_mem>>) src(%arg14 : memref<80x16xf32, #tpu.memory_space<vmem>>) dst(%dma_wait3A_368 : memref<80x16xf32, #tpu.memory_space<vmem_shared>>)
          tpu.yield
        }) : () -> ()
      }
      %scan3A_26 = arith.constant 8 : i32
      %barrier3A = arith.constant 0 : index
      tpu.barrier barrier_id(%barrier3A)
      %add3A_27 = arith.constant 0 : i32
      %add3A_28 = arith.addi %mul3A_5, %add3A_27 : i32
      "tpu.region"() ({
        %run_scoped3A = tpu.sem_alloc : memref<!tpu.dma_semaphore, #tpu.memory_space<semaphore_mem>>
        %dma_start3A_350 = tpu.memref_slice %arg3[%add3A_28] : memref<1290240xi32, #tpu.memory_space<hbm>> -> memref<320xi32, #tpu.memory_space<hbm>>
        %dma_start3A_351 = tpu.memref_slice %arg3[%add3A_28] : memref<1290240xi32, #tpu.memory_space<hbm>> -> memref<320xi32, #tpu.memory_space<hbm>>
        tpu.enqueue_dma source(%dma_start3A_351 : memref<320xi32, #tpu.memory_space<hbm>>) target(%arg6 : memref<320xi32, #tpu.memory_space<vmem>>) target_semaphore(%run_scoped3A : memref<!tpu.dma_semaphore, #tpu.memory_space<semaphore_mem>>)
        %dma_wait3A_352 = tpu.memref_slice %arg3[%add3A_28] : memref<1290240xi32, #tpu.memory_space<hbm>> -> memref<320xi32, #tpu.memory_space<hbm>>
        %dma_wait3A_353 = tpu.memref_slice %arg3[%add3A_28] : memref<1290240xi32, #tpu.memory_space<hbm>> -> memref<320xi32, #tpu.memory_space<hbm>>
        tpu.wait_dma2 semaphore(%run_scoped3A : memref<!tpu.dma_semaphore, #tpu.memory_space<semaphore_mem>>) src(%dma_wait3A_353 : memref<320xi32, #tpu.memory_space<hbm>>) dst(%arg6 : memref<320xi32, #tpu.memory_space<vmem>>)
        tpu.yield
      }) : () -> ()
      %get3A = arith.constant 80 : index
      %get3A_29 = tpu.vector_load %arg6[%get3A] {strides = array<i32>} : memref<320xi32, #tpu.memory_space<vmem>>, vector<16xi32>,
      %mul3A_30 = arith.constant 10000 : i32
      %mul3A_31 = arith.muli %add3A_14, %mul3A_30 : i32
      %add3A_32 = vector.broadcast %mul3A_31 : i32 to vector<16xi32>
      %add3A_33 = arith.addi %get3A_29, %add3A_32 : vector<16xi32>
      %swap3A = arith.constant 0 : index
      %swap3A_34 = tpu.vector_load %arg8[%swap3A] {strides = array<i32>} : memref<80xi32, #tpu.memory_space<vmem>>, vector<16xi32>,
      tpu.vector_store %arg8[%swap3A], %add3A_33 {strides = array<i32>} : memref<80xi32, #tpu.memory_space<vmem>>, vector<16xi32>,
      %get3A_35 = arith.constant 96 : index
      %get3A_36 = tpu.vector_load %arg6[%get3A_35] {strides = array<i32>} : memref<320xi32, #tpu.memory_space<vmem>>, vector<16xi32>,
      %mul3A_37 = arith.constant 10000 : i32
      %mul3A_38 = arith.muli %add3A_14, %mul3A_37 : i32
      %add3A_39 = vector.broadcast %mul3A_38 : i32 to vector<16xi32>
      %add3A_40 = arith.addi %get3A_36, %add3A_39 : vector<16xi32>
      %swap3A_41 = arith.constant 16 : index
      %swap3A_42 = tpu.vector_load %arg8[%swap3A_41] {strides = array<i32>} : memref<80xi32, #tpu.memory_space<vmem>>, vector<16xi32>,
      tpu.vector_store %arg8[%swap3A_41], %add3A_40 {strides = array<i32>} : memref<80xi32, #tpu.memory_space<vmem>>, vector<16xi32>,
      %get3A_43 = arith.constant 112 : index
      %get3A_44 = tpu.vector_load %arg6[%get3A_43] {strides = array<i32>} : memref<320xi32, #tpu.memory_space<vmem>>, vector<16xi32>,
      %mul3A_45 = arith.constant 10000 : i32
      %mul3A_46 = arith.muli %add3A_14, %mul3A_45 : i32
      %add3A_47 = vector.broadcast %mul3A_46 : i32 to vector<16xi32>
      %add3A_48 = arith.addi %get3A_44, %add3A_47 : vector<16xi32>
      %swap3A_49 = arith.constant 32 : index
      %swap3A_50 = tpu.vector_load %arg8[%swap3A_49] {strides = array<i32>} : memref<80xi32, #tpu.memory_space<vmem>>, vector<16xi32>,
      tpu.vector_store %arg8[%swap3A_49], %add3A_48 {strides = array<i32>} : memref<80xi32, #tpu.memory_space<vmem>>, vector<16xi32>,
      %get3A_51 = arith.constant 128 : index
      %get3A_52 = tpu.vector_load %arg6[%get3A_51] {strides = array<i32>} : memref<320xi32, #tpu.memory_space<vmem>>, vector<16xi32>,
      %mul3A_53 = arith.constant 10000 : i32
      %mul3A_54 = arith.muli %add3A_14, %mul3A_53 : i32
      %add3A_55 = vector.broadcast %mul3A_54 : i32 to vector<16xi32>
      %add3A_56 = arith.addi %get3A_52, %add3A_55 : vector<16xi32>
      %swap3A_57 = arith.constant 48 : index
      %swap3A_58 = tpu.vector_load %arg8[%swap3A_57] {strides = array<i32>} : memref<80xi32, #tpu.memory_space<vmem>>, vector<16xi32>,
      tpu.vector_store %arg8[%swap3A_57], %add3A_56 {strides = array<i32>} : memref<80xi32, #tpu.memory_space<vmem>>, vector<16xi32>,
      %get3A_59 = arith.constant 144 : index
      %get3A_60 = tpu.vector_load %arg6[%get3A_59] {strides = array<i32>} : memref<320xi32, #tpu.memory_space<vmem>>, vector<16xi32>,
      %mul3A_61 = arith.constant 10000 : i32
      %mul3A_62 = arith.muli %add3A_14, %mul3A_61 : i32
      %add3A_63 = vector.broadcast %mul3A_62 : i32 to vector<16xi32>
      %add3A_64 = arith.addi %get3A_60, %add3A_63 : vector<16xi32>
      %swap3A_65 = arith.constant 64 : index
      %swap3A_66 = tpu.vector_load %arg8[%swap3A_65] {strides = array<i32>} : memref<80xi32, #tpu.memory_space<vmem>>, vector<16xi32>,
      tpu.vector_store %arg8[%swap3A_65], %add3A_64 {strides = array<i32>} : memref<80xi32, #tpu.memory_space<vmem>>, vector<16xi32>,
      %dma_start3A = arith.constant 0 : i32
      %dma_start3A_67 = arith.constant 0 : i32
      %dma_start3A_68 = tpu.memref_slice %arg2[%dma_start3A, %dma_start3A_67] : memref<40000x64xf32, #tpu.memory_space<hbm>> -> memref<40000x64xf32, #tpu.memory_space<hbm>>
      tpu.enqueue_indirect_dma source(%dma_start3A_68 : memref<40000x64xf32, #tpu.memory_space<hbm>>) target(%arg12 : memref<80x64xf32, #tpu.memory_space<vmem>>) offsets(%arg8 : memref<80xi32, #tpu.memory_space<vmem>>) semaphore(%arg18 : memref<!tpu.dma_semaphore, #tpu.memory_space<semaphore_mem>>)
      %add3A_69 = arith.constant 320 : i32
      %add3A_70 = arith.addi %mul3A_5, %add3A_69 : i32
      %dma_start3A_71 = tpu.memref_slice %arg3[%add3A_70] : memref<1290240xi32, #tpu.memory_space<hbm>> -> memref<320xi32, #tpu.memory_space<hbm>>
      %dma_start3A_72 = tpu.memref_slice %arg3[%add3A_70] : memref<1290240xi32, #tpu.memory_space<hbm>> -> memref<320xi32, #tpu.memory_space<hbm>>
      tpu.enqueue_dma source(%dma_start3A_72 : memref<320xi32, #tpu.memory_space<hbm>>) target(%arg7 : memref<320xi32, #tpu.memory_space<vmem>>) target_semaphore(%arg23 : memref<!tpu.dma_semaphore, #tpu.memory_space<semaphore_mem>>)
      %scan3A_73 = arith.constant 0 : i32
      %scan3A_74 = arith.constant 0 : i32
      %scan3A_75 = arith.constant 62 : i32
      %scan3A_76 = arith.addi %scan3A_74, %scan3A_75 : i32
      %scan3A_77 = arith.constant 1 : i32
      scf.for %scan3A_350 = %scan3A_74 to %scan3A_76 step %scan3A_77  : i32 {
        %mul3A_351 = arith.constant 2 : i32
        %mul3A_352 = arith.muli %mul3A_351, %scan3A_350 : i32
        %ge3A_353 = arith.constant 1 : i32
        %ge3A_354 = arith.cmpi sge, %mul3A_352, %ge3A_353 : i32
        %convert_element_type3A_355 = arith.extui %ge3A_354 : i1 to i32
        %cond3A_356 = arith.constant 0 : i32
        %cond3A_357 = arith.cmpi ne, %convert_element_type3A_355, %cond3A_356 : i32
        scf.if %cond3A_357 {
          %dma_wait3A_661 = arith.constant 0 : i32
          %dma_wait3A_662 = arith.constant 0 : i32
          %dma_wait3A_663 = tpu.memref_slice %arg16[%dma_wait3A_661, %dma_wait3A_662] : memref<10240x64xf32, #tpu.memory_space<vmem_shared>> -> memref<10240x64xf32, #tpu.memory_space<vmem_shared>>
          tpu.wait_indirect_dma semaphore(%arg21 : memref<!tpu.dma_semaphore, #tpu.memory_space<semaphore_mem>>) src(%arg13 : memref<80x64xf32, #tpu.memory_space<vmem>>) dst(%dma_wait3A_663 : memref<10240x64xf32, #tpu.memory_space<vmem_shared>>)
          %dma_wait3A_664 = arith.constant 0 : i32
          %dma_wait3A_665 = arith.constant 0 : i32
          %dma_wait3A_666 = tpu.memref_slice %arg17[%dma_wait3A_664, %dma_wait3A_665] : memref<10240x16xf32, #tpu.memory_space<vmem_shared>> -> memref<10240x16xf32, #tpu.memory_space<vmem_shared>>
          tpu.wait_indirect_dma semaphore(%arg21 : memref<!tpu.dma_semaphore, #tpu.memory_space<semaphore_mem>>) src(%arg15 : memref<80x16xf32, #tpu.memory_space<vmem>>) dst(%dma_wait3A_666 : memref<10240x16xf32, #tpu.memory_space<vmem_shared>>)
        } else {
        }
        %dma_wait3A_358 = tpu.memref_slice %arg3[%mul3A_5] : memref<1290240xi32, #tpu.memory_space<hbm>> -> memref<320xi32, #tpu.memory_space<hbm>>
        %dma_wait3A_359 = tpu.memref_slice %arg3[%mul3A_5] : memref<1290240xi32, #tpu.memory_space<hbm>> -> memref<320xi32, #tpu.memory_space<hbm>>
        tpu.wait_dma2 semaphore(%arg23 : memref<!tpu.dma_semaphore, #tpu.memory_space<semaphore_mem>>) src(%dma_wait3A_359 : memref<320xi32, #tpu.memory_space<hbm>>) dst(%arg7 : memref<320xi32, #tpu.memory_space<vmem>>)
        %get3A_360 = arith.constant 80 : index
        %get3A_361 = tpu.vector_load %arg7[%get3A_360] {strides = array<i32>} : memref<320xi32, #tpu.memory_space<vmem>>, vector<16xi32>,
        %mul3A_362 = arith.constant 10000 : i32
        %mul3A_363 = arith.muli %add3A_14, %mul3A_362 : i32
        %add3A_364 = vector.broadcast %mul3A_363 : i32 to vector<16xi32>
        %add3A_365 = arith.addi %get3A_361, %add3A_364 : vector<16xi32>
        %swap3A_366 = arith.constant 0 : index
        %swap3A_367 = tpu.vector_load %arg9[%swap3A_366] {strides = array<i32>} : memref<80xi32, #tpu.memory_space<vmem>>, vector<16xi32>,
        tpu.vector_store %arg9[%swap3A_366], %add3A_365 {strides = array<i32>} : memref<80xi32, #tpu.memory_space<vmem>>, vector<16xi32>,
        %get3A_368 = arith.constant 96 : index
        %get3A_369 = tpu.vector_load %arg7[%get3A_368] {strides = array<i32>} : memref<320xi32, #tpu.memory_space<vmem>>, vector<16xi32>,
        %mul3A_370 = arith.constant 10000 : i32
        %mul3A_371 = arith.muli %add3A_14, %mul3A_370 : i32
        %add3A_372 = vector.broadcast %mul3A_371 : i32 to vector<16xi32>
        %add3A_373 = arith.addi %get3A_369, %add3A_372 : vector<16xi32>
        %swap3A_374 = arith.constant 16 : index
        %swap3A_375 = tpu.vector_load %arg9[%swap3A_374] {strides = array<i32>} : memref<80xi32, #tpu.memory_space<vmem>>, vector<16xi32>,
        tpu.vector_store %arg9[%swap3A_374], %add3A_373 {strides = array<i32>} : memref<80xi32, #tpu.memory_space<vmem>>, vector<16xi32>,
        %get3A_376 = arith.constant 112 : index
        %get3A_377 = tpu.vector_load %arg7[%get3A_376] {strides = array<i32>} : memref<320xi32, #tpu.memory_space<vmem>>, vector<16xi32>,
        %mul3A_378 = arith.constant 10000 : i32
        %mul3A_379 = arith.muli %add3A_14, %mul3A_378 : i32
        %add3A_380 = vector.broadcast %mul3A_379 : i32 to vector<16xi32>
        %add3A_381 = arith.addi %get3A_377, %add3A_380 : vector<16xi32>
        %swap3A_382 = arith.constant 32 : index
        %swap3A_383 = tpu.vector_load %arg9[%swap3A_382] {strides = array<i32>} : memref<80xi32, #tpu.memory_space<vmem>>, vector<16xi32>,
        tpu.vector_store %arg9[%swap3A_382], %add3A_381 {strides = array<i32>} : memref<80xi32, #tpu.memory_space<vmem>>, vector<16xi32>,
        %get3A_384 = arith.constant 128 : index
        %get3A_385 = tpu.vector_load %arg7[%get3A_384] {strides = array<i32>} : memref<320xi32, #tpu.memory_space<vmem>>, vector<16xi32>,
        %mul3A_386 = arith.constant 10000 : i32
        %mul3A_387 = arith.muli %add3A_14, %mul3A_386 : i32
        %add3A_388 = vector.broadcast %mul3A_387 : i32 to vector<16xi32>
        %add3A_389 = arith.addi %get3A_385, %add3A_388 : vector<16xi32>
        %swap3A_390 = arith.constant 48 : index
        %swap3A_391 = tpu.vector_load %arg9[%swap3A_390] {strides = array<i32>} : memref<80xi32, #tpu.memory_space<vmem>>, vector<16xi32>,
        tpu.vector_store %arg9[%swap3A_390], %add3A_389 {strides = array<i32>} : memref<80xi32, #tpu.memory_space<vmem>>, vector<16xi32>,
        %get3A_392 = arith.constant 144 : index
        %get3A_393 = tpu.vector_load %arg7[%get3A_392] {strides = array<i32>} : memref<320xi32, #tpu.memory_space<vmem>>, vector<16xi32>,
        %mul3A_394 = arith.constant 10000 : i32
        %mul3A_395 = arith.muli %add3A_14, %mul3A_394 : i32
        %add3A_396 = vector.broadcast %mul3A_395 : i32 to vector<16xi32>
        %add3A_397 = arith.addi %get3A_393, %add3A_396 : vector<16xi32>
        %swap3A_398 = arith.constant 64 : index
        %swap3A_399 = tpu.vector_load %arg9[%swap3A_398] {strides = array<i32>} : memref<80xi32, #tpu.memory_space<vmem>>, vector<16xi32>,
        tpu.vector_store %arg9[%swap3A_398], %add3A_397 {strides = array<i32>} : memref<80xi32, #tpu.memory_space<vmem>>, vector<16xi32>,
        %dma_start3A_400 = arith.constant 0 : i32
        %dma_start3A_401 = arith.constant 0 : i32
        %dma_start3A_402 = tpu.memref_slice %arg2[%dma_start3A_400, %dma_start3A_401] : memref<40000x64xf32, #tpu.memory_space<hbm>> -> memref<40000x64xf32, #tpu.memory_space<hbm>>
        tpu.enqueue_indirect_dma source(%dma_start3A_402 : memref<40000x64xf32, #tpu.memory_space<hbm>>) target(%arg13 : memref<80x64xf32, #tpu.memory_space<vmem>>) offsets(%arg9 : memref<80xi32, #tpu.memory_space<vmem>>) semaphore(%arg19 : memref<!tpu.dma_semaphore, #tpu.memory_space<semaphore_mem>>)
        %dma_wait3A_403 = arith.constant 0 : i32
        %dma_wait3A_404 = arith.constant 0 : i32
        %dma_wait3A_405 = tpu.memref_slice %arg2[%dma_wait3A_403, %dma_wait3A_404] : memref<40000x64xf32, #tpu.memory_space<hbm>> -> memref<40000x64xf32, #tpu.memory_space<hbm>>
        tpu.wait_indirect_dma semaphore(%arg18 : memref<!tpu.dma_semaphore, #tpu.memory_space<semaphore_mem>>) src(%dma_wait3A_405 : memref<40000x64xf32, #tpu.memory_space<hbm>>) dst(%arg12 : memref<80x64xf32, #tpu.memory_space<vmem>>)
        %get3A_406 = arith.constant 0 : index
        %get3A_407 = tpu.vector_load %arg6[%get3A_406] {strides = array<i32>} : memref<320xi32, #tpu.memory_space<vmem>>, vector<16xi32>,
        %swap3A_408 = arith.constant 0 : index
        %swap3A_409 = tpu.vector_load %arg10[%swap3A_408] {strides = array<i32>} : memref<80xi32, #tpu.memory_space<vmem>>, vector<16xi32>,
        tpu.vector_store %arg10[%swap3A_408], %get3A_407 {strides = array<i32>} : memref<80xi32, #tpu.memory_space<vmem>>, vector<16xi32>,
        %add3A_410 = arith.constant 2 : i32
        %add3A_411 = arith.addi %add3A_410, %scan3A_11 : i32
        %mul3A_412 = arith.constant 80 : i32
        %mul3A_413 = arith.muli %add3A_411, %mul3A_412 : i32
        %add3A_414 = arith.constant 0 : i32
        %add3A_415 = arith.addi %mul3A_413, %add3A_414 : i32
        %get3A_416 = arith.index_cast %add3A_415 : i32 to index
        %get3A_417 = tpu.vector_load %arg6[%get3A_416] {strides = array<i32>} : memref<320xi32, #tpu.memory_space<vmem>>, vector<16xi32>,
        %bitcast3A_418 = vector.bitcast %get3A_417 : vector<16xi32> to vector<16xf32>
        %add3A_419 = arith.constant 0 : i32
        %add3A_420 = vector.broadcast %add3A_419 : i32 to vector<16xi32>
        %add3A_421 = arith.addi %add3A_420, %iota3A : vector<16xi32>
        tpu.vector_store_idx %arg14[%add3A_421, %broadcast_in_dim3A_2], %bitcast3A_418 : memref<80x16xf32, #tpu.memory_space<vmem>>[vector<16xi32>, vector<16xi32>], vector<16xf32>,
        %get3A_422 = arith.constant 16 : index
        %get3A_423 = tpu.vector_load %arg6[%get3A_422] {strides = array<i32>} : memref<320xi32, #tpu.memory_space<vmem>>, vector<16xi32>,
        %swap3A_424 = arith.constant 16 : index
        %swap3A_425 = tpu.vector_load %arg10[%swap3A_424] {strides = array<i32>} : memref<80xi32, #tpu.memory_space<vmem>>, vector<16xi32>,
        tpu.vector_store %arg10[%swap3A_424], %get3A_423 {strides = array<i32>} : memref<80xi32, #tpu.memory_space<vmem>>, vector<16xi32>,
        %add3A_426 = arith.constant 2 : i32
        %add3A_427 = arith.addi %add3A_426, %scan3A_11 : i32
        %mul3A_428 = arith.constant 80 : i32
        %mul3A_429 = arith.muli %add3A_427, %mul3A_428 : i32
        %add3A_430 = arith.constant 16 : i32
        %add3A_431 = arith.addi %mul3A_429, %add3A_430 : i32
        %get3A_432 = arith.index_cast %add3A_431 : i32 to index
        %get3A_433 = tpu.vector_load %arg6[%get3A_432] {strides = array<i32>} : memref<320xi32, #tpu.memory_space<vmem>>, vector<16xi32>,
        %bitcast3A_434 = vector.bitcast %get3A_433 : vector<16xi32> to vector<16xf32>
        %add3A_435 = arith.constant 16 : i32
        %add3A_436 = vector.broadcast %add3A_435 : i32 to vector<16xi32>
        %add3A_437 = arith.addi %add3A_436, %iota3A : vector<16xi32>
        tpu.vector_store_idx %arg14[%add3A_437, %broadcast_in_dim3A_2], %bitcast3A_434 : memref<80x16xf32, #tpu.memory_space<vmem>>[vector<16xi32>, vector<16xi32>], vector<16xf32>,
        %get3A_438 = arith.constant 32 : index
        %get3A_439 = tpu.vector_load %arg6[%get3A_438] {strides = array<i32>} : memref<320xi32, #tpu.memory_space<vmem>>, vector<16xi32>,
        %swap3A_440 = arith.constant 32 : index
        %swap3A_441 = tpu.vector_load %arg10[%swap3A_440] {strides = array<i32>} : memref<80xi32, #tpu.memory_space<vmem>>, vector<16xi32>,
        tpu.vector_store %arg10[%swap3A_440], %get3A_439 {strides = array<i32>} : memref<80xi32, #tpu.memory_space<vmem>>, vector<16xi32>,
        %add3A_442 = arith.constant 2 : i32
        %add3A_443 = arith.addi %add3A_442, %scan3A_11 : i32
        %mul3A_444 = arith.constant 80 : i32
        %mul3A_445 = arith.muli %add3A_443, %mul3A_444 : i32
        %add3A_446 = arith.constant 32 : i32
        %add3A_447 = arith.addi %mul3A_445, %add3A_446 : i32
        %get3A_448 = arith.index_cast %add3A_447 : i32 to index
        %get3A_449 = tpu.vector_load %arg6[%get3A_448] {strides = array<i32>} : memref<320xi32, #tpu.memory_space<vmem>>, vector<16xi32>,
        %bitcast3A_450 = vector.bitcast %get3A_449 : vector<16xi32> to vector<16xf32>
        %add3A_451 = arith.constant 32 : i32
        %add3A_452 = vector.broadcast %add3A_451 : i32 to vector<16xi32>
        %add3A_453 = arith.addi %add3A_452, %iota3A : vector<16xi32>
        tpu.vector_store_idx %arg14[%add3A_453, %broadcast_in_dim3A_2], %bitcast3A_450 : memref<80x16xf32, #tpu.memory_space<vmem>>[vector<16xi32>, vector<16xi32>], vector<16xf32>,
        %get3A_454 = arith.constant 48 : index
        %get3A_455 = tpu.vector_load %arg6[%get3A_454] {strides = array<i32>} : memref<320xi32, #tpu.memory_space<vmem>>, vector<16xi32>,
        %swap3A_456 = arith.constant 48 : index
        %swap3A_457 = tpu.vector_load %arg10[%swap3A_456] {strides = array<i32>} : memref<80xi32, #tpu.memory_space<vmem>>, vector<16xi32>,
        tpu.vector_store %arg10[%swap3A_456], %get3A_455 {strides = array<i32>} : memref<80xi32, #tpu.memory_space<vmem>>, vector<16xi32>,
        %add3A_458 = arith.constant 2 : i32
        %add3A_459 = arith.addi %add3A_458, %scan3A_11 : i32
        %mul3A_460 = arith.constant 80 : i32
        %mul3A_461 = arith.muli %add3A_459, %mul3A_460 : i32
        %add3A_462 = arith.constant 48 : i32
        %add3A_463 = arith.addi %mul3A_461, %add3A_462 : i32
        %get3A_464 = arith.index_cast %add3A_463 : i32 to index
        %get3A_465 = tpu.vector_load %arg6[%get3A_464] {strides = array<i32>} : memref<320xi32, #tpu.memory_space<vmem>>, vector<16xi32>,
        %bitcast3A_466 = vector.bitcast %get3A_465 : vector<16xi32> to vector<16xf32>
        %add3A_467 = arith.constant 48 : i32
        %add3A_468 = vector.broadcast %add3A_467 : i32 to vector<16xi32>
        %add3A_469 = arith.addi %add3A_468, %iota3A : vector<16xi32>
        tpu.vector_store_idx %arg14[%add3A_469, %broadcast_in_dim3A_2], %bitcast3A_466 : memref<80x16xf32, #tpu.memory_space<vmem>>[vector<16xi32>, vector<16xi32>], vector<16xf32>,
        %get3A_470 = arith.constant 64 : index
        %get3A_471 = tpu.vector_load %arg6[%get3A_470] {strides = array<i32>} : memref<320xi32, #tpu.memory_space<vmem>>, vector<16xi32>,
        %swap3A_472 = arith.constant 64 : index
        %swap3A_473 = tpu.vector_load %arg10[%swap3A_472] {strides = array<i32>} : memref<80xi32, #tpu.memory_space<vmem>>, vector<16xi32>,
        tpu.vector_store %arg10[%swap3A_472], %get3A_471 {strides = array<i32>} : memref<80xi32, #tpu.memory_space<vmem>>, vector<16xi32>,
        %add3A_474 = arith.constant 2 : i32
        %add3A_475 = arith.addi %add3A_474, %scan3A_11 : i32
        %mul3A_476 = arith.constant 80 : i32
        %mul3A_477 = arith.muli %add3A_475, %mul3A_476 : i32
        %add3A_478 = arith.constant 64 : i32
        %add3A_479 = arith.addi %mul3A_477, %add3A_478 : i32
        %get3A_480 = arith.index_cast %add3A_479 : i32 to index
        %get3A_481 = tpu.vector_load %arg6[%get3A_480] {strides = array<i32>} : memref<320xi32, #tpu.memory_space<vmem>>, vector<16xi32>,
        %bitcast3A_482 = vector.bitcast %get3A_481 : vector<16xi32> to vector<16xf32>
        %add3A_483 = arith.constant 64 : i32
        %add3A_484 = vector.broadcast %add3A_483 : i32 to vector<16xi32>
        %add3A_485 = arith.addi %add3A_484, %iota3A : vector<16xi32>
        tpu.vector_store_idx %arg14[%add3A_485, %broadcast_in_dim3A_2], %bitcast3A_482 : memref<80x16xf32, #tpu.memory_space<vmem>>[vector<16xi32>, vector<16xi32>], vector<16xf32>,
        %scan3A_486 = arith.constant 0 : i32
        %scan3A_487 = arith.constant 0 : i32
        %scan3A_488 = arith.constant 80 : i32
        %scan3A_489 = arith.addi %scan3A_487, %scan3A_488 : i32
        %scan3A_490 = arith.constant 8 : i32
        scf.for %scan3A_661 = %scan3A_487 to %scan3A_489 step %scan3A_490  : i32 {
          %get3A_662 = arith.index_cast %scan3A_661 : i32 to index
          %get3A_663 = arith.constant 0 : index
          %get3A_664 = tpu.vector_load %arg14[%get3A_662, %get3A_663] {strides = array<i32>} : memref<80x16xf32, #tpu.memory_space<vmem>>, vector<16xf32>,
          %slice3A = vector.extract_strided_slice %get3A_664 {offsets = [0], sizes = [1], strides = [1]} : vector<16xf32> to vector<1xf32>
          %squeeze3A = vector.extract %slice3A[0] : f32 from vector<1xf32>
          %get3A_665 = arith.index_cast %scan3A_661 : i32 to index
          %get3A_666 = arith.constant 0 : index
          %get3A_667 = tpu.vector_load %arg12[%get3A_665, %get3A_666] {strides = array<i32>} : memref<80x64xf32, #tpu.memory_space<vmem>>, vector<16xf32>,
          %mul3A_668 = vector.broadcast %squeeze3A : f32 to vector<16xf32>
          %mul3A_669 = arith.mulf %get3A_667, %mul3A_668 : vector<16xf32>
          %swap3A_670 = arith.index_cast %scan3A_661 : i32 to index
          %swap3A_671 = arith.constant 0 : index
          %swap3A_672 = tpu.vector_load %arg12[%swap3A_670, %swap3A_671] {strides = array<i32>} : memref<80x64xf32, #tpu.memory_space<vmem>>, vector<16xf32>,
          tpu.vector_store %arg12[%swap3A_670, %swap3A_671], %mul3A_669 {strides = array<i32>} : memref<80x64xf32, #tpu.memory_space<vmem>>, vector<16xf32>,
          %get3A_673 = arith.index_cast %scan3A_661 : i32 to index
          %get3A_674 = arith.constant 16 : index
          %get3A_675 = tpu.vector_load %arg12[%get3A_673, %get3A_674] {strides = array<i32>} : memref<80x64xf32, #tpu.memory_space<vmem>>, vector<16xf32>,
          %mul3A_676 = vector.broadcast %squeeze3A : f32 to vector<16xf32>
          %mul3A_677 = arith.mulf %get3A_675, %mul3A_676 : vector<16xf32>
          %swap3A_678 = arith.index_cast %scan3A_661 : i32 to index
          %swap3A_679 = arith.constant 16 : index
          %swap3A_680 = tpu.vector_load %arg12[%swap3A_678, %swap3A_679] {strides = array<i32>} : memref<80x64xf32, #tpu.memory_space<vmem>>, vector<16xf32>,
          tpu.vector_store %arg12[%swap3A_678, %swap3A_679], %mul3A_677 {strides = array<i32>} : memref<80x64xf32, #tpu.memory_space<vmem>>, vector<16xf32>,
          %get3A_681 = arith.index_cast %scan3A_661 : i32 to index
          %get3A_682 = arith.constant 32 : index
          %get3A_683 = tpu.vector_load %arg12[%get3A_681, %get3A_682] {strides = array<i32>} : memref<80x64xf32, #tpu.memory_space<vmem>>, vector<16xf32>,
          %mul3A_684 = vector.broadcast %squeeze3A : f32 to vector<16xf32>
          %mul3A_685 = arith.mulf %get3A_683, %mul3A_684 : vector<16xf32>
          %swap3A_686 = arith.index_cast %scan3A_661 : i32 to index
          %swap3A_687 = arith.constant 32 : index
          %swap3A_688 = tpu.vector_load %arg12[%swap3A_686, %swap3A_687] {strides = array<i32>} : memref<80x64xf32, #tpu.memory_space<vmem>>, vector<16xf32>,
          tpu.vector_store %arg12[%swap3A_686, %swap3A_687], %mul3A_685 {strides = array<i32>} : memref<80x64xf32, #tpu.memory_space<vmem>>, vector<16xf32>,
          %get3A_689 = arith.index_cast %scan3A_661 : i32 to index
          %get3A_690 = arith.constant 48 : index
          %get3A_691 = tpu.vector_load %arg12[%get3A_689, %get3A_690] {strides = array<i32>} : memref<80x64xf32, #tpu.memory_space<vmem>>, vector<16xf32>,
          %mul3A_692 = vector.broadcast %squeeze3A : f32 to vector<16xf32>
          %mul3A_693 = arith.mulf %get3A_691, %mul3A_692 : vector<16xf32>
          %swap3A_694 = arith.index_cast %scan3A_661 : i32 to index
          %swap3A_695 = arith.constant 48 : index
          %swap3A_696 = tpu.vector_load %arg12[%swap3A_694, %swap3A_695] {strides = array<i32>} : memref<80x64xf32, #tpu.memory_space<vmem>>, vector<16xf32>,
          tpu.vector_store %arg12[%swap3A_694, %swap3A_695], %mul3A_693 {strides = array<i32>} : memref<80x64xf32, #tpu.memory_space<vmem>>, vector<16xf32>,
          %scan3A_697 = arith.constant 1 : i32
          %scan3A_698 = arith.addi %scan3A_661, %scan3A_697 : i32
          %get3A_699 = arith.index_cast %scan3A_698 : i32 to index
          %get3A_700 = arith.constant 0 : index
          %get3A_701 = tpu.vector_load %arg14[%get3A_699, %get3A_700] {strides = array<i32>} : memref<80x16xf32, #tpu.memory_space<vmem>>, vector<16xf32>,
          %slice3A_702 = vector.extract_strided_slice %get3A_701 {offsets = [0], sizes = [1], strides = [1]} : vector<16xf32> to vector<1xf32>
          %squeeze3A_703 = vector.extract %slice3A_702[0] : f32 from vector<1xf32>
          %get3A_704 = arith.index_cast %scan3A_698 : i32 to index
          %get3A_705 = arith.constant 0 : index
          %get3A_706 = tpu.vector_load %arg12[%get3A_704, %get3A_705] {strides = array<i32>} : memref<80x64xf32, #tpu.memory_space<vmem>>, vector<16xf32>,
          %mul3A_707 = vector.broadcast %squeeze3A_703 : f32 to vector<16xf32>
          %mul3A_708 = arith.mulf %get3A_706, %mul3A_707 : vector<16xf32>
          %swap3A_709 = arith.index_cast %scan3A_698 : i32 to index
          %swap3A_710 = arith.constant 0 : index
          %swap3A_711 = tpu.vector_load %arg12[%swap3A_709, %swap3A_710] {strides = array<i32>} : memref<80x64xf32, #tpu.memory_space<vmem>>, vector<16xf32>,
          tpu.vector_store %arg12[%swap3A_709, %swap3A_710], %mul3A_708 {strides = array<i32>} : memref<80x64xf32, #tpu.memory_space<vmem>>, vector<16xf32>,
          %get3A_712 = arith.index_cast %scan3A_698 : i32 to index
          %get3A_713 = arith.constant 16 : index
          %get3A_714 = tpu.vector_load %arg12[%get3A_712, %get3A_713] {strides = array<i32>} : memref<80x64xf32, #tpu.memory_space<vmem>>, vector<16xf32>,
          %mul3A_715 = vector.broadcast %squeeze3A_703 : f32 to vector<16xf32>
          %mul3A_716 = arith.mulf %get3A_714, %mul3A_715 : vector<16xf32>
          %swap3A_717 = arith.index_cast %scan3A_698 : i32 to index
          %swap3A_718 = arith.constant 16 : index
          %swap3A_719 = tpu.vector_load %arg12[%swap3A_717, %swap3A_718] {strides = array<i32>} : memref<80x64xf32, #tpu.memory_space<vmem>>, vector<16xf32>,
          tpu.vector_store %arg12[%swap3A_717, %swap3A_718], %mul3A_716 {strides = array<i32>} : memref<80x64xf32, #tpu.memory_space<vmem>>, vector<16xf32>,
          %get3A_720 = arith.index_cast %scan3A_698 : i32 to index
          %get3A_721 = arith.constant 32 : index
          %get3A_722 = tpu.vector_load %arg12[%get3A_720, %get3A_721] {strides = array<i32>} : memref<80x64xf32, #tpu.memory_space<vmem>>, vector<16xf32>,
          %mul3A_723 = vector.broadcast %squeeze3A_703 : f32 to vector<16xf32>
          %mul3A_724 = arith.mulf %get3A_722, %mul3A_723 : vector<16xf32>
          %swap3A_725 = arith.index_cast %scan3A_698 : i32 to index
          %swap3A_726 = arith.constant 32 : index
          %swap3A_727 = tpu.vector_load %arg12[%swap3A_725, %swap3A_726] {strides = array<i32>} : memref<80x64xf32, #tpu.memory_space<vmem>>, vector<16xf32>,
          tpu.vector_store %arg12[%swap3A_725, %swap3A_726], %mul3A_724 {strides = array<i32>} : memref<80x64xf32, #tpu.memory_space<vmem>>, vector<16xf32>,
          %get3A_728 = arith.index_cast %scan3A_698 : i32 to index
          %get3A_729 = arith.constant 48 : index
          %get3A_730 = tpu.vector_load %arg12[%get3A_728, %get3A_729] {strides = array<i32>} : memref<80x64xf32, #tpu.memory_space<vmem>>, vector<16xf32>,
          %mul3A_731 = vector.broadcast %squeeze3A_703 : f32 to vector<16xf32>
          %mul3A_732 = arith.mulf %get3A_730, %mul3A_731 : vector<16xf32>
          %swap3A_733 = arith.index_cast %scan3A_698 : i32 to index
          %swap3A_734 = arith.constant 48 : index
          %swap3A_735 = tpu.vector_load %arg12[%swap3A_733, %swap3A_734] {strides = array<i32>} : memref<80x64xf32, #tpu.memory_space<vmem>>, vector<16xf32>,
          tpu.vector_store %arg12[%swap3A_733, %swap3A_734], %mul3A_732 {strides = array<i32>} : memref<80x64xf32, #tpu.memory_space<vmem>>, vector<16xf32>,
          %scan3A_736 = arith.constant 2 : i32
          %scan3A_737 = arith.addi %scan3A_661, %scan3A_736 : i32
          %get3A_738 = arith.index_cast %scan3A_737 : i32 to index
          %get3A_739 = arith.constant 0 : index
          %get3A_740 = tpu.vector_load %arg14[%get3A_738, %get3A_739] {strides = array<i32>} : memref<80x16xf32, #tpu.memory_space<vmem>>, vector<16xf32>,
          %slice3A_741 = vector.extract_strided_slice %get3A_740 {offsets = [0], sizes = [1], strides = [1]} : vector<16xf32> to vector<1xf32>
          %squeeze3A_742 = vector.extract %slice3A_741[0] : f32 from vector<1xf32>
          %get3A_743 = arith.index_cast %scan3A_737 : i32 to index
          %get3A_744 = arith.constant 0 : index
          %get3A_745 = tpu.vector_load %arg12[%get3A_743, %get3A_744] {strides = array<i32>} : memref<80x64xf32, #tpu.memory_space<vmem>>, vector<16xf32>,
          %mul3A_746 = vector.broadcast %squeeze3A_742 : f32 to vector<16xf32>
          %mul3A_747 = arith.mulf %get3A_745, %mul3A_746 : vector<16xf32>
          %swap3A_748 = arith.index_cast %scan3A_737 : i32 to index
          %swap3A_749 = arith.constant 0 : index
          %swap3A_750 = tpu.vector_load %arg12[%swap3A_748, %swap3A_749] {strides = array<i32>} : memref<80x64xf32, #tpu.memory_space<vmem>>, vector<16xf32>,
          tpu.vector_store %arg12[%swap3A_748, %swap3A_749], %mul3A_747 {strides = array<i32>} : memref<80x64xf32, #tpu.memory_space<vmem>>, vector<16xf32>,
          %get3A_751 = arith.index_cast %scan3A_737 : i32 to index
          %get3A_752 = arith.constant 16 : index
          %get3A_753 = tpu.vector_load %arg12[%get3A_751, %get3A_752] {strides = array<i32>} : memref<80x64xf32, #tpu.memory_space<vmem>>, vector<16xf32>,
          %mul3A_754 = vector.broadcast %squeeze3A_742 : f32 to vector<16xf32>
          %mul3A_755 = arith.mulf %get3A_753, %mul3A_754 : vector<16xf32>
          %swap3A_756 = arith.index_cast %scan3A_737 : i32 to index
          %swap3A_757 = arith.constant 16 : index
          %swap3A_758 = tpu.vector_load %arg12[%swap3A_756, %swap3A_757] {strides = array<i32>} : memref<80x64xf32, #tpu.memory_space<vmem>>, vector<16xf32>,
          tpu.vector_store %arg12[%swap3A_756, %swap3A_757], %mul3A_755 {strides = array<i32>} : memref<80x64xf32, #tpu.memory_space<vmem>>, vector<16xf32>,
          %get3A_759 = arith.index_cast %scan3A_737 : i32 to index
          %get3A_760 = arith.constant 32 : index
          %get3A_761 = tpu.vector_load %arg12[%get3A_759, %get3A_760] {strides = array<i32>} : memref<80x64xf32, #tpu.memory_space<vmem>>, vector<16xf32>,
          %mul3A_762 = vector.broadcast %squeeze3A_742 : f32 to vector<16xf32>
          %mul3A_763 = arith.mulf %get3A_761, %mul3A_762 : vector<16xf32>
          %swap3A_764 = arith.index_cast %scan3A_737 : i32 to index
          %swap3A_765 = arith.constant 32 : index
          %swap3A_766 = tpu.vector_load %arg12[%swap3A_764, %swap3A_765] {strides = array<i32>} : memref<80x64xf32, #tpu.memory_space<vmem>>, vector<16xf32>,
          tpu.vector_store %arg12[%swap3A_764, %swap3A_765], %mul3A_763 {strides = array<i32>} : memref<80x64xf32, #tpu.memory_space<vmem>>, vector<16xf32>,
          %get3A_767 = arith.index_cast %scan3A_737 : i32 to index
          %get3A_768 = arith.constant 48 : index
          %get3A_769 = tpu.vector_load %arg12[%get3A_767, %get3A_768] {strides = array<i32>} : memref<80x64xf32, #tpu.memory_space<vmem>>, vector<16xf32>,
          %mul3A_770 = vector.broadcast %squeeze3A_742 : f32 to vector<16xf32>
          %mul3A_771 = arith.mulf %get3A_769, %mul3A_770 : vector<16xf32>
          %swap3A_772 = arith.index_cast %scan3A_737 : i32 to index
          %swap3A_773 = arith.constant 48 : index
          %swap3A_774 = tpu.vector_load %arg12[%swap3A_772, %swap3A_773] {strides = array<i32>} : memref<80x64xf32, #tpu.memory_space<vmem>>, vector<16xf32>,
          tpu.vector_store %arg12[%swap3A_772, %swap3A_773], %mul3A_771 {strides = array<i32>} : memref<80x64xf32, #tpu.memory_space<vmem>>, vector<16xf32>,
          %scan3A_775 = arith.constant 3 : i32
          %scan3A_776 = arith.addi %scan3A_661, %scan3A_775 : i32
          %get3A_777 = arith.index_cast %scan3A_776 : i32 to index
          %get3A_778 = arith.constant 0 : index
          %get3A_779 = tpu.vector_load %arg14[%get3A_777, %get3A_778] {strides = array<i32>} : memref<80x16xf32, #tpu.memory_space<vmem>>, vector<16xf32>,
          %slice3A_780 = vector.extract_strided_slice %get3A_779 {offsets = [0], sizes = [1], strides = [1]} : vector<16xf32> to vector<1xf32>
          %squeeze3A_781 = vector.extract %slice3A_780[0] : f32 from vector<1xf32>
          %get3A_782 = arith.index_cast %scan3A_776 : i32 to index
          %get3A_783 = arith.constant 0 : index
          %get3A_784 = tpu.vector_load %arg12[%get3A_782, %get3A_783] {strides = array<i32>} : memref<80x64xf32, #tpu.memory_space<vmem>>, vector<16xf32>,
          %mul3A_785 = vector.broadcast %squeeze3A_781 : f32 to vector<16xf32>
          %mul3A_786 = arith.mulf %get3A_784, %mul3A_785 : vector<16xf32>
          %swap3A_787 = arith.index_cast %scan3A_776 : i32 to index
          %swap3A_788 = arith.constant 0 : index
          %swap3A_789 = tpu.vector_load %arg12[%swap3A_787, %swap3A_788] {strides = array<i32>} : memref<80x64xf32, #tpu.memory_space<vmem>>, vector<16xf32>,
          tpu.vector_store %arg12[%swap3A_787, %swap3A_788], %mul3A_786 {strides = array<i32>} : memref<80x64xf32, #tpu.memory_space<vmem>>, vector<16xf32>,
          %get3A_790 = arith.index_cast %scan3A_776 : i32 to index
          %get3A_791 = arith.constant 16 : index
          %get3A_792 = tpu.vector_load %arg12[%get3A_790, %get3A_791] {strides = array<i32>} : memref<80x64xf32, #tpu.memory_space<vmem>>, vector<16xf32>,
          %mul3A_793 = vector.broadcast %squeeze3A_781 : f32 to vector<16xf32>
          %mul3A_794 = arith.mulf %get3A_792, %mul3A_793 : vector<16xf32>
          %swap3A_795 = arith.index_cast %scan3A_776 : i32 to index
          %swap3A_796 = arith.constant 16 : index
          %swap3A_797 = tpu.vector_load %arg12[%swap3A_795, %swap3A_796] {strides = array<i32>} : memref<80x64xf32, #tpu.memory_space<vmem>>, vector<16xf32>,
          tpu.vector_store %arg12[%swap3A_795, %swap3A_796], %mul3A_794 {strides = array<i32>} : memref<80x64xf32, #tpu.memory_space<vmem>>, vector<16xf32>,
          %get3A_798 = arith.index_cast %scan3A_776 : i32 to index
          %get3A_799 = arith.constant 32 : index
          %get3A_800 = tpu.vector_load %arg12[%get3A_798, %get3A_799] {strides = array<i32>} : memref<80x64xf32, #tpu.memory_space<vmem>>, vector<16xf32>,
          %mul3A_801 = vector.broadcast %squeeze3A_781 : f32 to vector<16xf32>
          %mul3A_802 = arith.mulf %get3A_800, %mul3A_801 : vector<16xf32>
          %swap3A_803 = arith.index_cast %scan3A_776 : i32 to index
          %swap3A_804 = arith.constant 32 : index
          %swap3A_805 = tpu.vector_load %arg12[%swap3A_803, %swap3A_804] {strides = array<i32>} : memref<80x64xf32, #tpu.memory_space<vmem>>, vector<16xf32>,
          tpu.vector_store %arg12[%swap3A_803, %swap3A_804], %mul3A_802 {strides = array<i32>} : memref<80x64xf32, #tpu.memory_space<vmem>>, vector<16xf32>,
          %get3A_806 = arith.index_cast %scan3A_776 : i32 to index
          %get3A_807 = arith.constant 48 : index
          %get3A_808 = tpu.vector_load %arg12[%get3A_806, %get3A_807] {strides = array<i32>} : memref<80x64xf32, #tpu.memory_space<vmem>>, vector<16xf32>,
          %mul3A_809 = vector.broadcast %squeeze3A_781 : f32 to vector<16xf32>
          %mul3A_810 = arith.mulf %get3A_808, %mul3A_809 : vector<16xf32>
          %swap3A_811 = arith.index_cast %scan3A_776 : i32 to index
          %swap3A_812 = arith.constant 48 : index
          %swap3A_813 = tpu.vector_load %arg12[%swap3A_811, %swap3A_812] {strides = array<i32>} : memref<80x64xf32, #tpu.memory_space<vmem>>, vector<16xf32>,
          tpu.vector_store %arg12[%swap3A_811, %swap3A_812], %mul3A_810 {strides = array<i32>} : memref<80x64xf32, #tpu.memory_space<vmem>>, vector<16xf32>,
          %scan3A_814 = arith.constant 4 : i32
          %scan3A_815 = arith.addi %scan3A_661, %scan3A_814 : i32
          %get3A_816 = arith.index_cast %scan3A_815 : i32 to index
          %get3A_817 = arith.constant 0 : index
          %get3A_818 = tpu.vector_load %arg14[%get3A_816, %get3A_817] {strides = array<i32>} : memref<80x16xf32, #tpu.memory_space<vmem>>, vector<16xf32>,
          %slice3A_819 = vector.extract_strided_slice %get3A_818 {offsets = [0], sizes = [1], strides = [1]} : vector<16xf32> to vector<1xf32>
          %squeeze3A_820 = vector.extract %slice3A_819[0] : f32 from vector<1xf32>
          %get3A_821 = arith.index_cast %scan3A_815 : i32 to index
          %get3A_822 = arith.constant 0 : index
          %get3A_823 = tpu.vector_load %arg12[%get3A_821, %get3A_822] {strides = array<i32>} : memref<80x64xf32, #tpu.memory_space<vmem>>, vector<16xf32>,
          %mul3A_824 = vector.broadcast %squeeze3A_820 : f32 to vector<16xf32>
          %mul3A_825 = arith.mulf %get3A_823, %mul3A_824 : vector<16xf32>
          %swap3A_826 = arith.index_cast %scan3A_815 : i32 to index
          %swap3A_827 = arith.constant 0 : index
          %swap3A_828 = tpu.vector_load %arg12[%swap3A_826, %swap3A_827] {strides = array<i32>} : memref<80x64xf32, #tpu.memory_space<vmem>>, vector<16xf32>,
          tpu.vector_store %arg12[%swap3A_826, %swap3A_827], %mul3A_825 {strides = array<i32>} : memref<80x64xf32, #tpu.memory_space<vmem>>, vector<16xf32>,
          %get3A_829 = arith.index_cast %scan3A_815 : i32 to index
          %get3A_830 = arith.constant 16 : index
          %get3A_831 = tpu.vector_load %arg12[%get3A_829, %get3A_830] {strides = array<i32>} : memref<80x64xf32, #tpu.memory_space<vmem>>, vector<16xf32>,
          %mul3A_832 = vector.broadcast %squeeze3A_820 : f32 to vector<16xf32>
          %mul3A_833 = arith.mulf %get3A_831, %mul3A_832 : vector<16xf32>
          %swap3A_834 = arith.index_cast %scan3A_815 : i32 to index
          %swap3A_835 = arith.constant 16 : index
          %swap3A_836 = tpu.vector_load %arg12[%swap3A_834, %swap3A_835] {strides = array<i32>} : memref<80x64xf32, #tpu.memory_space<vmem>>, vector<16xf32>,
          tpu.vector_store %arg12[%swap3A_834, %swap3A_835], %mul3A_833 {strides = array<i32>} : memref<80x64xf32, #tpu.memory_space<vmem>>, vector<16xf32>,
          %get3A_837 = arith.index_cast %scan3A_815 : i32 to index
          %get3A_838 = arith.constant 32 : index
          %get3A_839 = tpu.vector_load %arg12[%get3A_837, %get3A_838] {strides = array<i32>} : memref<80x64xf32, #tpu.memory_space<vmem>>, vector<16xf32>,
          %mul3A_840 = vector.broadcast %squeeze3A_820 : f32 to vector<16xf32>
          %mul3A_841 = arith.mulf %get3A_839, %mul3A_840 : vector<16xf32>
          %swap3A_842 = arith.index_cast %scan3A_815 : i32 to index
          %swap3A_843 = arith.constant 32 : index
          %swap3A_844 = tpu.vector_load %arg12[%swap3A_842, %swap3A_843] {strides = array<i32>} : memref<80x64xf32, #tpu.memory_space<vmem>>, vector<16xf32>,
          tpu.vector_store %arg12[%swap3A_842, %swap3A_843], %mul3A_841 {strides = array<i32>} : memref<80x64xf32, #tpu.memory_space<vmem>>, vector<16xf32>,
          %get3A_845 = arith.index_cast %scan3A_815 : i32 to index
          %get3A_846 = arith.constant 48 : index
          %get3A_847 = tpu.vector_load %arg12[%get3A_845, %get3A_846] {strides = array<i32>} : memref<80x64xf32, #tpu.memory_space<vmem>>, vector<16xf32>,
          %mul3A_848 = vector.broadcast %squeeze3A_820 : f32 to vector<16xf32>
          %mul3A_849 = arith.mulf %get3A_847, %mul3A_848 : vector<16xf32>
          %swap3A_850 = arith.index_cast %scan3A_815 : i32 to index
          %swap3A_851 = arith.constant 48 : index
          %swap3A_852 = tpu.vector_load %arg12[%swap3A_850, %swap3A_851] {strides = array<i32>} : memref<80x64xf32, #tpu.memory_space<vmem>>, vector<16xf32>,
          tpu.vector_store %arg12[%swap3A_850, %swap3A_851], %mul3A_849 {strides = array<i32>} : memref<80x64xf32, #tpu.memory_space<vmem>>, vector<16xf32>,
          %scan3A_853 = arith.constant 5 : i32
          %scan3A_854 = arith.addi %scan3A_661, %scan3A_853 : i32
          %get3A_855 = arith.index_cast %scan3A_854 : i32 to index
          %get3A_856 = arith.constant 0 : index
          %get3A_857 = tpu.vector_load %arg14[%get3A_855, %get3A_856] {strides = array<i32>} : memref<80x16xf32, #tpu.memory_space<vmem>>, vector<16xf32>,
          %slice3A_858 = vector.extract_strided_slice %get3A_857 {offsets = [0], sizes = [1], strides = [1]} : vector<16xf32> to vector<1xf32>
          %squeeze3A_859 = vector.extract %slice3A_858[0] : f32 from vector<1xf32>
          %get3A_860 = arith.index_cast %scan3A_854 : i32 to index
          %get3A_861 = arith.constant 0 : index
          %get3A_862 = tpu.vector_load %arg12[%get3A_860, %get3A_861] {strides = array<i32>} : memref<80x64xf32, #tpu.memory_space<vmem>>, vector<16xf32>,
          %mul3A_863 = vector.broadcast %squeeze3A_859 : f32 to vector<16xf32>
          %mul3A_864 = arith.mulf %get3A_862, %mul3A_863 : vector<16xf32>
          %swap3A_865 = arith.index_cast %scan3A_854 : i32 to index
          %swap3A_866 = arith.constant 0 : index
          %swap3A_867 = tpu.vector_load %arg12[%swap3A_865, %swap3A_866] {strides = array<i32>} : memref<80x64xf32, #tpu.memory_space<vmem>>, vector<16xf32>,
          tpu.vector_store %arg12[%swap3A_865, %swap3A_866], %mul3A_864 {strides = array<i32>} : memref<80x64xf32, #tpu.memory_space<vmem>>, vector<16xf32>,
          %get3A_868 = arith.index_cast %scan3A_854 : i32 to index
          %get3A_869 = arith.constant 16 : index
          %get3A_870 = tpu.vector_load %arg12[%get3A_868, %get3A_869] {strides = array<i32>} : memref<80x64xf32, #tpu.memory_space<vmem>>, vector<16xf32>,
          %mul3A_871 = vector.broadcast %squeeze3A_859 : f32 to vector<16xf32>
          %mul3A_872 = arith.mulf %get3A_870, %mul3A_871 : vector<16xf32>
          %swap3A_873 = arith.index_cast %scan3A_854 : i32 to index
          %swap3A_874 = arith.constant 16 : index
          %swap3A_875 = tpu.vector_load %arg12[%swap3A_873, %swap3A_874] {strides = array<i32>} : memref<80x64xf32, #tpu.memory_space<vmem>>, vector<16xf32>,
          tpu.vector_store %arg12[%swap3A_873, %swap3A_874], %mul3A_872 {strides = array<i32>} : memref<80x64xf32, #tpu.memory_space<vmem>>, vector<16xf32>,
          %get3A_876 = arith.index_cast %scan3A_854 : i32 to index
          %get3A_877 = arith.constant 32 : index
          %get3A_878 = tpu.vector_load %arg12[%get3A_876, %get3A_877] {strides = array<i32>} : memref<80x64xf32, #tpu.memory_space<vmem>>, vector<16xf32>,
          %mul3A_879 = vector.broadcast %squeeze3A_859 : f32 to vector<16xf32>
          %mul3A_880 = arith.mulf %get3A_878, %mul3A_879 : vector<16xf32>
          %swap3A_881 = arith.index_cast %scan3A_854 : i32 to index
          %swap3A_882 = arith.constant 32 : index
          %swap3A_883 = tpu.vector_load %arg12[%swap3A_881, %swap3A_882] {strides = array<i32>} : memref<80x64xf32, #tpu.memory_space<vmem>>, vector<16xf32>,
          tpu.vector_store %arg12[%swap3A_881, %swap3A_882], %mul3A_880 {strides = array<i32>} : memref<80x64xf32, #tpu.memory_space<vmem>>, vector<16xf32>,
          %get3A_884 = arith.index_cast %scan3A_854 : i32 to index
          %get3A_885 = arith.constant 48 : index
          %get3A_886 = tpu.vector_load %arg12[%get3A_884, %get3A_885] {strides = array<i32>} : memref<80x64xf32, #tpu.memory_space<vmem>>, vector<16xf32>,
          %mul3A_887 = vector.broadcast %squeeze3A_859 : f32 to vector<16xf32>
          %mul3A_888 = arith.mulf %get3A_886, %mul3A_887 : vector<16xf32>
          %swap3A_889 = arith.index_cast %scan3A_854 : i32 to index
          %swap3A_890 = arith.constant 48 : index
          %swap3A_891 = tpu.vector_load %arg12[%swap3A_889, %swap3A_890] {strides = array<i32>} : memref<80x64xf32, #tpu.memory_space<vmem>>, vector<16xf32>,
          tpu.vector_store %arg12[%swap3A_889, %swap3A_890], %mul3A_888 {strides = array<i32>} : memref<80x64xf32, #tpu.memory_space<vmem>>, vector<16xf32>,
          %scan3A_892 = arith.constant 6 : i32
          %scan3A_893 = arith.addi %scan3A_661, %scan3A_892 : i32
          %get3A_894 = arith.index_cast %scan3A_893 : i32 to index
          %get3A_895 = arith.constant 0 : index
          %get3A_896 = tpu.vector_load %arg14[%get3A_894, %get3A_895] {strides = array<i32>} : memref<80x16xf32, #tpu.memory_space<vmem>>, vector<16xf32>,
          %slice3A_897 = vector.extract_strided_slice %get3A_896 {offsets = [0], sizes = [1], strides = [1]} : vector<16xf32> to vector<1xf32>
          %squeeze3A_898 = vector.extract %slice3A_897[0] : f32 from vector<1xf32>
          %get3A_899 = arith.index_cast %scan3A_893 : i32 to index
          %get3A_900 = arith.constant 0 : index
          %get3A_901 = tpu.vector_load %arg12[%get3A_899, %get3A_900] {strides = array<i32>} : memref<80x64xf32, #tpu.memory_space<vmem>>, vector<16xf32>,
          %mul3A_902 = vector.broadcast %squeeze3A_898 : f32 to vector<16xf32>
          %mul3A_903 = arith.mulf %get3A_901, %mul3A_902 : vector<16xf32>
          %swap3A_904 = arith.index_cast %scan3A_893 : i32 to index
          %swap3A_905 = arith.constant 0 : index
          %swap3A_906 = tpu.vector_load %arg12[%swap3A_904, %swap3A_905] {strides = array<i32>} : memref<80x64xf32, #tpu.memory_space<vmem>>, vector<16xf32>,
          tpu.vector_store %arg12[%swap3A_904, %swap3A_905], %mul3A_903 {strides = array<i32>} : memref<80x64xf32, #tpu.memory_space<vmem>>, vector<16xf32>,
          %get3A_907 = arith.index_cast %scan3A_893 : i32 to index
          %get3A_908 = arith.constant 16 : index
          %get3A_909 = tpu.vector_load %arg12[%get3A_907, %get3A_908] {strides = array<i32>} : memref<80x64xf32, #tpu.memory_space<vmem>>, vector<16xf32>,
          %mul3A_910 = vector.broadcast %squeeze3A_898 : f32 to vector<16xf32>
          %mul3A_911 = arith.mulf %get3A_909, %mul3A_910 : vector<16xf32>
          %swap3A_912 = arith.index_cast %scan3A_893 : i32 to index
          %swap3A_913 = arith.constant 16 : index
          %swap3A_914 = tpu.vector_load %arg12[%swap3A_912, %swap3A_913] {strides = array<i32>} : memref<80x64xf32, #tpu.memory_space<vmem>>, vector<16xf32>,
          tpu.vector_store %arg12[%swap3A_912, %swap3A_913], %mul3A_911 {strides = array<i32>} : memref<80x64xf32, #tpu.memory_space<vmem>>, vector<16xf32>,
          %get3A_915 = arith.index_cast %scan3A_893 : i32 to index
          %get3A_916 = arith.constant 32 : index
          %get3A_917 = tpu.vector_load %arg12[%get3A_915, %get3A_916] {strides = array<i32>} : memref<80x64xf32, #tpu.memory_space<vmem>>, vector<16xf32>,
          %mul3A_918 = vector.broadcast %squeeze3A_898 : f32 to vector<16xf32>
          %mul3A_919 = arith.mulf %get3A_917, %mul3A_918 : vector<16xf32>
          %swap3A_920 = arith.index_cast %scan3A_893 : i32 to index
          %swap3A_921 = arith.constant 32 : index
          %swap3A_922 = tpu.vector_load %arg12[%swap3A_920, %swap3A_921] {strides = array<i32>} : memref<80x64xf32, #tpu.memory_space<vmem>>, vector<16xf32>,
          tpu.vector_store %arg12[%swap3A_920, %swap3A_921], %mul3A_919 {strides = array<i32>} : memref<80x64xf32, #tpu.memory_space<vmem>>, vector<16xf32>,
          %get3A_923 = arith.index_cast %scan3A_893 : i32 to index
          %get3A_924 = arith.constant 48 : index
          %get3A_925 = tpu.vector_load %arg12[%get3A_923, %get3A_924] {strides = array<i32>} : memref<80x64xf32, #tpu.memory_space<vmem>>, vector<16xf32>,
          %mul3A_926 = vector.broadcast %squeeze3A_898 : f32 to vector<16xf32>
          %mul3A_927 = arith.mulf %get3A_925, %mul3A_926 : vector<16xf32>
          %swap3A_928 = arith.index_cast %scan3A_893 : i32 to index
          %swap3A_929 = arith.constant 48 : index
          %swap3A_930 = tpu.vector_load %arg12[%swap3A_928, %swap3A_929] {strides = array<i32>} : memref<80x64xf32, #tpu.memory_space<vmem>>, vector<16xf32>,
          tpu.vector_store %arg12[%swap3A_928, %swap3A_929], %mul3A_927 {strides = array<i32>} : memref<80x64xf32, #tpu.memory_space<vmem>>, vector<16xf32>,
          %scan3A_931 = arith.constant 7 : i32
          %scan3A_932 = arith.addi %scan3A_661, %scan3A_931 : i32
          %get3A_933 = arith.index_cast %scan3A_932 : i32 to index
          %get3A_934 = arith.constant 0 : index
          %get3A_935 = tpu.vector_load %arg14[%get3A_933, %get3A_934] {strides = array<i32>} : memref<80x16xf32, #tpu.memory_space<vmem>>, vector<16xf32>,
          %slice3A_936 = vector.extract_strided_slice %get3A_935 {offsets = [0], sizes = [1], strides = [1]} : vector<16xf32> to vector<1xf32>
          %squeeze3A_937 = vector.extract %slice3A_936[0] : f32 from vector<1xf32>
          %get3A_938 = arith.index_cast %scan3A_932 : i32 to index
          %get3A_939 = arith.constant 0 : index
          %get3A_940 = tpu.vector_load %arg12[%get3A_938, %get3A_939] {strides = array<i32>} : memref<80x64xf32, #tpu.memory_space<vmem>>, vector<16xf32>,
          %mul3A_941 = vector.broadcast %squeeze3A_937 : f32 to vector<16xf32>
          %mul3A_942 = arith.mulf %get3A_940, %mul3A_941 : vector<16xf32>
          %swap3A_943 = arith.index_cast %scan3A_932 : i32 to index
          %swap3A_944 = arith.constant 0 : index
          %swap3A_945 = tpu.vector_load %arg12[%swap3A_943, %swap3A_944] {strides = array<i32>} : memref<80x64xf32, #tpu.memory_space<vmem>>, vector<16xf32>,
          tpu.vector_store %arg12[%swap3A_943, %swap3A_944], %mul3A_942 {strides = array<i32>} : memref<80x64xf32, #tpu.memory_space<vmem>>, vector<16xf32>,
          %get3A_946 = arith.index_cast %scan3A_932 : i32 to index
          %get3A_947 = arith.constant 16 : index
          %get3A_948 = tpu.vector_load %arg12[%get3A_946, %get3A_947] {strides = array<i32>} : memref<80x64xf32, #tpu.memory_space<vmem>>, vector<16xf32>,
          %mul3A_949 = vector.broadcast %squeeze3A_937 : f32 to vector<16xf32>
          %mul3A_950 = arith.mulf %get3A_948, %mul3A_949 : vector<16xf32>
          %swap3A_951 = arith.index_cast %scan3A_932 : i32 to index
          %swap3A_952 = arith.constant 16 : index
          %swap3A_953 = tpu.vector_load %arg12[%swap3A_951, %swap3A_952] {strides = array<i32>} : memref<80x64xf32, #tpu.memory_space<vmem>>, vector<16xf32>,
          tpu.vector_store %arg12[%swap3A_951, %swap3A_952], %mul3A_950 {strides = array<i32>} : memref<80x64xf32, #tpu.memory_space<vmem>>, vector<16xf32>,
          %get3A_954 = arith.index_cast %scan3A_932 : i32 to index
          %get3A_955 = arith.constant 32 : index
          %get3A_956 = tpu.vector_load %arg12[%get3A_954, %get3A_955] {strides = array<i32>} : memref<80x64xf32, #tpu.memory_space<vmem>>, vector<16xf32>,
          %mul3A_957 = vector.broadcast %squeeze3A_937 : f32 to vector<16xf32>
          %mul3A_958 = arith.mulf %get3A_956, %mul3A_957 : vector<16xf32>
          %swap3A_959 = arith.index_cast %scan3A_932 : i32 to index
          %swap3A_960 = arith.constant 32 : index
          %swap3A_961 = tpu.vector_load %arg12[%swap3A_959, %swap3A_960] {strides = array<i32>} : memref<80x64xf32, #tpu.memory_space<vmem>>, vector<16xf32>,
          tpu.vector_store %arg12[%swap3A_959, %swap3A_960], %mul3A_958 {strides = array<i32>} : memref<80x64xf32, #tpu.memory_space<vmem>>, vector<16xf32>,
          %get3A_962 = arith.index_cast %scan3A_932 : i32 to index
          %get3A_963 = arith.constant 48 : index
          %get3A_964 = tpu.vector_load %arg12[%get3A_962, %get3A_963] {strides = array<i32>} : memref<80x64xf32, #tpu.memory_space<vmem>>, vector<16xf32>,
          %mul3A_965 = vector.broadcast %squeeze3A_937 : f32 to vector<16xf32>
          %mul3A_966 = arith.mulf %get3A_964, %mul3A_965 : vector<16xf32>
          %swap3A_967 = arith.index_cast %scan3A_932 : i32 to index
          %swap3A_968 = arith.constant 48 : index
          %swap3A_969 = tpu.vector_load %arg12[%swap3A_967, %swap3A_968] {strides = array<i32>} : memref<80x64xf32, #tpu.memory_space<vmem>>, vector<16xf32>,
          tpu.vector_store %arg12[%swap3A_967, %swap3A_968], %mul3A_966 {strides = array<i32>} : memref<80x64xf32, #tpu.memory_space<vmem>>, vector<16xf32>,
        }
        %scan3A_491 = arith.constant 80 : i32
        %dma_start3A_492 = arith.constant 0 : i32
        %dma_start3A_493 = arith.constant 0 : i32
        %dma_start3A_494 = tpu.memref_slice %arg16[%dma_start3A_492, %dma_start3A_493] : memref<10240x64xf32, #tpu.memory_space<vmem_shared>> -> memref<10240x64xf32, #tpu.memory_space<vmem_shared>>
        tpu.enqueue_indirect_dma source(%arg12 : memref<80x64xf32, #tpu.memory_space<vmem>>) target(%dma_start3A_494 : memref<10240x64xf32, #tpu.memory_space<vmem_shared>>) offsets(%arg10 : memref<80xi32, #tpu.memory_space<vmem>>) semaphore(%arg20 : memref<!tpu.dma_semaphore, #tpu.memory_space<semaphore_mem>>) {add = true}
        %dma_start3A_495 = arith.constant 0 : i32
        %dma_start3A_496 = arith.constant 0 : i32
        %dma_start3A_497 = tpu.memref_slice %arg17[%dma_start3A_495, %dma_start3A_496] : memref<10240x16xf32, #tpu.memory_space<vmem_shared>> -> memref<10240x16xf32, #tpu.memory_space<vmem_shared>>
        tpu.enqueue_indirect_dma source(%arg14 : memref<80x16xf32, #tpu.memory_space<vmem>>) target(%dma_start3A_497 : memref<10240x16xf32, #tpu.memory_space<vmem_shared>>) offsets(%arg10 : memref<80xi32, #tpu.memory_space<vmem>>) semaphore(%arg20 : memref<!tpu.dma_semaphore, #tpu.memory_space<semaphore_mem>>) {add = true}
        %add3A_498 = arith.constant 2 : i32
        %add3A_499 = arith.addi %mul3A_352, %add3A_498 : i32
        %lt3A_500 = arith.constant 126 : i32
        %lt3A_501 = arith.cmpi slt, %add3A_499, %lt3A_500 : i32
        %convert_element_type3A_502 = arith.extui %lt3A_501 : i1 to i32
        %cond3A_503 = arith.constant 0 : i32
        %cond3A_504 = arith.cmpi ne, %convert_element_type3A_502, %cond3A_503 : i32
        scf.if %cond3A_504 {
          %add3A_661 = arith.constant 2 : i32
          %add3A_662 = arith.addi %mul3A_352, %add3A_661 : i32
          %mul3A_663 = arith.constant 320 : i32
          %mul3A_664 = arith.muli %add3A_662, %mul3A_663 : i32
          %add3A_665 = arith.addi %mul3A_5, %mul3A_664 : i32
          %dma_start3A_666 = tpu.memref_slice %arg3[%add3A_665] : memref<1290240xi32, #tpu.memory_space<hbm>> -> memref<320xi32, #tpu.memory_space<hbm>>
          %dma_start3A_667 = tpu.memref_slice %arg3[%add3A_665] : memref<1290240xi32, #tpu.memory_space<hbm>> -> memref<320xi32, #tpu.memory_space<hbm>>
          tpu.enqueue_dma source(%dma_start3A_667 : memref<320xi32, #tpu.memory_space<hbm>>) target(%arg6 : memref<320xi32, #tpu.memory_space<vmem>>) target_semaphore(%arg22 : memref<!tpu.dma_semaphore, #tpu.memory_space<semaphore_mem>>)
        } else {
        }
        %mul3A_505 = arith.constant 2 : i32
        %mul3A_506 = arith.muli %mul3A_505, %scan3A_350 : i32
        %add3A_507 = arith.constant 1 : i32
        %add3A_508 = arith.addi %mul3A_506, %add3A_507 : i32
        %ge3A_509 = arith.constant 1 : i32
        %ge3A_510 = arith.cmpi sge, %add3A_508, %ge3A_509 : i32
        %convert_element_type3A_511 = arith.extui %ge3A_510 : i1 to i32
        %cond3A_512 = arith.constant 0 : i32
        %cond3A_513 = arith.cmpi ne, %convert_element_type3A_511, %cond3A_512 : i32
        scf.if %cond3A_513 {
          %dma_wait3A_661 = arith.constant 0 : i32
          %dma_wait3A_662 = arith.constant 0 : i32
          %dma_wait3A_663 = tpu.memref_slice %arg16[%dma_wait3A_661, %dma_wait3A_662] : memref<10240x64xf32, #tpu.memory_space<vmem_shared>> -> memref<10240x64xf32, #tpu.memory_space<vmem_shared>>
          tpu.wait_indirect_dma semaphore(%arg20 : memref<!tpu.dma_semaphore, #tpu.memory_space<semaphore_mem>>) src(%arg12 : memref<80x64xf32, #tpu.memory_space<vmem>>) dst(%dma_wait3A_663 : memref<10240x64xf32, #tpu.memory_space<vmem_shared>>)
          %dma_wait3A_664 = arith.constant 0 : i32
          %dma_wait3A_665 = arith.constant 0 : i32
          %dma_wait3A_666 = tpu.memref_slice %arg17[%dma_wait3A_664, %dma_wait3A_665] : memref<10240x16xf32, #tpu.memory_space<vmem_shared>> -> memref<10240x16xf32, #tpu.memory_space<vmem_shared>>
          tpu.wait_indirect_dma semaphore(%arg20 : memref<!tpu.dma_semaphore, #tpu.memory_space<semaphore_mem>>) src(%arg14 : memref<80x16xf32, #tpu.memory_space<vmem>>) dst(%dma_wait3A_666 : memref<10240x16xf32, #tpu.memory_space<vmem_shared>>)
        } else {
        }
        %dma_wait3A_514 = tpu.memref_slice %arg3[%mul3A_5] : memref<1290240xi32, #tpu.memory_space<hbm>> -> memref<320xi32, #tpu.memory_space<hbm>>
        %dma_wait3A_515 = tpu.memref_slice %arg3[%mul3A_5] : memref<1290240xi32, #tpu.memory_space<hbm>> -> memref<320xi32, #tpu.memory_space<hbm>>
        tpu.wait_dma2 semaphore(%arg22 : memref<!tpu.dma_semaphore, #tpu.memory_space<semaphore_mem>>) src(%dma_wait3A_515 : memref<320xi32, #tpu.memory_space<hbm>>) dst(%arg6 : memref<320xi32, #tpu.memory_space<vmem>>)
        %get3A_516 = arith.constant 80 : index
        %get3A_517 = tpu.vector_load %arg6[%get3A_516] {strides = array<i32>} : memref<320xi32, #tpu.memory_space<vmem>>, vector<16xi32>,
        %mul3A_518 = arith.constant 10000 : i32
        %mul3A_519 = arith.muli %add3A_14, %mul3A_518 : i32
        %add3A_520 = vector.broadcast %mul3A_519 : i32 to vector<16xi32>
        %add3A_521 = arith.addi %get3A_517, %add3A_520 : vector<16xi32>
        %swap3A_522 = arith.constant 0 : index
        %swap3A_523 = tpu.vector_load %arg8[%swap3A_522] {strides = array<i32>} : memref<80xi32, #tpu.memory_space<vmem>>, vector<16xi32>,
        tpu.vector_store %arg8[%swap3A_522], %add3A_521 {strides = array<i32>} : memref<80xi32, #tpu.memory_space<vmem>>, vector<16xi32>,
        %get3A_524 = arith.constant 96 : index
        %get3A_525 = tpu.vector_load %arg6[%get3A_524] {strides = array<i32>} : memref<320xi32, #tpu.memory_space<vmem>>, vector<16xi32>,
        %mul3A_526 = arith.constant 10000 : i32
        %mul3A_527 = arith.muli %add3A_14, %mul3A_526 : i32
        %add3A_528 = vector.broadcast %mul3A_527 : i32 to vector<16xi32>
        %add3A_529 = arith.addi %get3A_525, %add3A_528 : vector<16xi32>
        %swap3A_530 = arith.constant 16 : index
        %swap3A_531 = tpu.vector_load %arg8[%swap3A_530] {strides = array<i32>} : memref<80xi32, #tpu.memory_space<vmem>>, vector<16xi32>,
        tpu.vector_store %arg8[%swap3A_530], %add3A_529 {strides = array<i32>} : memref<80xi32, #tpu.memory_space<vmem>>, vector<16xi32>,
        %get3A_532 = arith.constant 112 : index
        %get3A_533 = tpu.vector_load %arg6[%get3A_532] {strides = array<i32>} : memref<320xi32, #tpu.memory_space<vmem>>, vector<16xi32>,
        %mul3A_534 = arith.constant 10000 : i32
        %mul3A_535 = arith.muli %add3A_14, %mul3A_534 : i32
        %add3A_536 = vector.broadcast %mul3A_535 : i32 to vector<16xi32>
        %add3A_537 = arith.addi %get3A_533, %add3A_536 : vector<16xi32>
        %swap3A_538 = arith.constant 32 : index
        %swap3A_539 = tpu.vector_load %arg8[%swap3A_538] {strides = array<i32>} : memref<80xi32, #tpu.memory_space<vmem>>, vector<16xi32>,
        tpu.vector_store %arg8[%swap3A_538], %add3A_537 {strides = array<i32>} : memref<80xi32, #tpu.memory_space<vmem>>, vector<16xi32>,
        %get3A_540 = arith.constant 128 : index
        %get3A_541 = tpu.vector_load %arg6[%get3A_540] {strides = array<i32>} : memref<320xi32, #tpu.memory_space<vmem>>, vector<16xi32>,
        %mul3A_542 = arith.constant 10000 : i32
        %mul3A_543 = arith.muli %add3A_14, %mul3A_542 : i32
        %add3A_544 = vector.broadcast %mul3A_543 : i32 to vector<16xi32>
        %add3A_545 = arith.addi %get3A_541, %add3A_544 : vector<16xi32>
        %swap3A_546 = arith.constant 48 : index
        %swap3A_547 = tpu.vector_load %arg8[%swap3A_546] {strides = array<i32>} : memref<80xi32, #tpu.memory_space<vmem>>, vector<16xi32>,
        tpu.vector_store %arg8[%swap3A_546], %add3A_545 {strides = array<i32>} : memref<80xi32, #tpu.memory_space<vmem>>, vector<16xi32>,
        %get3A_548 = arith.constant 144 : index
        %get3A_549 = tpu.vector_load %arg6[%get3A_548] {strides = array<i32>} : memref<320xi32, #tpu.memory_space<vmem>>, vector<16xi32>,
        %mul3A_550 = arith.constant 10000 : i32
        %mul3A_551 = arith.muli %add3A_14, %mul3A_550 : i32
        %add3A_552 = vector.broadcast %mul3A_551 : i32 to vector<16xi32>
        %add3A_553 = arith.addi %get3A_549, %add3A_552 : vector<16xi32>
        %swap3A_554 = arith.constant 64 : index
        %swap3A_555 = tpu.vector_load %arg8[%swap3A_554] {strides = array<i32>} : memref<80xi32, #tpu.memory_space<vmem>>, vector<16xi32>,
        tpu.vector_store %arg8[%swap3A_554], %add3A_553 {strides = array<i32>} : memref<80xi32, #tpu.memory_space<vmem>>, vector<16xi32>,
        %dma_start3A_556 = arith.constant 0 : i32
        %dma_start3A_557 = arith.constant 0 : i32
        %dma_start3A_558 = tpu.memref_slice %arg2[%dma_start3A_556, %dma_start3A_557] : memref<40000x64xf32, #tpu.memory_space<hbm>> -> memref<40000x64xf32, #tpu.memory_space<hbm>>
        tpu.enqueue_indirect_dma source(%dma_start3A_558 : memref<40000x64xf32, #tpu.memory_space<hbm>>) target(%arg12 : memref<80x64xf32, #tpu.memory_space<vmem>>) offsets(%arg8 : memref<80xi32, #tpu.memory_space<vmem>>) semaphore(%arg18 : memref<!tpu.dma_semaphore, #tpu.memory_space<semaphore_mem>>)
        %dma_wait3A_559 = arith.constant 0 : i32
        %dma_wait3A_560 = arith.constant 0 : i32
        %dma_wait3A_561 = tpu.memref_slice %arg2[%dma_wait3A_559, %dma_wait3A_560] : memref<40000x64xf32, #tpu.memory_space<hbm>> -> memref<40000x64xf32, #tpu.memory_space<hbm>>
        tpu.wait_indirect_dma semaphore(%arg19 : memref<!tpu.dma_semaphore, #tpu.memory_space<semaphore_mem>>) src(%dma_wait3A_561 : memref<40000x64xf32, #tpu.memory_space<hbm>>) dst(%arg13 : memref<80x64xf32, #tpu.memory_space<vmem>>)
        %get3A_562 = arith.constant 0 : index
        %get3A_563 = tpu.vector_load %arg7[%get3A_562] {strides = array<i32>} : memref<320xi32, #tpu.memory_space<vmem>>, vector<16xi32>,
        %swap3A_564 = arith.constant 0 : index
        %swap3A_565 = tpu.vector_load %arg11[%swap3A_564] {strides = array<i32>} : memref<80xi32, #tpu.memory_space<vmem>>, vector<16xi32>,
        tpu.vector_store %arg11[%swap3A_564], %get3A_563 {strides = array<i32>} : memref<80xi32, #tpu.memory_space<vmem>>, vector<16xi32>,
        %add3A_566 = arith.constant 2 : i32
        %add3A_567 = arith.addi %add3A_566, %scan3A_11 : i32
        %mul3A_568 = arith.constant 80 : i32
        %mul3A_569 = arith.muli %add3A_567, %mul3A_568 : i32
        %add3A_570 = arith.constant 0 : i32
        %add3A_571 = arith.addi %mul3A_569, %add3A_570 : i32
        %get3A_572 = arith.index_cast %add3A_571 : i32 to index
        %get3A_573 = tpu.vector_load %arg7[%get3A_572] {strides = array<i32>} : memref<320xi32, #tpu.memory_space<vmem>>, vector<16xi32>,
        %bitcast3A_574 = vector.bitcast %get3A_573 : vector<16xi32> to vector<16xf32>
        %add3A_575 = arith.constant 0 : i32
        %add3A_576 = vector.broadcast %add3A_575 : i32 to vector<16xi32>
        %add3A_577 = arith.addi %add3A_576, %iota3A : vector<16xi32>
        tpu.vector_store_idx %arg15[%add3A_577, %broadcast_in_dim3A_2], %bitcast3A_574 : memref<80x16xf32, #tpu.memory_space<vmem>>[vector<16xi32>, vector<16xi32>], vector<16xf32>,
        %get3A_578 = arith.constant 16 : index
        %get3A_579 = tpu.vector_load %arg7[%get3A_578] {strides = array<i32>} : memref<320xi32, #tpu.memory_space<vmem>>, vector<16xi32>,
        %swap3A_580 = arith.constant 16 : index
        %swap3A_581 = tpu.vector_load %arg11[%swap3A_580] {strides = array<i32>} : memref<80xi32, #tpu.memory_space<vmem>>, vector<16xi32>,
        tpu.vector_store %arg11[%swap3A_580], %get3A_579 {strides = array<i32>} : memref<80xi32, #tpu.memory_space<vmem>>, vector<16xi32>,
        %add3A_582 = arith.constant 2 : i32
        %add3A_583 = arith.addi %add3A_582, %scan3A_11 : i32
        %mul3A_584 = arith.constant 80 : i32
        %mul3A_585 = arith.muli %add3A_583, %mul3A_584 : i32
        %add3A_586 = arith.constant 16 : i32
        %add3A_587 = arith.addi %mul3A_585, %add3A_586 : i32
        %get3A_588 = arith.index_cast %add3A_587 : i32 to index
        %get3A_589 = tpu.vector_load %arg7[%get3A_588] {strides = array<i32>} : memref<320xi32, #tpu.memory_space<vmem>>, vector<16xi32>,
        %bitcast3A_590 = vector.bitcast %get3A_589 : vector<16xi32> to vector<16xf32>
        %add3A_591 = arith.constant 16 : i32
        %add3A_592 = vector.broadcast %add3A_591 : i32 to vector<16xi32>
        %add3A_593 = arith.addi %add3A_592, %iota3A : vector<16xi32>
        tpu.vector_store_idx %arg15[%add3A_593, %broadcast_in_dim3A_2], %bitcast3A_590 : memref<80x16xf32, #tpu.memory_space<vmem>>[vector<16xi32>, vector<16xi32>], vector<16xf32>,
        %get3A_594 = arith.constant 32 : index
        %get3A_595 = tpu.vector_load %arg7[%get3A_594] {strides = array<i32>} : memref<320xi32, #tpu.memory_space<vmem>>, vector<16xi32>,
        %swap3A_596 = arith.constant 32 : index
        %swap3A_597 = tpu.vector_load %arg11[%swap3A_596] {strides = array<i32>} : memref<80xi32, #tpu.memory_space<vmem>>, vector<16xi32>,
        tpu.vector_store %arg11[%swap3A_596], %get3A_595 {strides = array<i32>} : memref<80xi32, #tpu.memory_space<vmem>>, vector<16xi32>,
        %add3A_598 = arith.constant 2 : i32
        %add3A_599 = arith.addi %add3A_598, %scan3A_11 : i32
        %mul3A_600 = arith.constant 80 : i32
        %mul3A_601 = arith.muli %add3A_599, %mul3A_600 : i32
        %add3A_602 = arith.constant 32 : i32
        %add3A_603 = arith.addi %mul3A_601, %add3A_602 : i32
        %get3A_604 = arith.index_cast %add3A_603 : i32 to index
        %get3A_605 = tpu.vector_load %arg7[%get3A_604] {strides = array<i32>} : memref<320xi32, #tpu.memory_space<vmem>>, vector<16xi32>,
        %bitcast3A_606 = vector.bitcast %get3A_605 : vector<16xi32> to vector<16xf32>
        %add3A_607 = arith.constant 32 : i32
        %add3A_608 = vector.broadcast %add3A_607 : i32 to vector<16xi32>
        %add3A_609 = arith.addi %add3A_608, %iota3A : vector<16xi32>
        tpu.vector_store_idx %arg15[%add3A_609, %broadcast_in_dim3A_2], %bitcast3A_606 : memref<80x16xf32, #tpu.memory_space<vmem>>[vector<16xi32>, vector<16xi32>], vector<16xf32>,
        %get3A_610 = arith.constant 48 : index
        %get3A_611 = tpu.vector_load %arg7[%get3A_610] {strides = array<i32>} : memref<320xi32, #tpu.memory_space<vmem>>, vector<16xi32>,
        %swap3A_612 = arith.constant 48 : index
        %swap3A_613 = tpu.vector_load %arg11[%swap3A_612] {strides = array<i32>} : memref<80xi32, #tpu.memory_space<vmem>>, vector<16xi32>,
        tpu.vector_store %arg11[%swap3A_612], %get3A_611 {strides = array<i32>} : memref<80xi32, #tpu.memory_space<vmem>>, vector<16xi32>,
        %add3A_614 = arith.constant 2 : i32
        %add3A_615 = arith.addi %add3A_614, %scan3A_11 : i32
        %mul3A_616 = arith.constant 80 : i32
        %mul3A_617 = arith.muli %add3A_615, %mul3A_616 : i32
        %add3A_618 = arith.constant 48 : i32
        %add3A_619 = arith.addi %mul3A_617, %add3A_618 : i32
        %get3A_620 = arith.index_cast %add3A_619 : i32 to index
        %get3A_621 = tpu.vector_load %arg7[%get3A_620] {strides = array<i32>} : memref<320xi32, #tpu.memory_space<vmem>>, vector<16xi32>,
        %bitcast3A_622 = vector.bitcast %get3A_621 : vector<16xi32> to vector<16xf32>
        %add3A_623 = arith.constant 48 : i32
        %add3A_624 = vector.broadcast %add3A_623 : i32 to vector<16xi32>
        %add3A_625 = arith.addi %add3A_624, %iota3A : vector<16xi32>
        tpu.vector_store_idx %arg15[%add3A_625, %broadcast_in_dim3A_2], %bitcast3A_622 : memref<80x16xf32, #tpu.memory_space<vmem>>[vector<16xi32>, vector<16xi32>], vector<16xf32>,
        %get3A_626 = arith.constant 64 : index
        %get3A_627 = tpu.vector_load %arg7[%get3A_626] {strides = array<i32>} : memref<320xi32, #tpu.memory_space<vmem>>, vector<16xi32>,
        %swap3A_628 = arith.constant 64 : index
        %swap3A_629 = tpu.vector_load %arg11[%swap3A_628] {strides = array<i32>} : memref<80xi32, #tpu.memory_space<vmem>>, vector<16xi32>,
        tpu.vector_store %arg11[%swap3A_628], %get3A_627 {strides = array<i32>} : memref<80xi32, #tpu.memory_space<vmem>>, vector<16xi32>,
        %add3A_630 = arith.constant 2 : i32
        %add3A_631 = arith.addi %add3A_630, %scan3A_11 : i32
        %mul3A_632 = arith.constant 80 : i32
        %mul3A_633 = arith.muli %add3A_631, %mul3A_632 : i32
        %add3A_634 = arith.constant 64 : i32
        %add3A_635 = arith.addi %mul3A_633, %add3A_634 : i32
        %get3A_636 = arith.index_cast %add3A_635 : i32 to index
        %get3A_637 = tpu.vector_load %arg7[%get3A_636] {strides = array<i32>} : memref<320xi32, #tpu.memory_space<vmem>>, vector<16xi32>,
        %bitcast3A_638 = vector.bitcast %get3A_637 : vector<16xi32> to vector<16xf32>
        %add3A_639 = arith.constant 64 : i32
        %add3A_640 = vector.broadcast %add3A_639 : i32 to vector<16xi32>
        %add3A_641 = arith.addi %add3A_640, %iota3A : vector<16xi32>
        tpu.vector_store_idx %arg15[%add3A_641, %broadcast_in_dim3A_2], %bitcast3A_638 : memref<80x16xf32, #tpu.memory_space<vmem>>[vector<16xi32>, vector<16xi32>], vector<16xf32>,
        %scan3A_642 = arith.constant 0 : i32
        %scan3A_643 = arith.constant 0 : i32
        %scan3A_644 = arith.constant 80 : i32
        %scan3A_645 = arith.addi %scan3A_643, %scan3A_644 : i32
        %scan3A_646 = arith.constant 8 : i32
        scf.for %scan3A_661 = %scan3A_643 to %scan3A_645 step %scan3A_646  : i32 {
          %get3A_662 = arith.index_cast %scan3A_661 : i32 to index
          %get3A_663 = arith.constant 0 : index
          %get3A_664 = tpu.vector_load %arg15[%get3A_662, %get3A_663] {strides = array<i32>} : memref<80x16xf32, #tpu.memory_space<vmem>>, vector<16xf32>,
          %slice3A = vector.extract_strided_slice %get3A_664 {offsets = [0], sizes = [1], strides = [1]} : vector<16xf32> to vector<1xf32>
          %squeeze3A = vector.extract %slice3A[0] : f32 from vector<1xf32>
          %get3A_665 = arith.index_cast %scan3A_661 : i32 to index
          %get3A_666 = arith.constant 0 : index
          %get3A_667 = tpu.vector_load %arg13[%get3A_665, %get3A_666] {strides = array<i32>} : memref<80x64xf32, #tpu.memory_space<vmem>>, vector<16xf32>,
          %mul3A_668 = vector.broadcast %squeeze3A : f32 to vector<16xf32>
          %mul3A_669 = arith.mulf %get3A_667, %mul3A_668 : vector<16xf32>
          %swap3A_670 = arith.index_cast %scan3A_661 : i32 to index
          %swap3A_671 = arith.constant 0 : index
          %swap3A_672 = tpu.vector_load %arg13[%swap3A_670, %swap3A_671] {strides = array<i32>} : memref<80x64xf32, #tpu.memory_space<vmem>>, vector<16xf32>,
          tpu.vector_store %arg13[%swap3A_670, %swap3A_671], %mul3A_669 {strides = array<i32>} : memref<80x64xf32, #tpu.memory_space<vmem>>, vector<16xf32>,
          %get3A_673 = arith.index_cast %scan3A_661 : i32 to index
          %get3A_674 = arith.constant 16 : index
          %get3A_675 = tpu.vector_load %arg13[%get3A_673, %get3A_674] {strides = array<i32>} : memref<80x64xf32, #tpu.memory_space<vmem>>, vector<16xf32>,
          %mul3A_676 = vector.broadcast %squeeze3A : f32 to vector<16xf32>
          %mul3A_677 = arith.mulf %get3A_675, %mul3A_676 : vector<16xf32>
          %swap3A_678 = arith.index_cast %scan3A_661 : i32 to index
          %swap3A_679 = arith.constant 16 : index
          %swap3A_680 = tpu.vector_load %arg13[%swap3A_678, %swap3A_679] {strides = array<i32>} : memref<80x64xf32, #tpu.memory_space<vmem>>, vector<16xf32>,
          tpu.vector_store %arg13[%swap3A_678, %swap3A_679], %mul3A_677 {strides = array<i32>} : memref<80x64xf32, #tpu.memory_space<vmem>>, vector<16xf32>,
          %get3A_681 = arith.index_cast %scan3A_661 : i32 to index
          %get3A_682 = arith.constant 32 : index
          %get3A_683 = tpu.vector_load %arg13[%get3A_681, %get3A_682] {strides = array<i32>} : memref<80x64xf32, #tpu.memory_space<vmem>>, vector<16xf32>,
          %mul3A_684 = vector.broadcast %squeeze3A : f32 to vector<16xf32>
          %mul3A_685 = arith.mulf %get3A_683, %mul3A_684 : vector<16xf32>
          %swap3A_686 = arith.index_cast %scan3A_661 : i32 to index
          %swap3A_687 = arith.constant 32 : index
          %swap3A_688 = tpu.vector_load %arg13[%swap3A_686, %swap3A_687] {strides = array<i32>} : memref<80x64xf32, #tpu.memory_space<vmem>>, vector<16xf32>,
          tpu.vector_store %arg13[%swap3A_686, %swap3A_687], %mul3A_685 {strides = array<i32>} : memref<80x64xf32, #tpu.memory_space<vmem>>, vector<16xf32>,
          %get3A_689 = arith.index_cast %scan3A_661 : i32 to index
          %get3A_690 = arith.constant 48 : index
          %get3A_691 = tpu.vector_load %arg13[%get3A_689, %get3A_690] {strides = array<i32>} : memref<80x64xf32, #tpu.memory_space<vmem>>, vector<16xf32>,
          %mul3A_692 = vector.broadcast %squeeze3A : f32 to vector<16xf32>
          %mul3A_693 = arith.mulf %get3A_691, %mul3A_692 : vector<16xf32>
          %swap3A_694 = arith.index_cast %scan3A_661 : i32 to index
          %swap3A_695 = arith.constant 48 : index
          %swap3A_696 = tpu.vector_load %arg13[%swap3A_694, %swap3A_695] {strides = array<i32>} : memref<80x64xf32, #tpu.memory_space<vmem>>, vector<16xf32>,
          tpu.vector_store %arg13[%swap3A_694, %swap3A_695], %mul3A_693 {strides = array<i32>} : memref<80x64xf32, #tpu.memory_space<vmem>>, vector<16xf32>,
          %scan3A_697 = arith.constant 1 : i32
          %scan3A_698 = arith.addi %scan3A_661, %scan3A_697 : i32
          %get3A_699 = arith.index_cast %scan3A_698 : i32 to index
          %get3A_700 = arith.constant 0 : index
          %get3A_701 = tpu.vector_load %arg15[%get3A_699, %get3A_700] {strides = array<i32>} : memref<80x16xf32, #tpu.memory_space<vmem>>, vector<16xf32>,
          %slice3A_702 = vector.extract_strided_slice %get3A_701 {offsets = [0], sizes = [1], strides = [1]} : vector<16xf32> to vector<1xf32>
          %squeeze3A_703 = vector.extract %slice3A_702[0] : f32 from vector<1xf32>
          %get3A_704 = arith.index_cast %scan3A_698 : i32 to index
          %get3A_705 = arith.constant 0 : index
          %get3A_706 = tpu.vector_load %arg13[%get3A_704, %get3A_705] {strides = array<i32>} : memref<80x64xf32, #tpu.memory_space<vmem>>, vector<16xf32>,
          %mul3A_707 = vector.broadcast %squeeze3A_703 : f32 to vector<16xf32>
          %mul3A_708 = arith.mulf %get3A_706, %mul3A_707 : vector<16xf32>
          %swap3A_709 = arith.index_cast %scan3A_698 : i32 to index
          %swap3A_710 = arith.constant 0 : index
          %swap3A_711 = tpu.vector_load %arg13[%swap3A_709, %swap3A_710] {strides = array<i32>} : memref<80x64xf32, #tpu.memory_space<vmem>>, vector<16xf32>,
          tpu.vector_store %arg13[%swap3A_709, %swap3A_710], %mul3A_708 {strides = array<i32>} : memref<80x64xf32, #tpu.memory_space<vmem>>, vector<16xf32>,
          %get3A_712 = arith.index_cast %scan3A_698 : i32 to index
          %get3A_713 = arith.constant 16 : index
          %get3A_714 = tpu.vector_load %arg13[%get3A_712, %get3A_713] {strides = array<i32>} : memref<80x64xf32, #tpu.memory_space<vmem>>, vector<16xf32>,
          %mul3A_715 = vector.broadcast %squeeze3A_703 : f32 to vector<16xf32>
          %mul3A_716 = arith.mulf %get3A_714, %mul3A_715 : vector<16xf32>
          %swap3A_717 = arith.index_cast %scan3A_698 : i32 to index
          %swap3A_718 = arith.constant 16 : index
          %swap3A_719 = tpu.vector_load %arg13[%swap3A_717, %swap3A_718] {strides = array<i32>} : memref<80x64xf32, #tpu.memory_space<vmem>>, vector<16xf32>,
          tpu.vector_store %arg13[%swap3A_717, %swap3A_718], %mul3A_716 {strides = array<i32>} : memref<80x64xf32, #tpu.memory_space<vmem>>, vector<16xf32>,
          %get3A_720 = arith.index_cast %scan3A_698 : i32 to index
          %get3A_721 = arith.constant 32 : index
          %get3A_722 = tpu.vector_load %arg13[%get3A_720, %get3A_721] {strides = array<i32>} : memref<80x64xf32, #tpu.memory_space<vmem>>, vector<16xf32>,
          %mul3A_723 = vector.broadcast %squeeze3A_703 : f32 to vector<16xf32>
          %mul3A_724 = arith.mulf %get3A_722, %mul3A_723 : vector<16xf32>
          %swap3A_725 = arith.index_cast %scan3A_698 : i32 to index
          %swap3A_726 = arith.constant 32 : index
          %swap3A_727 = tpu.vector_load %arg13[%swap3A_725, %swap3A_726] {strides = array<i32>} : memref<80x64xf32, #tpu.memory_space<vmem>>, vector<16xf32>,
          tpu.vector_store %arg13[%swap3A_725, %swap3A_726], %mul3A_724 {strides = array<i32>} : memref<80x64xf32, #tpu.memory_space<vmem>>, vector<16xf32>,
          %get3A_728 = arith.index_cast %scan3A_698 : i32 to index
          %get3A_729 = arith.constant 48 : index
          %get3A_730 = tpu.vector_load %arg13[%get3A_728, %get3A_729] {strides = array<i32>} : memref<80x64xf32, #tpu.memory_space<vmem>>, vector<16xf32>,
          %mul3A_731 = vector.broadcast %squeeze3A_703 : f32 to vector<16xf32>
          %mul3A_732 = arith.mulf %get3A_730, %mul3A_731 : vector<16xf32>
          %swap3A_733 = arith.index_cast %scan3A_698 : i32 to index
          %swap3A_734 = arith.constant 48 : index
          %swap3A_735 = tpu.vector_load %arg13[%swap3A_733, %swap3A_734] {strides = array<i32>} : memref<80x64xf32, #tpu.memory_space<vmem>>, vector<16xf32>,
          tpu.vector_store %arg13[%swap3A_733, %swap3A_734], %mul3A_732 {strides = array<i32>} : memref<80x64xf32, #tpu.memory_space<vmem>>, vector<16xf32>,
          %scan3A_736 = arith.constant 2 : i32
          %scan3A_737 = arith.addi %scan3A_661, %scan3A_736 : i32
          %get3A_738 = arith.index_cast %scan3A_737 : i32 to index
          %get3A_739 = arith.constant 0 : index
          %get3A_740 = tpu.vector_load %arg15[%get3A_738, %get3A_739] {strides = array<i32>} : memref<80x16xf32, #tpu.memory_space<vmem>>, vector<16xf32>,
          %slice3A_741 = vector.extract_strided_slice %get3A_740 {offsets = [0], sizes = [1], strides = [1]} : vector<16xf32> to vector<1xf32>
          %squeeze3A_742 = vector.extract %slice3A_741[0] : f32 from vector<1xf32>
          %get3A_743 = arith.index_cast %scan3A_737 : i32 to index
          %get3A_744 = arith.constant 0 : index
          %get3A_745 = tpu.vector_load %arg13[%get3A_743, %get3A_744] {strides = array<i32>} : memref<80x64xf32, #tpu.memory_space<vmem>>, vector<16xf32>,
          %mul3A_746 = vector.broadcast %squeeze3A_742 : f32 to vector<16xf32>
          %mul3A_747 = arith.mulf %get3A_745, %mul3A_746 : vector<16xf32>
          %swap3A_748 = arith.index_cast %scan3A_737 : i32 to index
          %swap3A_749 = arith.constant 0 : index
          %swap3A_750 = tpu.vector_load %arg13[%swap3A_748, %swap3A_749] {strides = array<i32>} : memref<80x64xf32, #tpu.memory_space<vmem>>, vector<16xf32>,
          tpu.vector_store %arg13[%swap3A_748, %swap3A_749], %mul3A_747 {strides = array<i32>} : memref<80x64xf32, #tpu.memory_space<vmem>>, vector<16xf32>,
          %get3A_751 = arith.index_cast %scan3A_737 : i32 to index
          %get3A_752 = arith.constant 16 : index
          %get3A_753 = tpu.vector_load %arg13[%get3A_751, %get3A_752] {strides = array<i32>} : memref<80x64xf32, #tpu.memory_space<vmem>>, vector<16xf32>,
          %mul3A_754 = vector.broadcast %squeeze3A_742 : f32 to vector<16xf32>
          %mul3A_755 = arith.mulf %get3A_753, %mul3A_754 : vector<16xf32>
          %swap3A_756 = arith.index_cast %scan3A_737 : i32 to index
          %swap3A_757 = arith.constant 16 : index
          %swap3A_758 = tpu.vector_load %arg13[%swap3A_756, %swap3A_757] {strides = array<i32>} : memref<80x64xf32, #tpu.memory_space<vmem>>, vector<16xf32>,
          tpu.vector_store %arg13[%swap3A_756, %swap3A_757], %mul3A_755 {strides = array<i32>} : memref<80x64xf32, #tpu.memory_space<vmem>>, vector<16xf32>,
          %get3A_759 = arith.index_cast %scan3A_737 : i32 to index
          %get3A_760 = arith.constant 32 : index
          %get3A_761 = tpu.vector_load %arg13[%get3A_759, %get3A_760] {strides = array<i32>} : memref<80x64xf32, #tpu.memory_space<vmem>>, vector<16xf32>,
          %mul3A_762 = vector.broadcast %squeeze3A_742 : f32 to vector<16xf32>
          %mul3A_763 = arith.mulf %get3A_761, %mul3A_762 : vector<16xf32>
          %swap3A_764 = arith.index_cast %scan3A_737 : i32 to index
          %swap3A_765 = arith.constant 32 : index
          %swap3A_766 = tpu.vector_load %arg13[%swap3A_764, %swap3A_765] {strides = array<i32>} : memref<80x64xf32, #tpu.memory_space<vmem>>, vector<16xf32>,
          tpu.vector_store %arg13[%swap3A_764, %swap3A_765], %mul3A_763 {strides = array<i32>} : memref<80x64xf32, #tpu.memory_space<vmem>>, vector<16xf32>,
          %get3A_767 = arith.index_cast %scan3A_737 : i32 to index
          %get3A_768 = arith.constant 48 : index
          %get3A_769 = tpu.vector_load %arg13[%get3A_767, %get3A_768] {strides = array<i32>} : memref<80x64xf32, #tpu.memory_space<vmem>>, vector<16xf32>,
          %mul3A_770 = vector.broadcast %squeeze3A_742 : f32 to vector<16xf32>
          %mul3A_771 = arith.mulf %get3A_769, %mul3A_770 : vector<16xf32>
          %swap3A_772 = arith.index_cast %scan3A_737 : i32 to index
          %swap3A_773 = arith.constant 48 : index
          %swap3A_774 = tpu.vector_load %arg13[%swap3A_772, %swap3A_773] {strides = array<i32>} : memref<80x64xf32, #tpu.memory_space<vmem>>, vector<16xf32>,
          tpu.vector_store %arg13[%swap3A_772, %swap3A_773], %mul3A_771 {strides = array<i32>} : memref<80x64xf32, #tpu.memory_space<vmem>>, vector<16xf32>,
          %scan3A_775 = arith.constant 3 : i32
          %scan3A_776 = arith.addi %scan3A_661, %scan3A_775 : i32
          %get3A_777 = arith.index_cast %scan3A_776 : i32 to index
          %get3A_778 = arith.constant 0 : index
          %get3A_779 = tpu.vector_load %arg15[%get3A_777, %get3A_778] {strides = array<i32>} : memref<80x16xf32, #tpu.memory_space<vmem>>, vector<16xf32>,
          %slice3A_780 = vector.extract_strided_slice %get3A_779 {offsets = [0], sizes = [1], strides = [1]} : vector<16xf32> to vector<1xf32>
          %squeeze3A_781 = vector.extract %slice3A_780[0] : f32 from vector<1xf32>
          %get3A_782 = arith.index_cast %scan3A_776 : i32 to index
          %get3A_783 = arith.constant 0 : index
          %get3A_784 = tpu.vector_load %arg13[%get3A_782, %get3A_783] {strides = array<i32>} : memref<80x64xf32, #tpu.memory_space<vmem>>, vector<16xf32>,
          %mul3A_785 = vector.broadcast %squeeze3A_781 : f32 to vector<16xf32>
          %mul3A_786 = arith.mulf %get3A_784, %mul3A_785 : vector<16xf32>
          %swap3A_787 = arith.index_cast %scan3A_776 : i32 to index
          %swap3A_788 = arith.constant 0 : index
          %swap3A_789 = tpu.vector_load %arg13[%swap3A_787, %swap3A_788] {strides = array<i32>} : memref<80x64xf32, #tpu.memory_space<vmem>>, vector<16xf32>,
          tpu.vector_store %arg13[%swap3A_787, %swap3A_788], %mul3A_786 {strides = array<i32>} : memref<80x64xf32, #tpu.memory_space<vmem>>, vector<16xf32>,
          %get3A_790 = arith.index_cast %scan3A_776 : i32 to index
          %get3A_791 = arith.constant 16 : index
          %get3A_792 = tpu.vector_load %arg13[%get3A_790, %get3A_791] {strides = array<i32>} : memref<80x64xf32, #tpu.memory_space<vmem>>, vector<16xf32>,
          %mul3A_793 = vector.broadcast %squeeze3A_781 : f32 to vector<16xf32>
          %mul3A_794 = arith.mulf %get3A_792, %mul3A_793 : vector<16xf32>
          %swap3A_795 = arith.index_cast %scan3A_776 : i32 to index
          %swap3A_796 = arith.constant 16 : index
          %swap3A_797 = tpu.vector_load %arg13[%swap3A_795, %swap3A_796] {strides = array<i32>} : memref<80x64xf32, #tpu.memory_space<vmem>>, vector<16xf32>,
          tpu.vector_store %arg13[%swap3A_795, %swap3A_796], %mul3A_794 {strides = array<i32>} : memref<80x64xf32, #tpu.memory_space<vmem>>, vector<16xf32>,
          %get3A_798 = arith.index_cast %scan3A_776 : i32 to index
          %get3A_799 = arith.constant 32 : index
          %get3A_800 = tpu.vector_load %arg13[%get3A_798, %get3A_799] {strides = array<i32>} : memref<80x64xf32, #tpu.memory_space<vmem>>, vector<16xf32>,
          %mul3A_801 = vector.broadcast %squeeze3A_781 : f32 to vector<16xf32>
          %mul3A_802 = arith.mulf %get3A_800, %mul3A_801 : vector<16xf32>
          %swap3A_803 = arith.index_cast %scan3A_776 : i32 to index
          %swap3A_804 = arith.constant 32 : index
          %swap3A_805 = tpu.vector_load %arg13[%swap3A_803, %swap3A_804] {strides = array<i32>} : memref<80x64xf32, #tpu.memory_space<vmem>>, vector<16xf32>,
          tpu.vector_store %arg13[%swap3A_803, %swap3A_804], %mul3A_802 {strides = array<i32>} : memref<80x64xf32, #tpu.memory_space<vmem>>, vector<16xf32>,
          %get3A_806 = arith.index_cast %scan3A_776 : i32 to index
          %get3A_807 = arith.constant 48 : index
          %get3A_808 = tpu.vector_load %arg13[%get3A_806, %get3A_807] {strides = array<i32>} : memref<80x64xf32, #tpu.memory_space<vmem>>, vector<16xf32>,
          %mul3A_809 = vector.broadcast %squeeze3A_781 : f32 to vector<16xf32>
          %mul3A_810 = arith.mulf %get3A_808, %mul3A_809 : vector<16xf32>
          %swap3A_811 = arith.index_cast %scan3A_776 : i32 to index
          %swap3A_812 = arith.constant 48 : index
          %swap3A_813 = tpu.vector_load %arg13[%swap3A_811, %swap3A_812] {strides = array<i32>} : memref<80x64xf32, #tpu.memory_space<vmem>>, vector<16xf32>,
          tpu.vector_store %arg13[%swap3A_811, %swap3A_812], %mul3A_810 {strides = array<i32>} : memref<80x64xf32, #tpu.memory_space<vmem>>, vector<16xf32>,
          %scan3A_814 = arith.constant 4 : i32
          %scan3A_815 = arith.addi %scan3A_661, %scan3A_814 : i32
          %get3A_816 = arith.index_cast %scan3A_815 : i32 to index
          %get3A_817 = arith.constant 0 : index
          %get3A_818 = tpu.vector_load %arg15[%get3A_816, %get3A_817] {strides = array<i32>} : memref<80x16xf32, #tpu.memory_space<vmem>>, vector<16xf32>,
          %slice3A_819 = vector.extract_strided_slice %get3A_818 {offsets = [0], sizes = [1], strides = [1]} : vector<16xf32> to vector<1xf32>
          %squeeze3A_820 = vector.extract %slice3A_819[0] : f32 from vector<1xf32>
          %get3A_821 = arith.index_cast %scan3A_815 : i32 to index
          %get3A_822 = arith.constant 0 : index
          %get3A_823 = tpu.vector_load %arg13[%get3A_821, %get3A_822] {strides = array<i32>} : memref<80x64xf32, #tpu.memory_space<vmem>>, vector<16xf32>,
          %mul3A_824 = vector.broadcast %squeeze3A_820 : f32 to vector<16xf32>
          %mul3A_825 = arith.mulf %get3A_823, %mul3A_824 : vector<16xf32>
          %swap3A_826 = arith.index_cast %scan3A_815 : i32 to index
          %swap3A_827 = arith.constant 0 : index
          %swap3A_828 = tpu.vector_load %arg13[%swap3A_826, %swap3A_827] {strides = array<i32>} : memref<80x64xf32, #tpu.memory_space<vmem>>, vector<16xf32>,
          tpu.vector_store %arg13[%swap3A_826, %swap3A_827], %mul3A_825 {strides = array<i32>} : memref<80x64xf32, #tpu.memory_space<vmem>>, vector<16xf32>,
          %get3A_829 = arith.index_cast %scan3A_815 : i32 to index
          %get3A_830 = arith.constant 16 : index
          %get3A_831 = tpu.vector_load %arg13[%get3A_829, %get3A_830] {strides = array<i32>} : memref<80x64xf32, #tpu.memory_space<vmem>>, vector<16xf32>,
          %mul3A_832 = vector.broadcast %squeeze3A_820 : f32 to vector<16xf32>
          %mul3A_833 = arith.mulf %get3A_831, %mul3A_832 : vector<16xf32>
          %swap3A_834 = arith.index_cast %scan3A_815 : i32 to index
          %swap3A_835 = arith.constant 16 : index
          %swap3A_836 = tpu.vector_load %arg13[%swap3A_834, %swap3A_835] {strides = array<i32>} : memref<80x64xf32, #tpu.memory_space<vmem>>, vector<16xf32>,
          tpu.vector_store %arg13[%swap3A_834, %swap3A_835], %mul3A_833 {strides = array<i32>} : memref<80x64xf32, #tpu.memory_space<vmem>>, vector<16xf32>,
          %get3A_837 = arith.index_cast %scan3A_815 : i32 to index
          %get3A_838 = arith.constant 32 : index
          %get3A_839 = tpu.vector_load %arg13[%get3A_837, %get3A_838] {strides = array<i32>} : memref<80x64xf32, #tpu.memory_space<vmem>>, vector<16xf32>,
          %mul3A_840 = vector.broadcast %squeeze3A_820 : f32 to vector<16xf32>
          %mul3A_841 = arith.mulf %get3A_839, %mul3A_840 : vector<16xf32>
          %swap3A_842 = arith.index_cast %scan3A_815 : i32 to index
          %swap3A_843 = arith.constant 32 : index
          %swap3A_844 = tpu.vector_load %arg13[%swap3A_842, %swap3A_843] {strides = array<i32>} : memref<80x64xf32, #tpu.memory_space<vmem>>, vector<16xf32>,
          tpu.vector_store %arg13[%swap3A_842, %swap3A_843], %mul3A_841 {strides = array<i32>} : memref<80x64xf32, #tpu.memory_space<vmem>>, vector<16xf32>,
          %get3A_845 = arith.index_cast %scan3A_815 : i32 to index
          %get3A_846 = arith.constant 48 : index
          %get3A_847 = tpu.vector_load %arg13[%get3A_845, %get3A_846] {strides = array<i32>} : memref<80x64xf32, #tpu.memory_space<vmem>>, vector<16xf32>,
          %mul3A_848 = vector.broadcast %squeeze3A_820 : f32 to vector<16xf32>
          %mul3A_849 = arith.mulf %get3A_847, %mul3A_848 : vector<16xf32>
          %swap3A_850 = arith.index_cast %scan3A_815 : i32 to index
          %swap3A_851 = arith.constant 48 : index
          %swap3A_852 = tpu.vector_load %arg13[%swap3A_850, %swap3A_851] {strides = array<i32>} : memref<80x64xf32, #tpu.memory_space<vmem>>, vector<16xf32>,
          tpu.vector_store %arg13[%swap3A_850, %swap3A_851], %mul3A_849 {strides = array<i32>} : memref<80x64xf32, #tpu.memory_space<vmem>>, vector<16xf32>,
          %scan3A_853 = arith.constant 5 : i32
          %scan3A_854 = arith.addi %scan3A_661, %scan3A_853 : i32
          %get3A_855 = arith.index_cast %scan3A_854 : i32 to index
          %get3A_856 = arith.constant 0 : index
          %get3A_857 = tpu.vector_load %arg15[%get3A_855, %get3A_856] {strides = array<i32>} : memref<80x16xf32, #tpu.memory_space<vmem>>, vector<16xf32>,
          %slice3A_858 = vector.extract_strided_slice %get3A_857 {offsets = [0], sizes = [1], strides = [1]} : vector<16xf32> to vector<1xf32>
          %squeeze3A_859 = vector.extract %slice3A_858[0] : f32 from vector<1xf32>
          %get3A_860 = arith.index_cast %scan3A_854 : i32 to index
          %get3A_861 = arith.constant 0 : index
          %get3A_862 = tpu.vector_load %arg13[%get3A_860, %get3A_861] {strides = array<i32>} : memref<80x64xf32, #tpu.memory_space<vmem>>, vector<16xf32>,
          %mul3A_863 = vector.broadcast %squeeze3A_859 : f32 to vector<16xf32>
          %mul3A_864 = arith.mulf %get3A_862, %mul3A_863 : vector<16xf32>
          %swap3A_865 = arith.index_cast %scan3A_854 : i32 to index
          %swap3A_866 = arith.constant 0 : index
          %swap3A_867 = tpu.vector_load %arg13[%swap3A_865, %swap3A_866] {strides = array<i32>} : memref<80x64xf32, #tpu.memory_space<vmem>>, vector<16xf32>,
          tpu.vector_store %arg13[%swap3A_865, %swap3A_866], %mul3A_864 {strides = array<i32>} : memref<80x64xf32, #tpu.memory_space<vmem>>, vector<16xf32>,
          %get3A_868 = arith.index_cast %scan3A_854 : i32 to index
          %get3A_869 = arith.constant 16 : index
          %get3A_870 = tpu.vector_load %arg13[%get3A_868, %get3A_869] {strides = array<i32>} : memref<80x64xf32, #tpu.memory_space<vmem>>, vector<16xf32>,
          %mul3A_871 = vector.broadcast %squeeze3A_859 : f32 to vector<16xf32>
          %mul3A_872 = arith.mulf %get3A_870, %mul3A_871 : vector<16xf32>
          %swap3A_873 = arith.index_cast %scan3A_854 : i32 to index
          %swap3A_874 = arith.constant 16 : index
          %swap3A_875 = tpu.vector_load %arg13[%swap3A_873, %swap3A_874] {strides = array<i32>} : memref<80x64xf32, #tpu.memory_space<vmem>>, vector<16xf32>,
          tpu.vector_store %arg13[%swap3A_873, %swap3A_874], %mul3A_872 {strides = array<i32>} : memref<80x64xf32, #tpu.memory_space<vmem>>, vector<16xf32>,
          %get3A_876 = arith.index_cast %scan3A_854 : i32 to index
          %get3A_877 = arith.constant 32 : index
          %get3A_878 = tpu.vector_load %arg13[%get3A_876, %get3A_877] {strides = array<i32>} : memref<80x64xf32, #tpu.memory_space<vmem>>, vector<16xf32>,
          %mul3A_879 = vector.broadcast %squeeze3A_859 : f32 to vector<16xf32>
          %mul3A_880 = arith.mulf %get3A_878, %mul3A_879 : vector<16xf32>
          %swap3A_881 = arith.index_cast %scan3A_854 : i32 to index
          %swap3A_882 = arith.constant 32 : index
          %swap3A_883 = tpu.vector_load %arg13[%swap3A_881, %swap3A_882] {strides = array<i32>} : memref<80x64xf32, #tpu.memory_space<vmem>>, vector<16xf32>,
          tpu.vector_store %arg13[%swap3A_881, %swap3A_882], %mul3A_880 {strides = array<i32>} : memref<80x64xf32, #tpu.memory_space<vmem>>, vector<16xf32>,
          %get3A_884 = arith.index_cast %scan3A_854 : i32 to index
          %get3A_885 = arith.constant 48 : index
          %get3A_886 = tpu.vector_load %arg13[%get3A_884, %get3A_885] {strides = array<i32>} : memref<80x64xf32, #tpu.memory_space<vmem>>, vector<16xf32>,
          %mul3A_887 = vector.broadcast %squeeze3A_859 : f32 to vector<16xf32>
          %mul3A_888 = arith.mulf %get3A_886, %mul3A_887 : vector<16xf32>
          %swap3A_889 = arith.index_cast %scan3A_854 : i32 to index
          %swap3A_890 = arith.constant 48 : index
          %swap3A_891 = tpu.vector_load %arg13[%swap3A_889, %swap3A_890] {strides = array<i32>} : memref<80x64xf32, #tpu.memory_space<vmem>>, vector<16xf32>,
          tpu.vector_store %arg13[%swap3A_889, %swap3A_890], %mul3A_888 {strides = array<i32>} : memref<80x64xf32, #tpu.memory_space<vmem>>, vector<16xf32>,
          %scan3A_892 = arith.constant 6 : i32
          %scan3A_893 = arith.addi %scan3A_661, %scan3A_892 : i32
          %get3A_894 = arith.index_cast %scan3A_893 : i32 to index
          %get3A_895 = arith.constant 0 : index
          %get3A_896 = tpu.vector_load %arg15[%get3A_894, %get3A_895] {strides = array<i32>} : memref<80x16xf32, #tpu.memory_space<vmem>>, vector<16xf32>,
          %slice3A_897 = vector.extract_strided_slice %get3A_896 {offsets = [0], sizes = [1], strides = [1]} : vector<16xf32> to vector<1xf32>
          %squeeze3A_898 = vector.extract %slice3A_897[0] : f32 from vector<1xf32>
          %get3A_899 = arith.index_cast %scan3A_893 : i32 to index
          %get3A_900 = arith.constant 0 : index
          %get3A_901 = tpu.vector_load %arg13[%get3A_899, %get3A_900] {strides = array<i32>} : memref<80x64xf32, #tpu.memory_space<vmem>>, vector<16xf32>,
          %mul3A_902 = vector.broadcast %squeeze3A_898 : f32 to vector<16xf32>
          %mul3A_903 = arith.mulf %get3A_901, %mul3A_902 : vector<16xf32>
          %swap3A_904 = arith.index_cast %scan3A_893 : i32 to index
          %swap3A_905 = arith.constant 0 : index
          %swap3A_906 = tpu.vector_load %arg13[%swap3A_904, %swap3A_905] {strides = array<i32>} : memref<80x64xf32, #tpu.memory_space<vmem>>, vector<16xf32>,
          tpu.vector_store %arg13[%swap3A_904, %swap3A_905], %mul3A_903 {strides = array<i32>} : memref<80x64xf32, #tpu.memory_space<vmem>>, vector<16xf32>,
          %get3A_907 = arith.index_cast %scan3A_893 : i32 to index
          %get3A_908 = arith.constant 16 : index
          %get3A_909 = tpu.vector_load %arg13[%get3A_907, %get3A_908] {strides = array<i32>} : memref<80x64xf32, #tpu.memory_space<vmem>>, vector<16xf32>,
          %mul3A_910 = vector.broadcast %squeeze3A_898 : f32 to vector<16xf32>
          %mul3A_911 = arith.mulf %get3A_909, %mul3A_910 : vector<16xf32>
          %swap3A_912 = arith.index_cast %scan3A_893 : i32 to index
          %swap3A_913 = arith.constant 16 : index
          %swap3A_914 = tpu.vector_load %arg13[%swap3A_912, %swap3A_913] {strides = array<i32>} : memref<80x64xf32, #tpu.memory_space<vmem>>, vector<16xf32>,
          tpu.vector_store %arg13[%swap3A_912, %swap3A_913], %mul3A_911 {strides = array<i32>} : memref<80x64xf32, #tpu.memory_space<vmem>>, vector<16xf32>,
          %get3A_915 = arith.index_cast %scan3A_893 : i32 to index
          %get3A_916 = arith.constant 32 : index
          %get3A_917 = tpu.vector_load %arg13[%get3A_915, %get3A_916] {strides = array<i32>} : memref<80x64xf32, #tpu.memory_space<vmem>>, vector<16xf32>,
          %mul3A_918 = vector.broadcast %squeeze3A_898 : f32 to vector<16xf32>
          %mul3A_919 = arith.mulf %get3A_917, %mul3A_918 : vector<16xf32>
          %swap3A_920 = arith.index_cast %scan3A_893 : i32 to index
          %swap3A_921 = arith.constant 32 : index
          %swap3A_922 = tpu.vector_load %arg13[%swap3A_920, %swap3A_921] {strides = array<i32>} : memref<80x64xf32, #tpu.memory_space<vmem>>, vector<16xf32>,
          tpu.vector_store %arg13[%swap3A_920, %swap3A_921], %mul3A_919 {strides = array<i32>} : memref<80x64xf32, #tpu.memory_space<vmem>>, vector<16xf32>,
          %get3A_923 = arith.index_cast %scan3A_893 : i32 to index
          %get3A_924 = arith.constant 48 : index
          %get3A_925 = tpu.vector_load %arg13[%get3A_923, %get3A_924] {strides = array<i32>} : memref<80x64xf32, #tpu.memory_space<vmem>>, vector<16xf32>,
          %mul3A_926 = vector.broadcast %squeeze3A_898 : f32 to vector<16xf32>
          %mul3A_927 = arith.mulf %get3A_925, %mul3A_926 : vector<16xf32>
          %swap3A_928 = arith.index_cast %scan3A_893 : i32 to index
          %swap3A_929 = arith.constant 48 : index
          %swap3A_930 = tpu.vector_load %arg13[%swap3A_928, %swap3A_929] {strides = array<i32>} : memref<80x64xf32, #tpu.memory_space<vmem>>, vector<16xf32>,
          tpu.vector_store %arg13[%swap3A_928, %swap3A_929], %mul3A_927 {strides = array<i32>} : memref<80x64xf32, #tpu.memory_space<vmem>>, vector<16xf32>,
          %scan3A_931 = arith.constant 7 : i32
          %scan3A_932 = arith.addi %scan3A_661, %scan3A_931 : i32
          %get3A_933 = arith.index_cast %scan3A_932 : i32 to index
          %get3A_934 = arith.constant 0 : index
          %get3A_935 = tpu.vector_load %arg15[%get3A_933, %get3A_934] {strides = array<i32>} : memref<80x16xf32, #tpu.memory_space<vmem>>, vector<16xf32>,
          %slice3A_936 = vector.extract_strided_slice %get3A_935 {offsets = [0], sizes = [1], strides = [1]} : vector<16xf32> to vector<1xf32>
          %squeeze3A_937 = vector.extract %slice3A_936[0] : f32 from vector<1xf32>
          %get3A_938 = arith.index_cast %scan3A_932 : i32 to index
          %get3A_939 = arith.constant 0 : index
          %get3A_940 = tpu.vector_load %arg13[%get3A_938, %get3A_939] {strides = array<i32>} : memref<80x64xf32, #tpu.memory_space<vmem>>, vector<16xf32>,
          %mul3A_941 = vector.broadcast %squeeze3A_937 : f32 to vector<16xf32>
          %mul3A_942 = arith.mulf %get3A_940, %mul3A_941 : vector<16xf32>
          %swap3A_943 = arith.index_cast %scan3A_932 : i32 to index
          %swap3A_944 = arith.constant 0 : index
          %swap3A_945 = tpu.vector_load %arg13[%swap3A_943, %swap3A_944] {strides = array<i32>} : memref<80x64xf32, #tpu.memory_space<vmem>>, vector<16xf32>,
          tpu.vector_store %arg13[%swap3A_943, %swap3A_944], %mul3A_942 {strides = array<i32>} : memref<80x64xf32, #tpu.memory_space<vmem>>, vector<16xf32>,
          %get3A_946 = arith.index_cast %scan3A_932 : i32 to index
          %get3A_947 = arith.constant 16 : index
          %get3A_948 = tpu.vector_load %arg13[%get3A_946, %get3A_947] {strides = array<i32>} : memref<80x64xf32, #tpu.memory_space<vmem>>, vector<16xf32>,
          %mul3A_949 = vector.broadcast %squeeze3A_937 : f32 to vector<16xf32>
          %mul3A_950 = arith.mulf %get3A_948, %mul3A_949 : vector<16xf32>
          %swap3A_951 = arith.index_cast %scan3A_932 : i32 to index
          %swap3A_952 = arith.constant 16 : index
          %swap3A_953 = tpu.vector_load %arg13[%swap3A_951, %swap3A_952] {strides = array<i32>} : memref<80x64xf32, #tpu.memory_space<vmem>>, vector<16xf32>,
          tpu.vector_store %arg13[%swap3A_951, %swap3A_952], %mul3A_950 {strides = array<i32>} : memref<80x64xf32, #tpu.memory_space<vmem>>, vector<16xf32>,
          %get3A_954 = arith.index_cast %scan3A_932 : i32 to index
          %get3A_955 = arith.constant 32 : index
          %get3A_956 = tpu.vector_load %arg13[%get3A_954, %get3A_955] {strides = array<i32>} : memref<80x64xf32, #tpu.memory_space<vmem>>, vector<16xf32>,
          %mul3A_957 = vector.broadcast %squeeze3A_937 : f32 to vector<16xf32>
          %mul3A_958 = arith.mulf %get3A_956, %mul3A_957 : vector<16xf32>
          %swap3A_959 = arith.index_cast %scan3A_932 : i32 to index
          %swap3A_960 = arith.constant 32 : index
          %swap3A_961 = tpu.vector_load %arg13[%swap3A_959, %swap3A_960] {strides = array<i32>} : memref<80x64xf32, #tpu.memory_space<vmem>>, vector<16xf32>,
          tpu.vector_store %arg13[%swap3A_959, %swap3A_960], %mul3A_958 {strides = array<i32>} : memref<80x64xf32, #tpu.memory_space<vmem>>, vector<16xf32>,
          %get3A_962 = arith.index_cast %scan3A_932 : i32 to index
          %get3A_963 = arith.constant 48 : index
          %get3A_964 = tpu.vector_load %arg13[%get3A_962, %get3A_963] {strides = array<i32>} : memref<80x64xf32, #tpu.memory_space<vmem>>, vector<16xf32>,
          %mul3A_965 = vector.broadcast %squeeze3A_937 : f32 to vector<16xf32>
          %mul3A_966 = arith.mulf %get3A_964, %mul3A_965 : vector<16xf32>
          %swap3A_967 = arith.index_cast %scan3A_932 : i32 to index
          %swap3A_968 = arith.constant 48 : index
          %swap3A_969 = tpu.vector_load %arg13[%swap3A_967, %swap3A_968] {strides = array<i32>} : memref<80x64xf32, #tpu.memory_space<vmem>>, vector<16xf32>,
          tpu.vector_store %arg13[%swap3A_967, %swap3A_968], %mul3A_966 {strides = array<i32>} : memref<80x64xf32, #tpu.memory_space<vmem>>, vector<16xf32>,
        }
        %scan3A_647 = arith.constant 80 : i32
        %dma_start3A_648 = arith.constant 0 : i32
        %dma_start3A_649 = arith.constant 0 : i32
        %dma_start3A_650 = tpu.memref_slice %arg16[%dma_start3A_648, %dma_start3A_649] : memref<10240x64xf32, #tpu.memory_space<vmem_shared>> -> memref<10240x64xf32, #tpu.memory_space<vmem_shared>>
        tpu.enqueue_indirect_dma source(%arg13 : memref<80x64xf32, #tpu.memory_space<vmem>>) target(%dma_start3A_650 : memref<10240x64xf32, #tpu.memory_space<vmem_shared>>) offsets(%arg11 : memref<80xi32, #tpu.memory_space<vmem>>) semaphore(%arg21 : memref<!tpu.dma_semaphore, #tpu.memory_space<semaphore_mem>>) {add = true}
        %dma_start3A_651 = arith.constant 0 : i32
        %dma_start3A_652 = arith.constant 0 : i32
        %dma_start3A_653 = tpu.memref_slice %arg17[%dma_start3A_651, %dma_start3A_652] : memref<10240x16xf32, #tpu.memory_space<vmem_shared>> -> memref<10240x16xf32, #tpu.memory_space<vmem_shared>>
        tpu.enqueue_indirect_dma source(%arg15 : memref<80x16xf32, #tpu.memory_space<vmem>>) target(%dma_start3A_653 : memref<10240x16xf32, #tpu.memory_space<vmem_shared>>) offsets(%arg11 : memref<80xi32, #tpu.memory_space<vmem>>) semaphore(%arg21 : memref<!tpu.dma_semaphore, #tpu.memory_space<semaphore_mem>>) {add = true}
        %add3A_654 = arith.constant 2 : i32
        %add3A_655 = arith.addi %add3A_508, %add3A_654 : i32
        %lt3A_656 = arith.constant 126 : i32
        %lt3A_657 = arith.cmpi slt, %add3A_655, %lt3A_656 : i32
        %convert_element_type3A_658 = arith.extui %lt3A_657 : i1 to i32
        %cond3A_659 = arith.constant 0 : i32
        %cond3A_660 = arith.cmpi ne, %convert_element_type3A_658, %cond3A_659 : i32
        scf.if %cond3A_660 {
          %add3A_661 = arith.constant 2 : i32
          %add3A_662 = arith.addi %add3A_508, %add3A_661 : i32
          %mul3A_663 = arith.constant 320 : i32
          %mul3A_664 = arith.muli %add3A_662, %mul3A_663 : i32
          %add3A_665 = arith.addi %mul3A_5, %mul3A_664 : i32
          %dma_start3A_666 = tpu.memref_slice %arg3[%add3A_665] : memref<1290240xi32, #tpu.memory_space<hbm>> -> memref<320xi32, #tpu.memory_space<hbm>>
          %dma_start3A_667 = tpu.memref_slice %arg3[%add3A_665] : memref<1290240xi32, #tpu.memory_space<hbm>> -> memref<320xi32, #tpu.memory_space<hbm>>
          tpu.enqueue_dma source(%dma_start3A_667 : memref<320xi32, #tpu.memory_space<hbm>>) target(%arg7 : memref<320xi32, #tpu.memory_space<vmem>>) target_semaphore(%arg23 : memref<!tpu.dma_semaphore, #tpu.memory_space<semaphore_mem>>)
        } else {
        }
      }
      %scan3A_78 = arith.constant 62 : i32
      %ge3A = arith.constant 124 : i32
      %ge3A_79 = arith.constant 1 : i32
      %ge3A_80 = arith.cmpi sge, %ge3A, %ge3A_79 : i32
      %convert_element_type3A = arith.extui %ge3A_80 : i1 to i32
      %cond3A = arith.constant 0 : i32
      %cond3A_81 = arith.cmpi ne, %convert_element_type3A, %cond3A : i32
      scf.if %cond3A_81 {
        %dma_wait3A_350 = arith.constant 0 : i32
        %dma_wait3A_351 = arith.constant 0 : i32
        %dma_wait3A_352 = tpu.memref_slice %arg16[%dma_wait3A_350, %dma_wait3A_351] : memref<10240x64xf32, #tpu.memory_space<vmem_shared>> -> memref<10240x64xf32, #tpu.memory_space<vmem_shared>>
        tpu.wait_indirect_dma semaphore(%arg21 : memref<!tpu.dma_semaphore, #tpu.memory_space<semaphore_mem>>) src(%arg13 : memref<80x64xf32, #tpu.memory_space<vmem>>) dst(%dma_wait3A_352 : memref<10240x64xf32, #tpu.memory_space<vmem_shared>>)
        %dma_wait3A_353 = arith.constant 0 : i32
        %dma_wait3A_354 = arith.constant 0 : i32
        %dma_wait3A_355 = tpu.memref_slice %arg17[%dma_wait3A_353, %dma_wait3A_354] : memref<10240x16xf32, #tpu.memory_space<vmem_shared>> -> memref<10240x16xf32, #tpu.memory_space<vmem_shared>>
        tpu.wait_indirect_dma semaphore(%arg21 : memref<!tpu.dma_semaphore, #tpu.memory_space<semaphore_mem>>) src(%arg15 : memref<80x16xf32, #tpu.memory_space<vmem>>) dst(%dma_wait3A_355 : memref<10240x16xf32, #tpu.memory_space<vmem_shared>>)
      } else {
      }
      %dma_wait3A = tpu.memref_slice %arg3[%mul3A_5] : memref<1290240xi32, #tpu.memory_space<hbm>> -> memref<320xi32, #tpu.memory_space<hbm>>
      %dma_wait3A_82 = tpu.memref_slice %arg3[%mul3A_5] : memref<1290240xi32, #tpu.memory_space<hbm>> -> memref<320xi32, #tpu.memory_space<hbm>>
      tpu.wait_dma2 semaphore(%arg23 : memref<!tpu.dma_semaphore, #tpu.memory_space<semaphore_mem>>) src(%dma_wait3A_82 : memref<320xi32, #tpu.memory_space<hbm>>) dst(%arg7 : memref<320xi32, #tpu.memory_space<vmem>>)
      %get3A_83 = arith.constant 80 : index
      %get3A_84 = tpu.vector_load %arg7[%get3A_83] {strides = array<i32>} : memref<320xi32, #tpu.memory_space<vmem>>, vector<16xi32>,
      %mul3A_85 = arith.constant 10000 : i32
      %mul3A_86 = arith.muli %add3A_14, %mul3A_85 : i32
      %add3A_87 = vector.broadcast %mul3A_86 : i32 to vector<16xi32>
      %add3A_88 = arith.addi %get3A_84, %add3A_87 : vector<16xi32>
      %swap3A_89 = arith.constant 0 : index
      %swap3A_90 = tpu.vector_load %arg9[%swap3A_89] {strides = array<i32>} : memref<80xi32, #tpu.memory_space<vmem>>, vector<16xi32>,
      tpu.vector_store %arg9[%swap3A_89], %add3A_88 {strides = array<i32>} : memref<80xi32, #tpu.memory_space<vmem>>, vector<16xi32>,
      %get3A_91 = arith.constant 96 : index
      %get3A_92 = tpu.vector_load %arg7[%get3A_91] {strides = array<i32>} : memref<320xi32, #tpu.memory_space<vmem>>, vector<16xi32>,
      %mul3A_93 = arith.constant 10000 : i32
      %mul3A_94 = arith.muli %add3A_14, %mul3A_93 : i32
      %add3A_95 = vector.broadcast %mul3A_94 : i32 to vector<16xi32>
      %add3A_96 = arith.addi %get3A_92, %add3A_95 : vector<16xi32>
      %swap3A_97 = arith.constant 16 : index
      %swap3A_98 = tpu.vector_load %arg9[%swap3A_97] {strides = array<i32>} : memref<80xi32, #tpu.memory_space<vmem>>, vector<16xi32>,
      tpu.vector_store %arg9[%swap3A_97], %add3A_96 {strides = array<i32>} : memref<80xi32, #tpu.memory_space<vmem>>, vector<16xi32>,
      %get3A_99 = arith.constant 112 : index
      %get3A_100 = tpu.vector_load %arg7[%get3A_99] {strides = array<i32>} : memref<320xi32, #tpu.memory_space<vmem>>, vector<16xi32>,
      %mul3A_101 = arith.constant 10000 : i32
      %mul3A_102 = arith.muli %add3A_14, %mul3A_101 : i32
      %add3A_103 = vector.broadcast %mul3A_102 : i32 to vector<16xi32>
      %add3A_104 = arith.addi %get3A_100, %add3A_103 : vector<16xi32>
      %swap3A_105 = arith.constant 32 : index
      %swap3A_106 = tpu.vector_load %arg9[%swap3A_105] {strides = array<i32>} : memref<80xi32, #tpu.memory_space<vmem>>, vector<16xi32>,
      tpu.vector_store %arg9[%swap3A_105], %add3A_104 {strides = array<i32>} : memref<80xi32, #tpu.memory_space<vmem>>, vector<16xi32>,
      %get3A_107 = arith.constant 128 : index
      %get3A_108 = tpu.vector_load %arg7[%get3A_107] {strides = array<i32>} : memref<320xi32, #tpu.memory_space<vmem>>, vector<16xi32>,
      %mul3A_109 = arith.constant 10000 : i32
      %mul3A_110 = arith.muli %add3A_14, %mul3A_109 : i32
      %add3A_111 = vector.broadcast %mul3A_110 : i32 to vector<16xi32>
      %add3A_112 = arith.addi %get3A_108, %add3A_111 : vector<16xi32>
      %swap3A_113 = arith.constant 48 : index
      %swap3A_114 = tpu.vector_load %arg9[%swap3A_113] {strides = array<i32>} : memref<80xi32, #tpu.memory_space<vmem>>, vector<16xi32>,
      tpu.vector_store %arg9[%swap3A_113], %add3A_112 {strides = array<i32>} : memref<80xi32, #tpu.memory_space<vmem>>, vector<16xi32>,
      %get3A_115 = arith.constant 144 : index
      %get3A_116 = tpu.vector_load %arg7[%get3A_115] {strides = array<i32>} : memref<320xi32, #tpu.memory_space<vmem>>, vector<16xi32>,
      %mul3A_117 = arith.constant 10000 : i32
      %mul3A_118 = arith.muli %add3A_14, %mul3A_117 : i32
      %add3A_119 = vector.broadcast %mul3A_118 : i32 to vector<16xi32>
      %add3A_120 = arith.addi %get3A_116, %add3A_119 : vector<16xi32>
      %swap3A_121 = arith.constant 64 : index
      %swap3A_122 = tpu.vector_load %arg9[%swap3A_121] {strides = array<i32>} : memref<80xi32, #tpu.memory_space<vmem>>, vector<16xi32>,
      tpu.vector_store %arg9[%swap3A_121], %add3A_120 {strides = array<i32>} : memref<80xi32, #tpu.memory_space<vmem>>, vector<16xi32>,
      %dma_start3A_123 = arith.constant 0 : i32
      %dma_start3A_124 = arith.constant 0 : i32
      %dma_start3A_125 = tpu.memref_slice %arg2[%dma_start3A_123, %dma_start3A_124] : memref<40000x64xf32, #tpu.memory_space<hbm>> -> memref<40000x64xf32, #tpu.memory_space<hbm>>
      tpu.enqueue_indirect_dma source(%dma_start3A_125 : memref<40000x64xf32, #tpu.memory_space<hbm>>) target(%arg13 : memref<80x64xf32, #tpu.memory_space<vmem>>) offsets(%arg9 : memref<80xi32, #tpu.memory_space<vmem>>) semaphore(%arg19 : memref<!tpu.dma_semaphore, #tpu.memory_space<semaphore_mem>>)
      %dma_wait3A_126 = arith.constant 0 : i32
      %dma_wait3A_127 = arith.constant 0 : i32
      %dma_wait3A_128 = tpu.memref_slice %arg2[%dma_wait3A_126, %dma_wait3A_127] : memref<40000x64xf32, #tpu.memory_space<hbm>> -> memref<40000x64xf32, #tpu.memory_space<hbm>>
      tpu.wait_indirect_dma semaphore(%arg18 : memref<!tpu.dma_semaphore, #tpu.memory_space<semaphore_mem>>) src(%dma_wait3A_128 : memref<40000x64xf32, #tpu.memory_space<hbm>>) dst(%arg12 : memref<80x64xf32, #tpu.memory_space<vmem>>)
      %get3A_129 = arith.constant 0 : index
      %get3A_130 = tpu.vector_load %arg6[%get3A_129] {strides = array<i32>} : memref<320xi32, #tpu.memory_space<vmem>>, vector<16xi32>,
      %swap3A_131 = arith.constant 0 : index
      %swap3A_132 = tpu.vector_load %arg10[%swap3A_131] {strides = array<i32>} : memref<80xi32, #tpu.memory_space<vmem>>, vector<16xi32>,
      tpu.vector_store %arg10[%swap3A_131], %get3A_130 {strides = array<i32>} : memref<80xi32, #tpu.memory_space<vmem>>, vector<16xi32>,
      %add3A_133 = arith.constant 2 : i32
      %add3A_134 = arith.addi %add3A_133, %scan3A_11 : i32
      %mul3A_135 = arith.constant 80 : i32
      %mul3A_136 = arith.muli %add3A_134, %mul3A_135 : i32
      %add3A_137 = arith.constant 0 : i32
      %add3A_138 = arith.addi %mul3A_136, %add3A_137 : i32
      %get3A_139 = arith.index_cast %add3A_138 : i32 to index
      %get3A_140 = tpu.vector_load %arg6[%get3A_139] {strides = array<i32>} : memref<320xi32, #tpu.memory_space<vmem>>, vector<16xi32>,
      %bitcast3A = vector.bitcast %get3A_140 : vector<16xi32> to vector<16xf32>
      %add3A_141 = arith.constant 0 : i32
      %add3A_142 = vector.broadcast %add3A_141 : i32 to vector<16xi32>
      %add3A_143 = arith.addi %add3A_142, %iota3A : vector<16xi32>
      tpu.vector_store_idx %arg14[%add3A_143, %broadcast_in_dim3A_2], %bitcast3A : memref<80x16xf32, #tpu.memory_space<vmem>>[vector<16xi32>, vector<16xi32>], vector<16xf32>,
      %get3A_144 = arith.constant 16 : index
      %get3A_145 = tpu.vector_load %arg6[%get3A_144] {strides = array<i32>} : memref<320xi32, #tpu.memory_space<vmem>>, vector<16xi32>,
      %swap3A_146 = arith.constant 16 : index
      %swap3A_147 = tpu.vector_load %arg10[%swap3A_146] {strides = array<i32>} : memref<80xi32, #tpu.memory_space<vmem>>, vector<16xi32>,
      tpu.vector_store %arg10[%swap3A_146], %get3A_145 {strides = array<i32>} : memref<80xi32, #tpu.memory_space<vmem>>, vector<16xi32>,
      %add3A_148 = arith.constant 2 : i32
      %add3A_149 = arith.addi %add3A_148, %scan3A_11 : i32
      %mul3A_150 = arith.constant 80 : i32
      %mul3A_151 = arith.muli %add3A_149, %mul3A_150 : i32
      %add3A_152 = arith.constant 16 : i32
      %add3A_153 = arith.addi %mul3A_151, %add3A_152 : i32
      %get3A_154 = arith.index_cast %add3A_153 : i32 to index
      %get3A_155 = tpu.vector_load %arg6[%get3A_154] {strides = array<i32>} : memref<320xi32, #tpu.memory_space<vmem>>, vector<16xi32>,
      %bitcast3A_156 = vector.bitcast %get3A_155 : vector<16xi32> to vector<16xf32>
      %add3A_157 = arith.constant 16 : i32
      %add3A_158 = vector.broadcast %add3A_157 : i32 to vector<16xi32>
      %add3A_159 = arith.addi %add3A_158, %iota3A : vector<16xi32>
      tpu.vector_store_idx %arg14[%add3A_159, %broadcast_in_dim3A_2], %bitcast3A_156 : memref<80x16xf32, #tpu.memory_space<vmem>>[vector<16xi32>, vector<16xi32>], vector<16xf32>,
      %get3A_160 = arith.constant 32 : index
      %get3A_161 = tpu.vector_load %arg6[%get3A_160] {strides = array<i32>} : memref<320xi32, #tpu.memory_space<vmem>>, vector<16xi32>,
      %swap3A_162 = arith.constant 32 : index
      %swap3A_163 = tpu.vector_load %arg10[%swap3A_162] {strides = array<i32>} : memref<80xi32, #tpu.memory_space<vmem>>, vector<16xi32>,
      tpu.vector_store %arg10[%swap3A_162], %get3A_161 {strides = array<i32>} : memref<80xi32, #tpu.memory_space<vmem>>, vector<16xi32>,
      %add3A_164 = arith.constant 2 : i32
      %add3A_165 = arith.addi %add3A_164, %scan3A_11 : i32
      %mul3A_166 = arith.constant 80 : i32
      %mul3A_167 = arith.muli %add3A_165, %mul3A_166 : i32
      %add3A_168 = arith.constant 32 : i32
      %add3A_169 = arith.addi %mul3A_167, %add3A_168 : i32
      %get3A_170 = arith.index_cast %add3A_169 : i32 to index
      %get3A_171 = tpu.vector_load %arg6[%get3A_170] {strides = array<i32>} : memref<320xi32, #tpu.memory_space<vmem>>, vector<16xi32>,
      %bitcast3A_172 = vector.bitcast %get3A_171 : vector<16xi32> to vector<16xf32>
      %add3A_173 = arith.constant 32 : i32
      %add3A_174 = vector.broadcast %add3A_173 : i32 to vector<16xi32>
      %add3A_175 = arith.addi %add3A_174, %iota3A : vector<16xi32>
      tpu.vector_store_idx %arg14[%add3A_175, %broadcast_in_dim3A_2], %bitcast3A_172 : memref<80x16xf32, #tpu.memory_space<vmem>>[vector<16xi32>, vector<16xi32>], vector<16xf32>,
      %get3A_176 = arith.constant 48 : index
      %get3A_177 = tpu.vector_load %arg6[%get3A_176] {strides = array<i32>} : memref<320xi32, #tpu.memory_space<vmem>>, vector<16xi32>,
      %swap3A_178 = arith.constant 48 : index
      %swap3A_179 = tpu.vector_load %arg10[%swap3A_178] {strides = array<i32>} : memref<80xi32, #tpu.memory_space<vmem>>, vector<16xi32>,
      tpu.vector_store %arg10[%swap3A_178], %get3A_177 {strides = array<i32>} : memref<80xi32, #tpu.memory_space<vmem>>, vector<16xi32>,
      %add3A_180 = arith.constant 2 : i32
      %add3A_181 = arith.addi %add3A_180, %scan3A_11 : i32
      %mul3A_182 = arith.constant 80 : i32
      %mul3A_183 = arith.muli %add3A_181, %mul3A_182 : i32
      %add3A_184 = arith.constant 48 : i32
      %add3A_185 = arith.addi %mul3A_183, %add3A_184 : i32
      %get3A_186 = arith.index_cast %add3A_185 : i32 to index
      %get3A_187 = tpu.vector_load %arg6[%get3A_186] {strides = array<i32>} : memref<320xi32, #tpu.memory_space<vmem>>, vector<16xi32>,
      %bitcast3A_188 = vector.bitcast %get3A_187 : vector<16xi32> to vector<16xf32>
      %add3A_189 = arith.constant 48 : i32
      %add3A_190 = vector.broadcast %add3A_189 : i32 to vector<16xi32>
      %add3A_191 = arith.addi %add3A_190, %iota3A : vector<16xi32>
      tpu.vector_store_idx %arg14[%add3A_191, %broadcast_in_dim3A_2], %bitcast3A_188 : memref<80x16xf32, #tpu.memory_space<vmem>>[vector<16xi32>, vector<16xi32>], vector<16xf32>,
      %get3A_192 = arith.constant 64 : index
      %get3A_193 = tpu.vector_load %arg6[%get3A_192] {strides = array<i32>} : memref<320xi32, #tpu.memory_space<vmem>>, vector<16xi32>,
      %swap3A_194 = arith.constant 64 : index
      %swap3A_195 = tpu.vector_load %arg10[%swap3A_194] {strides = array<i32>} : memref<80xi32, #tpu.memory_space<vmem>>, vector<16xi32>,
      tpu.vector_store %arg10[%swap3A_194], %get3A_193 {strides = array<i32>} : memref<80xi32, #tpu.memory_space<vmem>>, vector<16xi32>,
      %add3A_196 = arith.constant 2 : i32
      %add3A_197 = arith.addi %add3A_196, %scan3A_11 : i32
      %mul3A_198 = arith.constant 80 : i32
      %mul3A_199 = arith.muli %add3A_197, %mul3A_198 : i32
      %add3A_200 = arith.constant 64 : i32
      %add3A_201 = arith.addi %mul3A_199, %add3A_200 : i32
      %get3A_202 = arith.index_cast %add3A_201 : i32 to index
      %get3A_203 = tpu.vector_load %arg6[%get3A_202] {strides = array<i32>} : memref<320xi32, #tpu.memory_space<vmem>>, vector<16xi32>,
      %bitcast3A_204 = vector.bitcast %get3A_203 : vector<16xi32> to vector<16xf32>
      %add3A_205 = arith.constant 64 : i32
      %add3A_206 = vector.broadcast %add3A_205 : i32 to vector<16xi32>
      %add3A_207 = arith.addi %add3A_206, %iota3A : vector<16xi32>
      tpu.vector_store_idx %arg14[%add3A_207, %broadcast_in_dim3A_2], %bitcast3A_204 : memref<80x16xf32, #tpu.memory_space<vmem>>[vector<16xi32>, vector<16xi32>], vector<16xf32>,
      %scan3A_208 = arith.constant 0 : i32
      %scan3A_209 = arith.constant 0 : i32
      %scan3A_210 = arith.constant 80 : i32
      %scan3A_211 = arith.addi %scan3A_209, %scan3A_210 : i32
      %scan3A_212 = arith.constant 8 : i32
      scf.for %scan3A_350 = %scan3A_209 to %scan3A_211 step %scan3A_212  : i32 {
        %get3A_351 = arith.index_cast %scan3A_350 : i32 to index
        %get3A_352 = arith.constant 0 : index
        %get3A_353 = tpu.vector_load %arg14[%get3A_351, %get3A_352] {strides = array<i32>} : memref<80x16xf32, #tpu.memory_space<vmem>>, vector<16xf32>,
        %slice3A = vector.extract_strided_slice %get3A_353 {offsets = [0], sizes = [1], strides = [1]} : vector<16xf32> to vector<1xf32>
        %squeeze3A = vector.extract %slice3A[0] : f32 from vector<1xf32>
        %get3A_354 = arith.index_cast %scan3A_350 : i32 to index
        %get3A_355 = arith.constant 0 : index
        %get3A_356 = tpu.vector_load %arg12[%get3A_354, %get3A_355] {strides = array<i32>} : memref<80x64xf32, #tpu.memory_space<vmem>>, vector<16xf32>,
        %mul3A_357 = vector.broadcast %squeeze3A : f32 to vector<16xf32>
        %mul3A_358 = arith.mulf %get3A_356, %mul3A_357 : vector<16xf32>
        %swap3A_359 = arith.index_cast %scan3A_350 : i32 to index
        %swap3A_360 = arith.constant 0 : index
        %swap3A_361 = tpu.vector_load %arg12[%swap3A_359, %swap3A_360] {strides = array<i32>} : memref<80x64xf32, #tpu.memory_space<vmem>>, vector<16xf32>,
        tpu.vector_store %arg12[%swap3A_359, %swap3A_360], %mul3A_358 {strides = array<i32>} : memref<80x64xf32, #tpu.memory_space<vmem>>, vector<16xf32>,
        %get3A_362 = arith.index_cast %scan3A_350 : i32 to index
        %get3A_363 = arith.constant 16 : index
        %get3A_364 = tpu.vector_load %arg12[%get3A_362, %get3A_363] {strides = array<i32>} : memref<80x64xf32, #tpu.memory_space<vmem>>, vector<16xf32>,
        %mul3A_365 = vector.broadcast %squeeze3A : f32 to vector<16xf32>
        %mul3A_366 = arith.mulf %get3A_364, %mul3A_365 : vector<16xf32>
        %swap3A_367 = arith.index_cast %scan3A_350 : i32 to index
        %swap3A_368 = arith.constant 16 : index
        %swap3A_369 = tpu.vector_load %arg12[%swap3A_367, %swap3A_368] {strides = array<i32>} : memref<80x64xf32, #tpu.memory_space<vmem>>, vector<16xf32>,
        tpu.vector_store %arg12[%swap3A_367, %swap3A_368], %mul3A_366 {strides = array<i32>} : memref<80x64xf32, #tpu.memory_space<vmem>>, vector<16xf32>,
        %get3A_370 = arith.index_cast %scan3A_350 : i32 to index
        %get3A_371 = arith.constant 32 : index
        %get3A_372 = tpu.vector_load %arg12[%get3A_370, %get3A_371] {strides = array<i32>} : memref<80x64xf32, #tpu.memory_space<vmem>>, vector<16xf32>,
        %mul3A_373 = vector.broadcast %squeeze3A : f32 to vector<16xf32>
        %mul3A_374 = arith.mulf %get3A_372, %mul3A_373 : vector<16xf32>
        %swap3A_375 = arith.index_cast %scan3A_350 : i32 to index
        %swap3A_376 = arith.constant 32 : index
        %swap3A_377 = tpu.vector_load %arg12[%swap3A_375, %swap3A_376] {strides = array<i32>} : memref<80x64xf32, #tpu.memory_space<vmem>>, vector<16xf32>,
        tpu.vector_store %arg12[%swap3A_375, %swap3A_376], %mul3A_374 {strides = array<i32>} : memref<80x64xf32, #tpu.memory_space<vmem>>, vector<16xf32>,
        %get3A_378 = arith.index_cast %scan3A_350 : i32 to index
        %get3A_379 = arith.constant 48 : index
        %get3A_380 = tpu.vector_load %arg12[%get3A_378, %get3A_379] {strides = array<i32>} : memref<80x64xf32, #tpu.memory_space<vmem>>, vector<16xf32>,
        %mul3A_381 = vector.broadcast %squeeze3A : f32 to vector<16xf32>
        %mul3A_382 = arith.mulf %get3A_380, %mul3A_381 : vector<16xf32>
        %swap3A_383 = arith.index_cast %scan3A_350 : i32 to index
        %swap3A_384 = arith.constant 48 : index
        %swap3A_385 = tpu.vector_load %arg12[%swap3A_383, %swap3A_384] {strides = array<i32>} : memref<80x64xf32, #tpu.memory_space<vmem>>, vector<16xf32>,
        tpu.vector_store %arg12[%swap3A_383, %swap3A_384], %mul3A_382 {strides = array<i32>} : memref<80x64xf32, #tpu.memory_space<vmem>>, vector<16xf32>,
        %scan3A_386 = arith.constant 1 : i32
        %scan3A_387 = arith.addi %scan3A_350, %scan3A_386 : i32
        %get3A_388 = arith.index_cast %scan3A_387 : i32 to index
        %get3A_389 = arith.constant 0 : index
        %get3A_390 = tpu.vector_load %arg14[%get3A_388, %get3A_389] {strides = array<i32>} : memref<80x16xf32, #tpu.memory_space<vmem>>, vector<16xf32>,
        %slice3A_391 = vector.extract_strided_slice %get3A_390 {offsets = [0], sizes = [1], strides = [1]} : vector<16xf32> to vector<1xf32>
        %squeeze3A_392 = vector.extract %slice3A_391[0] : f32 from vector<1xf32>
        %get3A_393 = arith.index_cast %scan3A_387 : i32 to index
        %get3A_394 = arith.constant 0 : index
        %get3A_395 = tpu.vector_load %arg12[%get3A_393, %get3A_394] {strides = array<i32>} : memref<80x64xf32, #tpu.memory_space<vmem>>, vector<16xf32>,
        %mul3A_396 = vector.broadcast %squeeze3A_392 : f32 to vector<16xf32>
        %mul3A_397 = arith.mulf %get3A_395, %mul3A_396 : vector<16xf32>
        %swap3A_398 = arith.index_cast %scan3A_387 : i32 to index
        %swap3A_399 = arith.constant 0 : index
        %swap3A_400 = tpu.vector_load %arg12[%swap3A_398, %swap3A_399] {strides = array<i32>} : memref<80x64xf32, #tpu.memory_space<vmem>>, vector<16xf32>,
        tpu.vector_store %arg12[%swap3A_398, %swap3A_399], %mul3A_397 {strides = array<i32>} : memref<80x64xf32, #tpu.memory_space<vmem>>, vector<16xf32>,
        %get3A_401 = arith.index_cast %scan3A_387 : i32 to index
        %get3A_402 = arith.constant 16 : index
        %get3A_403 = tpu.vector_load %arg12[%get3A_401, %get3A_402] {strides = array<i32>} : memref<80x64xf32, #tpu.memory_space<vmem>>, vector<16xf32>,
        %mul3A_404 = vector.broadcast %squeeze3A_392 : f32 to vector<16xf32>
        %mul3A_405 = arith.mulf %get3A_403, %mul3A_404 : vector<16xf32>
        %swap3A_406 = arith.index_cast %scan3A_387 : i32 to index
        %swap3A_407 = arith.constant 16 : index
        %swap3A_408 = tpu.vector_load %arg12[%swap3A_406, %swap3A_407] {strides = array<i32>} : memref<80x64xf32, #tpu.memory_space<vmem>>, vector<16xf32>,
        tpu.vector_store %arg12[%swap3A_406, %swap3A_407], %mul3A_405 {strides = array<i32>} : memref<80x64xf32, #tpu.memory_space<vmem>>, vector<16xf32>,
        %get3A_409 = arith.index_cast %scan3A_387 : i32 to index
        %get3A_410 = arith.constant 32 : index
        %get3A_411 = tpu.vector_load %arg12[%get3A_409, %get3A_410] {strides = array<i32>} : memref<80x64xf32, #tpu.memory_space<vmem>>, vector<16xf32>,
        %mul3A_412 = vector.broadcast %squeeze3A_392 : f32 to vector<16xf32>
        %mul3A_413 = arith.mulf %get3A_411, %mul3A_412 : vector<16xf32>
        %swap3A_414 = arith.index_cast %scan3A_387 : i32 to index
        %swap3A_415 = arith.constant 32 : index
        %swap3A_416 = tpu.vector_load %arg12[%swap3A_414, %swap3A_415] {strides = array<i32>} : memref<80x64xf32, #tpu.memory_space<vmem>>, vector<16xf32>,
        tpu.vector_store %arg12[%swap3A_414, %swap3A_415], %mul3A_413 {strides = array<i32>} : memref<80x64xf32, #tpu.memory_space<vmem>>, vector<16xf32>,
        %get3A_417 = arith.index_cast %scan3A_387 : i32 to index
        %get3A_418 = arith.constant 48 : index
        %get3A_419 = tpu.vector_load %arg12[%get3A_417, %get3A_418] {strides = array<i32>} : memref<80x64xf32, #tpu.memory_space<vmem>>, vector<16xf32>,
        %mul3A_420 = vector.broadcast %squeeze3A_392 : f32 to vector<16xf32>
        %mul3A_421 = arith.mulf %get3A_419, %mul3A_420 : vector<16xf32>
        %swap3A_422 = arith.index_cast %scan3A_387 : i32 to index
        %swap3A_423 = arith.constant 48 : index
        %swap3A_424 = tpu.vector_load %arg12[%swap3A_422, %swap3A_423] {strides = array<i32>} : memref<80x64xf32, #tpu.memory_space<vmem>>, vector<16xf32>,
        tpu.vector_store %arg12[%swap3A_422, %swap3A_423], %mul3A_421 {strides = array<i32>} : memref<80x64xf32, #tpu.memory_space<vmem>>, vector<16xf32>,
        %scan3A_425 = arith.constant 2 : i32
        %scan3A_426 = arith.addi %scan3A_350, %scan3A_425 : i32
        %get3A_427 = arith.index_cast %scan3A_426 : i32 to index
        %get3A_428 = arith.constant 0 : index
        %get3A_429 = tpu.vector_load %arg14[%get3A_427, %get3A_428] {strides = array<i32>} : memref<80x16xf32, #tpu.memory_space<vmem>>, vector<16xf32>,
        %slice3A_430 = vector.extract_strided_slice %get3A_429 {offsets = [0], sizes = [1], strides = [1]} : vector<16xf32> to vector<1xf32>
        %squeeze3A_431 = vector.extract %slice3A_430[0] : f32 from vector<1xf32>
        %get3A_432 = arith.index_cast %scan3A_426 : i32 to index
        %get3A_433 = arith.constant 0 : index
        %get3A_434 = tpu.vector_load %arg12[%get3A_432, %get3A_433] {strides = array<i32>} : memref<80x64xf32, #tpu.memory_space<vmem>>, vector<16xf32>,
        %mul3A_435 = vector.broadcast %squeeze3A_431 : f32 to vector<16xf32>
        %mul3A_436 = arith.mulf %get3A_434, %mul3A_435 : vector<16xf32>
        %swap3A_437 = arith.index_cast %scan3A_426 : i32 to index
        %swap3A_438 = arith.constant 0 : index
        %swap3A_439 = tpu.vector_load %arg12[%swap3A_437, %swap3A_438] {strides = array<i32>} : memref<80x64xf32, #tpu.memory_space<vmem>>, vector<16xf32>,
        tpu.vector_store %arg12[%swap3A_437, %swap3A_438], %mul3A_436 {strides = array<i32>} : memref<80x64xf32, #tpu.memory_space<vmem>>, vector<16xf32>,
        %get3A_440 = arith.index_cast %scan3A_426 : i32 to index
        %get3A_441 = arith.constant 16 : index
        %get3A_442 = tpu.vector_load %arg12[%get3A_440, %get3A_441] {strides = array<i32>} : memref<80x64xf32, #tpu.memory_space<vmem>>, vector<16xf32>,
        %mul3A_443 = vector.broadcast %squeeze3A_431 : f32 to vector<16xf32>
        %mul3A_444 = arith.mulf %get3A_442, %mul3A_443 : vector<16xf32>
        %swap3A_445 = arith.index_cast %scan3A_426 : i32 to index
        %swap3A_446 = arith.constant 16 : index
        %swap3A_447 = tpu.vector_load %arg12[%swap3A_445, %swap3A_446] {strides = array<i32>} : memref<80x64xf32, #tpu.memory_space<vmem>>, vector<16xf32>,
        tpu.vector_store %arg12[%swap3A_445, %swap3A_446], %mul3A_444 {strides = array<i32>} : memref<80x64xf32, #tpu.memory_space<vmem>>, vector<16xf32>,
        %get3A_448 = arith.index_cast %scan3A_426 : i32 to index
        %get3A_449 = arith.constant 32 : index
        %get3A_450 = tpu.vector_load %arg12[%get3A_448, %get3A_449] {strides = array<i32>} : memref<80x64xf32, #tpu.memory_space<vmem>>, vector<16xf32>,
        %mul3A_451 = vector.broadcast %squeeze3A_431 : f32 to vector<16xf32>
        %mul3A_452 = arith.mulf %get3A_450, %mul3A_451 : vector<16xf32>
        %swap3A_453 = arith.index_cast %scan3A_426 : i32 to index
        %swap3A_454 = arith.constant 32 : index
        %swap3A_455 = tpu.vector_load %arg12[%swap3A_453, %swap3A_454] {strides = array<i32>} : memref<80x64xf32, #tpu.memory_space<vmem>>, vector<16xf32>,
        tpu.vector_store %arg12[%swap3A_453, %swap3A_454], %mul3A_452 {strides = array<i32>} : memref<80x64xf32, #tpu.memory_space<vmem>>, vector<16xf32>,
        %get3A_456 = arith.index_cast %scan3A_426 : i32 to index
        %get3A_457 = arith.constant 48 : index
        %get3A_458 = tpu.vector_load %arg12[%get3A_456, %get3A_457] {strides = array<i32>} : memref<80x64xf32, #tpu.memory_space<vmem>>, vector<16xf32>,
        %mul3A_459 = vector.broadcast %squeeze3A_431 : f32 to vector<16xf32>
        %mul3A_460 = arith.mulf %get3A_458, %mul3A_459 : vector<16xf32>
        %swap3A_461 = arith.index_cast %scan3A_426 : i32 to index
        %swap3A_462 = arith.constant 48 : index
        %swap3A_463 = tpu.vector_load %arg12[%swap3A_461, %swap3A_462] {strides = array<i32>} : memref<80x64xf32, #tpu.memory_space<vmem>>, vector<16xf32>,
        tpu.vector_store %arg12[%swap3A_461, %swap3A_462], %mul3A_460 {strides = array<i32>} : memref<80x64xf32, #tpu.memory_space<vmem>>, vector<16xf32>,
        %scan3A_464 = arith.constant 3 : i32
        %scan3A_465 = arith.addi %scan3A_350, %scan3A_464 : i32
        %get3A_466 = arith.index_cast %scan3A_465 : i32 to index
        %get3A_467 = arith.constant 0 : index
        %get3A_468 = tpu.vector_load %arg14[%get3A_466, %get3A_467] {strides = array<i32>} : memref<80x16xf32, #tpu.memory_space<vmem>>, vector<16xf32>,
        %slice3A_469 = vector.extract_strided_slice %get3A_468 {offsets = [0], sizes = [1], strides = [1]} : vector<16xf32> to vector<1xf32>
        %squeeze3A_470 = vector.extract %slice3A_469[0] : f32 from vector<1xf32>
        %get3A_471 = arith.index_cast %scan3A_465 : i32 to index
        %get3A_472 = arith.constant 0 : index
        %get3A_473 = tpu.vector_load %arg12[%get3A_471, %get3A_472] {strides = array<i32>} : memref<80x64xf32, #tpu.memory_space<vmem>>, vector<16xf32>,
        %mul3A_474 = vector.broadcast %squeeze3A_470 : f32 to vector<16xf32>
        %mul3A_475 = arith.mulf %get3A_473, %mul3A_474 : vector<16xf32>
        %swap3A_476 = arith.index_cast %scan3A_465 : i32 to index
        %swap3A_477 = arith.constant 0 : index
        %swap3A_478 = tpu.vector_load %arg12[%swap3A_476, %swap3A_477] {strides = array<i32>} : memref<80x64xf32, #tpu.memory_space<vmem>>, vector<16xf32>,
        tpu.vector_store %arg12[%swap3A_476, %swap3A_477], %mul3A_475 {strides = array<i32>} : memref<80x64xf32, #tpu.memory_space<vmem>>, vector<16xf32>,
        %get3A_479 = arith.index_cast %scan3A_465 : i32 to index
        %get3A_480 = arith.constant 16 : index
        %get3A_481 = tpu.vector_load %arg12[%get3A_479, %get3A_480] {strides = array<i32>} : memref<80x64xf32, #tpu.memory_space<vmem>>, vector<16xf32>,
        %mul3A_482 = vector.broadcast %squeeze3A_470 : f32 to vector<16xf32>
        %mul3A_483 = arith.mulf %get3A_481, %mul3A_482 : vector<16xf32>
        %swap3A_484 = arith.index_cast %scan3A_465 : i32 to index
        %swap3A_485 = arith.constant 16 : index
        %swap3A_486 = tpu.vector_load %arg12[%swap3A_484, %swap3A_485] {strides = array<i32>} : memref<80x64xf32, #tpu.memory_space<vmem>>, vector<16xf32>,
        tpu.vector_store %arg12[%swap3A_484, %swap3A_485], %mul3A_483 {strides = array<i32>} : memref<80x64xf32, #tpu.memory_space<vmem>>, vector<16xf32>,
        %get3A_487 = arith.index_cast %scan3A_465 : i32 to index
        %get3A_488 = arith.constant 32 : index
        %get3A_489 = tpu.vector_load %arg12[%get3A_487, %get3A_488] {strides = array<i32>} : memref<80x64xf32, #tpu.memory_space<vmem>>, vector<16xf32>,
        %mul3A_490 = vector.broadcast %squeeze3A_470 : f32 to vector<16xf32>
        %mul3A_491 = arith.mulf %get3A_489, %mul3A_490 : vector<16xf32>
        %swap3A_492 = arith.index_cast %scan3A_465 : i32 to index
        %swap3A_493 = arith.constant 32 : index
        %swap3A_494 = tpu.vector_load %arg12[%swap3A_492, %swap3A_493] {strides = array<i32>} : memref<80x64xf32, #tpu.memory_space<vmem>>, vector<16xf32>,
        tpu.vector_store %arg12[%swap3A_492, %swap3A_493], %mul3A_491 {strides = array<i32>} : memref<80x64xf32, #tpu.memory_space<vmem>>, vector<16xf32>,
        %get3A_495 = arith.index_cast %scan3A_465 : i32 to index
        %get3A_496 = arith.constant 48 : index
        %get3A_497 = tpu.vector_load %arg12[%get3A_495, %get3A_496] {strides = array<i32>} : memref<80x64xf32, #tpu.memory_space<vmem>>, vector<16xf32>,
        %mul3A_498 = vector.broadcast %squeeze3A_470 : f32 to vector<16xf32>
        %mul3A_499 = arith.mulf %get3A_497, %mul3A_498 : vector<16xf32>
        %swap3A_500 = arith.index_cast %scan3A_465 : i32 to index
        %swap3A_501 = arith.constant 48 : index
        %swap3A_502 = tpu.vector_load %arg12[%swap3A_500, %swap3A_501] {strides = array<i32>} : memref<80x64xf32, #tpu.memory_space<vmem>>, vector<16xf32>,
        tpu.vector_store %arg12[%swap3A_500, %swap3A_501], %mul3A_499 {strides = array<i32>} : memref<80x64xf32, #tpu.memory_space<vmem>>, vector<16xf32>,
        %scan3A_503 = arith.constant 4 : i32
        %scan3A_504 = arith.addi %scan3A_350, %scan3A_503 : i32
        %get3A_505 = arith.index_cast %scan3A_504 : i32 to index
        %get3A_506 = arith.constant 0 : index
        %get3A_507 = tpu.vector_load %arg14[%get3A_505, %get3A_506] {strides = array<i32>} : memref<80x16xf32, #tpu.memory_space<vmem>>, vector<16xf32>,
        %slice3A_508 = vector.extract_strided_slice %get3A_507 {offsets = [0], sizes = [1], strides = [1]} : vector<16xf32> to vector<1xf32>
        %squeeze3A_509 = vector.extract %slice3A_508[0] : f32 from vector<1xf32>
        %get3A_510 = arith.index_cast %scan3A_504 : i32 to index
        %get3A_511 = arith.constant 0 : index
        %get3A_512 = tpu.vector_load %arg12[%get3A_510, %get3A_511] {strides = array<i32>} : memref<80x64xf32, #tpu.memory_space<vmem>>, vector<16xf32>,
        %mul3A_513 = vector.broadcast %squeeze3A_509 : f32 to vector<16xf32>
        %mul3A_514 = arith.mulf %get3A_512, %mul3A_513 : vector<16xf32>
        %swap3A_515 = arith.index_cast %scan3A_504 : i32 to index
        %swap3A_516 = arith.constant 0 : index
        %swap3A_517 = tpu.vector_load %arg12[%swap3A_515, %swap3A_516] {strides = array<i32>} : memref<80x64xf32, #tpu.memory_space<vmem>>, vector<16xf32>,
        tpu.vector_store %arg12[%swap3A_515, %swap3A_516], %mul3A_514 {strides = array<i32>} : memref<80x64xf32, #tpu.memory_space<vmem>>, vector<16xf32>,
        %get3A_518 = arith.index_cast %scan3A_504 : i32 to index
        %get3A_519 = arith.constant 16 : index
        %get3A_520 = tpu.vector_load %arg12[%get3A_518, %get3A_519] {strides = array<i32>} : memref<80x64xf32, #tpu.memory_space<vmem>>, vector<16xf32>,
        %mul3A_521 = vector.broadcast %squeeze3A_509 : f32 to vector<16xf32>
        %mul3A_522 = arith.mulf %get3A_520, %mul3A_521 : vector<16xf32>
        %swap3A_523 = arith.index_cast %scan3A_504 : i32 to index
        %swap3A_524 = arith.constant 16 : index
        %swap3A_525 = tpu.vector_load %arg12[%swap3A_523, %swap3A_524] {strides = array<i32>} : memref<80x64xf32, #tpu.memory_space<vmem>>, vector<16xf32>,
        tpu.vector_store %arg12[%swap3A_523, %swap3A_524], %mul3A_522 {strides = array<i32>} : memref<80x64xf32, #tpu.memory_space<vmem>>, vector<16xf32>,
        %get3A_526 = arith.index_cast %scan3A_504 : i32 to index
        %get3A_527 = arith.constant 32 : index
        %get3A_528 = tpu.vector_load %arg12[%get3A_526, %get3A_527] {strides = array<i32>} : memref<80x64xf32, #tpu.memory_space<vmem>>, vector<16xf32>,
        %mul3A_529 = vector.broadcast %squeeze3A_509 : f32 to vector<16xf32>
        %mul3A_530 = arith.mulf %get3A_528, %mul3A_529 : vector<16xf32>
        %swap3A_531 = arith.index_cast %scan3A_504 : i32 to index
        %swap3A_532 = arith.constant 32 : index
        %swap3A_533 = tpu.vector_load %arg12[%swap3A_531, %swap3A_532] {strides = array<i32>} : memref<80x64xf32, #tpu.memory_space<vmem>>, vector<16xf32>,
        tpu.vector_store %arg12[%swap3A_531, %swap3A_532], %mul3A_530 {strides = array<i32>} : memref<80x64xf32, #tpu.memory_space<vmem>>, vector<16xf32>,
        %get3A_534 = arith.index_cast %scan3A_504 : i32 to index
        %get3A_535 = arith.constant 48 : index
        %get3A_536 = tpu.vector_load %arg12[%get3A_534, %get3A_535] {strides = array<i32>} : memref<80x64xf32, #tpu.memory_space<vmem>>, vector<16xf32>,
        %mul3A_537 = vector.broadcast %squeeze3A_509 : f32 to vector<16xf32>
        %mul3A_538 = arith.mulf %get3A_536, %mul3A_537 : vector<16xf32>
        %swap3A_539 = arith.index_cast %scan3A_504 : i32 to index
        %swap3A_540 = arith.constant 48 : index
        %swap3A_541 = tpu.vector_load %arg12[%swap3A_539, %swap3A_540] {strides = array<i32>} : memref<80x64xf32, #tpu.memory_space<vmem>>, vector<16xf32>,
        tpu.vector_store %arg12[%swap3A_539, %swap3A_540], %mul3A_538 {strides = array<i32>} : memref<80x64xf32, #tpu.memory_space<vmem>>, vector<16xf32>,
        %scan3A_542 = arith.constant 5 : i32
        %scan3A_543 = arith.addi %scan3A_350, %scan3A_542 : i32
        %get3A_544 = arith.index_cast %scan3A_543 : i32 to index
        %get3A_545 = arith.constant 0 : index
        %get3A_546 = tpu.vector_load %arg14[%get3A_544, %get3A_545] {strides = array<i32>} : memref<80x16xf32, #tpu.memory_space<vmem>>, vector<16xf32>,
        %slice3A_547 = vector.extract_strided_slice %get3A_546 {offsets = [0], sizes = [1], strides = [1]} : vector<16xf32> to vector<1xf32>
        %squeeze3A_548 = vector.extract %slice3A_547[0] : f32 from vector<1xf32>
        %get3A_549 = arith.index_cast %scan3A_543 : i32 to index
        %get3A_550 = arith.constant 0 : index
        %get3A_551 = tpu.vector_load %arg12[%get3A_549, %get3A_550] {strides = array<i32>} : memref<80x64xf32, #tpu.memory_space<vmem>>, vector<16xf32>,
        %mul3A_552 = vector.broadcast %squeeze3A_548 : f32 to vector<16xf32>
        %mul3A_553 = arith.mulf %get3A_551, %mul3A_552 : vector<16xf32>
        %swap3A_554 = arith.index_cast %scan3A_543 : i32 to index
        %swap3A_555 = arith.constant 0 : index
        %swap3A_556 = tpu.vector_load %arg12[%swap3A_554, %swap3A_555] {strides = array<i32>} : memref<80x64xf32, #tpu.memory_space<vmem>>, vector<16xf32>,
        tpu.vector_store %arg12[%swap3A_554, %swap3A_555], %mul3A_553 {strides = array<i32>} : memref<80x64xf32, #tpu.memory_space<vmem>>, vector<16xf32>,
        %get3A_557 = arith.index_cast %scan3A_543 : i32 to index
        %get3A_558 = arith.constant 16 : index
        %get3A_559 = tpu.vector_load %arg12[%get3A_557, %get3A_558] {strides = array<i32>} : memref<80x64xf32, #tpu.memory_space<vmem>>, vector<16xf32>,
        %mul3A_560 = vector.broadcast %squeeze3A_548 : f32 to vector<16xf32>
        %mul3A_561 = arith.mulf %get3A_559, %mul3A_560 : vector<16xf32>
        %swap3A_562 = arith.index_cast %scan3A_543 : i32 to index
        %swap3A_563 = arith.constant 16 : index
        %swap3A_564 = tpu.vector_load %arg12[%swap3A_562, %swap3A_563] {strides = array<i32>} : memref<80x64xf32, #tpu.memory_space<vmem>>, vector<16xf32>,
        tpu.vector_store %arg12[%swap3A_562, %swap3A_563], %mul3A_561 {strides = array<i32>} : memref<80x64xf32, #tpu.memory_space<vmem>>, vector<16xf32>,
        %get3A_565 = arith.index_cast %scan3A_543 : i32 to index
        %get3A_566 = arith.constant 32 : index
        %get3A_567 = tpu.vector_load %arg12[%get3A_565, %get3A_566] {strides = array<i32>} : memref<80x64xf32, #tpu.memory_space<vmem>>, vector<16xf32>,
        %mul3A_568 = vector.broadcast %squeeze3A_548 : f32 to vector<16xf32>
        %mul3A_569 = arith.mulf %get3A_567, %mul3A_568 : vector<16xf32>
        %swap3A_570 = arith.index_cast %scan3A_543 : i32 to index
        %swap3A_571 = arith.constant 32 : index
        %swap3A_572 = tpu.vector_load %arg12[%swap3A_570, %swap3A_571] {strides = array<i32>} : memref<80x64xf32, #tpu.memory_space<vmem>>, vector<16xf32>,
        tpu.vector_store %arg12[%swap3A_570, %swap3A_571], %mul3A_569 {strides = array<i32>} : memref<80x64xf32, #tpu.memory_space<vmem>>, vector<16xf32>,
        %get3A_573 = arith.index_cast %scan3A_543 : i32 to index
        %get3A_574 = arith.constant 48 : index
        %get3A_575 = tpu.vector_load %arg12[%get3A_573, %get3A_574] {strides = array<i32>} : memref<80x64xf32, #tpu.memory_space<vmem>>, vector<16xf32>,
        %mul3A_576 = vector.broadcast %squeeze3A_548 : f32 to vector<16xf32>
        %mul3A_577 = arith.mulf %get3A_575, %mul3A_576 : vector<16xf32>
        %swap3A_578 = arith.index_cast %scan3A_543 : i32 to index
        %swap3A_579 = arith.constant 48 : index
        %swap3A_580 = tpu.vector_load %arg12[%swap3A_578, %swap3A_579] {strides = array<i32>} : memref<80x64xf32, #tpu.memory_space<vmem>>, vector<16xf32>,
        tpu.vector_store %arg12[%swap3A_578, %swap3A_579], %mul3A_577 {strides = array<i32>} : memref<80x64xf32, #tpu.memory_space<vmem>>, vector<16xf32>,
        %scan3A_581 = arith.constant 6 : i32
        %scan3A_582 = arith.addi %scan3A_350, %scan3A_581 : i32
        %get3A_583 = arith.index_cast %scan3A_582 : i32 to index
        %get3A_584 = arith.constant 0 : index
        %get3A_585 = tpu.vector_load %arg14[%get3A_583, %get3A_584] {strides = array<i32>} : memref<80x16xf32, #tpu.memory_space<vmem>>, vector<16xf32>,
        %slice3A_586 = vector.extract_strided_slice %get3A_585 {offsets = [0], sizes = [1], strides = [1]} : vector<16xf32> to vector<1xf32>
        %squeeze3A_587 = vector.extract %slice3A_586[0] : f32 from vector<1xf32>
        %get3A_588 = arith.index_cast %scan3A_582 : i32 to index
        %get3A_589 = arith.constant 0 : index
        %get3A_590 = tpu.vector_load %arg12[%get3A_588, %get3A_589] {strides = array<i32>} : memref<80x64xf32, #tpu.memory_space<vmem>>, vector<16xf32>,
        %mul3A_591 = vector.broadcast %squeeze3A_587 : f32 to vector<16xf32>
        %mul3A_592 = arith.mulf %get3A_590, %mul3A_591 : vector<16xf32>
        %swap3A_593 = arith.index_cast %scan3A_582 : i32 to index
        %swap3A_594 = arith.constant 0 : index
        %swap3A_595 = tpu.vector_load %arg12[%swap3A_593, %swap3A_594] {strides = array<i32>} : memref<80x64xf32, #tpu.memory_space<vmem>>, vector<16xf32>,
        tpu.vector_store %arg12[%swap3A_593, %swap3A_594], %mul3A_592 {strides = array<i32>} : memref<80x64xf32, #tpu.memory_space<vmem>>, vector<16xf32>,
        %get3A_596 = arith.index_cast %scan3A_582 : i32 to index
        %get3A_597 = arith.constant 16 : index
        %get3A_598 = tpu.vector_load %arg12[%get3A_596, %get3A_597] {strides = array<i32>} : memref<80x64xf32, #tpu.memory_space<vmem>>, vector<16xf32>,
        %mul3A_599 = vector.broadcast %squeeze3A_587 : f32 to vector<16xf32>
        %mul3A_600 = arith.mulf %get3A_598, %mul3A_599 : vector<16xf32>
        %swap3A_601 = arith.index_cast %scan3A_582 : i32 to index
        %swap3A_602 = arith.constant 16 : index
        %swap3A_603 = tpu.vector_load %arg12[%swap3A_601, %swap3A_602] {strides = array<i32>} : memref<80x64xf32, #tpu.memory_space<vmem>>, vector<16xf32>,
        tpu.vector_store %arg12[%swap3A_601, %swap3A_602], %mul3A_600 {strides = array<i32>} : memref<80x64xf32, #tpu.memory_space<vmem>>, vector<16xf32>,
        %get3A_604 = arith.index_cast %scan3A_582 : i32 to index
        %get3A_605 = arith.constant 32 : index
        %get3A_606 = tpu.vector_load %arg12[%get3A_604, %get3A_605] {strides = array<i32>} : memref<80x64xf32, #tpu.memory_space<vmem>>, vector<16xf32>,
        %mul3A_607 = vector.broadcast %squeeze3A_587 : f32 to vector<16xf32>
        %mul3A_608 = arith.mulf %get3A_606, %mul3A_607 : vector<16xf32>
        %swap3A_609 = arith.index_cast %scan3A_582 : i32 to index
        %swap3A_610 = arith.constant 32 : index
        %swap3A_611 = tpu.vector_load %arg12[%swap3A_609, %swap3A_610] {strides = array<i32>} : memref<80x64xf32, #tpu.memory_space<vmem>>, vector<16xf32>,
        tpu.vector_store %arg12[%swap3A_609, %swap3A_610], %mul3A_608 {strides = array<i32>} : memref<80x64xf32, #tpu.memory_space<vmem>>, vector<16xf32>,
        %get3A_612 = arith.index_cast %scan3A_582 : i32 to index
        %get3A_613 = arith.constant 48 : index
        %get3A_614 = tpu.vector_load %arg12[%get3A_612, %get3A_613] {strides = array<i32>} : memref<80x64xf32, #tpu.memory_space<vmem>>, vector<16xf32>,
        %mul3A_615 = vector.broadcast %squeeze3A_587 : f32 to vector<16xf32>
        %mul3A_616 = arith.mulf %get3A_614, %mul3A_615 : vector<16xf32>
        %swap3A_617 = arith.index_cast %scan3A_582 : i32 to index
        %swap3A_618 = arith.constant 48 : index
        %swap3A_619 = tpu.vector_load %arg12[%swap3A_617, %swap3A_618] {strides = array<i32>} : memref<80x64xf32, #tpu.memory_space<vmem>>, vector<16xf32>,
        tpu.vector_store %arg12[%swap3A_617, %swap3A_618], %mul3A_616 {strides = array<i32>} : memref<80x64xf32, #tpu.memory_space<vmem>>, vector<16xf32>,
        %scan3A_620 = arith.constant 7 : i32
        %scan3A_621 = arith.addi %scan3A_350, %scan3A_620 : i32
        %get3A_622 = arith.index_cast %scan3A_621 : i32 to index
        %get3A_623 = arith.constant 0 : index
        %get3A_624 = tpu.vector_load %arg14[%get3A_622, %get3A_623] {strides = array<i32>} : memref<80x16xf32, #tpu.memory_space<vmem>>, vector<16xf32>,
        %slice3A_625 = vector.extract_strided_slice %get3A_624 {offsets = [0], sizes = [1], strides = [1]} : vector<16xf32> to vector<1xf32>
        %squeeze3A_626 = vector.extract %slice3A_625[0] : f32 from vector<1xf32>
        %get3A_627 = arith.index_cast %scan3A_621 : i32 to index
        %get3A_628 = arith.constant 0 : index
        %get3A_629 = tpu.vector_load %arg12[%get3A_627, %get3A_628] {strides = array<i32>} : memref<80x64xf32, #tpu.memory_space<vmem>>, vector<16xf32>,
        %mul3A_630 = vector.broadcast %squeeze3A_626 : f32 to vector<16xf32>
        %mul3A_631 = arith.mulf %get3A_629, %mul3A_630 : vector<16xf32>
        %swap3A_632 = arith.index_cast %scan3A_621 : i32 to index
        %swap3A_633 = arith.constant 0 : index
        %swap3A_634 = tpu.vector_load %arg12[%swap3A_632, %swap3A_633] {strides = array<i32>} : memref<80x64xf32, #tpu.memory_space<vmem>>, vector<16xf32>,
        tpu.vector_store %arg12[%swap3A_632, %swap3A_633], %mul3A_631 {strides = array<i32>} : memref<80x64xf32, #tpu.memory_space<vmem>>, vector<16xf32>,
        %get3A_635 = arith.index_cast %scan3A_621 : i32 to index
        %get3A_636 = arith.constant 16 : index
        %get3A_637 = tpu.vector_load %arg12[%get3A_635, %get3A_636] {strides = array<i32>} : memref<80x64xf32, #tpu.memory_space<vmem>>, vector<16xf32>,
        %mul3A_638 = vector.broadcast %squeeze3A_626 : f32 to vector<16xf32>
        %mul3A_639 = arith.mulf %get3A_637, %mul3A_638 : vector<16xf32>
        %swap3A_640 = arith.index_cast %scan3A_621 : i32 to index
        %swap3A_641 = arith.constant 16 : index
        %swap3A_642 = tpu.vector_load %arg12[%swap3A_640, %swap3A_641] {strides = array<i32>} : memref<80x64xf32, #tpu.memory_space<vmem>>, vector<16xf32>,
        tpu.vector_store %arg12[%swap3A_640, %swap3A_641], %mul3A_639 {strides = array<i32>} : memref<80x64xf32, #tpu.memory_space<vmem>>, vector<16xf32>,
        %get3A_643 = arith.index_cast %scan3A_621 : i32 to index
        %get3A_644 = arith.constant 32 : index
        %get3A_645 = tpu.vector_load %arg12[%get3A_643, %get3A_644] {strides = array<i32>} : memref<80x64xf32, #tpu.memory_space<vmem>>, vector<16xf32>,
        %mul3A_646 = vector.broadcast %squeeze3A_626 : f32 to vector<16xf32>
        %mul3A_647 = arith.mulf %get3A_645, %mul3A_646 : vector<16xf32>
        %swap3A_648 = arith.index_cast %scan3A_621 : i32 to index
        %swap3A_649 = arith.constant 32 : index
        %swap3A_650 = tpu.vector_load %arg12[%swap3A_648, %swap3A_649] {strides = array<i32>} : memref<80x64xf32, #tpu.memory_space<vmem>>, vector<16xf32>,
        tpu.vector_store %arg12[%swap3A_648, %swap3A_649], %mul3A_647 {strides = array<i32>} : memref<80x64xf32, #tpu.memory_space<vmem>>, vector<16xf32>,
        %get3A_651 = arith.index_cast %scan3A_621 : i32 to index
        %get3A_652 = arith.constant 48 : index
        %get3A_653 = tpu.vector_load %arg12[%get3A_651, %get3A_652] {strides = array<i32>} : memref<80x64xf32, #tpu.memory_space<vmem>>, vector<16xf32>,
        %mul3A_654 = vector.broadcast %squeeze3A_626 : f32 to vector<16xf32>
        %mul3A_655 = arith.mulf %get3A_653, %mul3A_654 : vector<16xf32>
        %swap3A_656 = arith.index_cast %scan3A_621 : i32 to index
        %swap3A_657 = arith.constant 48 : index
        %swap3A_658 = tpu.vector_load %arg12[%swap3A_656, %swap3A_657] {strides = array<i32>} : memref<80x64xf32, #tpu.memory_space<vmem>>, vector<16xf32>,
        tpu.vector_store %arg12[%swap3A_656, %swap3A_657], %mul3A_655 {strides = array<i32>} : memref<80x64xf32, #tpu.memory_space<vmem>>, vector<16xf32>,
      }
      %scan3A_213 = arith.constant 80 : i32
      %dma_start3A_214 = arith.constant 0 : i32
      %dma_start3A_215 = arith.constant 0 : i32
      %dma_start3A_216 = tpu.memref_slice %arg16[%dma_start3A_214, %dma_start3A_215] : memref<10240x64xf32, #tpu.memory_space<vmem_shared>> -> memref<10240x64xf32, #tpu.memory_space<vmem_shared>>
      tpu.enqueue_indirect_dma source(%arg12 : memref<80x64xf32, #tpu.memory_space<vmem>>) target(%dma_start3A_216 : memref<10240x64xf32, #tpu.memory_space<vmem_shared>>) offsets(%arg10 : memref<80xi32, #tpu.memory_space<vmem>>) semaphore(%arg20 : memref<!tpu.dma_semaphore, #tpu.memory_space<semaphore_mem>>) {add = true}
      %dma_start3A_217 = arith.constant 0 : i32
      %dma_start3A_218 = arith.constant 0 : i32
      %dma_start3A_219 = tpu.memref_slice %arg17[%dma_start3A_217, %dma_start3A_218] : memref<10240x16xf32, #tpu.memory_space<vmem_shared>> -> memref<10240x16xf32, #tpu.memory_space<vmem_shared>>
      tpu.enqueue_indirect_dma source(%arg14 : memref<80x16xf32, #tpu.memory_space<vmem>>) target(%dma_start3A_219 : memref<10240x16xf32, #tpu.memory_space<vmem_shared>>) offsets(%arg10 : memref<80xi32, #tpu.memory_space<vmem>>) semaphore(%arg20 : memref<!tpu.dma_semaphore, #tpu.memory_space<semaphore_mem>>) {add = true}
      %add3A_220 = arith.constant 124 : i32
      %add3A_221 = arith.constant 2 : i32
      %add3A_222 = arith.addi %add3A_220, %add3A_221 : i32
      %lt3A = arith.constant 126 : i32
      %lt3A_223 = arith.cmpi slt, %add3A_222, %lt3A : i32
      %convert_element_type3A_224 = arith.extui %lt3A_223 : i1 to i32
      %cond3A_225 = arith.constant 124 : i32
      %cond3A_226 = arith.constant 0 : i32
      %cond3A_227 = arith.cmpi ne, %convert_element_type3A_224, %cond3A_226 : i32
      scf.if %cond3A_227 {
        %add3A_350 = arith.constant 2 : i32
        %add3A_351 = arith.addi %cond3A_225, %add3A_350 : i32
        %mul3A_352 = arith.constant 320 : i32
        %mul3A_353 = arith.muli %add3A_351, %mul3A_352 : i32
        %add3A_354 = arith.addi %mul3A_5, %mul3A_353 : i32
        %dma_start3A_355 = tpu.memref_slice %arg3[%add3A_354] : memref<1290240xi32, #tpu.memory_space<hbm>> -> memref<320xi32, #tpu.memory_space<hbm>>
        %dma_start3A_356 = tpu.memref_slice %arg3[%add3A_354] : memref<1290240xi32, #tpu.memory_space<hbm>> -> memref<320xi32, #tpu.memory_space<hbm>>
        tpu.enqueue_dma source(%dma_start3A_356 : memref<320xi32, #tpu.memory_space<hbm>>) target(%arg6 : memref<320xi32, #tpu.memory_space<vmem>>) target_semaphore(%arg22 : memref<!tpu.dma_semaphore, #tpu.memory_space<semaphore_mem>>)
      } else {
      }
      %ge3A_228 = arith.constant 125 : i32
      %ge3A_229 = arith.constant 1 : i32
      %ge3A_230 = arith.cmpi sge, %ge3A_228, %ge3A_229 : i32
      %convert_element_type3A_231 = arith.extui %ge3A_230 : i1 to i32
      %cond3A_232 = arith.constant 0 : i32
      %cond3A_233 = arith.cmpi ne, %convert_element_type3A_231, %cond3A_232 : i32
      scf.if %cond3A_233 {
        %dma_wait3A_350 = arith.constant 0 : i32
        %dma_wait3A_351 = arith.constant 0 : i32
        %dma_wait3A_352 = tpu.memref_slice %arg16[%dma_wait3A_350, %dma_wait3A_351] : memref<10240x64xf32, #tpu.memory_space<vmem_shared>> -> memref<10240x64xf32, #tpu.memory_space<vmem_shared>>
        tpu.wait_indirect_dma semaphore(%arg20 : memref<!tpu.dma_semaphore, #tpu.memory_space<semaphore_mem>>) src(%arg12 : memref<80x64xf32, #tpu.memory_space<vmem>>) dst(%dma_wait3A_352 : memref<10240x64xf32, #tpu.memory_space<vmem_shared>>)
        %dma_wait3A_353 = arith.constant 0 : i32
        %dma_wait3A_354 = arith.constant 0 : i32
        %dma_wait3A_355 = tpu.memref_slice %arg17[%dma_wait3A_353, %dma_wait3A_354] : memref<10240x16xf32, #tpu.memory_space<vmem_shared>> -> memref<10240x16xf32, #tpu.memory_space<vmem_shared>>
        tpu.wait_indirect_dma semaphore(%arg20 : memref<!tpu.dma_semaphore, #tpu.memory_space<semaphore_mem>>) src(%arg14 : memref<80x16xf32, #tpu.memory_space<vmem>>) dst(%dma_wait3A_355 : memref<10240x16xf32, #tpu.memory_space<vmem_shared>>)
      } else {
      }
      %dma_wait3A_234 = arith.constant 0 : i32
      %dma_wait3A_235 = arith.constant 0 : i32
      %dma_wait3A_236 = tpu.memref_slice %arg2[%dma_wait3A_234, %dma_wait3A_235] : memref<40000x64xf32, #tpu.memory_space<hbm>> -> memref<40000x64xf32, #tpu.memory_space<hbm>>
      tpu.wait_indirect_dma semaphore(%arg19 : memref<!tpu.dma_semaphore, #tpu.memory_space<semaphore_mem>>) src(%dma_wait3A_236 : memref<40000x64xf32, #tpu.memory_space<hbm>>) dst(%arg13 : memref<80x64xf32, #tpu.memory_space<vmem>>)
      %get3A_237 = arith.constant 0 : index
      %get3A_238 = tpu.vector_load %arg7[%get3A_237] {strides = array<i32>} : memref<320xi32, #tpu.memory_space<vmem>>, vector<16xi32>,
      %swap3A_239 = arith.constant 0 : index
      %swap3A_240 = tpu.vector_load %arg11[%swap3A_239] {strides = array<i32>} : memref<80xi32, #tpu.memory_space<vmem>>, vector<16xi32>,
      tpu.vector_store %arg11[%swap3A_239], %get3A_238 {strides = array<i32>} : memref<80xi32, #tpu.memory_space<vmem>>, vector<16xi32>,
      %add3A_241 = arith.constant 2 : i32
      %add3A_242 = arith.addi %add3A_241, %scan3A_11 : i32
      %mul3A_243 = arith.constant 80 : i32
      %mul3A_244 = arith.muli %add3A_242, %mul3A_243 : i32
      %add3A_245 = arith.constant 0 : i32
      %add3A_246 = arith.addi %mul3A_244, %add3A_245 : i32
      %get3A_247 = arith.index_cast %add3A_246 : i32 to index
      %get3A_248 = tpu.vector_load %arg7[%get3A_247] {strides = array<i32>} : memref<320xi32, #tpu.memory_space<vmem>>, vector<16xi32>,
      %bitcast3A_249 = vector.bitcast %get3A_248 : vector<16xi32> to vector<16xf32>
      %add3A_250 = arith.constant 0 : i32
      %add3A_251 = vector.broadcast %add3A_250 : i32 to vector<16xi32>
      %add3A_252 = arith.addi %add3A_251, %iota3A : vector<16xi32>
      tpu.vector_store_idx %arg15[%add3A_252, %broadcast_in_dim3A_2], %bitcast3A_249 : memref<80x16xf32, #tpu.memory_space<vmem>>[vector<16xi32>, vector<16xi32>], vector<16xf32>,
      %get3A_253 = arith.constant 16 : index
      %get3A_254 = tpu.vector_load %arg7[%get3A_253] {strides = array<i32>} : memref<320xi32, #tpu.memory_space<vmem>>, vector<16xi32>,
      %swap3A_255 = arith.constant 16 : index
      %swap3A_256 = tpu.vector_load %arg11[%swap3A_255] {strides = array<i32>} : memref<80xi32, #tpu.memory_space<vmem>>, vector<16xi32>,
      tpu.vector_store %arg11[%swap3A_255], %get3A_254 {strides = array<i32>} : memref<80xi32, #tpu.memory_space<vmem>>, vector<16xi32>,
      %add3A_257 = arith.constant 2 : i32
      %add3A_258 = arith.addi %add3A_257, %scan3A_11 : i32
      %mul3A_259 = arith.constant 80 : i32
      %mul3A_260 = arith.muli %add3A_258, %mul3A_259 : i32
      %add3A_261 = arith.constant 16 : i32
      %add3A_262 = arith.addi %mul3A_260, %add3A_261 : i32
      %get3A_263 = arith.index_cast %add3A_262 : i32 to index
      %get3A_264 = tpu.vector_load %arg7[%get3A_263] {strides = array<i32>} : memref<320xi32, #tpu.memory_space<vmem>>, vector<16xi32>,
      %bitcast3A_265 = vector.bitcast %get3A_264 : vector<16xi32> to vector<16xf32>
      %add3A_266 = arith.constant 16 : i32
      %add3A_267 = vector.broadcast %add3A_266 : i32 to vector<16xi32>
      %add3A_268 = arith.addi %add3A_267, %iota3A : vector<16xi32>
      tpu.vector_store_idx %arg15[%add3A_268, %broadcast_in_dim3A_2], %bitcast3A_265 : memref<80x16xf32, #tpu.memory_space<vmem>>[vector<16xi32>, vector<16xi32>], vector<16xf32>,
      %get3A_269 = arith.constant 32 : index
      %get3A_270 = tpu.vector_load %arg7[%get3A_269] {strides = array<i32>} : memref<320xi32, #tpu.memory_space<vmem>>, vector<16xi32>,
      %swap3A_271 = arith.constant 32 : index
      %swap3A_272 = tpu.vector_load %arg11[%swap3A_271] {strides = array<i32>} : memref<80xi32, #tpu.memory_space<vmem>>, vector<16xi32>,
      tpu.vector_store %arg11[%swap3A_271], %get3A_270 {strides = array<i32>} : memref<80xi32, #tpu.memory_space<vmem>>, vector<16xi32>,
      %add3A_273 = arith.constant 2 : i32
      %add3A_274 = arith.addi %add3A_273, %scan3A_11 : i32
      %mul3A_275 = arith.constant 80 : i32
      %mul3A_276 = arith.muli %add3A_274, %mul3A_275 : i32
      %add3A_277 = arith.constant 32 : i32
      %add3A_278 = arith.addi %mul3A_276, %add3A_277 : i32
      %get3A_279 = arith.index_cast %add3A_278 : i32 to index
      %get3A_280 = tpu.vector_load %arg7[%get3A_279] {strides = array<i32>} : memref<320xi32, #tpu.memory_space<vmem>>, vector<16xi32>,
      %bitcast3A_281 = vector.bitcast %get3A_280 : vector<16xi32> to vector<16xf32>
      %add3A_282 = arith.constant 32 : i32
      %add3A_283 = vector.broadcast %add3A_282 : i32 to vector<16xi32>
      %add3A_284 = arith.addi %add3A_283, %iota3A : vector<16xi32>
      tpu.vector_store_idx %arg15[%add3A_284, %broadcast_in_dim3A_2], %bitcast3A_281 : memref<80x16xf32, #tpu.memory_space<vmem>>[vector<16xi32>, vector<16xi32>], vector<16xf32>,
      %get3A_285 = arith.constant 48 : index
      %get3A_286 = tpu.vector_load %arg7[%get3A_285] {strides = array<i32>} : memref<320xi32, #tpu.memory_space<vmem>>, vector<16xi32>,
      %swap3A_287 = arith.constant 48 : index
      %swap3A_288 = tpu.vector_load %arg11[%swap3A_287] {strides = array<i32>} : memref<80xi32, #tpu.memory_space<vmem>>, vector<16xi32>,
      tpu.vector_store %arg11[%swap3A_287], %get3A_286 {strides = array<i32>} : memref<80xi32, #tpu.memory_space<vmem>>, vector<16xi32>,
      %add3A_289 = arith.constant 2 : i32
      %add3A_290 = arith.addi %add3A_289, %scan3A_11 : i32
      %mul3A_291 = arith.constant 80 : i32
      %mul3A_292 = arith.muli %add3A_290, %mul3A_291 : i32
      %add3A_293 = arith.constant 48 : i32
      %add3A_294 = arith.addi %mul3A_292, %add3A_293 : i32
      %get3A_295 = arith.index_cast %add3A_294 : i32 to index
      %get3A_296 = tpu.vector_load %arg7[%get3A_295] {strides = array<i32>} : memref<320xi32, #tpu.memory_space<vmem>>, vector<16xi32>,
      %bitcast3A_297 = vector.bitcast %get3A_296 : vector<16xi32> to vector<16xf32>
      %add3A_298 = arith.constant 48 : i32
      %add3A_299 = vector.broadcast %add3A_298 : i32 to vector<16xi32>
      %add3A_300 = arith.addi %add3A_299, %iota3A : vector<16xi32>
      tpu.vector_store_idx %arg15[%add3A_300, %broadcast_in_dim3A_2], %bitcast3A_297 : memref<80x16xf32, #tpu.memory_space<vmem>>[vector<16xi32>, vector<16xi32>], vector<16xf32>,
      %get3A_301 = arith.constant 64 : index
      %get3A_302 = tpu.vector_load %arg7[%get3A_301] {strides = array<i32>} : memref<320xi32, #tpu.memory_space<vmem>>, vector<16xi32>,
      %swap3A_303 = arith.constant 64 : index
      %swap3A_304 = tpu.vector_load %arg11[%swap3A_303] {strides = array<i32>} : memref<80xi32, #tpu.memory_space<vmem>>, vector<16xi32>,
      tpu.vector_store %arg11[%swap3A_303], %get3A_302 {strides = array<i32>} : memref<80xi32, #tpu.memory_space<vmem>>, vector<16xi32>,
      %add3A_305 = arith.constant 2 : i32
      %add3A_306 = arith.addi %add3A_305, %scan3A_11 : i32
      %mul3A_307 = arith.constant 80 : i32
      %mul3A_308 = arith.muli %add3A_306, %mul3A_307 : i32
      %add3A_309 = arith.constant 64 : i32
      %add3A_310 = arith.addi %mul3A_308, %add3A_309 : i32
      %get3A_311 = arith.index_cast %add3A_310 : i32 to index
      %get3A_312 = tpu.vector_load %arg7[%get3A_311] {strides = array<i32>} : memref<320xi32, #tpu.memory_space<vmem>>, vector<16xi32>,
      %bitcast3A_313 = vector.bitcast %get3A_312 : vector<16xi32> to vector<16xf32>
      %add3A_314 = arith.constant 64 : i32
      %add3A_315 = vector.broadcast %add3A_314 : i32 to vector<16xi32>
      %add3A_316 = arith.addi %add3A_315, %iota3A : vector<16xi32>
      tpu.vector_store_idx %arg15[%add3A_316, %broadcast_in_dim3A_2], %bitcast3A_313 : memref<80x16xf32, #tpu.memory_space<vmem>>[vector<16xi32>, vector<16xi32>], vector<16xf32>,
      %scan3A_317 = arith.constant 0 : i32
      %scan3A_318 = arith.constant 0 : i32
      %scan3A_319 = arith.constant 80 : i32
      %scan3A_320 = arith.addi %scan3A_318, %scan3A_319 : i32
      %scan3A_321 = arith.constant 8 : i32
      scf.for %scan3A_350 = %scan3A_318 to %scan3A_320 step %scan3A_321  : i32 {
        %get3A_351 = arith.index_cast %scan3A_350 : i32 to index
        %get3A_352 = arith.constant 0 : index
        %get3A_353 = tpu.vector_load %arg15[%get3A_351, %get3A_352] {strides = array<i32>} : memref<80x16xf32, #tpu.memory_space<vmem>>, vector<16xf32>,
        %slice3A = vector.extract_strided_slice %get3A_353 {offsets = [0], sizes = [1], strides = [1]} : vector<16xf32> to vector<1xf32>
        %squeeze3A = vector.extract %slice3A[0] : f32 from vector<1xf32>
        %get3A_354 = arith.index_cast %scan3A_350 : i32 to index
        %get3A_355 = arith.constant 0 : index
        %get3A_356 = tpu.vector_load %arg13[%get3A_354, %get3A_355] {strides = array<i32>} : memref<80x64xf32, #tpu.memory_space<vmem>>, vector<16xf32>,
        %mul3A_357 = vector.broadcast %squeeze3A : f32 to vector<16xf32>
        %mul3A_358 = arith.mulf %get3A_356, %mul3A_357 : vector<16xf32>
        %swap3A_359 = arith.index_cast %scan3A_350 : i32 to index
        %swap3A_360 = arith.constant 0 : index
        %swap3A_361 = tpu.vector_load %arg13[%swap3A_359, %swap3A_360] {strides = array<i32>} : memref<80x64xf32, #tpu.memory_space<vmem>>, vector<16xf32>,
        tpu.vector_store %arg13[%swap3A_359, %swap3A_360], %mul3A_358 {strides = array<i32>} : memref<80x64xf32, #tpu.memory_space<vmem>>, vector<16xf32>,
        %get3A_362 = arith.index_cast %scan3A_350 : i32 to index
        %get3A_363 = arith.constant 16 : index
        %get3A_364 = tpu.vector_load %arg13[%get3A_362, %get3A_363] {strides = array<i32>} : memref<80x64xf32, #tpu.memory_space<vmem>>, vector<16xf32>,
        %mul3A_365 = vector.broadcast %squeeze3A : f32 to vector<16xf32>
        %mul3A_366 = arith.mulf %get3A_364, %mul3A_365 : vector<16xf32>
        %swap3A_367 = arith.index_cast %scan3A_350 : i32 to index
        %swap3A_368 = arith.constant 16 : index
        %swap3A_369 = tpu.vector_load %arg13[%swap3A_367, %swap3A_368] {strides = array<i32>} : memref<80x64xf32, #tpu.memory_space<vmem>>, vector<16xf32>,
        tpu.vector_store %arg13[%swap3A_367, %swap3A_368], %mul3A_366 {strides = array<i32>} : memref<80x64xf32, #tpu.memory_space<vmem>>, vector<16xf32>,
        %get3A_370 = arith.index_cast %scan3A_350 : i32 to index
        %get3A_371 = arith.constant 32 : index
        %get3A_372 = tpu.vector_load %arg13[%get3A_370, %get3A_371] {strides = array<i32>} : memref<80x64xf32, #tpu.memory_space<vmem>>, vector<16xf32>,
        %mul3A_373 = vector.broadcast %squeeze3A : f32 to vector<16xf32>
        %mul3A_374 = arith.mulf %get3A_372, %mul3A_373 : vector<16xf32>
        %swap3A_375 = arith.index_cast %scan3A_350 : i32 to index
        %swap3A_376 = arith.constant 32 : index
        %swap3A_377 = tpu.vector_load %arg13[%swap3A_375, %swap3A_376] {strides = array<i32>} : memref<80x64xf32, #tpu.memory_space<vmem>>, vector<16xf32>,
        tpu.vector_store %arg13[%swap3A_375, %swap3A_376], %mul3A_374 {strides = array<i32>} : memref<80x64xf32, #tpu.memory_space<vmem>>, vector<16xf32>,
        %get3A_378 = arith.index_cast %scan3A_350 : i32 to index
        %get3A_379 = arith.constant 48 : index
        %get3A_380 = tpu.vector_load %arg13[%get3A_378, %get3A_379] {strides = array<i32>} : memref<80x64xf32, #tpu.memory_space<vmem>>, vector<16xf32>,
        %mul3A_381 = vector.broadcast %squeeze3A : f32 to vector<16xf32>
        %mul3A_382 = arith.mulf %get3A_380, %mul3A_381 : vector<16xf32>
        %swap3A_383 = arith.index_cast %scan3A_350 : i32 to index
        %swap3A_384 = arith.constant 48 : index
        %swap3A_385 = tpu.vector_load %arg13[%swap3A_383, %swap3A_384] {strides = array<i32>} : memref<80x64xf32, #tpu.memory_space<vmem>>, vector<16xf32>,
        tpu.vector_store %arg13[%swap3A_383, %swap3A_384], %mul3A_382 {strides = array<i32>} : memref<80x64xf32, #tpu.memory_space<vmem>>, vector<16xf32>,
        %scan3A_386 = arith.constant 1 : i32
        %scan3A_387 = arith.addi %scan3A_350, %scan3A_386 : i32
        %get3A_388 = arith.index_cast %scan3A_387 : i32 to index
        %get3A_389 = arith.constant 0 : index
        %get3A_390 = tpu.vector_load %arg15[%get3A_388, %get3A_389] {strides = array<i32>} : memref<80x16xf32, #tpu.memory_space<vmem>>, vector<16xf32>,
        %slice3A_391 = vector.extract_strided_slice %get3A_390 {offsets = [0], sizes = [1], strides = [1]} : vector<16xf32> to vector<1xf32>
        %squeeze3A_392 = vector.extract %slice3A_391[0] : f32 from vector<1xf32>
        %get3A_393 = arith.index_cast %scan3A_387 : i32 to index
        %get3A_394 = arith.constant 0 : index
        %get3A_395 = tpu.vector_load %arg13[%get3A_393, %get3A_394] {strides = array<i32>} : memref<80x64xf32, #tpu.memory_space<vmem>>, vector<16xf32>,
        %mul3A_396 = vector.broadcast %squeeze3A_392 : f32 to vector<16xf32>
        %mul3A_397 = arith.mulf %get3A_395, %mul3A_396 : vector<16xf32>
        %swap3A_398 = arith.index_cast %scan3A_387 : i32 to index
        %swap3A_399 = arith.constant 0 : index
        %swap3A_400 = tpu.vector_load %arg13[%swap3A_398, %swap3A_399] {strides = array<i32>} : memref<80x64xf32, #tpu.memory_space<vmem>>, vector<16xf32>,
        tpu.vector_store %arg13[%swap3A_398, %swap3A_399], %mul3A_397 {strides = array<i32>} : memref<80x64xf32, #tpu.memory_space<vmem>>, vector<16xf32>,
        %get3A_401 = arith.index_cast %scan3A_387 : i32 to index
        %get3A_402 = arith.constant 16 : index
        %get3A_403 = tpu.vector_load %arg13[%get3A_401, %get3A_402] {strides = array<i32>} : memref<80x64xf32, #tpu.memory_space<vmem>>, vector<16xf32>,
        %mul3A_404 = vector.broadcast %squeeze3A_392 : f32 to vector<16xf32>
        %mul3A_405 = arith.mulf %get3A_403, %mul3A_404 : vector<16xf32>
        %swap3A_406 = arith.index_cast %scan3A_387 : i32 to index
        %swap3A_407 = arith.constant 16 : index
        %swap3A_408 = tpu.vector_load %arg13[%swap3A_406, %swap3A_407] {strides = array<i32>} : memref<80x64xf32, #tpu.memory_space<vmem>>, vector<16xf32>,
        tpu.vector_store %arg13[%swap3A_406, %swap3A_407], %mul3A_405 {strides = array<i32>} : memref<80x64xf32, #tpu.memory_space<vmem>>, vector<16xf32>,
        %get3A_409 = arith.index_cast %scan3A_387 : i32 to index
        %get3A_410 = arith.constant 32 : index
        %get3A_411 = tpu.vector_load %arg13[%get3A_409, %get3A_410] {strides = array<i32>} : memref<80x64xf32, #tpu.memory_space<vmem>>, vector<16xf32>,
        %mul3A_412 = vector.broadcast %squeeze3A_392 : f32 to vector<16xf32>
        %mul3A_413 = arith.mulf %get3A_411, %mul3A_412 : vector<16xf32>
        %swap3A_414 = arith.index_cast %scan3A_387 : i32 to index
        %swap3A_415 = arith.constant 32 : index
        %swap3A_416 = tpu.vector_load %arg13[%swap3A_414, %swap3A_415] {strides = array<i32>} : memref<80x64xf32, #tpu.memory_space<vmem>>, vector<16xf32>,
        tpu.vector_store %arg13[%swap3A_414, %swap3A_415], %mul3A_413 {strides = array<i32>} : memref<80x64xf32, #tpu.memory_space<vmem>>, vector<16xf32>,
        %get3A_417 = arith.index_cast %scan3A_387 : i32 to index
        %get3A_418 = arith.constant 48 : index
        %get3A_419 = tpu.vector_load %arg13[%get3A_417, %get3A_418] {strides = array<i32>} : memref<80x64xf32, #tpu.memory_space<vmem>>, vector<16xf32>,
        %mul3A_420 = vector.broadcast %squeeze3A_392 : f32 to vector<16xf32>
        %mul3A_421 = arith.mulf %get3A_419, %mul3A_420 : vector<16xf32>
        %swap3A_422 = arith.index_cast %scan3A_387 : i32 to index
        %swap3A_423 = arith.constant 48 : index
        %swap3A_424 = tpu.vector_load %arg13[%swap3A_422, %swap3A_423] {strides = array<i32>} : memref<80x64xf32, #tpu.memory_space<vmem>>, vector<16xf32>,
        tpu.vector_store %arg13[%swap3A_422, %swap3A_423], %mul3A_421 {strides = array<i32>} : memref<80x64xf32, #tpu.memory_space<vmem>>, vector<16xf32>,
        %scan3A_425 = arith.constant 2 : i32
        %scan3A_426 = arith.addi %scan3A_350, %scan3A_425 : i32
        %get3A_427 = arith.index_cast %scan3A_426 : i32 to index
        %get3A_428 = arith.constant 0 : index
        %get3A_429 = tpu.vector_load %arg15[%get3A_427, %get3A_428] {strides = array<i32>} : memref<80x16xf32, #tpu.memory_space<vmem>>, vector<16xf32>,
        %slice3A_430 = vector.extract_strided_slice %get3A_429 {offsets = [0], sizes = [1], strides = [1]} : vector<16xf32> to vector<1xf32>
        %squeeze3A_431 = vector.extract %slice3A_430[0] : f32 from vector<1xf32>
        %get3A_432 = arith.index_cast %scan3A_426 : i32 to index
        %get3A_433 = arith.constant 0 : index
        %get3A_434 = tpu.vector_load %arg13[%get3A_432, %get3A_433] {strides = array<i32>} : memref<80x64xf32, #tpu.memory_space<vmem>>, vector<16xf32>,
        %mul3A_435 = vector.broadcast %squeeze3A_431 : f32 to vector<16xf32>
        %mul3A_436 = arith.mulf %get3A_434, %mul3A_435 : vector<16xf32>
        %swap3A_437 = arith.index_cast %scan3A_426 : i32 to index
        %swap3A_438 = arith.constant 0 : index
        %swap3A_439 = tpu.vector_load %arg13[%swap3A_437, %swap3A_438] {strides = array<i32>} : memref<80x64xf32, #tpu.memory_space<vmem>>, vector<16xf32>,
        tpu.vector_store %arg13[%swap3A_437, %swap3A_438], %mul3A_436 {strides = array<i32>} : memref<80x64xf32, #tpu.memory_space<vmem>>, vector<16xf32>,
        %get3A_440 = arith.index_cast %scan3A_426 : i32 to index
        %get3A_441 = arith.constant 16 : index
        %get3A_442 = tpu.vector_load %arg13[%get3A_440, %get3A_441] {strides = array<i32>} : memref<80x64xf32, #tpu.memory_space<vmem>>, vector<16xf32>,
        %mul3A_443 = vector.broadcast %squeeze3A_431 : f32 to vector<16xf32>
        %mul3A_444 = arith.mulf %get3A_442, %mul3A_443 : vector<16xf32>
        %swap3A_445 = arith.index_cast %scan3A_426 : i32 to index
        %swap3A_446 = arith.constant 16 : index
        %swap3A_447 = tpu.vector_load %arg13[%swap3A_445, %swap3A_446] {strides = array<i32>} : memref<80x64xf32, #tpu.memory_space<vmem>>, vector<16xf32>,
        tpu.vector_store %arg13[%swap3A_445, %swap3A_446], %mul3A_444 {strides = array<i32>} : memref<80x64xf32, #tpu.memory_space<vmem>>, vector<16xf32>,
        %get3A_448 = arith.index_cast %scan3A_426 : i32 to index
        %get3A_449 = arith.constant 32 : index
        %get3A_450 = tpu.vector_load %arg13[%get3A_448, %get3A_449] {strides = array<i32>} : memref<80x64xf32, #tpu.memory_space<vmem>>, vector<16xf32>,
        %mul3A_451 = vector.broadcast %squeeze3A_431 : f32 to vector<16xf32>
        %mul3A_452 = arith.mulf %get3A_450, %mul3A_451 : vector<16xf32>
        %swap3A_453 = arith.index_cast %scan3A_426 : i32 to index
        %swap3A_454 = arith.constant 32 : index
        %swap3A_455 = tpu.vector_load %arg13[%swap3A_453, %swap3A_454] {strides = array<i32>} : memref<80x64xf32, #tpu.memory_space<vmem>>, vector<16xf32>,
        tpu.vector_store %arg13[%swap3A_453, %swap3A_454], %mul3A_452 {strides = array<i32>} : memref<80x64xf32, #tpu.memory_space<vmem>>, vector<16xf32>,
        %get3A_456 = arith.index_cast %scan3A_426 : i32 to index
        %get3A_457 = arith.constant 48 : index
        %get3A_458 = tpu.vector_load %arg13[%get3A_456, %get3A_457] {strides = array<i32>} : memref<80x64xf32, #tpu.memory_space<vmem>>, vector<16xf32>,
        %mul3A_459 = vector.broadcast %squeeze3A_431 : f32 to vector<16xf32>
        %mul3A_460 = arith.mulf %get3A_458, %mul3A_459 : vector<16xf32>
        %swap3A_461 = arith.index_cast %scan3A_426 : i32 to index
        %swap3A_462 = arith.constant 48 : index
        %swap3A_463 = tpu.vector_load %arg13[%swap3A_461, %swap3A_462] {strides = array<i32>} : memref<80x64xf32, #tpu.memory_space<vmem>>, vector<16xf32>,
        tpu.vector_store %arg13[%swap3A_461, %swap3A_462], %mul3A_460 {strides = array<i32>} : memref<80x64xf32, #tpu.memory_space<vmem>>, vector<16xf32>,
        %scan3A_464 = arith.constant 3 : i32
        %scan3A_465 = arith.addi %scan3A_350, %scan3A_464 : i32
        %get3A_466 = arith.index_cast %scan3A_465 : i32 to index
        %get3A_467 = arith.constant 0 : index
        %get3A_468 = tpu.vector_load %arg15[%get3A_466, %get3A_467] {strides = array<i32>} : memref<80x16xf32, #tpu.memory_space<vmem>>, vector<16xf32>,
        %slice3A_469 = vector.extract_strided_slice %get3A_468 {offsets = [0], sizes = [1], strides = [1]} : vector<16xf32> to vector<1xf32>
        %squeeze3A_470 = vector.extract %slice3A_469[0] : f32 from vector<1xf32>
        %get3A_471 = arith.index_cast %scan3A_465 : i32 to index
        %get3A_472 = arith.constant 0 : index
        %get3A_473 = tpu.vector_load %arg13[%get3A_471, %get3A_472] {strides = array<i32>} : memref<80x64xf32, #tpu.memory_space<vmem>>, vector<16xf32>,
        %mul3A_474 = vector.broadcast %squeeze3A_470 : f32 to vector<16xf32>
        %mul3A_475 = arith.mulf %get3A_473, %mul3A_474 : vector<16xf32>
        %swap3A_476 = arith.index_cast %scan3A_465 : i32 to index
        %swap3A_477 = arith.constant 0 : index
        %swap3A_478 = tpu.vector_load %arg13[%swap3A_476, %swap3A_477] {strides = array<i32>} : memref<80x64xf32, #tpu.memory_space<vmem>>, vector<16xf32>,
        tpu.vector_store %arg13[%swap3A_476, %swap3A_477], %mul3A_475 {strides = array<i32>} : memref<80x64xf32, #tpu.memory_space<vmem>>, vector<16xf32>,
        %get3A_479 = arith.index_cast %scan3A_465 : i32 to index
        %get3A_480 = arith.constant 16 : index
        %get3A_481 = tpu.vector_load %arg13[%get3A_479, %get3A_480] {strides = array<i32>} : memref<80x64xf32, #tpu.memory_space<vmem>>, vector<16xf32>,
        %mul3A_482 = vector.broadcast %squeeze3A_470 : f32 to vector<16xf32>
        %mul3A_483 = arith.mulf %get3A_481, %mul3A_482 : vector<16xf32>
        %swap3A_484 = arith.index_cast %scan3A_465 : i32 to index
        %swap3A_485 = arith.constant 16 : index
        %swap3A_486 = tpu.vector_load %arg13[%swap3A_484, %swap3A_485] {strides = array<i32>} : memref<80x64xf32, #tpu.memory_space<vmem>>, vector<16xf32>,
        tpu.vector_store %arg13[%swap3A_484, %swap3A_485], %mul3A_483 {strides = array<i32>} : memref<80x64xf32, #tpu.memory_space<vmem>>, vector<16xf32>,
        %get3A_487 = arith.index_cast %scan3A_465 : i32 to index
        %get3A_488 = arith.constant 32 : index
        %get3A_489 = tpu.vector_load %arg13[%get3A_487, %get3A_488] {strides = array<i32>} : memref<80x64xf32, #tpu.memory_space<vmem>>, vector<16xf32>,
        %mul3A_490 = vector.broadcast %squeeze3A_470 : f32 to vector<16xf32>
        %mul3A_491 = arith.mulf %get3A_489, %mul3A_490 : vector<16xf32>
        %swap3A_492 = arith.index_cast %scan3A_465 : i32 to index
        %swap3A_493 = arith.constant 32 : index
        %swap3A_494 = tpu.vector_load %arg13[%swap3A_492, %swap3A_493] {strides = array<i32>} : memref<80x64xf32, #tpu.memory_space<vmem>>, vector<16xf32>,
        tpu.vector_store %arg13[%swap3A_492, %swap3A_493], %mul3A_491 {strides = array<i32>} : memref<80x64xf32, #tpu.memory_space<vmem>>, vector<16xf32>,
        %get3A_495 = arith.index_cast %scan3A_465 : i32 to index
        %get3A_496 = arith.constant 48 : index
        %get3A_497 = tpu.vector_load %arg13[%get3A_495, %get3A_496] {strides = array<i32>} : memref<80x64xf32, #tpu.memory_space<vmem>>, vector<16xf32>,
        %mul3A_498 = vector.broadcast %squeeze3A_470 : f32 to vector<16xf32>
        %mul3A_499 = arith.mulf %get3A_497, %mul3A_498 : vector<16xf32>
        %swap3A_500 = arith.index_cast %scan3A_465 : i32 to index
        %swap3A_501 = arith.constant 48 : index
        %swap3A_502 = tpu.vector_load %arg13[%swap3A_500, %swap3A_501] {strides = array<i32>} : memref<80x64xf32, #tpu.memory_space<vmem>>, vector<16xf32>,
        tpu.vector_store %arg13[%swap3A_500, %swap3A_501], %mul3A_499 {strides = array<i32>} : memref<80x64xf32, #tpu.memory_space<vmem>>, vector<16xf32>,
        %scan3A_503 = arith.constant 4 : i32
        %scan3A_504 = arith.addi %scan3A_350, %scan3A_503 : i32
        %get3A_505 = arith.index_cast %scan3A_504 : i32 to index
        %get3A_506 = arith.constant 0 : index
        %get3A_507 = tpu.vector_load %arg15[%get3A_505, %get3A_506] {strides = array<i32>} : memref<80x16xf32, #tpu.memory_space<vmem>>, vector<16xf32>,
        %slice3A_508 = vector.extract_strided_slice %get3A_507 {offsets = [0], sizes = [1], strides = [1]} : vector<16xf32> to vector<1xf32>
        %squeeze3A_509 = vector.extract %slice3A_508[0] : f32 from vector<1xf32>
        %get3A_510 = arith.index_cast %scan3A_504 : i32 to index
        %get3A_511 = arith.constant 0 : index
        %get3A_512 = tpu.vector_load %arg13[%get3A_510, %get3A_511] {strides = array<i32>} : memref<80x64xf32, #tpu.memory_space<vmem>>, vector<16xf32>,
        %mul3A_513 = vector.broadcast %squeeze3A_509 : f32 to vector<16xf32>
        %mul3A_514 = arith.mulf %get3A_512, %mul3A_513 : vector<16xf32>
        %swap3A_515 = arith.index_cast %scan3A_504 : i32 to index
        %swap3A_516 = arith.constant 0 : index
        %swap3A_517 = tpu.vector_load %arg13[%swap3A_515, %swap3A_516] {strides = array<i32>} : memref<80x64xf32, #tpu.memory_space<vmem>>, vector<16xf32>,
        tpu.vector_store %arg13[%swap3A_515, %swap3A_516], %mul3A_514 {strides = array<i32>} : memref<80x64xf32, #tpu.memory_space<vmem>>, vector<16xf32>,
        %get3A_518 = arith.index_cast %scan3A_504 : i32 to index
        %get3A_519 = arith.constant 16 : index
        %get3A_520 = tpu.vector_load %arg13[%get3A_518, %get3A_519] {strides = array<i32>} : memref<80x64xf32, #tpu.memory_space<vmem>>, vector<16xf32>,
        %mul3A_521 = vector.broadcast %squeeze3A_509 : f32 to vector<16xf32>
        %mul3A_522 = arith.mulf %get3A_520, %mul3A_521 : vector<16xf32>
        %swap3A_523 = arith.index_cast %scan3A_504 : i32 to index
        %swap3A_524 = arith.constant 16 : index
        %swap3A_525 = tpu.vector_load %arg13[%swap3A_523, %swap3A_524] {strides = array<i32>} : memref<80x64xf32, #tpu.memory_space<vmem>>, vector<16xf32>,
        tpu.vector_store %arg13[%swap3A_523, %swap3A_524], %mul3A_522 {strides = array<i32>} : memref<80x64xf32, #tpu.memory_space<vmem>>, vector<16xf32>,
        %get3A_526 = arith.index_cast %scan3A_504 : i32 to index
        %get3A_527 = arith.constant 32 : index
        %get3A_528 = tpu.vector_load %arg13[%get3A_526, %get3A_527] {strides = array<i32>} : memref<80x64xf32, #tpu.memory_space<vmem>>, vector<16xf32>,
        %mul3A_529 = vector.broadcast %squeeze3A_509 : f32 to vector<16xf32>
        %mul3A_530 = arith.mulf %get3A_528, %mul3A_529 : vector<16xf32>
        %swap3A_531 = arith.index_cast %scan3A_504 : i32 to index
        %swap3A_532 = arith.constant 32 : index
        %swap3A_533 = tpu.vector_load %arg13[%swap3A_531, %swap3A_532] {strides = array<i32>} : memref<80x64xf32, #tpu.memory_space<vmem>>, vector<16xf32>,
        tpu.vector_store %arg13[%swap3A_531, %swap3A_532], %mul3A_530 {strides = array<i32>} : memref<80x64xf32, #tpu.memory_space<vmem>>, vector<16xf32>,
        %get3A_534 = arith.index_cast %scan3A_504 : i32 to index
        %get3A_535 = arith.constant 48 : index
        %get3A_536 = tpu.vector_load %arg13[%get3A_534, %get3A_535] {strides = array<i32>} : memref<80x64xf32, #tpu.memory_space<vmem>>, vector<16xf32>,
        %mul3A_537 = vector.broadcast %squeeze3A_509 : f32 to vector<16xf32>
        %mul3A_538 = arith.mulf %get3A_536, %mul3A_537 : vector<16xf32>
        %swap3A_539 = arith.index_cast %scan3A_504 : i32 to index
        %swap3A_540 = arith.constant 48 : index
        %swap3A_541 = tpu.vector_load %arg13[%swap3A_539, %swap3A_540] {strides = array<i32>} : memref<80x64xf32, #tpu.memory_space<vmem>>, vector<16xf32>,
        tpu.vector_store %arg13[%swap3A_539, %swap3A_540], %mul3A_538 {strides = array<i32>} : memref<80x64xf32, #tpu.memory_space<vmem>>, vector<16xf32>,
        %scan3A_542 = arith.constant 5 : i32
        %scan3A_543 = arith.addi %scan3A_350, %scan3A_542 : i32
        %get3A_544 = arith.index_cast %scan3A_543 : i32 to index
        %get3A_545 = arith.constant 0 : index
        %get3A_546 = tpu.vector_load %arg15[%get3A_544, %get3A_545] {strides = array<i32>} : memref<80x16xf32, #tpu.memory_space<vmem>>, vector<16xf32>,
        %slice3A_547 = vector.extract_strided_slice %get3A_546 {offsets = [0], sizes = [1], strides = [1]} : vector<16xf32> to vector<1xf32>
        %squeeze3A_548 = vector.extract %slice3A_547[0] : f32 from vector<1xf32>
        %get3A_549 = arith.index_cast %scan3A_543 : i32 to index
        %get3A_550 = arith.constant 0 : index
        %get3A_551 = tpu.vector_load %arg13[%get3A_549, %get3A_550] {strides = array<i32>} : memref<80x64xf32, #tpu.memory_space<vmem>>, vector<16xf32>,
        %mul3A_552 = vector.broadcast %squeeze3A_548 : f32 to vector<16xf32>
        %mul3A_553 = arith.mulf %get3A_551, %mul3A_552 : vector<16xf32>
        %swap3A_554 = arith.index_cast %scan3A_543 : i32 to index
        %swap3A_555 = arith.constant 0 : index
        %swap3A_556 = tpu.vector_load %arg13[%swap3A_554, %swap3A_555] {strides = array<i32>} : memref<80x64xf32, #tpu.memory_space<vmem>>, vector<16xf32>,
        tpu.vector_store %arg13[%swap3A_554, %swap3A_555], %mul3A_553 {strides = array<i32>} : memref<80x64xf32, #tpu.memory_space<vmem>>, vector<16xf32>,
        %get3A_557 = arith.index_cast %scan3A_543 : i32 to index
        %get3A_558 = arith.constant 16 : index
        %get3A_559 = tpu.vector_load %arg13[%get3A_557, %get3A_558] {strides = array<i32>} : memref<80x64xf32, #tpu.memory_space<vmem>>, vector<16xf32>,
        %mul3A_560 = vector.broadcast %squeeze3A_548 : f32 to vector<16xf32>
        %mul3A_561 = arith.mulf %get3A_559, %mul3A_560 : vector<16xf32>
        %swap3A_562 = arith.index_cast %scan3A_543 : i32 to index
        %swap3A_563 = arith.constant 16 : index
        %swap3A_564 = tpu.vector_load %arg13[%swap3A_562, %swap3A_563] {strides = array<i32>} : memref<80x64xf32, #tpu.memory_space<vmem>>, vector<16xf32>,
        tpu.vector_store %arg13[%swap3A_562, %swap3A_563], %mul3A_561 {strides = array<i32>} : memref<80x64xf32, #tpu.memory_space<vmem>>, vector<16xf32>,
        %get3A_565 = arith.index_cast %scan3A_543 : i32 to index
        %get3A_566 = arith.constant 32 : index
        %get3A_567 = tpu.vector_load %arg13[%get3A_565, %get3A_566] {strides = array<i32>} : memref<80x64xf32, #tpu.memory_space<vmem>>, vector<16xf32>,
        %mul3A_568 = vector.broadcast %squeeze3A_548 : f32 to vector<16xf32>
        %mul3A_569 = arith.mulf %get3A_567, %mul3A_568 : vector<16xf32>
        %swap3A_570 = arith.index_cast %scan3A_543 : i32 to index
        %swap3A_571 = arith.constant 32 : index
        %swap3A_572 = tpu.vector_load %arg13[%swap3A_570, %swap3A_571] {strides = array<i32>} : memref<80x64xf32, #tpu.memory_space<vmem>>, vector<16xf32>,
        tpu.vector_store %arg13[%swap3A_570, %swap3A_571], %mul3A_569 {strides = array<i32>} : memref<80x64xf32, #tpu.memory_space<vmem>>, vector<16xf32>,
        %get3A_573 = arith.index_cast %scan3A_543 : i32 to index
        %get3A_574 = arith.constant 48 : index
        %get3A_575 = tpu.vector_load %arg13[%get3A_573, %get3A_574] {strides = array<i32>} : memref<80x64xf32, #tpu.memory_space<vmem>>, vector<16xf32>,
        %mul3A_576 = vector.broadcast %squeeze3A_548 : f32 to vector<16xf32>
        %mul3A_577 = arith.mulf %get3A_575, %mul3A_576 : vector<16xf32>
        %swap3A_578 = arith.index_cast %scan3A_543 : i32 to index
        %swap3A_579 = arith.constant 48 : index
        %swap3A_580 = tpu.vector_load %arg13[%swap3A_578, %swap3A_579] {strides = array<i32>} : memref<80x64xf32, #tpu.memory_space<vmem>>, vector<16xf32>,
        tpu.vector_store %arg13[%swap3A_578, %swap3A_579], %mul3A_577 {strides = array<i32>} : memref<80x64xf32, #tpu.memory_space<vmem>>, vector<16xf32>,
        %scan3A_581 = arith.constant 6 : i32
        %scan3A_582 = arith.addi %scan3A_350, %scan3A_581 : i32
        %get3A_583 = arith.index_cast %scan3A_582 : i32 to index
        %get3A_584 = arith.constant 0 : index
        %get3A_585 = tpu.vector_load %arg15[%get3A_583, %get3A_584] {strides = array<i32>} : memref<80x16xf32, #tpu.memory_space<vmem>>, vector<16xf32>,
        %slice3A_586 = vector.extract_strided_slice %get3A_585 {offsets = [0], sizes = [1], strides = [1]} : vector<16xf32> to vector<1xf32>
        %squeeze3A_587 = vector.extract %slice3A_586[0] : f32 from vector<1xf32>
        %get3A_588 = arith.index_cast %scan3A_582 : i32 to index
        %get3A_589 = arith.constant 0 : index
        %get3A_590 = tpu.vector_load %arg13[%get3A_588, %get3A_589] {strides = array<i32>} : memref<80x64xf32, #tpu.memory_space<vmem>>, vector<16xf32>,
        %mul3A_591 = vector.broadcast %squeeze3A_587 : f32 to vector<16xf32>
        %mul3A_592 = arith.mulf %get3A_590, %mul3A_591 : vector<16xf32>
        %swap3A_593 = arith.index_cast %scan3A_582 : i32 to index
        %swap3A_594 = arith.constant 0 : index
        %swap3A_595 = tpu.vector_load %arg13[%swap3A_593, %swap3A_594] {strides = array<i32>} : memref<80x64xf32, #tpu.memory_space<vmem>>, vector<16xf32>,
        tpu.vector_store %arg13[%swap3A_593, %swap3A_594], %mul3A_592 {strides = array<i32>} : memref<80x64xf32, #tpu.memory_space<vmem>>, vector<16xf32>,
        %get3A_596 = arith.index_cast %scan3A_582 : i32 to index
        %get3A_597 = arith.constant 16 : index
        %get3A_598 = tpu.vector_load %arg13[%get3A_596, %get3A_597] {strides = array<i32>} : memref<80x64xf32, #tpu.memory_space<vmem>>, vector<16xf32>,
        %mul3A_599 = vector.broadcast %squeeze3A_587 : f32 to vector<16xf32>
        %mul3A_600 = arith.mulf %get3A_598, %mul3A_599 : vector<16xf32>
        %swap3A_601 = arith.index_cast %scan3A_582 : i32 to index
        %swap3A_602 = arith.constant 16 : index
        %swap3A_603 = tpu.vector_load %arg13[%swap3A_601, %swap3A_602] {strides = array<i32>} : memref<80x64xf32, #tpu.memory_space<vmem>>, vector<16xf32>,
        tpu.vector_store %arg13[%swap3A_601, %swap3A_602], %mul3A_600 {strides = array<i32>} : memref<80x64xf32, #tpu.memory_space<vmem>>, vector<16xf32>,
        %get3A_604 = arith.index_cast %scan3A_582 : i32 to index
        %get3A_605 = arith.constant 32 : index
        %get3A_606 = tpu.vector_load %arg13[%get3A_604, %get3A_605] {strides = array<i32>} : memref<80x64xf32, #tpu.memory_space<vmem>>, vector<16xf32>,
        %mul3A_607 = vector.broadcast %squeeze3A_587 : f32 to vector<16xf32>
        %mul3A_608 = arith.mulf %get3A_606, %mul3A_607 : vector<16xf32>
        %swap3A_609 = arith.index_cast %scan3A_582 : i32 to index
        %swap3A_610 = arith.constant 32 : index
        %swap3A_611 = tpu.vector_load %arg13[%swap3A_609, %swap3A_610] {strides = array<i32>} : memref<80x64xf32, #tpu.memory_space<vmem>>, vector<16xf32>,
        tpu.vector_store %arg13[%swap3A_609, %swap3A_610], %mul3A_608 {strides = array<i32>} : memref<80x64xf32, #tpu.memory_space<vmem>>, vector<16xf32>,
        %get3A_612 = arith.index_cast %scan3A_582 : i32 to index
        %get3A_613 = arith.constant 48 : index
        %get3A_614 = tpu.vector_load %arg13[%get3A_612, %get3A_613] {strides = array<i32>} : memref<80x64xf32, #tpu.memory_space<vmem>>, vector<16xf32>,
        %mul3A_615 = vector.broadcast %squeeze3A_587 : f32 to vector<16xf32>
        %mul3A_616 = arith.mulf %get3A_614, %mul3A_615 : vector<16xf32>
        %swap3A_617 = arith.index_cast %scan3A_582 : i32 to index
        %swap3A_618 = arith.constant 48 : index
        %swap3A_619 = tpu.vector_load %arg13[%swap3A_617, %swap3A_618] {strides = array<i32>} : memref<80x64xf32, #tpu.memory_space<vmem>>, vector<16xf32>,
        tpu.vector_store %arg13[%swap3A_617, %swap3A_618], %mul3A_616 {strides = array<i32>} : memref<80x64xf32, #tpu.memory_space<vmem>>, vector<16xf32>,
        %scan3A_620 = arith.constant 7 : i32
        %scan3A_621 = arith.addi %scan3A_350, %scan3A_620 : i32
        %get3A_622 = arith.index_cast %scan3A_621 : i32 to index
        %get3A_623 = arith.constant 0 : index
        %get3A_624 = tpu.vector_load %arg15[%get3A_622, %get3A_623] {strides = array<i32>} : memref<80x16xf32, #tpu.memory_space<vmem>>, vector<16xf32>,
        %slice3A_625 = vector.extract_strided_slice %get3A_624 {offsets = [0], sizes = [1], strides = [1]} : vector<16xf32> to vector<1xf32>
        %squeeze3A_626 = vector.extract %slice3A_625[0] : f32 from vector<1xf32>
        %get3A_627 = arith.index_cast %scan3A_621 : i32 to index
        %get3A_628 = arith.constant 0 : index
        %get3A_629 = tpu.vector_load %arg13[%get3A_627, %get3A_628] {strides = array<i32>} : memref<80x64xf32, #tpu.memory_space<vmem>>, vector<16xf32>,
        %mul3A_630 = vector.broadcast %squeeze3A_626 : f32 to vector<16xf32>
        %mul3A_631 = arith.mulf %get3A_629, %mul3A_630 : vector<16xf32>
        %swap3A_632 = arith.index_cast %scan3A_621 : i32 to index
        %swap3A_633 = arith.constant 0 : index
        %swap3A_634 = tpu.vector_load %arg13[%swap3A_632, %swap3A_633] {strides = array<i32>} : memref<80x64xf32, #tpu.memory_space<vmem>>, vector<16xf32>,
        tpu.vector_store %arg13[%swap3A_632, %swap3A_633], %mul3A_631 {strides = array<i32>} : memref<80x64xf32, #tpu.memory_space<vmem>>, vector<16xf32>,
        %get3A_635 = arith.index_cast %scan3A_621 : i32 to index
        %get3A_636 = arith.constant 16 : index
        %get3A_637 = tpu.vector_load %arg13[%get3A_635, %get3A_636] {strides = array<i32>} : memref<80x64xf32, #tpu.memory_space<vmem>>, vector<16xf32>,
        %mul3A_638 = vector.broadcast %squeeze3A_626 : f32 to vector<16xf32>
        %mul3A_639 = arith.mulf %get3A_637, %mul3A_638 : vector<16xf32>
        %swap3A_640 = arith.index_cast %scan3A_621 : i32 to index
        %swap3A_641 = arith.constant 16 : index
        %swap3A_642 = tpu.vector_load %arg13[%swap3A_640, %swap3A_641] {strides = array<i32>} : memref<80x64xf32, #tpu.memory_space<vmem>>, vector<16xf32>,
        tpu.vector_store %arg13[%swap3A_640, %swap3A_641], %mul3A_639 {strides = array<i32>} : memref<80x64xf32, #tpu.memory_space<vmem>>, vector<16xf32>,
        %get3A_643 = arith.index_cast %scan3A_621 : i32 to index
        %get3A_644 = arith.constant 32 : index
        %get3A_645 = tpu.vector_load %arg13[%get3A_643, %get3A_644] {strides = array<i32>} : memref<80x64xf32, #tpu.memory_space<vmem>>, vector<16xf32>,
        %mul3A_646 = vector.broadcast %squeeze3A_626 : f32 to vector<16xf32>
        %mul3A_647 = arith.mulf %get3A_645, %mul3A_646 : vector<16xf32>
        %swap3A_648 = arith.index_cast %scan3A_621 : i32 to index
        %swap3A_649 = arith.constant 32 : index
        %swap3A_650 = tpu.vector_load %arg13[%swap3A_648, %swap3A_649] {strides = array<i32>} : memref<80x64xf32, #tpu.memory_space<vmem>>, vector<16xf32>,
        tpu.vector_store %arg13[%swap3A_648, %swap3A_649], %mul3A_647 {strides = array<i32>} : memref<80x64xf32, #tpu.memory_space<vmem>>, vector<16xf32>,
        %get3A_651 = arith.index_cast %scan3A_621 : i32 to index
        %get3A_652 = arith.constant 48 : index
        %get3A_653 = tpu.vector_load %arg13[%get3A_651, %get3A_652] {strides = array<i32>} : memref<80x64xf32, #tpu.memory_space<vmem>>, vector<16xf32>,
        %mul3A_654 = vector.broadcast %squeeze3A_626 : f32 to vector<16xf32>
        %mul3A_655 = arith.mulf %get3A_653, %mul3A_654 : vector<16xf32>
        %swap3A_656 = arith.index_cast %scan3A_621 : i32 to index
        %swap3A_657 = arith.constant 48 : index
        %swap3A_658 = tpu.vector_load %arg13[%swap3A_656, %swap3A_657] {strides = array<i32>} : memref<80x64xf32, #tpu.memory_space<vmem>>, vector<16xf32>,
        tpu.vector_store %arg13[%swap3A_656, %swap3A_657], %mul3A_655 {strides = array<i32>} : memref<80x64xf32, #tpu.memory_space<vmem>>, vector<16xf32>,
      }
      %scan3A_322 = arith.constant 80 : i32
      %dma_start3A_323 = arith.constant 0 : i32
      %dma_start3A_324 = arith.constant 0 : i32
      %dma_start3A_325 = tpu.memref_slice %arg16[%dma_start3A_323, %dma_start3A_324] : memref<10240x64xf32, #tpu.memory_space<vmem_shared>> -> memref<10240x64xf32, #tpu.memory_space<vmem_shared>>
      tpu.enqueue_indirect_dma source(%arg13 : memref<80x64xf32, #tpu.memory_space<vmem>>) target(%dma_start3A_325 : memref<10240x64xf32, #tpu.memory_space<vmem_shared>>) offsets(%arg11 : memref<80xi32, #tpu.memory_space<vmem>>) semaphore(%arg21 : memref<!tpu.dma_semaphore, #tpu.memory_space<semaphore_mem>>) {add = true}
      %dma_start3A_326 = arith.constant 0 : i32
      %dma_start3A_327 = arith.constant 0 : i32
      %dma_start3A_328 = tpu.memref_slice %arg17[%dma_start3A_326, %dma_start3A_327] : memref<10240x16xf32, #tpu.memory_space<vmem_shared>> -> memref<10240x16xf32, #tpu.memory_space<vmem_shared>>
      tpu.enqueue_indirect_dma source(%arg15 : memref<80x16xf32, #tpu.memory_space<vmem>>) target(%dma_start3A_328 : memref<10240x16xf32, #tpu.memory_space<vmem_shared>>) offsets(%arg11 : memref<80xi32, #tpu.memory_space<vmem>>) semaphore(%arg21 : memref<!tpu.dma_semaphore, #tpu.memory_space<semaphore_mem>>) {add = true}
      %dma_wait3A_329 = arith.constant 0 : i32
      %dma_wait3A_330 = arith.constant 0 : i32
      %dma_wait3A_331 = tpu.memref_slice %arg16[%dma_wait3A_329, %dma_wait3A_330] : memref<10240x64xf32, #tpu.memory_space<vmem_shared>> -> memref<10240x64xf32, #tpu.memory_space<vmem_shared>>
      tpu.wait_indirect_dma semaphore(%arg21 : memref<!tpu.dma_semaphore, #tpu.memory_space<semaphore_mem>>) src(%arg13 : memref<80x64xf32, #tpu.memory_space<vmem>>) dst(%dma_wait3A_331 : memref<10240x64xf32, #tpu.memory_space<vmem_shared>>)
      %dma_wait3A_332 = arith.constant 0 : i32
      %dma_wait3A_333 = arith.constant 0 : i32
      %dma_wait3A_334 = tpu.memref_slice %arg17[%dma_wait3A_332, %dma_wait3A_333] : memref<10240x16xf32, #tpu.memory_space<vmem_shared>> -> memref<10240x16xf32, #tpu.memory_space<vmem_shared>>
      tpu.wait_indirect_dma semaphore(%arg21 : memref<!tpu.dma_semaphore, #tpu.memory_space<semaphore_mem>>) src(%arg15 : memref<80x16xf32, #tpu.memory_space<vmem>>) dst(%dma_wait3A_334 : memref<10240x16xf32, #tpu.memory_space<vmem_shared>>)
      %barrier3A_335 = arith.constant 0 : index
      tpu.barrier barrier_id(%barrier3A_335)
      %mul3A_336 = arith.constant 640 : i32
      %mul3A_337 = arith.muli %arg1, %mul3A_336 : i32
      %mul3A_338 = arith.constant 10240 : i32
      %mul3A_339 = arith.muli %add3A_14, %mul3A_338 : i32
      %mul3A_340 = arith.constant 640 : i32
      %mul3A_341 = arith.muli %arg1, %mul3A_340 : i32
      %add3A_342 = arith.addi %mul3A_339, %mul3A_341 : i32
      "tpu.region"() ({
        %run_scoped3A = tpu.sem_alloc : memref<!tpu.dma_semaphore, #tpu.memory_space<semaphore_mem>>
        %dma_start3A_350 = arith.constant 0 : i32
        %dma_start3A_351 = tpu.memref_slice %arg4[%add3A_342, %dma_start3A_350] : memref<40960x64xf32, #tpu.memory_space<hbm>> -> memref<640x64xf32, #tpu.memory_space<hbm>>
        %dma_start3A_352 = arith.constant 0 : i32
        %dma_start3A_353 = tpu.memref_slice %arg16[%mul3A_337, %dma_start3A_352] : memref<10240x64xf32, #tpu.memory_space<vmem_shared>> -> memref<640x64xf32, #tpu.memory_space<vmem_shared>>
        tpu.enqueue_dma source(%dma_start3A_353 : memref<640x64xf32, #tpu.memory_space<vmem_shared>>) target(%dma_start3A_351 : memref<640x64xf32, #tpu.memory_space<hbm>>) target_semaphore(%run_scoped3A : memref<!tpu.dma_semaphore, #tpu.memory_space<semaphore_mem>>)
        %dma_wait3A_354 = arith.constant 0 : i32
        %dma_wait3A_355 = tpu.memref_slice %arg4[%add3A_342, %dma_wait3A_354] : memref<40960x64xf32, #tpu.memory_space<hbm>> -> memref<640x64xf32, #tpu.memory_space<hbm>>
        %dma_wait3A_356 = arith.constant 0 : i32
        %dma_wait3A_357 = tpu.memref_slice %arg16[%mul3A_337, %dma_wait3A_356] : memref<10240x64xf32, #tpu.memory_space<vmem_shared>> -> memref<640x64xf32, #tpu.memory_space<vmem_shared>>
        tpu.wait_dma2 semaphore(%run_scoped3A : memref<!tpu.dma_semaphore, #tpu.memory_space<semaphore_mem>>) src(%dma_wait3A_357 : memref<640x64xf32, #tpu.memory_space<vmem_shared>>) dst(%dma_wait3A_355 : memref<640x64xf32, #tpu.memory_space<hbm>>)
        tpu.yield
      }) : () -> ()
      %mul3A_343 = arith.constant 640 : i32
      %mul3A_344 = arith.muli %arg1, %mul3A_343 : i32
      %mul3A_345 = arith.constant 10240 : i32
      %mul3A_346 = arith.muli %add3A_14, %mul3A_345 : i32
      %mul3A_347 = arith.constant 640 : i32
      %mul3A_348 = arith.muli %arg1, %mul3A_347 : i32
      %add3A_349 = arith.addi %mul3A_346, %mul3A_348 : i32
      "tpu.region"() ({
        %run_scoped3A = tpu.sem_alloc : memref<!tpu.dma_semaphore, #tpu.memory_space<semaphore_mem>>
        %dma_start3A_350 = arith.constant 0 : i32
        %dma_start3A_351 = tpu.memref_slice %arg5[%add3A_349, %dma_start3A_350] : memref<40960x16xf32, #tpu.memory_space<hbm>> -> memref<640x16xf32, #tpu.memory_space<hbm>>
        %dma_start3A_352 = arith.constant 0 : i32
        %dma_start3A_353 = tpu.memref_slice %arg17[%mul3A_344, %dma_start3A_352] : memref<10240x16xf32, #tpu.memory_space<vmem_shared>> -> memref<640x16xf32, #tpu.memory_space<vmem_shared>>
        tpu.enqueue_dma source(%dma_start3A_353 : memref<640x16xf32, #tpu.memory_space<vmem_shared>>) target(%dma_start3A_351 : memref<640x16xf32, #tpu.memory_space<hbm>>) target_semaphore(%run_scoped3A : memref<!tpu.dma_semaphore, #tpu.memory_space<semaphore_mem>>)
        %dma_wait3A_354 = arith.constant 0 : i32
        %dma_wait3A_355 = tpu.memref_slice %arg5[%add3A_349, %dma_wait3A_354] : memref<40960x16xf32, #tpu.memory_space<hbm>> -> memref<640x16xf32, #tpu.memory_space<hbm>>
        %dma_wait3A_356 = arith.constant 0 : i32
        %dma_wait3A_357 = tpu.memref_slice %arg17[%mul3A_344, %dma_wait3A_356] : memref<10240x16xf32, #tpu.memory_space<vmem_shared>> -> memref<640x16xf32, #tpu.memory_space<vmem_shared>>
        tpu.wait_dma2 semaphore(%run_scoped3A : memref<!tpu.dma_semaphore, #tpu.memory_space<semaphore_mem>>) src(%dma_wait3A_357 : memref<640x16xf32, #tpu.memory_space<vmem_shared>>) dst(%dma_wait3A_355 : memref<640x16xf32, #tpu.memory_space<hbm>>)
        tpu.yield
      }) : () -> ()
    }
    %scan3A_10 = arith.constant 2 : i32
    return
  }
}

module attributes {stable_mosaic.version = 14 : i64} {
  func.func @_proj_body(%arg0: i32, %arg1: memref<2000x256xf32, #tpu.memory_space<vmem>>, %arg2: memref<256x256xf32, #tpu.memory_space<vmem>>, %arg3: memref<1x256xf32, #tpu.memory_space<vmem>>, %arg4: memref<4x64xf32, #tpu.memory_space<vmem>>, %arg5: memref<4x64xf32, #tpu.memory_space<vmem>>, %arg6: memref<4x2000x64xf32, #tpu.memory_space<vmem>>, %arg7: memref<2000x4xf32, #tpu.memory_space<vmem>>, %arg8: memref<2000x4xf32, #tpu.memory_space<vmem>>) attributes {dimension_semantics = [#tpu.dimension_semantics<arbitrary>], iteration_bounds = array<i64: 5>, scalar_prefetch = 0 : i64, scratch_operands = 0 : i64, tpu.core_type = #tpu.core_type<tc>, window_params = [{transform_indices = @transform_0, window_bounds = array<i64: 2000, 256>}, {pipeline_mode = #tpu.pipeline_mode<synchronous>, transform_indices = @transform_1, window_bounds = array<i64: 256, 256>}, {pipeline_mode = #tpu.pipeline_mode<synchronous>, transform_indices = @transform_2, window_bounds = array<i64: 1, 256>}, {pipeline_mode = #tpu.pipeline_mode<synchronous>, transform_indices = @transform_3, window_bounds = array<i64: 4, 64>}, {pipeline_mode = #tpu.pipeline_mode<synchronous>, transform_indices = @transform_4, window_bounds = array<i64: 4, 64>}, {transform_indices = @transform_5, window_bounds = array<i64: 4, 2000, 64>}, {transform_indices = @transform_6, window_bounds = array<i64: 2000, 4>}, {transform_indices = @transform_7, window_bounds = array<i64: 2000, 4>}]} {
    %get3A = arith.constant 0 : index
    %get3A_0 = arith.constant 0 : index
    %get3A_1 = vector.load %arg1[%get3A, %get3A_0] : memref<2000x256xf32, #tpu.memory_space<vmem>>, vector<2000x256xf32>
    %get3A_2 = arith.constant 0 : index
    %get3A_3 = arith.constant 0 : index
    %get3A_4 = vector.load %arg2[%get3A_2, %get3A_3] : memref<256x256xf32, #tpu.memory_space<vmem>>, vector<256x256xf32>
    %dot_general3A = arith.constant dense<0.000000e+00> : vector<2000x256xf32>
    %dot_general3A_5 = tpu.matmul %get3A_1, %get3A_4, %dot_general3A {dimension_numbers = #tpu.dot_dimension_numbers<[1], [1], [0], [0], [0, 0, 1, 0], [], []>, transpose_lhs_hint = false} : vector<2000x256xf32>, vector<256x256xf32>, vector<2000x256xf32> -> vector<2000x256xf32>
    %get3A_6 = arith.constant 0 : index
    %get3A_7 = arith.constant 0 : index
    %get3A_8 = vector.load %arg3[%get3A_6, %get3A_7] : memref<1x256xf32, #tpu.memory_space<vmem>>, vector<1x256xf32>
    %add3A = vector.broadcast %get3A_8 : vector<1x256xf32> to vector<2000x256xf32>
    %add3A_9 = arith.addf %dot_general3A_5, %add3A : vector<2000x256xf32>
    %get3A_10 = arith.constant 0 : index
    %get3A_11 = arith.constant 0 : index
    %get3A_12 = vector.load %arg4[%get3A_10, %get3A_11] : memref<4x64xf32, #tpu.memory_space<vmem>>, vector<4x64xf32>
    %get3A_13 = arith.constant 0 : index
    %get3A_14 = arith.constant 0 : index
    %get3A_15 = vector.load %arg5[%get3A_13, %get3A_14] : memref<4x64xf32, #tpu.memory_space<vmem>>, vector<4x64xf32>
    %slice3A = vector.extract_strided_slice %add3A_9 {offsets = [0, 0], sizes = [2000, 64], strides = [1, 1]} : vector<2000x256xf32> to vector<2000x64xf32>
    %reshape3A = vector.shape_cast %slice3A : vector<2000x64xf32> to vector<1x2000x64xf32>
    %swap3A = arith.constant 0 : index
    %swap3A_16 = arith.constant 0 : index
    %swap3A_17 = arith.constant 0 : index
    %swap3A_18 = vector.load %arg6[%swap3A, %swap3A_16, %swap3A_17] : memref<4x2000x64xf32, #tpu.memory_space<vmem>>, vector<1x2000x64xf32>
    tpu.vector_store %arg6[%swap3A, %swap3A_16, %swap3A_17], %reshape3A {strides = array<i32>} : memref<4x2000x64xf32, #tpu.memory_space<vmem>>, vector<1x2000x64xf32>,
    %slice3A_19 = vector.extract_strided_slice %get3A_12 {offsets = [0, 0], sizes = [1, 64], strides = [1, 1]} : vector<4x64xf32> to vector<1x64xf32>
    %mul3A = vector.broadcast %slice3A_19 : vector<1x64xf32> to vector<2000x64xf32>
    %mul3A_20 = arith.mulf %slice3A, %mul3A : vector<2000x64xf32>
    %reduce_sum3A = arith.constant dense<0.000000e+00> : vector<2000xf32>
    %reduce_sum3A_21 = vector.multi_reduction <add>, %mul3A_20, %reduce_sum3A [1] : vector<2000x64xf32> to vector<2000xf32>
    %reshape3A_22 = vector.shape_cast %reduce_sum3A_21 : vector<2000xf32> to vector<2000x1xf32>
    %slice3A_23 = vector.extract_strided_slice %get3A_15 {offsets = [0, 0], sizes = [1, 64], strides = [1, 1]} : vector<4x64xf32> to vector<1x64xf32>
    %mul3A_24 = vector.broadcast %slice3A_23 : vector<1x64xf32> to vector<2000x64xf32>
    %mul3A_25 = arith.mulf %slice3A, %mul3A_24 : vector<2000x64xf32>
    %reduce_sum3A_26 = arith.constant dense<0.000000e+00> : vector<2000xf32>
    %reduce_sum3A_27 = vector.multi_reduction <add>, %mul3A_25, %reduce_sum3A_26 [1] : vector<2000x64xf32> to vector<2000xf32>
    %reshape3A_28 = vector.shape_cast %reduce_sum3A_27 : vector<2000xf32> to vector<2000x1xf32>
    %slice3A_29 = vector.extract_strided_slice %add3A_9 {offsets = [0, 64], sizes = [2000, 64], strides = [1, 1]} : vector<2000x256xf32> to vector<2000x64xf32>
    %reshape3A_30 = vector.shape_cast %slice3A_29 : vector<2000x64xf32> to vector<1x2000x64xf32>
    %swap3A_31 = arith.constant 1 : index
    %swap3A_32 = arith.constant 0 : index
    %swap3A_33 = arith.constant 0 : index
    %swap3A_34 = vector.load %arg6[%swap3A_31, %swap3A_32, %swap3A_33] : memref<4x2000x64xf32, #tpu.memory_space<vmem>>, vector<1x2000x64xf32>
    tpu.vector_store %arg6[%swap3A_31, %swap3A_32, %swap3A_33], %reshape3A_30 {strides = array<i32>} : memref<4x2000x64xf32, #tpu.memory_space<vmem>>, vector<1x2000x64xf32>,
    %slice3A_35 = vector.extract_strided_slice %get3A_12 {offsets = [1, 0], sizes = [1, 64], strides = [1, 1]} : vector<4x64xf32> to vector<1x64xf32>
    %mul3A_36 = vector.broadcast %slice3A_35 : vector<1x64xf32> to vector<2000x64xf32>
    %mul3A_37 = arith.mulf %slice3A_29, %mul3A_36 : vector<2000x64xf32>
    %reduce_sum3A_38 = arith.constant dense<0.000000e+00> : vector<2000xf32>
    %reduce_sum3A_39 = vector.multi_reduction <add>, %mul3A_37, %reduce_sum3A_38 [1] : vector<2000x64xf32> to vector<2000xf32>
    %reshape3A_40 = vector.shape_cast %reduce_sum3A_39 : vector<2000xf32> to vector<2000x1xf32>
    %slice3A_41 = vector.extract_strided_slice %get3A_15 {offsets = [1, 0], sizes = [1, 64], strides = [1, 1]} : vector<4x64xf32> to vector<1x64xf32>
    %mul3A_42 = vector.broadcast %slice3A_41 : vector<1x64xf32> to vector<2000x64xf32>
    %mul3A_43 = arith.mulf %slice3A_29, %mul3A_42 : vector<2000x64xf32>
    %reduce_sum3A_44 = arith.constant dense<0.000000e+00> : vector<2000xf32>
    %reduce_sum3A_45 = vector.multi_reduction <add>, %mul3A_43, %reduce_sum3A_44 [1] : vector<2000x64xf32> to vector<2000xf32>
    %reshape3A_46 = vector.shape_cast %reduce_sum3A_45 : vector<2000xf32> to vector<2000x1xf32>
    %slice3A_47 = vector.extract_strided_slice %add3A_9 {offsets = [0, 128], sizes = [2000, 64], strides = [1, 1]} : vector<2000x256xf32> to vector<2000x64xf32>
    %reshape3A_48 = vector.shape_cast %slice3A_47 : vector<2000x64xf32> to vector<1x2000x64xf32>
    %swap3A_49 = arith.constant 2 : index
    %swap3A_50 = arith.constant 0 : index
    %swap3A_51 = arith.constant 0 : index
    %swap3A_52 = vector.load %arg6[%swap3A_49, %swap3A_50, %swap3A_51] : memref<4x2000x64xf32, #tpu.memory_space<vmem>>, vector<1x2000x64xf32>
    tpu.vector_store %arg6[%swap3A_49, %swap3A_50, %swap3A_51], %reshape3A_48 {strides = array<i32>} : memref<4x2000x64xf32, #tpu.memory_space<vmem>>, vector<1x2000x64xf32>,
    %slice3A_53 = vector.extract_strided_slice %get3A_12 {offsets = [2, 0], sizes = [1, 64], strides = [1, 1]} : vector<4x64xf32> to vector<1x64xf32>
    %mul3A_54 = vector.broadcast %slice3A_53 : vector<1x64xf32> to vector<2000x64xf32>
    %mul3A_55 = arith.mulf %slice3A_47, %mul3A_54 : vector<2000x64xf32>
    %reduce_sum3A_56 = arith.constant dense<0.000000e+00> : vector<2000xf32>
    %reduce_sum3A_57 = vector.multi_reduction <add>, %mul3A_55, %reduce_sum3A_56 [1] : vector<2000x64xf32> to vector<2000xf32>
    %reshape3A_58 = vector.shape_cast %reduce_sum3A_57 : vector<2000xf32> to vector<2000x1xf32>
    %slice3A_59 = vector.extract_strided_slice %get3A_15 {offsets = [2, 0], sizes = [1, 64], strides = [1, 1]} : vector<4x64xf32> to vector<1x64xf32>
    %mul3A_60 = vector.broadcast %slice3A_59 : vector<1x64xf32> to vector<2000x64xf32>
    %mul3A_61 = arith.mulf %slice3A_47, %mul3A_60 : vector<2000x64xf32>
    %reduce_sum3A_62 = arith.constant dense<0.000000e+00> : vector<2000xf32>
    %reduce_sum3A_63 = vector.multi_reduction <add>, %mul3A_61, %reduce_sum3A_62 [1] : vector<2000x64xf32> to vector<2000xf32>
    %reshape3A_64 = vector.shape_cast %reduce_sum3A_63 : vector<2000xf32> to vector<2000x1xf32>
    %slice3A_65 = vector.extract_strided_slice %add3A_9 {offsets = [0, 192], sizes = [2000, 64], strides = [1, 1]} : vector<2000x256xf32> to vector<2000x64xf32>
    %reshape3A_66 = vector.shape_cast %slice3A_65 : vector<2000x64xf32> to vector<1x2000x64xf32>
    %swap3A_67 = arith.constant 3 : index
    %swap3A_68 = arith.constant 0 : index
    %swap3A_69 = arith.constant 0 : index
    %swap3A_70 = vector.load %arg6[%swap3A_67, %swap3A_68, %swap3A_69] : memref<4x2000x64xf32, #tpu.memory_space<vmem>>, vector<1x2000x64xf32>
    tpu.vector_store %arg6[%swap3A_67, %swap3A_68, %swap3A_69], %reshape3A_66 {strides = array<i32>} : memref<4x2000x64xf32, #tpu.memory_space<vmem>>, vector<1x2000x64xf32>,
    %slice3A_71 = vector.extract_strided_slice %get3A_12 {offsets = [3, 0], sizes = [1, 64], strides = [1, 1]} : vector<4x64xf32> to vector<1x64xf32>
    %mul3A_72 = vector.broadcast %slice3A_71 : vector<1x64xf32> to vector<2000x64xf32>
    %mul3A_73 = arith.mulf %slice3A_65, %mul3A_72 : vector<2000x64xf32>
    %reduce_sum3A_74 = arith.constant dense<0.000000e+00> : vector<2000xf32>
    %reduce_sum3A_75 = vector.multi_reduction <add>, %mul3A_73, %reduce_sum3A_74 [1] : vector<2000x64xf32> to vector<2000xf32>
    %reshape3A_76 = vector.shape_cast %reduce_sum3A_75 : vector<2000xf32> to vector<2000x1xf32>
    %slice3A_77 = vector.extract_strided_slice %get3A_15 {offsets = [3, 0], sizes = [1, 64], strides = [1, 1]} : vector<4x64xf32> to vector<1x64xf32>
    %mul3A_78 = vector.broadcast %slice3A_77 : vector<1x64xf32> to vector<2000x64xf32>
    %mul3A_79 = arith.mulf %slice3A_65, %mul3A_78 : vector<2000x64xf32>
    %reduce_sum3A_80 = arith.constant dense<0.000000e+00> : vector<2000xf32>
    %reduce_sum3A_81 = vector.multi_reduction <add>, %mul3A_79, %reduce_sum3A_80 [1] : vector<2000x64xf32> to vector<2000xf32>
    %reshape3A_82 = vector.shape_cast %reduce_sum3A_81 : vector<2000xf32> to vector<2000x1xf32>
    %concatenate3A = tpu.concatenate %reshape3A_22, %reshape3A_40, %reshape3A_58, %reshape3A_76 in 1 : vector<2000x1xf32>, vector<2000x1xf32>, vector<2000x1xf32>, vector<2000x1xf32> -> vector<2000x4xf32>
    %swap3A_83 = arith.constant 0 : index
    %swap3A_84 = arith.constant 0 : index
    %swap3A_85 = vector.load %arg7[%swap3A_83, %swap3A_84] : memref<2000x4xf32, #tpu.memory_space<vmem>>, vector<2000x4xf32>
    tpu.vector_store %arg7[%swap3A_83, %swap3A_84], %concatenate3A {strides = array<i32>} : memref<2000x4xf32, #tpu.memory_space<vmem>>, vector<2000x4xf32>,
    %concatenate3A_86 = tpu.concatenate %reshape3A_28, %reshape3A_46, %reshape3A_64, %reshape3A_82 in 1 : vector<2000x1xf32>, vector<2000x1xf32>, vector<2000x1xf32>, vector<2000x1xf32> -> vector<2000x4xf32>
    %swap3A_87 = arith.constant 0 : index
    %swap3A_88 = arith.constant 0 : index
    %swap3A_89 = vector.load %arg8[%swap3A_87, %swap3A_88] : memref<2000x4xf32, #tpu.memory_space<vmem>>, vector<2000x4xf32>
    tpu.vector_store %arg8[%swap3A_87, %swap3A_88], %concatenate3A_86 {strides = array<i32>} : memref<2000x4xf32, #tpu.memory_space<vmem>>, vector<2000x4xf32>,
    return
  }
  func.func @transform_0(%arg0: i32) -> (i32, i32) {
    %c0_i32 = arith.constant 0 : i32
    %c0_i32_0 = arith.constant 0 : i32
    return %arg0, %c0_i32 : i32, i32
  }
  func.func @transform_1(%arg0: i32) -> (i32, i32) {
    %c0_i32 = arith.constant 0 : i32
    %c0_i32_0 = arith.constant 0 : i32
    %c0_i32_1 = arith.constant 0 : i32
    return %c0_i32, %c0_i32_0 : i32, i32
  }
  func.func @transform_2(%arg0: i32) -> (i32, i32) {
    %c0_i32 = arith.constant 0 : i32
    %c0_i32_0 = arith.constant 0 : i32
    %c0_i32_1 = arith.constant 0 : i32
    return %c0_i32, %c0_i32_0 : i32, i32
  }
  func.func @transform_3(%arg0: i32) -> (i32, i32) {
    %c0_i32 = arith.constant 0 : i32
    %c0_i32_0 = arith.constant 0 : i32
    %c0_i32_1 = arith.constant 0 : i32
    return %c0_i32, %c0_i32_0 : i32, i32
  }
  func.func @transform_4(%arg0: i32) -> (i32, i32) {
    %c0_i32 = arith.constant 0 : i32
    %c0_i32_0 = arith.constant 0 : i32
    %c0_i32_1 = arith.constant 0 : i32
    return %c0_i32, %c0_i32_0 : i32, i32
  }
  func.func @transform_5(%arg0: i32) -> (i32, i32, i32) {
    %c0_i32 = arith.constant 0 : i32
    %c0_i32_0 = arith.constant 0 : i32
    %c0_i32_1 = arith.constant 0 : i32
    return %c0_i32, %arg0, %c0_i32_0 : i32, i32, i32
  }
  func.func @transform_6(%arg0: i32) -> (i32, i32) {
    %c0_i32 = arith.constant 0 : i32
    %c0_i32_0 = arith.constant 0 : i32
    return %arg0, %c0_i32 : i32, i32
  }
  func.func @transform_7(%arg0: i32) -> (i32, i32) {
    %c0_i32 = arith.constant 0 : i32
    %c0_i32_0 = arith.constant 0 : i32
    return %arg0, %c0_i32 : i32, i32
  }
}

module attributes {stable_mosaic.version = 14 : i64} {
  func.func @_norm_body(%arg0: i32, %arg1: memref<4x2000x64xf32, #tpu.memory_space<vmem>>, %arg2: memref<4x2000x16xf32, #tpu.memory_space<vmem>>, %arg3: memref<2000x256xf32, #tpu.memory_space<vmem>>) attributes {dimension_semantics = [#tpu.dimension_semantics<arbitrary>], iteration_bounds = array<i64: 5>, scalar_prefetch = 0 : i64, scratch_operands = 0 : i64, tpu.core_type = #tpu.core_type<tc>, window_params = [{transform_indices = @transform_0, window_bounds = array<i64: 4, 2000, 64>}, {transform_indices = @transform_1, window_bounds = array<i64: 4, 2000, 16>}, {transform_indices = @transform_2, window_bounds = array<i64: 2000, 256>}]} {
    %get3A = arith.constant 0 : index
    %get3A_0 = arith.constant 0 : index
    %get3A_1 = arith.constant 0 : index
    %get3A_2 = vector.load %arg1[%get3A, %get3A_0, %get3A_1] : memref<4x2000x64xf32, #tpu.memory_space<vmem>>, vector<4x2000x64xf32>
    %get3A_3 = arith.constant 0 : index
    %get3A_4 = arith.constant 0 : index
    %get3A_5 = arith.constant 0 : index
    %get3A_6 = vector.load %arg2[%get3A_3, %get3A_4, %get3A_5] : memref<4x2000x16xf32, #tpu.memory_space<vmem>>, vector<4x2000x16xf32>
    %slice3A = vector.extract_strided_slice %get3A_6 {offsets = [0, 0, 0], sizes = [1, 2000, 1], strides = [1, 1, 1]} : vector<4x2000x16xf32> to vector<1x2000x1xf32>
    %squeeze3A = vector.shape_cast %slice3A : vector<1x2000x1xf32> to vector<2000x1xf32>
    %gt3A = arith.constant 0.000000e+00 : f32
    %gt3A_7 = vector.broadcast %gt3A : f32 to vector<2000x1xf32>
    %gt3A_8 = arith.cmpf ogt, %squeeze3A, %gt3A_7 : vector<2000x1xf32>
    %slice3A_9 = vector.extract_strided_slice %get3A_2 {offsets = [0, 0, 0], sizes = [1, 2000, 64], strides = [1, 1, 1]} : vector<4x2000x64xf32> to vector<1x2000x64xf32>
    %squeeze3A_10 = vector.shape_cast %slice3A_9 : vector<1x2000x64xf32> to vector<2000x64xf32>
    %div3A = vector.broadcast %squeeze3A : vector<2000x1xf32> to vector<2000x64xf32>
    %div3A_11 = arith.divf %squeeze3A_10, %div3A : vector<2000x64xf32>
    %jit3A = arith.constant 0.000000e+00 : f32
    %broadcast_in_dim3A = vector.shape_cast %gt3A_8 : vector<2000x1xi1> to vector<2000x1xi1>
    %broadcast_in_dim3A_12 = vector.broadcast %broadcast_in_dim3A : vector<2000x1xi1> to vector<2000x64xi1>
    %broadcast_in_dim3A_13 = vector.broadcast %jit3A : f32 to vector<2000x64xf32>
    %select_n3A = arith.select %broadcast_in_dim3A_12, %div3A_11, %broadcast_in_dim3A_13 : vector<2000x64xi1>, vector<2000x64xf32>
    %slice3A_14 = vector.extract_strided_slice %get3A_6 {offsets = [1, 0, 0], sizes = [1, 2000, 1], strides = [1, 1, 1]} : vector<4x2000x16xf32> to vector<1x2000x1xf32>
    %squeeze3A_15 = vector.shape_cast %slice3A_14 : vector<1x2000x1xf32> to vector<2000x1xf32>
    %gt3A_16 = arith.constant 0.000000e+00 : f32
    %gt3A_17 = vector.broadcast %gt3A_16 : f32 to vector<2000x1xf32>
    %gt3A_18 = arith.cmpf ogt, %squeeze3A_15, %gt3A_17 : vector<2000x1xf32>
    %slice3A_19 = vector.extract_strided_slice %get3A_2 {offsets = [1, 0, 0], sizes = [1, 2000, 64], strides = [1, 1, 1]} : vector<4x2000x64xf32> to vector<1x2000x64xf32>
    %squeeze3A_20 = vector.shape_cast %slice3A_19 : vector<1x2000x64xf32> to vector<2000x64xf32>
    %div3A_21 = vector.broadcast %squeeze3A_15 : vector<2000x1xf32> to vector<2000x64xf32>
    %div3A_22 = arith.divf %squeeze3A_20, %div3A_21 : vector<2000x64xf32>
    %jit3A_23 = arith.constant 0.000000e+00 : f32
    %broadcast_in_dim3A_24 = vector.shape_cast %gt3A_18 : vector<2000x1xi1> to vector<2000x1xi1>
    %broadcast_in_dim3A_25 = vector.broadcast %broadcast_in_dim3A_24 : vector<2000x1xi1> to vector<2000x64xi1>
    %broadcast_in_dim3A_26 = vector.broadcast %jit3A_23 : f32 to vector<2000x64xf32>
    %select_n3A_27 = arith.select %broadcast_in_dim3A_25, %div3A_22, %broadcast_in_dim3A_26 : vector<2000x64xi1>, vector<2000x64xf32>
    %slice3A_28 = vector.extract_strided_slice %get3A_6 {offsets = [2, 0, 0], sizes = [1, 2000, 1], strides = [1, 1, 1]} : vector<4x2000x16xf32> to vector<1x2000x1xf32>
    %squeeze3A_29 = vector.shape_cast %slice3A_28 : vector<1x2000x1xf32> to vector<2000x1xf32>
    %gt3A_30 = arith.constant 0.000000e+00 : f32
    %gt3A_31 = vector.broadcast %gt3A_30 : f32 to vector<2000x1xf32>
    %gt3A_32 = arith.cmpf ogt, %squeeze3A_29, %gt3A_31 : vector<2000x1xf32>
    %slice3A_33 = vector.extract_strided_slice %get3A_2 {offsets = [2, 0, 0], sizes = [1, 2000, 64], strides = [1, 1, 1]} : vector<4x2000x64xf32> to vector<1x2000x64xf32>
    %squeeze3A_34 = vector.shape_cast %slice3A_33 : vector<1x2000x64xf32> to vector<2000x64xf32>
    %div3A_35 = vector.broadcast %squeeze3A_29 : vector<2000x1xf32> to vector<2000x64xf32>
    %div3A_36 = arith.divf %squeeze3A_34, %div3A_35 : vector<2000x64xf32>
    %jit3A_37 = arith.constant 0.000000e+00 : f32
    %broadcast_in_dim3A_38 = vector.shape_cast %gt3A_32 : vector<2000x1xi1> to vector<2000x1xi1>
    %broadcast_in_dim3A_39 = vector.broadcast %broadcast_in_dim3A_38 : vector<2000x1xi1> to vector<2000x64xi1>
    %broadcast_in_dim3A_40 = vector.broadcast %jit3A_37 : f32 to vector<2000x64xf32>
    %select_n3A_41 = arith.select %broadcast_in_dim3A_39, %div3A_36, %broadcast_in_dim3A_40 : vector<2000x64xi1>, vector<2000x64xf32>
    %slice3A_42 = vector.extract_strided_slice %get3A_6 {offsets = [3, 0, 0], sizes = [1, 2000, 1], strides = [1, 1, 1]} : vector<4x2000x16xf32> to vector<1x2000x1xf32>
    %squeeze3A_43 = vector.shape_cast %slice3A_42 : vector<1x2000x1xf32> to vector<2000x1xf32>
    %gt3A_44 = arith.constant 0.000000e+00 : f32
    %gt3A_45 = vector.broadcast %gt3A_44 : f32 to vector<2000x1xf32>
    %gt3A_46 = arith.cmpf ogt, %squeeze3A_43, %gt3A_45 : vector<2000x1xf32>
    %slice3A_47 = vector.extract_strided_slice %get3A_2 {offsets = [3, 0, 0], sizes = [1, 2000, 64], strides = [1, 1, 1]} : vector<4x2000x64xf32> to vector<1x2000x64xf32>
    %squeeze3A_48 = vector.shape_cast %slice3A_47 : vector<1x2000x64xf32> to vector<2000x64xf32>
    %div3A_49 = vector.broadcast %squeeze3A_43 : vector<2000x1xf32> to vector<2000x64xf32>
    %div3A_50 = arith.divf %squeeze3A_48, %div3A_49 : vector<2000x64xf32>
    %jit3A_51 = arith.constant 0.000000e+00 : f32
    %broadcast_in_dim3A_52 = vector.shape_cast %gt3A_46 : vector<2000x1xi1> to vector<2000x1xi1>
    %broadcast_in_dim3A_53 = vector.broadcast %broadcast_in_dim3A_52 : vector<2000x1xi1> to vector<2000x64xi1>
    %broadcast_in_dim3A_54 = vector.broadcast %jit3A_51 : f32 to vector<2000x64xf32>
    %select_n3A_55 = arith.select %broadcast_in_dim3A_53, %div3A_50, %broadcast_in_dim3A_54 : vector<2000x64xi1>, vector<2000x64xf32>
    %concatenate3A = tpu.concatenate %select_n3A, %select_n3A_27, %select_n3A_41, %select_n3A_55 in 1 : vector<2000x64xf32>, vector<2000x64xf32>, vector<2000x64xf32>, vector<2000x64xf32> -> vector<2000x256xf32>
    %swap3A = arith.constant 0 : index
    %swap3A_56 = arith.constant 0 : index
    %swap3A_57 = vector.load %arg3[%swap3A, %swap3A_56] : memref<2000x256xf32, #tpu.memory_space<vmem>>, vector<2000x256xf32>
    tpu.vector_store %arg3[%swap3A, %swap3A_56], %concatenate3A {strides = array<i32>} : memref<2000x256xf32, #tpu.memory_space<vmem>>, vector<2000x256xf32>,
    return
  }
  func.func @transform_0(%arg0: i32) -> (i32, i32, i32) {
    %c0_i32 = arith.constant 0 : i32
    %c0_i32_0 = arith.constant 0 : i32
    %c0_i32_1 = arith.constant 0 : i32
    return %c0_i32, %arg0, %c0_i32_0 : i32, i32, i32
  }
  func.func @transform_1(%arg0: i32) -> (i32, i32, i32) {
    %c0_i32 = arith.constant 0 : i32
    %c0_i32_0 = arith.constant 0 : i32
    %c0_i32_1 = arith.constant 0 : i32
    return %c0_i32, %arg0, %c0_i32_0 : i32, i32, i32
  }
  func.func @transform_2(%arg0: i32) -> (i32, i32) {
    %c0_i32 = arith.constant 0 : i32
    %c0_i32_0 = arith.constant 0 : i32
    return %arg0, %c0_i32 : i32, i32
  }
}

</mosaic_0001>

<sc_bundles>
// kernel: kernel.6.cloned.1.call-start
scs
__scs_entry_jumppad:
0x0: {  	(pc) =	sbr.rel $0x88, $3  }
0x1: {  	(tag) =	ssettag $0x0;
	lr =	simm.s32 $0x1  }
0x2: {  	[smem:$0x3F9B] =	sst lr;
	_ =	strace $0xD0000000  }
0x3: {  	_ = 	snop  }
0x4: {  	_ = 	snop  }
0x5: {  	_ = 	snop  }
0x6: {  	_ = 	snop  }
0x7: {  	_ = 	snop  }
__scs_overlays_trampoline_lowered:
0x8: {  	[smem:$0x3FAA] =	sst s0  }
0x9: {  	[smem:$0x3FAB] =	sst s1  }
0xa: {  	[smem:$0x3FAC] =	sst s2  }
0xb: {  	[smem:$0x3FAD] =	sst s3  }
0xc: {  	[smem:$0x3FAE] =	sst s4  }
0xd: {  	[smem:$0x3FAF] =	sst s5  }
0xe: {  	[smem:$0x3FB0] =	sst s6  }
0xf: {  	[smem:$0x3FB1] =	sst s7  }
0x10: {  	[smem:$0x3FB2] =	sst s8  }
0x11: {  	[smem:$0x3FB3] =	sst s9;
	s0 =	simm.s32 @!p0 $0x0  }
0x12: {  	s1 =	sld [smem:$0x3F99];
	s0 =	simm.s32 @p0 $0x1  }
0x13: {  	[smem:$0x3FB4] =	sst s0;
	s0 =	simm.s32 @!p1 $0x0  }
0x14: {  	s2 =	sld [smem:$0x3F98];
	s0 =	simm.s32 @p1 $0x1  }
0x15: {  	[smem:$0x3FB5] =	sst s0;
	s0 =	simm.s32 @!p2 $0x0  }
0x16: {  	s3 =	sld [smem:$0x3FDB];
	s0 =	simm.s32 @p2 $0x1  }
0x17: {  	s4 =	simm.s32 $0x1BF5;
	[smem:$0x3FB7] =	sst s0  }
0x18: {  	s0 =	sld [smem:$0x3F9A];
	_ =	swait.ge [sflag:s4], $0x0  }
0x19: {  	s7 =	sld [smem:$0x3F9B]  }
0x1a: {  	s8 =	sadd.s32 $0xFFFFE003, lr  }
0x1b: {  	s9 =	sadd.s32 $0xFFFFFEF7, lr;
	s5 =	simm.s32 $0xFFFFFFFF;
	p2 =	slt.u32 s8, $0xFFFFF086  }
0x1c: {  	p1 =	slt.u32 s9, $0xF7A;
	s5 =	simm.s32 @!p2 $0x0  }
0x1d: {  	s5 =	simm.s32 @p1 $0x1;
	p0 =	seq.s32 s7, s2  }
0x1e: {  	s7 =	smul.u32 @!p0 $0xF7A, s2;
	p2 =	seq.s32 @!p0 s5, $0x0  }
0x1f: {  	s9 =	smul.u32 $0xF7A, s1;
	s8 =	simm.s32 @!p0 $0x1BF5;
	p2 =	por !p2, p0  }
0x20: {  	[sflag:s8] =	ssyncset.s32 @!p0 $0xFFFFF086;
	s6 =	sadd.s32 @!p0 s3, s7;
	s7 =	simm.s32 @!p0 $0x108  }
0x21: {  	s3 =	sadd.s32 s3, s9;
	s6 =	sadd.s32 @!p0 $0x88, s6;
	s7 =	simm.s32 @p2 $0x1082  }
0x22: {  	[simem:s7], [sflag:s8] =	dma.local @!p0 [hbm:s6], $0xF7A  }
0x23: {  	s9 =	sor.u32 $0xD0000000, s2;
	s6 =	simm.s32 $0x108;
	_ =	swait.ge @!p0 [sflag:s8], $0x0  }
0x24: {  	s3 =	sadd.s32 $0x88, s3;
	s6 =	simm.s32 @!p1 $0x1082;
	[sflag:s4] =	ssyncset.s32 $0xFFFFF086  }
0x25: {  	[simem:s6], [sflag:s4] =	dma.local [hbm:s3], $0xF7A  }
0x26: {  	[smem:$0x3F9B] =	sst s1;
	(tag) =	ssettag s2;
	_ =	strace s9  }
0x27: {  	s1 =	sld [smem:$0x3FAB]  }
0x28: {  	s2 =	sld [smem:$0x3FAC]  }
0x29: {  	s4 =	sld [smem:$0x3FAE]  }
0x2a: {  	p0 =	seq.s32 s5, $0x0;
	s5 =	sld [smem:$0x3FAF]  }
0x2b: {  	s6 =	sld [smem:$0x3FB0]  }
0x2c: {  	s7 =	sld [smem:$0x3FB1]  }
0x2d: {  	s3 =	simm.s32 $0x108;
	s8 =	sld [smem:$0x3FB2]  }
0x2e: {  	s3 =	simm.s32 @!p0 $0x1082;
	s9 =	sld [smem:$0x3FB3]  }
0x2f: {  	lr =	sadd.s32 s0, s3;
	s0 =	sld [smem:$0x3FAA]  }
0x30: {  	s3 =	sld [smem:$0x3FAD]  }
0x31: {  	[smem:$0x3FB6] =	sst s10  }
0x32: {  	s10 =	sld [smem:$0x3FB4];
	_ =	sdelay $0x3  }
0x33: {  	p0 =	seq.s32 s10, $0x1;
	s10 =	sld [smem:$0x3FB6];
	_ =	sdelay $0x3  }
0x34: {  	[smem:$0x3FB6] =	sst s10  }
0x35: {  	s10 =	sld [smem:$0x3FB5];
	_ =	sdelay $0x3  }
0x36: {  	p1 =	seq.s32 s10, $0x1;
	s10 =	sld [smem:$0x3FB6];
	_ =	sdelay $0x3  }
0x37: {  	[smem:$0x3FB6] =	sst s10  }
0x38: {  	s10 =	sld [smem:$0x3FB7]  }
0x39: {  	_ = 	snop;
	(pc) =	sbr.ind lr, $3  }
0x3a: {  	_ = 	snop  }
0x3b: {  	_ = 	snop  }
0x3c: {  	p2 =	seq.s32 s10, $0x1;
	s10 =	sld [smem:$0x3FB6]  }
0x3d: {  	_ =	shalt  }
0x3e: {  	_ =	shalt  }
0x3f: {  	_ =	shalt  }
0x40: {  	_ =	shalt  }
0x41: {  	_ =	shalt  }
0x42: {  	_ =	shalt  }
0x43: {  	_ =	shalt  }
0x44: {  	_ =	shalt  }
0x45: {  	_ =	shalt  }
0x46: {  	_ =	shalt  }
0x47: {  	_ =	shalt  }
0x48: {  	_ =	shalt  }
0x49: {  	_ =	shalt  }
0x4a: {  	_ =	shalt  }
0x4b: {  	_ =	shalt  }
0x4c: {  	_ =	shalt  }
0x4d: {  	_ =	shalt  }
0x4e: {  	_ =	shalt  }
0x4f: {  	_ =	shalt  }
0x50: {  	_ =	shalt  }
0x51: {  	_ =	shalt  }
0x52: {  	_ =	shalt  }
0x53: {  	_ =	shalt  }
0x54: {  	_ =	shalt  }
0x55: {  	_ =	shalt  }
0x56: {  	_ =	shalt  }
0x57: {  	_ =	shalt  }
0x58: {  	_ =	shalt  }
0x59: {  	_ =	shalt  }
0x5a: {  	_ =	shalt  }
0x5b: {  	_ =	shalt  }
0x5c: {  	_ =	shalt  }
0x5d: {  	_ =	shalt  }
0x5e: {  	_ =	shalt  }
0x5f: {  	_ =	shalt  }
0x60: {  	_ =	shalt  }
0x61: {  	_ =	shalt  }
0x62: {  	_ =	shalt  }
0x63: {  	_ =	shalt  }
0x64: {  	_ =	shalt  }
0x65: {  	_ =	shalt  }
0x66: {  	_ =	shalt  }
0x67: {  	_ =	shalt  }
0x68: {  	_ =	shalt  }
0x69: {  	_ =	shalt  }
0x6a: {  	_ =	shalt  }
0x6b: {  	_ =	shalt  }
0x6c: {  	_ =	shalt  }
0x6d: {  	_ =	shalt  }
0x6e: {  	_ =	shalt  }
0x6f: {  	_ =	shalt  }
0x70: {  	_ =	shalt  }
0x71: {  	_ =	shalt  }
0x72: {  	_ =	shalt  }
0x73: {  	_ =	shalt  }
0x74: {  	_ =	shalt  }
0x75: {  	_ =	shalt  }
0x76: {  	_ =	shalt  }
0x77: {  	_ =	shalt  }
0x78: {  	_ =	shalt  }
0x79: {  	_ =	shalt  }
0x7a: {  	_ =	shalt  }
0x7b: {  	_ =	shalt  }
0x7c: {  	_ =	shalt  }
0x7d: {  	_ =	shalt  }
0x7e: {  	_ =	shalt  }
0x7f: {  	_ =	shalt  }
0x80: {  	_ =	shalt  }
0x81: {  	_ =	shalt  }
0x82: {  	_ =	shalt  }
0x83: {  	_ =	shalt  }
0x84: {  	_ =	shalt  }
0x85: {  	_ =	shalt  }
0x86: {  	_ =	shalt  }
0x87: {  	_ =	shalt  }
.Lfunc_end0:
.L_simem_size_0:
called_computation_lowered:
.L_overlay_start_0:
0x88: {  	s2 =	sld [smem:$0x3FD9]  }
0x89: {  	s3 =	sld [smem:$0x3FFE];
	_ =	sdelay $0x1  }
0x8a: {  	s1 =	srdreg.scid  }
0x8b: {  	s0 =	sand.u32 $0x1, s1  }
0x8c: {  	s16 =	sshll.u32 s0, $0xA;
	s2 =	sadd.s32 s3, s2  }
0x8d: {  	s2 =	sadd.s32 s2, s16  }
0x8e: {  	[smem:$0x3FC2] =	sst s2  }
0x8f: {  	_ = 	snop  }
0x90: {  	(tm) =	ssettm $0x1  }
0x91: {  	s17 =	sld [smem:$0x3FFB];
	_ =	sdelay $0x3  }
0x92: {  	_ =	strace s17  }
0x93: {  	s2 =	sld [smem:$0x3FFC];
	_ =	sdelay $0x3  }
0x94: {  	_ =	strace s2  }
0x95: {  	s2 =	sld [smem:$0x3FFD];
	_ =	sdelay $0x3  }
0x96: {  	_ =	strace s2  }
0x97: {  	_ =	strace $0x8FFFFFFF  }
0x98: {  	s18 =	sld [smem:$0x3FDB];
	_ =	sdelay $0x1  }
0x99: {  	s19 =	simm.s32 $_scs_section_size  }
0x9a: {  	s4 =	simm.s32 $_size__tile_overlayer_lowered;
	s5 =	simm.s32 $_tile_overlayer_lowered  }
0x9b: {  	s22 =	simm.s32 $0x1BFF;
	s21 =	sshll.u32 s5, $0x1;
	s2 =	sadd.s32 s19, s18  }
0x9c: {  	s6 =	simm.s32 $0x0;
	s20 =	sshll.u32 s4, $0x1;
	s4 =	sadd.s32 s21, s2  }
0x9d: {  	[timem:s6], [sflag:s22] =	dma.local [hbm:s4], s20  }
0x9e: {  	_ =	swait.ge [sflag:s22], s20  }
0x9f: {  	s3 =	ssub.s32 $0x0, s20;
	[sflag:s22] =	ssyncset.done $0x0  }
0xa0: {  	[sflag:s22] =	ssyncadd.s32 s3;
	_ =	sdelay $0x1  }
0xa1: {  	s23 =	simm.s32 $0x1B8B  }
0xa2: {  	_ =	swait.ge [sflag:s23], $0x1  }
0xa3: {  	[sflag:s23] =	ssyncset.done $0x0  }
0xa4: {  	s25 =	simm.s32 $0x1B8E;
	s24 =	sld [smem:$0x3FFE];
	[sflag:s23] =	ssyncadd.s32 $0xFFFFFFFF  }
0xa5: {  	s26 =	simm.s32 $execute0_lowered;
	[smem:$0x3FD2] =	sst s25  }
0xa6: {  	s4 =	sshll.u32 s26, $0x1;
	_ =	strace $0x80000046;
	[dreg:$0x1] =	wrdreg $0xFFFFFFFF  }
0xa7: {  	s28 =	simm.s32 $_size_execute0_lowered;
	s2 =	sadd.s32 s2, s4;
	[dreg:$0x0] =	wrdreg $0x0  }
0xa8: {  	s4 =	sshll.u32 s28, $0x1;
	[dreg:$0x2] =	wrdreg s2  }
0xa9: {  	[dreg:$0x3] =	wrdreg s4  }
0xaa: {  	[dreg:$0x4] =	wrdreg $0xC0  }
0xab: {  	_ =	task [dreg:s6], $0x5FFFF  }
0xac: {  	[dreg:$0x1] =	wrdreg $0xFFFFFFFF  }
0xad: {  	[dreg:$0x0] =	wrdreg $0x60  }
0xae: {  	[dreg:$0x2] =	wrdreg s24  }
0xaf: {  	[dreg:$0x3] =	wrdreg $0x9  }
0xb0: {  	_ =	task.clear_ibuf [dreg:s6], $0x4FFFF;
	_ =	strace $0x90000046  }
0xb1: {  	s29 =	simm.s32 $0x9;
	_ =	strace $0x80000048  }
0xb2: {  	_ =	swait.ge [sflag:s29], $0x1  }
0xb3: {  	[sflag:s29] =	ssyncadd.s32 $0xFFFFFFFF  }
0xb4: {  	_ =	strace $0x90000048  }
0xb5: {  	_ =	sfence  }
0xb6: {  	s30 =	sld [smem:$0x0];
	_ =	sdelay $0x2  }
0xb7: {  	s31 =	sshll.u32 s1, $0xD;
	s1 =	sshrl.u32 s1, $0x2  }
0xb8: {  	s3 =	sand.u32 $0x4000, s31;
	s1 =	sadd.s32 s1, s30  }
0xb9: {  	s0 =	sor.u32 s3, s0;
	s1 =	sshll.u32 s1, $0x11  }
0xba: {  	s0 =	sor.u32 s1, s0  }
0xbb: {  	s0 =	sadd.s32 $0x8F2B, s0  }
0xbc: {  	[sflag:s0] =	ssyncadd.remote.s32 $0x1  }
0xbd: {  	_ =	sfence.sel $0xFFFF  }
0xbe: {  	[dreg:$0x0] =	wrdreg $0xFFFFFFFF;
	(pc) =	sbr.abs _section_cstart, $3  }
0xbf: {  	[dreg:$0x1] =	wrdreg $0xFFFFFFFF  }
0xc0: {  	_ =	task.clear_ibuf [dreg:s6], $0x2FFFF;
	_ =	strace $0x9FFFFFFF  }
0xc1: {  	(tm) =	ssettm $0x7FFFFFFF  }
tec
execute0_lowered:
.L_overlay_start_1:
0x0: {  	(tag) =	ssettag $0x1  }
0x1: {  	s5 =	rddreg [dreg:$0x0]  }
0x2: {  	s1 =	srdreg.scid;
	s0 =	rddreg [dreg:$0x1];
	s2 =	simm.s32 $0x0  }
0x3: {  	s10 =	simm.s32 $0x4E20;
	s11 =	simm.s32 $0x1;
	s12 =	simm.s32 $0x7530  }
0x4: {  	s13 =	simm.s32 $0x2710;
	s14 =	simm.s32 $0x9C40;
	s15 =	simm.s32 $0x0  }
0x5: {  	s7 =	sand.u32 $0x1, s1;
	s1 =	stileid.u32;
	[smem:$0x7FF] =	sst s2  }
0x6: {  	s4 =	sadd.s32 $0xA8C00, s5;
	s3 =	sshll.u32 s7, $0x4;
	s6 =	smul.u32 $0x4E2, s1  }
.Ltmp0:
0x7: {  	s9 =	ssub.s32 $0x2, s7;
	s3 =	sor.u32 s1, s3;
	(pc) =	sbr.rel .LBB2_1-.Ltmp0, $4  }
0x8: {  	_ =	strace $0x80000047;
	s31 =	sshrl.u32 s9, $0x1;
	s8 =	smul.u32 $0x13B0, s3  }
0x9: {  	v0 =	vlaneseq.u32;
	s7 =	sshll.u32 s7, $0x1;
	s3 =	sadd.s32 $0xA7800, s5;
	s9 =	ssub.s32 s9, s31  }
0xa: {  	v1 =	vimm.s32 $0x0;
	v2 =	vor.u32 $0x10, v0;
	s6 =	sadd.s32 s6, s5;
	s9 =	smax.u32 s9, $0x1;
	s8 =	sadd.s32 s8, s5  }
0xb: {  	v3 =	vor.u32 $0x20, v0;
	v4 =	vor.u32 $0x30, v0;
	v5 =	vor.u32 $0x40, v0;
	s5 =	sadd.s32 $0x6400, s6;
	s6 =	sadd.s32 $0x1400, s6;
	s8 =	sadd.s32 $0xAA000, s8  }
.LBB2_8:
0xc: {  	s15 =	sadd.s32 $0x1, s15  }
0xd: {  	p0 =	sne.s32 s15, s9  }
.Ltmp1:
0xe: {  	_ = 	snop;
	(pc) =	sbr.rel @!p0 .LBB2_9-.Ltmp1, $4  }
0xf: {  	[hbm4b:s8+s2] =	stream.linear.scatter [tilespmem:s14], [sflag:$0x1], $0x9D80, $0x38;
	[tilespmem:$0x139C0] =	vst v63  }
0x10: {  	_ =	swait.ge [sflag:s11], $0x9D80  }
0x11: {  	[sflag:s11] =	ssyncset.done $0x0  }
0x12: {  	[sflag:s11] =	ssyncadd.s32 $0xFFFF6280  }
.LBB2_1:
0x13: {  	[tilespmem:s10], [sflag:$0x1] =	stream.linear.gather [hbm4b:s5+s2], $0x2710, $0x38;
	[tilespmem:$0x139C0] =	vst v63  }
0x14: {  	_ =	swait.ge [sflag:s11], $0x2710  }
0x15: {  	[sflag:s11] =	ssyncset.done $0x0  }
0x16: {  	[sflag:s11] =	ssyncadd.s32 $0xFFFFD8F0  }
0x17: {  	[tilespmem:s12], [sflag:$0x1] =	stream.linear.gather [hbm4b:s6+s2], $0x2710, $0x38;
	[tilespmem:$0x139C0] =	vst v63  }
0x18: {  	_ =	swait.ge [sflag:s11], $0x2710  }
0x19: {  	[sflag:s11] =	ssyncset.done $0x0  }
0x1a: {  	[sflag:s11] =	ssyncadd.s32 $0xFFFFD8F0  }
0x1b: {  	[tilespmem:$0x13920] =	vst v1  }
0x1c: {  	[tilespmem:$0x13930] =	vst v1  }
0x1d: {  	[tilespmem:$0x13940] =	vst v1  }
0x1e: {  	[tilespmem:$0x13950] =	vst v1  }
0x1f: {  	[tilespmem:$0x13960] =	vst v1  }
0x20: {  	[tilespmem:$0x13970] =	vst v1  }
0x21: {  	[tilespmem:$0x13980] =	vst v1  }
0x22: {  	[tilespmem:$0x13990] =	vst v1  }
0x23: {  	[tilespmem:$0x139A0] =	vst v1  }
0x24: {  	[tilespmem:$0x139B0] =	vst v1  }
0x25: {  	[tilespmem:$0x13880] =	vst v0  }
0x26: {  	[tilespmem:$0x138D0] =	vst v0  }
0x27: {  	[tilespmem:$0x13890] =	vst v2  }
0x28: {  	[tilespmem:$0x138E0] =	vst v2  }
0x29: {  	[tilespmem:$0x138A0] =	vst v3  }
0x2a: {  	[tilespmem:$0x138F0] =	vst v3  }
0x2b: {  	[tilespmem:$0x138B0] =	vst v4  }
0x2c: {  	[tilespmem:$0x13900] =	vst v4  }
0x2d: {  	[tilespmem:$0x138C0] =	vst v5  }
0x2e: {  	p0 =	por $0x1, $0x1;
	s17 =	simm.s32 $0x0;
	[tilespmem:$0x13910] =	vst v5  }
.LBB2_2:
0x2f: {  	s16 =	sor.u32 s7, s17  }
0x30: {  	s18 =	smul.u32 $0x4E2, s16;
	_ =	sdelay $0x1  }
0x31: {  	s16 =	simm.s32 $0x0;
	s19 =	sadd.s32 s3, s18  }
0x32: {  	[tilespmem:s16], [sflag:$0x1] =	stream.linear.gather [hbm4b:s19+s16], $0x2710, $0x38;
	[tilespmem:$0x139C0] =	vst v63  }
0x33: {  	_ =	swait.ge [sflag:s11], $0x2710  }
0x34: {  	s30 =	smul.u32 $0x140, s17;
	[sflag:s11] =	ssyncset.done $0x0  }
.Ltmp2:
0x35: {  	s18 =	sadd.s32 s4, s18;
	[sflag:s11] =	ssyncadd.s32 $0xFFFFD8F0;
	(pc) =	sbr.rel .LBB2_3-.Ltmp2, $4  }
0x36: {  	[tilespmem:s13], [sflag:$0x1] =	stream.linear.gather [hbm4b:s18+s16], $0x2710, $0x38;
	[tilespmem:$0x139C0] =	vst v63  }
0x37: {  	_ =	swait.ge [sflag:s11], $0x2710  }
0x38: {  	s31 =	sshra.s32 s30, $0x2;
	[sflag:s11] =	ssyncset.done $0x0  }
0x39: {  	s17 =	simm.s32 $0x4E20;
	v6 =	vmov s31;
	s18 =	simm.s32 $0x7530;
	[sflag:s11] =	ssyncadd.s32 $0xFFFFD8F0  }
.LBB2_7:
0x3a: {  	p1 =	sne.s32 s16, $0x270  }
.Ltmp3:
0x3b: {  	_ = 	snop;
	(pc) =	sbr.rel @!p1 .LBB2_8-.Ltmp3, $1  }
0x3c: {  	_ =	sdelay $0x3  }
.LBB2_6:
0x3d: {  	s16 =	sadd.s32 $0x1, s16;
	s17 =	sadd.s32 $0x10, s17;
	s18 =	sadd.s32 $0x10, s18  }
.LBB2_3:
0x3e: {  	v8 =	vld [tilespmem:s17+$0x0]  }
0x3f: {  	v7 =	vld [tilespmem:s18+$0x0];
	_ =	sdelay $0x6  }
0x40: {  	v9 =	vld.idx.msk [tilespmem:v8+s2+$0x0], $0xffff  }
0x41: {  	v10 =	vld.idx.msk [tilespmem:v7+s13+$0x0], $0xffff;
	_ =	sdelay $0x4  }
0x42: {  	v9 =	vadd.f32 v10, v9;
	_ =	sdelay $0x1  }
0x43: {  	v10 =	vmul.f32 $2.000000030e-01, v9  }
0x44: {  	vm0 =	vge.f32 v9, $0.0e+00  }
0x45: {  	v9 =	vsel vm0, v9, v10  }
0x46: {  	v9 =	vmul.f32 $1.442695020e+00, v9;
	_ =	sdelay $0x1  }
0x47: {  	s19 =	smul.u32 $0xCCCD, s16;
	(erf) = vpow2.f32 v9;
	_ =	sdelay $0x1  }
0x48: {  	s19 =	sshrl.u32 s19, $0x12  }
0x49: {  	s20 =	smul.u32 $0x5, s19;
	_ =	sdelay $0x1  }
0x4a: {  	s19 =	smul.u32 $0x500, s19;
	s20 =	ssub.s32 s16, s20  }
.Ltmp4:
0x4b: {  	s20 =	sshll.u32 s20, $0x4;
	(pc) =	sbr.rel @!p0 .LBB2_7-.Ltmp4, $4  }
0x4c: {  	s19 =	sshrl.u32 s19, $0x2;
	s20 =	sand.u32 $0xFFF0, s20  }
0x4d: {  	s20 =	sadd.s32 s20, s19  }
0x4e: {  	s19 =	sadd.s32 $0x9C40, s20;
	v9 =	vpop (erf)  }
0x4f: {  	[tilespmem:v6+s19+$0xA0 ss:$0x1] =	vst.idx.msk $0xffff, v9  }
0x50: {  	p1 =	seq.s32 s16, $0x270  }
.Ltmp5:
0x51: {  	_ = 	snop;
	(pc) =	sbr.rel @!p1 .LBB2_6-.Ltmp5, $3  }
0x52: {  	_ =	sdelay $0x1  }
0x53: {  	[tilespmem:s20+$0x9C40] =	vst v8  }
0x54: {  	[tilespmem:s19+$0x50] =	vst v7  }
.Ltmp6:
0x55: {  	(pc) =	sbr.rel .LBB2_2-.Ltmp6, $2  }
0x56: {  	_ =	sdelay $0x2  }
0x57: {  	s17 =	simm.s32 $0x1;
	p0 =	por $0x0, $0x0  }
.LBB2_9:
0x58: {  	_ =	sfence.sel $0x180000  }
0x59: {  	[bflag:$0x0] =	sbarrier.arrive $0xFFFF  }
0x5a: {  	p0 =	sne.s32 s1, $0x0;
	_ =	strace $0x90000047  }
0x5b: {  	s0 =	sadd.s32 @!p0 $0x100000, s0;
	[bflag:$0x2] =	sbarrier.arrive $0xFFFF  }
0x5c: {  	[sflag:s0] =	ssyncadd.tile.s32 @!p0 $0x1;
	_ =	shalt  }
.Lfunc_end2:
_tile_overlayer_lowered:
.L_overlay_start_2:
0x5d: {  	(tag) =	ssettag $0x2  }
0x5e: {  	s0 =	rddreg [dreg:$0x0];
	s2 =	stileid.u32  }
0x5f: {  	s1 =	rddreg [dreg:$0x1];
	p0 =	sne.s32 s2, $0x0  }
0x60: {  	s3 =	rddreg [dreg:$0x2];
	[bflag:$0x3] =	sbarrier.arrive $0xFFFF;
	s2 =	simm.s32 @!p0 $0x1C01  }
0x61: {  	[timem:s3], [sflag:s2] =	dma.local @!p0 [hbm:s0], s1  }
0x62: {  	s0 =	simm.s32 @!p0 $0x1  }
0x63: {  	_ =	swait.ge @!p0 [sflag:s0], s1  }
0x64: {  	s1 =	ssub.s32 @!p0 $0x0, s1;
	[sflag:s0] =	ssyncset.done @!p0 $0x0  }
0x65: {  	[sflag:s0] =	ssyncadd.s32 @!p0 s1  }
0x66: {  	[bflag:$0x3] =	sbarrier.arrive $0xFFFF  }
0x67: {  	_ =	shalt  }

// kernel: kernel.9.cloned.1.call-start
scs
__scs_entry_jumppad:
0x0: {  	(pc) =	sbr.rel $0x88, $3  }
0x1: {  	(tag) =	ssettag $0x0;
	lr =	simm.s32 $0x1  }
0x2: {  	[smem:$0x3F9B] =	sst lr;
	_ =	strace $0xD0000000  }
0x3: {  	_ = 	snop  }
0x4: {  	_ = 	snop  }
0x5: {  	_ = 	snop  }
0x6: {  	_ = 	snop  }
0x7: {  	_ = 	snop  }
__scs_overlays_trampoline_lowered:
0x8: {  	[smem:$0x3FAA] =	sst s0  }
0x9: {  	[smem:$0x3FAB] =	sst s1  }
0xa: {  	[smem:$0x3FAC] =	sst s2  }
0xb: {  	[smem:$0x3FAD] =	sst s3  }
0xc: {  	[smem:$0x3FAE] =	sst s4  }
0xd: {  	[smem:$0x3FAF] =	sst s5  }
0xe: {  	[smem:$0x3FB0] =	sst s6  }
0xf: {  	[smem:$0x3FB1] =	sst s7  }
0x10: {  	[smem:$0x3FB2] =	sst s8  }
0x11: {  	[smem:$0x3FB3] =	sst s9;
	s0 =	simm.s32 @!p0 $0x0  }
0x12: {  	s1 =	sld [smem:$0x3F99];
	s0 =	simm.s32 @p0 $0x1  }
0x13: {  	[smem:$0x3FB4] =	sst s0;
	s0 =	simm.s32 @!p1 $0x0  }
0x14: {  	s2 =	sld [smem:$0x3F98];
	s0 =	simm.s32 @p1 $0x1  }
0x15: {  	[smem:$0x3FB5] =	sst s0;
	s0 =	simm.s32 @!p2 $0x0  }
0x16: {  	s3 =	sld [smem:$0x3FDB];
	s0 =	simm.s32 @p2 $0x1  }
0x17: {  	s4 =	simm.s32 $0x1BF5;
	[smem:$0x3FB7] =	sst s0  }
0x18: {  	s0 =	sld [smem:$0x3F9A];
	_ =	swait.ge [sflag:s4], $0x0  }
0x19: {  	s7 =	sld [smem:$0x3F9B]  }
0x1a: {  	s8 =	sadd.s32 $0xFFFFE003, lr  }
0x1b: {  	s9 =	sadd.s32 $0xFFFFFEF7, lr;
	s5 =	simm.s32 $0xFFFFFFFF;
	p2 =	slt.u32 s8, $0xFFFFF086  }
0x1c: {  	p1 =	slt.u32 s9, $0xF7A;
	s5 =	simm.s32 @!p2 $0x0  }
0x1d: {  	s5 =	simm.s32 @p1 $0x1;
	p0 =	seq.s32 s7, s2  }
0x1e: {  	s7 =	smul.u32 @!p0 $0xF7A, s2;
	p2 =	seq.s32 @!p0 s5, $0x0  }
0x1f: {  	s9 =	smul.u32 $0xF7A, s1;
	s8 =	simm.s32 @!p0 $0x1BF5;
	p2 =	por !p2, p0  }
0x20: {  	[sflag:s8] =	ssyncset.s32 @!p0 $0xFFFFF086;
	s6 =	sadd.s32 @!p0 s3, s7;
	s7 =	simm.s32 @!p0 $0x108  }
0x21: {  	s3 =	sadd.s32 s3, s9;
	s6 =	sadd.s32 @!p0 $0x88, s6;
	s7 =	simm.s32 @p2 $0x1082  }
0x22: {  	[simem:s7], [sflag:s8] =	dma.local @!p0 [hbm:s6], $0xF7A  }
0x23: {  	s9 =	sor.u32 $0xD0000000, s2;
	s6 =	simm.s32 $0x108;
	_ =	swait.ge @!p0 [sflag:s8], $0x0  }
0x24: {  	s3 =	sadd.s32 $0x88, s3;
	s6 =	simm.s32 @!p1 $0x1082;
	[sflag:s4] =	ssyncset.s32 $0xFFFFF086  }
0x25: {  	[simem:s6], [sflag:s4] =	dma.local [hbm:s3], $0xF7A  }
0x26: {  	[smem:$0x3F9B] =	sst s1;
	(tag) =	ssettag s2;
	_ =	strace s9  }
0x27: {  	s1 =	sld [smem:$0x3FAB]  }
0x28: {  	s2 =	sld [smem:$0x3FAC]  }
0x29: {  	s4 =	sld [smem:$0x3FAE]  }
0x2a: {  	p0 =	seq.s32 s5, $0x0;
	s5 =	sld [smem:$0x3FAF]  }
0x2b: {  	s6 =	sld [smem:$0x3FB0]  }
0x2c: {  	s7 =	sld [smem:$0x3FB1]  }
0x2d: {  	s3 =	simm.s32 $0x108;
	s8 =	sld [smem:$0x3FB2]  }
0x2e: {  	s3 =	simm.s32 @!p0 $0x1082;
	s9 =	sld [smem:$0x3FB3]  }
0x2f: {  	lr =	sadd.s32 s0, s3;
	s0 =	sld [smem:$0x3FAA]  }
0x30: {  	s3 =	sld [smem:$0x3FAD]  }
0x31: {  	[smem:$0x3FB6] =	sst s10  }
0x32: {  	s10 =	sld [smem:$0x3FB4];
	_ =	sdelay $0x3  }
0x33: {  	p0 =	seq.s32 s10, $0x1;
	s10 =	sld [smem:$0x3FB6];
	_ =	sdelay $0x3  }
0x34: {  	[smem:$0x3FB6] =	sst s10  }
0x35: {  	s10 =	sld [smem:$0x3FB5];
	_ =	sdelay $0x3  }
0x36: {  	p1 =	seq.s32 s10, $0x1;
	s10 =	sld [smem:$0x3FB6];
	_ =	sdelay $0x3  }
0x37: {  	[smem:$0x3FB6] =	sst s10  }
0x38: {  	s10 =	sld [smem:$0x3FB7]  }
0x39: {  	_ = 	snop;
	(pc) =	sbr.ind lr, $3  }
0x3a: {  	_ = 	snop  }
0x3b: {  	_ = 	snop  }
0x3c: {  	p2 =	seq.s32 s10, $0x1;
	s10 =	sld [smem:$0x3FB6]  }
0x3d: {  	_ =	shalt  }
0x3e: {  	_ =	shalt  }
0x3f: {  	_ =	shalt  }
0x40: {  	_ =	shalt  }
0x41: {  	_ =	shalt  }
0x42: {  	_ =	shalt  }
0x43: {  	_ =	shalt  }
0x44: {  	_ =	shalt  }
0x45: {  	_ =	shalt  }
0x46: {  	_ =	shalt  }
0x47: {  	_ =	shalt  }
0x48: {  	_ =	shalt  }
0x49: {  	_ =	shalt  }
0x4a: {  	_ =	shalt  }
0x4b: {  	_ =	shalt  }
0x4c: {  	_ =	shalt  }
0x4d: {  	_ =	shalt  }
0x4e: {  	_ =	shalt  }
0x4f: {  	_ =	shalt  }
0x50: {  	_ =	shalt  }
0x51: {  	_ =	shalt  }
0x52: {  	_ =	shalt  }
0x53: {  	_ =	shalt  }
0x54: {  	_ =	shalt  }
0x55: {  	_ =	shalt  }
0x56: {  	_ =	shalt  }
0x57: {  	_ =	shalt  }
0x58: {  	_ =	shalt  }
0x59: {  	_ =	shalt  }
0x5a: {  	_ =	shalt  }
0x5b: {  	_ =	shalt  }
0x5c: {  	_ =	shalt  }
0x5d: {  	_ =	shalt  }
0x5e: {  	_ =	shalt  }
0x5f: {  	_ =	shalt  }
0x60: {  	_ =	shalt  }
0x61: {  	_ =	shalt  }
0x62: {  	_ =	shalt  }
0x63: {  	_ =	shalt  }
0x64: {  	_ =	shalt  }
0x65: {  	_ =	shalt  }
0x66: {  	_ =	shalt  }
0x67: {  	_ =	shalt  }
0x68: {  	_ =	shalt  }
0x69: {  	_ =	shalt  }
0x6a: {  	_ =	shalt  }
0x6b: {  	_ =	shalt  }
0x6c: {  	_ =	shalt  }
0x6d: {  	_ =	shalt  }
0x6e: {  	_ =	shalt  }
0x6f: {  	_ =	shalt  }
0x70: {  	_ =	shalt  }
0x71: {  	_ =	shalt  }
0x72: {  	_ =	shalt  }
0x73: {  	_ =	shalt  }
0x74: {  	_ =	shalt  }
0x75: {  	_ =	shalt  }
0x76: {  	_ =	shalt  }
0x77: {  	_ =	shalt  }
0x78: {  	_ =	shalt  }
0x79: {  	_ =	shalt  }
0x7a: {  	_ =	shalt  }
0x7b: {  	_ =	shalt  }
0x7c: {  	_ =	shalt  }
0x7d: {  	_ =	shalt  }
0x7e: {  	_ =	shalt  }
0x7f: {  	_ =	shalt  }
0x80: {  	_ =	shalt  }
0x81: {  	_ =	shalt  }
0x82: {  	_ =	shalt  }
0x83: {  	_ =	shalt  }
0x84: {  	_ =	shalt  }
0x85: {  	_ =	shalt  }
0x86: {  	_ =	shalt  }
0x87: {  	_ =	shalt  }
.Lfunc_end0:
.L_simem_size_0:
called_computation.1_lowered:
.L_overlay_start_0:
0x88: {  	s2 =	sld [smem:$0x3FD9]  }
0x89: {  	s3 =	sld [smem:$0x3FFE];
	_ =	sdelay $0x1  }
0x8a: {  	s1 =	srdreg.scid  }
0x8b: {  	s0 =	sand.u32 $0x1, s1  }
0x8c: {  	s17 =	sshll.u32 s0, $0xA;
	s2 =	sadd.s32 s3, s2  }
0x8d: {  	s2 =	sadd.s32 s2, s17  }
0x8e: {  	[smem:$0x3FC2] =	sst s2  }
0x8f: {  	_ = 	snop  }
0x90: {  	s2 =	sld [smem:$0x3FD0];
	(tm) =	ssettm $0x1  }
0x91: {  	s18 =	sld [smem:$0x3FFB];
	_ =	sdelay $0x3  }
0x92: {  	_ =	strace s18  }
0x93: {  	s3 =	sld [smem:$0x3FFC];
	_ =	sdelay $0x3  }
0x94: {  	_ =	strace s3  }
0x95: {  	s3 =	sld [smem:$0x3FFD];
	_ =	sdelay $0x3  }
0x96: {  	_ =	strace s3  }
0x97: {  	_ =	strace $0x8FFFFFFF  }
0x98: {  	s19 =	sld [smem:$0x3FDB];
	_ =	sdelay $0x1  }
0x99: {  	s4 =	simm.s32 $_scs_section_size  }
0x9a: {  	s5 =	simm.s32 $_size__tile_overlayer_lowered;
	s6 =	simm.s32 $_tile_overlayer_lowered  }
0x9b: {  	s22 =	simm.s32 $0x1BFF;
	s21 =	sshll.u32 s6, $0x1;
	s3 =	sadd.s32 s4, s19  }
0x9c: {  	s7 =	simm.s32 $0x0;
	s20 =	sshll.u32 s5, $0x1;
	s5 =	sadd.s32 s21, s3  }
0x9d: {  	[timem:s7], [sflag:s22] =	dma.local [hbm:s5], s20  }
0x9e: {  	_ =	swait.ge [sflag:s22], s20  }
0x9f: {  	s4 =	ssub.s32 $0x0, s20;
	[sflag:s22] =	ssyncset.done $0x0  }
0xa0: {  	[sflag:s22] =	ssyncadd.s32 s4;
	_ =	sdelay $0x1  }
0xa1: {  	s23 =	simm.s32 $0x1B8B  }
0xa2: {  	_ =	swait.ge [sflag:s23], $0x1  }
0xa3: {  	[sflag:s23] =	ssyncset.done $0x0  }
0xa4: {  	s25 =	simm.s32 $0x1B8E;
	s24 =	sld [smem:$0x3FFE];
	[sflag:s23] =	ssyncadd.s32 $0xFFFFFFFF  }
0xa5: {  	s26 =	simm.s32 $execute0_lowered;
	[smem:$0x3FD2] =	sst s25  }
0xa6: {  	s5 =	sshll.u32 s26, $0x1;
	_ =	strace $0x80000049;
	[dreg:$0x1] =	wrdreg $0xFFFFFFFF  }
0xa7: {  	s28 =	simm.s32 $_size_execute0_lowered;
	s3 =	sadd.s32 s3, s5;
	[dreg:$0x0] =	wrdreg $0x0  }
0xa8: {  	s5 =	sshll.u32 s28, $0x1;
	[dreg:$0x2] =	wrdreg s3  }
0xa9: {  	[dreg:$0x3] =	wrdreg s5  }
0xaa: {  	[dreg:$0x4] =	wrdreg $0xC0  }
0xab: {  	_ =	task [dreg:s7], $0x5FFFF  }
0xac: {  	[dreg:$0x1] =	wrdreg $0xFFFFFFFF  }
0xad: {  	[dreg:$0x0] =	wrdreg $0x60  }
0xae: {  	[dreg:$0x2] =	wrdreg s2  }
0xaf: {  	[dreg:$0x3] =	wrdreg s24  }
0xb0: {  	[dreg:$0x4] =	wrdreg $0x35C00  }
0xb1: {  	[dreg:$0x5] =	wrdreg $0xD5C00  }
0xb2: {  	[dreg:$0x6] =	wrdreg $0x9  }
0xb3: {  	_ =	task.clear_ibuf [dreg:s7], $0x7FFFF;
	_ =	strace $0x90000049  }
0xb4: {  	s29 =	simm.s32 $0x9;
	_ =	strace $0x8000004B  }
0xb5: {  	_ =	swait.ge [sflag:s29], $0x1  }
0xb6: {  	[sflag:s29] =	ssyncadd.s32 $0xFFFFFFFF  }
0xb7: {  	_ =	strace $0x9000004B  }
0xb8: {  	_ =	sfence  }
0xb9: {  	s30 =	sld [smem:$0x0];
	_ =	sdelay $0x2  }
0xba: {  	s31 =	sshll.u32 s1, $0xD;
	s1 =	sshrl.u32 s1, $0x2  }
0xbb: {  	s3 =	sand.u32 $0x4000, s31;
	s1 =	sadd.s32 s1, s30  }
0xbc: {  	s0 =	sor.u32 s3, s0;
	s1 =	sshll.u32 s1, $0x11  }
0xbd: {  	s0 =	sor.u32 s1, s0  }
0xbe: {  	s0 =	sadd.s32 $0x8F2B, s0  }
0xbf: {  	[sflag:s0] =	ssyncadd.remote.s32 $0x1  }
0xc0: {  	_ =	sfence.sel $0xFFFF  }
0xc1: {  	[dreg:$0x0] =	wrdreg $0xFFFFFFFF;
	(pc) =	sbr.abs _section_cstart, $3  }
0xc2: {  	[dreg:$0x1] =	wrdreg $0xFFFFFFFF  }
0xc3: {  	_ =	task.clear_ibuf [dreg:s7], $0x2FFFF;
	_ =	strace $0x9FFFFFFF  }
0xc4: {  	(tm) =	ssettm $0x7FFFFFFF  }
0xc5: {  	_ =	shalt  }
tec
execute0_lowered:
.L_overlay_start_1:
0x0: {  	(tag) =	ssettag $0x1  }
0x1: {  	s1 =	rddreg [dreg:$0x0]  }
0x2: {  	s0 =	rddreg [dreg:$0x1]  }
0x3: {  	s2 =	rddreg [dreg:$0x2]  }
0x4: {  	s3 =	rddreg [dreg:$0x3];
	s4 =	simm.s32 $0x0;
	s5 =	srdreg.scid  }
0x5: {  	s10 =	stileid.u32;
	[smem:$0x7FF] =	sst s4;
	s5 =	sand.u32 $0x1, s5  }
0x6: {  	s6 =	sadd.s32 $0xAA000, s0;
	s9 =	sadd.s32 $0x1400, s0;
	s22 =	smul.u32 $0x28000, s10  }
0x7: {  	s0 =	sadd.s32 $0x51400, s0;
	s24 =	smul.u32 $0xA000, s10;
	_ =	strace $0x8000004A  }
0x8: {  	s7 =	sshll.u32 s5, $0x4;
	s8 =	ssub.s32 $0x2, s5;
	[dreg:$0x5] =	wrdreg s9  }
0x9: {  	[dreg:$0x6] =	wrdreg s0;
	s5 =	sshll.u32 s5, $0x1;
	s7 =	sor.u32 s10, s7  }
0xa: {  	s20 =	sshrl.u32 s8, $0x1;
	[dreg:$0x7] =	wrdreg s5;
	s10 =	smul.u32 $0x280, s10  }
0xb: {  	s25 =	sshrl.u32 s22, $0x2;
	s26 =	sshrl.u32 s24, $0x2;
	s7 =	smul.u32 $0x9D80, s7  }
0xc: {  	s21 =	ssub.s32 s8, s20;
	s29 =	sadd.s32 s25, s2;
	s30 =	sadd.s32 s26, s3  }
0xd: {  	s28 =	sor.u32 $0x50, s10;
	s0 =	smax.u32 s21, $0x1;
	s8 =	sadd.s32 $0xA0, s10  }
0xe: {  	s14 =	sadd.s32 $0xF0, s10;
	s17 =	sadd.s32 $0x140, s10;
	[dreg:$0x8] =	wrdreg s10  }
0xf: {  	s20 =	sadd.s32 $0x190, s10;
	s22 =	sadd.s32 $0x1E0, s10;
	[dreg:$0xa] =	wrdreg s29  }
0x10: {  	s25 =	sadd.s32 $0x230, s10;
	s10 =	simm.s32 $0x6;
	[dreg:$0xb] =	wrdreg s30  }
0x11: {  	s23 =	sshrl.u32 s7, $0x3;
	s12 =	sadd.s32 $0x280, s7;
	s13 =	sadd.s32 $0x3C0, s7  }
0x12: {  	[dreg:$0xc] =	wrdreg s0;
	s31 =	sshll.u32 s28, $0x6;
	s5 =	sshll.u32 s28, $0x4  }
0x13: {  	s9 =	sshll.u32 s8, $0x6;
	s15 =	sshll.u32 s14, $0x6;
	s16 =	sshll.u32 s14, $0x4  }
0x14: {  	s18 =	sshll.u32 s17, $0x6;
	s21 =	sshll.u32 s20, $0x6;
	s24 =	sshll.u32 s22, $0x4  }
0x15: {  	s26 =	sshll.u32 s25, $0x6;
	s14 =	simm.s32 $0x0;
	s0 =	sadd.s32 s31, s2  }
0x16: {  	s11 =	sadd.s32 s6, s23;
	s7 =	sadd.s32 s5, s3;
	[dreg:$0xd] =	wrdreg s0  }
0x17: {  	s5 =	sadd.s32 s9, s2;
	s23 =	sshll.u32 s22, $0x6;
	[dreg:$0xe] =	wrdreg s7  }
0x18: {  	s9 =	simm.s32 $0x280;
	s22 =	simm.s32 $0x5;
	[dreg:$0xf] =	wrdreg s5  }
0x19: {  	s0 =	sshll.u32 s8, $0x4;
	s5 =	sshll.u32 s17, $0x4;
	[dreg:$0x9] =	wrdreg s11  }
0x1a: {  	s31 =	sadd.s32 $0x28, s11;
	s7 =	simm.s32 $0x2BC0;
	s8 =	simm.s32 $0x50  }
0x1b: {  	s11 =	simm.s32 $0x140;
	s0 =	sadd.s32 s0, s3;
	[dreg:$0x1b] =	wrdreg s31  }
0x1c: {  	s17 =	simm.s32 $0x2D0;
	s19 =	sadd.s32 s5, s3;
	[dreg:$0x10] =	wrdreg s0  }
0x1d: {  	s5 =	sadd.s32 s21, s2;
	s21 =	simm.s32 $0x3;
	[dreg:$0x14] =	wrdreg s19  }
0x1e: {  	s0 =	sadd.s32 s15, s2;
	[dreg:$0x15] =	wrdreg s5;
	s5 =	sshll.u32 s25, $0x4  }
0x1f: {  	s19 =	simm.s32 $0x1;
	[dreg:$0x11] =	wrdreg s0;
	s0 =	sadd.s32 s16, s3  }
0x20: {  	s25 =	simm.s32 $0x370;
	[dreg:$0x12] =	wrdreg s0;
	s0 =	sadd.s32 s18, s2  }
0x21: {  	s28 =	sadd.s32 s5, s3;
	[dreg:$0x13] =	wrdreg s0;
	s0 =	sshll.u32 s20, $0x4  }
0x22: {  	v0 =	vlaneseq.u32;
	s16 =	simm.s32 $0x3C0;
	[dreg:$0x1a] =	wrdreg s28;
	s0 =	sadd.s32 s0, s3  }
0x23: {  	v0 =	vmul.u32 $0x10, v0;
	s5 =	simm.s32 $0x7;
	[dreg:$0x16] =	wrdreg s0;
	s0 =	sadd.s32 s23, s2  }
0x24: {  	s18 =	simm.s32 $0x17C0;
	[dreg:$0x17] =	wrdreg s0;
	s0 =	sadd.s32 s24, s3  }
0x25: {  	v1 =	vimm.f32 $0.0e+00;
	v2 =	vor.u32 $0x100, v0;
	s20 =	simm.s32 $0x320;
	[dreg:$0x18] =	wrdreg s0;
	s0 =	sadd.s32 s26, s2  }
0x26: {  	v3 =	vor.u32 $0x200, v0;
	v4 =	vor.u32 $0x300, v0;
	v5 =	vor.u32 $0x400, v0;
	s23 =	simm.s32 $0x2;
	s24 =	simm.s32 $0x30C0;
	[dreg:$0x19] =	wrdreg s0  }
.LBB2_1:
0x27: {  	[dreg:$0x1c] =	wrdreg s14;
	p1 =	por $0x1, $0x1;
	s0 =	simm.s32 $0x0  }
.LBB2_2:
0x28: {  	s14 =	simm.s32 $0x3E0  }
0x29: {  	[tilespmem:s14+$0xFFFFFFE0] =	vst v1  }
0x2a: {  	[tilespmem:s14+$0x10] =	vst v1  }
0x2b: {  	[tilespmem:s14+$0x0] =	vst v1  }
0x2c: {  	p0 =	por p1, p1;
	s15 =	simm.s32 $0x40;
	s26 =	simm.s32 $0x0;
	[tilespmem:s14+$0xFFFFFFF0] =	vst v1  }
.LBB2_3:
0x2d: {  	p1 =	sne.s32 s15, $0x13C0  }
0x2e: {  	[tilespmem:s26+$0x2BC0] =	vst v1;
	s14 =	sadd.s32 $0x40, s14;
	s28 =	smov.u32 s15;
	s15 =	sadd.s32 $0x40, s15  }
.Ltmp0:
0x2f: {  	[tilespmem:s26+$0x30C0] =	vst v1;
	(pc) =	sbr.rel @p1 .LBB2_3-.Ltmp0, $4  }
0x30: {  	[tilespmem:s14+$0xFFFFFFE0] =	vst v1  }
0x31: {  	[tilespmem:s14+$0x10] =	vst v1  }
0x32: {  	[tilespmem:s14+$0x0] =	vst v1  }
0x33: {  	s26 =	sshra.s32 s28, $0x2;
	[tilespmem:s14+$0xFFFFFFF0] =	vst v1  }
0x34: {  	[tilespmem:s26+$0x2BC0] =	vst v1  }
0x35: {  	[tilespmem:s26+$0x30C0] =	vst v1  }
0x36: {  	[spmem:s29] =	stream.linear.scatter [tilespmem:s16], [sflag:$0x7], $0x1400, $0x38;
	[tilespmem:$0xFDC0] =	vst v63  }
0x37: {  	_ =	swait.ge [sflag:s5], $0x1400  }
0x38: {  	[sflag:s5] =	ssyncset.done $0x0  }
0x39: {  	[sflag:s5] =	ssyncadd.s32 $0xFFFFEC00  }
0x3a: {  	[spmem:s30] =	stream.linear.scatter [tilespmem:s7], [sflag:$0x7], $0x500, $0x38;
	[tilespmem:$0xFDC0] =	vst v63  }
0x3b: {  	_ =	swait.ge [sflag:s5], $0x500  }
0x3c: {  	[sflag:s5] =	ssyncset.done $0x0  }
0x3d: {  	s14 =	rddreg [dreg:$0xd];
	[sflag:s5] =	ssyncadd.s32 $0xFFFFFB00  }
0x3e: {  	[spmem:s14] =	stream.linear.scatter [tilespmem:s16], [sflag:$0x7], $0x1400, $0x38;
	[tilespmem:$0xFDC0] =	vst v63  }
0x3f: {  	_ =	swait.ge [sflag:s5], $0x1400  }
0x40: {  	[sflag:s5] =	ssyncset.done $0x0  }
0x41: {  	s30 =	rddreg [dreg:$0xe];
	[sflag:s5] =	ssyncadd.s32 $0xFFFFEC00  }
0x42: {  	[spmem:s30] =	stream.linear.scatter [tilespmem:s7], [sflag:$0x7], $0x500, $0x38;
	[tilespmem:$0xFDC0] =	vst v63  }
0x43: {  	_ =	swait.ge [sflag:s5], $0x500  }
0x44: {  	[sflag:s5] =	ssyncset.done $0x0  }
0x45: {  	s31 =	rddreg [dreg:$0xf];
	[sflag:s5] =	ssyncadd.s32 $0xFFFFFB00  }
0x46: {  	[spmem:s31] =	stream.linear.scatter [tilespmem:s16], [sflag:$0x7], $0x1400, $0x38;
	[tilespmem:$0xFDC0] =	vst v63  }
0x47: {  	_ =	swait.ge [sflag:s5], $0x1400  }
0x48: {  	[sflag:s5] =	ssyncset.done $0x0  }
0x49: {  	s15 =	rddreg [dreg:$0x10];
	[sflag:s5] =	ssyncadd.s32 $0xFFFFEC00  }
0x4a: {  	[spmem:s15] =	stream.linear.scatter [tilespmem:s7], [sflag:$0x7], $0x500, $0x38;
	[tilespmem:$0xFDC0] =	vst v63  }
0x4b: {  	_ =	swait.ge [sflag:s5], $0x500  }
0x4c: {  	[sflag:s5] =	ssyncset.done $0x0  }
0x4d: {  	s26 =	rddreg [dreg:$0x11];
	[sflag:s5] =	ssyncadd.s32 $0xFFFFFB00  }
0x4e: {  	[spmem:s26] =	stream.linear.scatter [tilespmem:s16], [sflag:$0x7], $0x1400, $0x38;
	[tilespmem:$0xFDC0] =	vst v63  }
0x4f: {  	_ =	swait.ge [sflag:s5], $0x1400  }
0x50: {  	[sflag:s5] =	ssyncset.done $0x0  }
0x51: {  	s28 =	rddreg [dreg:$0x12];
	[sflag:s5] =	ssyncadd.s32 $0xFFFFEC00  }
0x52: {  	[spmem:s28] =	stream.linear.scatter [tilespmem:s7], [sflag:$0x7], $0x500, $0x38;
	[tilespmem:$0xFDC0] =	vst v63  }
0x53: {  	_ =	swait.ge [sflag:s5], $0x500  }
0x54: {  	[sflag:s5] =	ssyncset.done $0x0  }
0x55: {  	s30 =	rddreg [dreg:$0x13];
	[sflag:s5] =	ssyncadd.s32 $0xFFFFFB00  }
0x56: {  	[spmem:s30] =	stream.linear.scatter [tilespmem:s16], [sflag:$0x7], $0x1400, $0x38;
	[tilespmem:$0xFDC0] =	vst v63  }
0x57: {  	_ =	swait.ge [sflag:s5], $0x1400  }
0x58: {  	[sflag:s5] =	ssyncset.done $0x0  }
0x59: {  	s31 =	rddreg [dreg:$0x14];
	[sflag:s5] =	ssyncadd.s32 $0xFFFFEC00  }
0x5a: {  	[spmem:s31] =	stream.linear.scatter [tilespmem:s7], [sflag:$0x7], $0x500, $0x38;
	[tilespmem:$0xFDC0] =	vst v63  }
0x5b: {  	_ =	swait.ge [sflag:s5], $0x500  }
0x5c: {  	[sflag:s5] =	ssyncset.done $0x0  }
0x5d: {  	s15 =	rddreg [dreg:$0x15];
	[sflag:s5] =	ssyncadd.s32 $0xFFFFFB00  }
0x5e: {  	[spmem:s15] =	stream.linear.scatter [tilespmem:s16], [sflag:$0x7], $0x1400, $0x38;
	[tilespmem:$0xFDC0] =	vst v63  }
0x5f: {  	_ =	swait.ge [sflag:s5], $0x1400  }
0x60: {  	[sflag:s5] =	ssyncset.done $0x0  }
0x61: {  	s26 =	rddreg [dreg:$0x16];
	[sflag:s5] =	ssyncadd.s32 $0xFFFFEC00  }
0x62: {  	[spmem:s26] =	stream.linear.scatter [tilespmem:s7], [sflag:$0x7], $0x500, $0x38;
	[tilespmem:$0xFDC0] =	vst v63  }
0x63: {  	_ =	swait.ge [sflag:s5], $0x500  }
0x64: {  	[sflag:s5] =	ssyncset.done $0x0  }
0x65: {  	s28 =	rddreg [dreg:$0x17];
	[sflag:s5] =	ssyncadd.s32 $0xFFFFFB00  }
0x66: {  	[spmem:s28] =	stream.linear.scatter [tilespmem:s16], [sflag:$0x7], $0x1400, $0x38;
	[tilespmem:$0xFDC0] =	vst v63  }
0x67: {  	_ =	swait.ge [sflag:s5], $0x1400  }
0x68: {  	[sflag:s5] =	ssyncset.done $0x0  }
0x69: {  	s30 =	rddreg [dreg:$0x18];
	[sflag:s5] =	ssyncadd.s32 $0xFFFFEC00  }
0x6a: {  	[spmem:s30] =	stream.linear.scatter [tilespmem:s7], [sflag:$0x7], $0x500, $0x38;
	[tilespmem:$0xFDC0] =	vst v63  }
0x6b: {  	_ =	swait.ge [sflag:s5], $0x500  }
0x6c: {  	[sflag:s5] =	ssyncset.done $0x0  }
0x6d: {  	s31 =	rddreg [dreg:$0x19];
	[sflag:s5] =	ssyncadd.s32 $0xFFFFFB00  }
0x6e: {  	[spmem:s31] =	stream.linear.scatter [tilespmem:s16], [sflag:$0x7], $0x1400, $0x38;
	[tilespmem:$0xFDC0] =	vst v63  }
0x6f: {  	_ =	swait.ge [sflag:s5], $0x1400  }
0x70: {  	[sflag:s5] =	ssyncset.done $0x0  }
0x71: {  	s15 =	rddreg [dreg:$0x1a];
	[sflag:s5] =	ssyncadd.s32 $0xFFFFEC00  }
0x72: {  	[spmem:s15] =	stream.linear.scatter [tilespmem:s7], [sflag:$0x7], $0x500, $0x38;
	[tilespmem:$0xFDC0] =	vst v63  }
0x73: {  	_ =	swait.ge [sflag:s5], $0x500  }
0x74: {  	[sflag:s5] =	ssyncset.done $0x0  }
0x75: {  	[sflag:s5] =	ssyncadd.s32 $0xFFFFFB00  }
0x76: {  	[bflag:$0x0] =	sbarrier.arrive $0xFFFF  }
0x77: {  	s29 =	simm.s32 $0x0;
	s26 =	rddreg [dreg:$0x9]  }
0x78: {  	[tilespmem:s29], [sflag:$0x7] =	stream.linear.gather [hbm4b:s26+s29], $0x140, $0x38;
	[tilespmem:$0xFDC0] =	vst v63  }
0x79: {  	_ =	swait.ge [sflag:s5], $0x140  }
0x7a: {  	[sflag:s5] =	ssyncset.done $0x0  }
0x7b: {  	[sflag:s5] =	ssyncadd.s32 $0xFFFFFEC0  }
0x7c: {  	v6 =	vld [tilespmem:$0x50]  }
0x7d: {  	s28 =	rddreg [dreg:$0x7];
	v7 =	vld [tilespmem:$0x60]  }
0x7e: {  	s14 =	sor.u32 s28, s0;
	v8 =	vld [tilespmem:$0x70]  }
0x7f: {  	[dreg:$0x1d] =	wrdreg s14;
	s14 =	smul.u32 $0x2710, s14;
	v9 =	vld [tilespmem:$0x80]  }
0x80: {  	v10 =	vld [tilespmem:$0x90]  }
0x81: {  	v6 =	vadd.s32 s14, v6  }
0x82: {  	s15 =	smul.u32 $0x50, s0;
	[tilespmem:$0x280] =	vst v6;
	v6 =	vadd.s32 s14, v7  }
0x83: {  	[tilespmem:$0x290] =	vst v6;
	v6 =	vadd.s32 s14, v8  }
0x84: {  	s31 =	sadd.s32 $0xA0, s15;
	s30 =	rddreg [dreg:$0x1b];
	[tilespmem:$0x2A0] =	vst v6;
	v6 =	vadd.s32 s14, v9  }
0x85: {  	s26 =	sadd.s32 $0xB0, s15;
	[smem:$0x7FB] =	sst s31;
	[tilespmem:$0x2B0] =	vst v6;
	v6 =	vadd.s32 s14, v10  }
0x86: {  	[smem:$0x7FC] =	sst s26;
	s31 =	sadd.s32 $0xE0, s15;
	[tilespmem:$0x2C0] =	vst v6  }
0x87: {  	[tilespmem:s16], [sflag:$0x1] =	stream.indirect.gather [hbm4b:s1+s8], $0x40, s9, s8, $0xb8;
	[tilespmem:$0xFDC0] =	vst v63  }
0x88: {  	s28 =	sadd.s32 $0xC0, s15;
	[dreg:$0x1e] =	wrdreg s31  }
0x89: {  	[tilespmem:s11], [sflag:$0x6] =	stream.linear.gather [hbm4b:s30+s29], $0x140, $0x38;
	[tilespmem:$0xFDC0] =	vst v63  }
0x8a: {  	[smem:$0x7FD] =	sst s28;
	s30 =	sadd.s32 $0xD0, s15  }
0x8b: {  	v6 =	vmov s14;
	[dreg:$0x1f] =	wrdreg s30  }
.LBB2_5:
0x8c: {  	p1 =	seq.s32 s29, $0x0  }
0x8d: {  	s0 =	simm.s32 @!p1 $0x4  }
0x8e: {  	_ =	swait.ge @!p1 [sflag:s0], $0x1400  }
0x8f: {  	[sflag:s0] =	ssyncset.done @!p1 $0x0  }
0x90: {  	[sflag:s0] =	ssyncadd.s32 @!p1 $0xFFFFEC00  }
0x91: {  	_ =	swait.ge @!p1 [sflag:s0], $0x500  }
0x92: {  	[sflag:s0] =	ssyncset.done @!p1 $0x0  }
0x93: {  	[sflag:s0] =	ssyncadd.s32 @!p1 $0xFFFFFB00  }
0x94: {  	_ =	swait.ge [sflag:s10], $0x140  }
0x95: {  	[sflag:s10] =	ssyncset.done $0x0  }
0x96: {  	[sflag:s10] =	ssyncadd.s32 $0xFFFFFEC0  }
0x97: {  	v7 =	vld [tilespmem:$0x190]  }
0x98: {  	v8 =	vld [tilespmem:$0x1A0]  }
0x99: {  	v9 =	vld [tilespmem:$0x1B0]  }
0x9a: {  	v10 =	vld [tilespmem:$0x1C0]  }
0x9b: {  	v11 =	vld [tilespmem:$0x1D0]  }
0x9c: {  	v7 =	vadd.s32 v6, v7  }
0x9d: {  	[tilespmem:$0x2D0] =	vst v7;
	v7 =	vadd.s32 v6, v8  }
0x9e: {  	[tilespmem:$0x2E0] =	vst v7;
	v7 =	vadd.s32 v6, v9  }
0x9f: {  	[tilespmem:$0x2F0] =	vst v7;
	v7 =	vadd.s32 v6, v10  }
0xa0: {  	[tilespmem:$0x300] =	vst v7;
	v7 =	vadd.s32 v6, v11  }
0xa1: {  	[tilespmem:$0x310] =	vst v7  }
0xa2: {  	[tilespmem:s18], [sflag:$0x2] =	stream.indirect.gather [hbm4b:s1+s8], $0x40, s17, s8, $0xb8;
	[tilespmem:$0xFDC0] =	vst v63  }
0xa3: {  	_ =	swait.ge [sflag:s19], $0x1400  }
0xa4: {  	[sflag:s19] =	ssyncset.done $0x0  }
0xa5: {  	[sflag:s19] =	ssyncadd.s32 $0xFFFFEC00  }
0xa6: {  	v7 =	vld [tilespmem:$0x0];
	_ =	sdelay $0x4  }
0xa7: {  	[tilespmem:$0x320] =	vst v7  }
0xa8: {  	v7 =	vld [tilespmem:s15+$0xA0];
	_ =	sdelay $0x4  }
0xa9: {  	[tilespmem:v0+s7+$0x0] =	vst.idx.msk $0xffff, v7  }
0xaa: {  	v7 =	vld [tilespmem:$0x10];
	_ =	sdelay $0x4  }
0xab: {  	[tilespmem:$0x330] =	vst v7  }
0xac: {  	v7 =	vld [tilespmem:s15+$0xB0];
	_ =	sdelay $0x4  }
0xad: {  	[tilespmem:v2+s7+$0x0] =	vst.idx.msk $0xffff, v7  }
0xae: {  	v7 =	vld [tilespmem:$0x20];
	_ =	sdelay $0x4  }
0xaf: {  	[tilespmem:$0x340] =	vst v7  }
0xb0: {  	v7 =	vld [tilespmem:s15+$0xC0];
	_ =	sdelay $0x4  }
0xb1: {  	[tilespmem:v3+s7+$0x0] =	vst.idx.msk $0xffff, v7  }
0xb2: {  	v7 =	vld [tilespmem:$0x30];
	_ =	sdelay $0x4  }
0xb3: {  	[tilespmem:$0x350] =	vst v7  }
0xb4: {  	v7 =	vld [tilespmem:s15+$0xD0];
	_ =	sdelay $0x4  }
0xb5: {  	[tilespmem:v4+s7+$0x0] =	vst.idx.msk $0xffff, v7  }
0xb6: {  	v7 =	vld [tilespmem:$0x40];
	_ =	sdelay $0x4  }
0xb7: {  	[tilespmem:$0x360] =	vst v7  }
0xb8: {  	v7 =	vld [tilespmem:s15+$0xE0];
	_ =	sdelay $0x4  }
0xb9: {  	s31 =	simm.s32 $0x2C00;
	[tilespmem:v5+s7+$0x0] =	vst.idx.msk $0xffff, v7  }
0xba: {  	s30 =	simm.s32 $0x4C0;
	v7 =	vld.msk [tilespmem:s31+$0xFFFFFFC0 ss:$0x0], $0xffff  }
0xbb: {  	v8 =	vld [tilespmem:s30+$0xFFFFFF30]  }
0xbc: {  	v9 =	vld [tilespmem:s30+$0xFFFFFF00]  }
0xbd: {  	v10 =	vld [tilespmem:s30+$0xFFFFFF10]  }
0xbe: {  	v11 =	vld [tilespmem:s30+$0xFFFFFF20];
	_ =	sdelay $0x1  }
0xbf: {  	v8 =	vmul.f32 v8, v7  }
0xc0: {  	v9 =	vmul.f32 v7, v9  }
0xc1: {  	v10 =	vmul.f32 v10, v7;
	[tilespmem:s30+$0xFFFFFF30] =	vst v8  }
0xc2: {  	v7 =	vmul.f32 v11, v7;
	[tilespmem:s30+$0xFFFFFF00] =	vst v9  }
0xc3: {  	[tilespmem:s30+$0xFFFFFF10] =	vst v10  }
0xc4: {  	[tilespmem:s30+$0xFFFFFF20] =	vst v7;
	v8 =	vld [tilespmem:s30+$0xFFFFFF40]  }
0xc5: {  	v7 =	vld.msk [tilespmem:s31+$0xFFFFFFD0 ss:$0x0], $0xffff  }
0xc6: {  	v9 =	vld [tilespmem:s30+$0xFFFFFF50]  }
0xc7: {  	v10 =	vld [tilespmem:s30+$0xFFFFFF70]  }
0xc8: {  	v11 =	vld [tilespmem:s30+$0xFFFFFF60];
	_ =	sdelay $0x1  }
0xc9: {  	v8 =	vmul.f32 v7, v8  }
0xca: {  	v9 =	vmul.f32 v9, v7  }
0xcb: {  	v10 =	vmul.f32 v10, v7;
	[tilespmem:s30+$0xFFFFFF40] =	vst v8  }
0xcc: {  	v7 =	vmul.f32 v11, v7;
	[tilespmem:s30+$0xFFFFFF50] =	vst v9  }
0xcd: {  	[tilespmem:s30+$0xFFFFFF70] =	vst v10  }
0xce: {  	[tilespmem:s30+$0xFFFFFF60] =	vst v7;
	v8 =	vld [tilespmem:s30+$0xFFFFFF80]  }
0xcf: {  	v7 =	vld.msk [tilespmem:s31+$0xFFFFFFE0 ss:$0x0], $0xffff  }
0xd0: {  	v9 =	vld [tilespmem:s30+$0xFFFFFFB0]  }
0xd1: {  	v10 =	vld [tilespmem:s30+$0xFFFFFF90]  }
0xd2: {  	v11 =	vld [tilespmem:s30+$0xFFFFFFA0];
	_ =	sdelay $0x1  }
0xd3: {  	v8 =	vmul.f32 v7, v8  }
0xd4: {  	v9 =	vmul.f32 v9, v7  }
0xd5: {  	v10 =	vmul.f32 v10, v7;
	[tilespmem:s30+$0xFFFFFF80] =	vst v8  }
0xd6: {  	v7 =	vmul.f32 v11, v7;
	[tilespmem:s30+$0xFFFFFFB0] =	vst v9  }
0xd7: {  	[tilespmem:s30+$0xFFFFFF90] =	vst v10  }
0xd8: {  	[tilespmem:s30+$0xFFFFFFA0] =	vst v7;
	v8 =	vld [tilespmem:s30+$0xFFFFFFC0]  }
0xd9: {  	v7 =	vld.msk [tilespmem:s31+$0xFFFFFFF0 ss:$0x0], $0xffff  }
0xda: {  	v9 =	vld [tilespmem:s30+$0xFFFFFFD0]  }
0xdb: {  	v10 =	vld [tilespmem:s30+$0xFFFFFFF0]  }
0xdc: {  	v11 =	vld [tilespmem:s30+$0xFFFFFFE0];
	_ =	sdelay $0x1  }
0xdd: {  	v8 =	vmul.f32 v7, v8  }
0xde: {  	v9 =	vmul.f32 v9, v7  }
0xdf: {  	v10 =	vmul.f32 v10, v7;
	[tilespmem:s30+$0xFFFFFFC0] =	vst v8  }
0xe0: {  	v7 =	vmul.f32 v11, v7;
	[tilespmem:s30+$0xFFFFFFD0] =	vst v9  }
0xe1: {  	[tilespmem:s30+$0xFFFFFFF0] =	vst v10  }
0xe2: {  	[tilespmem:s30+$0xFFFFFFE0] =	vst v7;
	v8 =	vld [tilespmem:s30+$0x0]  }
0xe3: {  	v7 =	vld.msk [tilespmem:s31+$0x0 ss:$0x0], $0xffff  }
0xe4: {  	v9 =	vld [tilespmem:s30+$0x30]  }
0xe5: {  	v10 =	vld [tilespmem:s30+$0x10]  }
0xe6: {  	v11 =	vld [tilespmem:s30+$0x20];
	_ =	sdelay $0x1  }
0xe7: {  	v8 =	vmul.f32 v7, v8  }
0xe8: {  	v9 =	vmul.f32 v9, v7  }
0xe9: {  	v10 =	vmul.f32 v10, v7;
	[tilespmem:s30+$0x0] =	vst v8  }
0xea: {  	v7 =	vmul.f32 v11, v7;
	[tilespmem:s30+$0x30] =	vst v9  }
0xeb: {  	[tilespmem:s30+$0x10] =	vst v10  }
0xec: {  	[tilespmem:s30+$0x20] =	vst v7;
	v8 =	vld [tilespmem:s30+$0x40]  }
0xed: {  	v7 =	vld.msk [tilespmem:s31+$0x10 ss:$0x0], $0xffff  }
0xee: {  	v9 =	vld [tilespmem:s30+$0x50]  }
0xef: {  	v10 =	vld [tilespmem:s30+$0x70]  }
0xf0: {  	v11 =	vld [tilespmem:s30+$0x60];
	_ =	sdelay $0x1  }
0xf1: {  	v8 =	vmul.f32 v7, v8  }
0xf2: {  	v9 =	vmul.f32 v9, v7  }
0xf3: {  	v10 =	vmul.f32 v10, v7;
	[tilespmem:s30+$0x40] =	vst v8  }
0xf4: {  	[tilespmem:s30+$0x50] =	vst v9;
	v8 =	vmul.f32 v11, v7  }
0xf5: {  	s14 =	simm.s32 $0x0;
	s28 =	simm.s32 $0x4C0;
	s0 =	simm.s32 $0x2C00;
	[tilespmem:s30+$0x70] =	vst v10;
	v7 =	vld [tilespmem:s30+$0x80]  }
.LBB2_6:
0xf6: {  	s14 =	sadd.s32 $0x8, s14;
	[tilespmem:s30+$0x60] =	vst v8;
	v8 =	vld [tilespmem:s30+$0xB0];
	s31 =	sadd.s32 $0x80, s31;
	s28 =	sadd.s32 $0x200, s28  }
0xf7: {  	p1 =	slt.u32 s14, $0x48;
	v9 =	vld.msk [tilespmem:s0+$0x20 ss:$0x0], $0xffff  }
0xf8: {  	v10 =	vld [tilespmem:s30+$0x90]  }
0xf9: {  	v11 =	vld [tilespmem:s30+$0xA0];
	_ =	sdelay $0x3  }
0xfa: {  	v7 =	vmul.f32 v9, v7;
	v10 =	vmul.f32 v10, v9  }
0xfb: {  	v8 =	vmul.f32 v8, v9;
	v11 =	vmul.f32 v11, v9  }
0xfc: {  	[tilespmem:s30+$0x80] =	vst v7  }
0xfd: {  	[tilespmem:s30+$0xB0] =	vst v8  }
0xfe: {  	[tilespmem:s30+$0x90] =	vst v10;
	v7 =	vld [tilespmem:s30+$0xC0]  }
0xff: {  	[tilespmem:s30+$0xA0] =	vst v11;
	v8 =	vld [tilespmem:s30+$0xF0]  }
0x100: {  	v9 =	vld.msk [tilespmem:s0+$0x30 ss:$0x0], $0xffff;
	s0 =	smov.u32 s31  }
0x101: {  	v10 =	vld [tilespmem:s30+$0xD0]  }
0x102: {  	v11 =	vld [tilespmem:s30+$0xE0];
	_ =	sdelay $0x3  }
0x103: {  	v7 =	vmul.f32 v9, v7;
	v10 =	vmul.f32 v10, v9  }
0x104: {  	v8 =	vmul.f32 v8, v9;
	v11 =	vmul.f32 v11, v9  }
0x105: {  	[tilespmem:s30+$0xC0] =	vst v7  }
0x106: {  	[tilespmem:s30+$0xD0] =	vst v10  }
0x107: {  	v7 =	vld [tilespmem:s28+$0xFFFFFF20];
	[tilespmem:s30+$0xF0] =	vst v8  }
0x108: {  	v8 =	vld [tilespmem:s28+$0xFFFFFF00];
	[tilespmem:s30+$0xE0] =	vst v11;
	s30 =	smov.u32 s28  }
0x109: {  	v9 =	vld.msk [tilespmem:s31+$0xFFFFFFC0 ss:$0x0], $0xffff  }
0x10a: {  	v10 =	vld [tilespmem:s28+$0xFFFFFF30]  }
0x10b: {  	v11 =	vld [tilespmem:s28+$0xFFFFFF10];
	_ =	sdelay $0x3  }
0x10c: {  	v8 =	vmul.f32 v9, v8;
	v10 =	vmul.f32 v10, v9  }
0x10d: {  	v7 =	vmul.f32 v7, v9;
	v11 =	vmul.f32 v11, v9  }
0x10e: {  	[tilespmem:s28+$0xFFFFFF30] =	vst v10  }
0x10f: {  	[tilespmem:s28+$0xFFFFFF00] =	vst v8  }
0x110: {  	[tilespmem:s28+$0xFFFFFF10] =	vst v11;
	v8 =	vld [tilespmem:s28+$0xFFFFFF70]  }
0x111: {  	[tilespmem:s28+$0xFFFFFF20] =	vst v7;
	v7 =	vld [tilespmem:s28+$0xFFFFFF50]  }
0x112: {  	v9 =	vld.msk [tilespmem:s31+$0xFFFFFFD0 ss:$0x0], $0xffff  }
0x113: {  	v10 =	vld [tilespmem:s28+$0xFFFFFF40]  }
0x114: {  	v11 =	vld [tilespmem:s28+$0xFFFFFF60];
	_ =	sdelay $0x3  }
0x115: {  	v7 =	vmul.f32 v7, v9;
	v10 =	vmul.f32 v9, v10  }
0x116: {  	v8 =	vmul.f32 v8, v9;
	v11 =	vmul.f32 v11, v9  }
0x117: {  	[tilespmem:s28+$0xFFFFFF40] =	vst v10  }
0x118: {  	[tilespmem:s28+$0xFFFFFF50] =	vst v7  }
0x119: {  	[tilespmem:s28+$0xFFFFFF70] =	vst v8;
	v7 =	vld [tilespmem:s28+$0xFFFFFFB0]  }
0x11a: {  	[tilespmem:s28+$0xFFFFFF60] =	vst v11;
	v8 =	vld [tilespmem:s28+$0xFFFFFF90]  }
0x11b: {  	v9 =	vld.msk [tilespmem:s31+$0xFFFFFFE0 ss:$0x0], $0xffff  }
0x11c: {  	v10 =	vld [tilespmem:s28+$0xFFFFFF80]  }
0x11d: {  	v11 =	vld [tilespmem:s28+$0xFFFFFFA0];
	_ =	sdelay $0x3  }
0x11e: {  	v8 =	vmul.f32 v8, v9;
	v10 =	vmul.f32 v9, v10  }
0x11f: {  	v7 =	vmul.f32 v7, v9;
	v11 =	vmul.f32 v11, v9  }
0x120: {  	[tilespmem:s28+$0xFFFFFF80] =	vst v10  }
0x121: {  	[tilespmem:s28+$0xFFFFFFB0] =	vst v7  }
0x122: {  	[tilespmem:s28+$0xFFFFFF90] =	vst v8;
	v7 =	vld [tilespmem:s28+$0xFFFFFFF0]  }
0x123: {  	[tilespmem:s28+$0xFFFFFFA0] =	vst v11;
	v8 =	vld [tilespmem:s28+$0xFFFFFFD0]  }
0x124: {  	v9 =	vld.msk [tilespmem:s31+$0xFFFFFFF0 ss:$0x0], $0xffff  }
0x125: {  	v10 =	vld [tilespmem:s28+$0xFFFFFFC0]  }
0x126: {  	v11 =	vld [tilespmem:s28+$0xFFFFFFE0];
	_ =	sdelay $0x3  }
0x127: {  	v8 =	vmul.f32 v8, v9;
	v10 =	vmul.f32 v9, v10  }
0x128: {  	v7 =	vmul.f32 v7, v9;
	v11 =	vmul.f32 v11, v9  }
0x129: {  	[tilespmem:s28+$0xFFFFFFC0] =	vst v10  }
0x12a: {  	[tilespmem:s28+$0xFFFFFFD0] =	vst v8  }
0x12b: {  	[tilespmem:s28+$0xFFFFFFF0] =	vst v7;
	v7 =	vld [tilespmem:s28+$0x30]  }
0x12c: {  	[tilespmem:s28+$0xFFFFFFE0] =	vst v11;
	v8 =	vld [tilespmem:s28+$0x10]  }
0x12d: {  	v9 =	vld.msk [tilespmem:s31+$0x0 ss:$0x0], $0xffff  }
0x12e: {  	v10 =	vld [tilespmem:s28+$0x0]  }
0x12f: {  	v11 =	vld [tilespmem:s28+$0x20];
	_ =	sdelay $0x3  }
0x130: {  	v8 =	vmul.f32 v8, v9;
	v10 =	vmul.f32 v9, v10  }
0x131: {  	v7 =	vmul.f32 v7, v9;
	v11 =	vmul.f32 v11, v9  }
0x132: {  	[tilespmem:s28+$0x0] =	vst v10  }
0x133: {  	[tilespmem:s28+$0x30] =	vst v7  }
0x134: {  	[tilespmem:s28+$0x10] =	vst v8;
	v7 =	vld [tilespmem:s28+$0x70]  }
0x135: {  	[tilespmem:s28+$0x20] =	vst v11;
	v8 =	vld [tilespmem:s28+$0x50]  }
0x136: {  	v9 =	vld.msk [tilespmem:s31+$0x10 ss:$0x0], $0xffff  }
0x137: {  	v10 =	vld [tilespmem:s28+$0x40]  }
0x138: {  	v11 =	vld [tilespmem:s28+$0x60];
	_ =	sdelay $0x3  }
.Ltmp1:
0x139: {  	v12 =	vmul.f32 v8, v9;
	v10 =	vmul.f32 v9, v10;
	(pc) =	sbr.rel @p1 .LBB2_6-.Ltmp1, $4  }
0x13a: {  	v7 =	vmul.f32 v7, v9;
	v8 =	vmul.f32 v11, v9  }
0x13b: {  	[tilespmem:s28+$0x40] =	vst v10  }
0x13c: {  	[tilespmem:s28+$0x50] =	vst v12  }
0x13d: {  	[tilespmem:s28+$0x70] =	vst v7;
	v7 =	vld [tilespmem:s28+$0x80]  }
0x13e: {  	[tilespmem:s30+$0x60] =	vst v8  }
0x13f: {  	v8 =	vld.msk [tilespmem:s0+$0x20 ss:$0x0], $0xffff  }
0x140: {  	v9 =	vld [tilespmem:s30+$0xB0]  }
0x141: {  	v10 =	vld [tilespmem:s30+$0x90]  }
0x142: {  	v11 =	vld [tilespmem:s30+$0xA0];
	_ =	sdelay $0x1  }
0x143: {  	v7 =	vmul.f32 v8, v7  }
0x144: {  	v9 =	vmul.f32 v9, v8  }
0x145: {  	v10 =	vmul.f32 v10, v8;
	[tilespmem:s30+$0x80] =	vst v7  }
0x146: {  	[tilespmem:s30+$0xB0] =	vst v9;
	v7 =	vmul.f32 v11, v8  }
0x147: {  	[tilespmem:s30+$0x90] =	vst v10  }
0x148: {  	v8 =	vld [tilespmem:s30+$0xC0];
	[tilespmem:s30+$0xA0] =	vst v7  }
0x149: {  	v7 =	vld.msk [tilespmem:s0+$0x30 ss:$0x0], $0xffff  }
0x14a: {  	v9 =	vld [tilespmem:s30+$0xD0]  }
0x14b: {  	v10 =	vld [tilespmem:s30+$0xF0]  }
0x14c: {  	v11 =	vld [tilespmem:s30+$0xE0];
	_ =	sdelay $0x1  }
0x14d: {  	v8 =	vmul.f32 v7, v8  }
0x14e: {  	v9 =	vmul.f32 v9, v7  }
0x14f: {  	v10 =	vmul.f32 v10, v7;
	[tilespmem:s30+$0xC0] =	vst v8  }
0x150: {  	v7 =	vmul.f32 v11, v7;
	[tilespmem:s30+$0xD0] =	vst v9  }
0x151: {  	[tilespmem:s30+$0xF0] =	vst v10  }
0x152: {  	[tilespmem:s30+$0xE0] =	vst v7;
	s30 =	smul.u32 $0x280, s29  }
0x153: {  	[spmem:s2] =	stream.indirect.scatter.add.f32 [tilespmem:s16], [sflag:$0x3], $0x40, s20, s8, $0xb8;
	[tilespmem:$0xFDC0] =	vst v63  }
0x154: {  	s26 =	sadd.s32 s30, s12  }
0x155: {  	[spmem:s3] =	stream.indirect.scatter.add.f32 [tilespmem:s7], [sflag:$0x3], $0x10, s20, s8, $0xb8;
	[tilespmem:$0xFDC0] =	vst v63  }
0x156: {  	s0 =	sshrl.u32 s26, $0x3  }
0x157: {  	s0 =	sadd.s32 s6, s0  }
0x158: {  	[tilespmem:s4], [sflag:$0x5] =	stream.linear.gather [hbm4b:s0+s4], $0x140, $0x38;
	[tilespmem:$0xFDC0] =	vst v63  }
0x159: {  	_ =	swait.ge [sflag:s21], $0x1400  }
0x15a: {  	[sflag:s21] =	ssyncset.done $0x0  }
0x15b: {  	[sflag:s21] =	ssyncadd.s32 $0xFFFFEC00  }
0x15c: {  	_ =	swait.ge [sflag:s21], $0x500  }
0x15d: {  	[sflag:s21] =	ssyncset.done $0x0  }
0x15e: {  	[sflag:s21] =	ssyncadd.s32 $0xFFFFFB00  }
0x15f: {  	_ =	swait.ge [sflag:s22], $0x140  }
0x160: {  	[sflag:s22] =	ssyncset.done $0x0  }
0x161: {  	[sflag:s22] =	ssyncadd.s32 $0xFFFFFEC0  }
0x162: {  	v7 =	vld [tilespmem:$0x50]  }
0x163: {  	v8 =	vld [tilespmem:$0x60]  }
0x164: {  	v9 =	vld [tilespmem:$0x70]  }
0x165: {  	v10 =	vld [tilespmem:$0x80]  }
0x166: {  	v11 =	vld [tilespmem:$0x90]  }
0x167: {  	v7 =	vadd.s32 v6, v7  }
0x168: {  	[tilespmem:$0x280] =	vst v7;
	v7 =	vadd.s32 v6, v8  }
0x169: {  	[tilespmem:$0x290] =	vst v7;
	v7 =	vadd.s32 v6, v9  }
0x16a: {  	[tilespmem:$0x2A0] =	vst v7;
	v7 =	vadd.s32 v6, v10  }
0x16b: {  	[tilespmem:$0x2B0] =	vst v7;
	v7 =	vadd.s32 v6, v11  }
0x16c: {  	[tilespmem:$0x2C0] =	vst v7  }
0x16d: {  	[tilespmem:s16], [sflag:$0x1] =	stream.indirect.gather [hbm4b:s1+s8], $0x40, s9, s8, $0xb8;
	[tilespmem:$0xFDC0] =	vst v63  }
0x16e: {  	_ =	swait.ge [sflag:s23], $0x1400  }
0x16f: {  	[sflag:s23] =	ssyncset.done $0x0  }
0x170: {  	[sflag:s23] =	ssyncadd.s32 $0xFFFFEC00  }
0x171: {  	v7 =	vld [tilespmem:$0x140];
	_ =	sdelay $0x4  }
0x172: {  	[tilespmem:$0x370] =	vst v7  }
0x173: {  	v7 =	vld [tilespmem:s15+$0x1E0];
	_ =	sdelay $0x4  }
0x174: {  	[tilespmem:v0+s24+$0x0] =	vst.idx.msk $0xffff, v7  }
0x175: {  	v7 =	vld [tilespmem:$0x150];
	_ =	sdelay $0x4  }
0x176: {  	[tilespmem:$0x380] =	vst v7  }
0x177: {  	v7 =	vld [tilespmem:s15+$0x1F0];
	_ =	sdelay $0x4  }
0x178: {  	[tilespmem:v2+s24+$0x0] =	vst.idx.msk $0xffff, v7  }
0x179: {  	v7 =	vld [tilespmem:$0x160];
	_ =	sdelay $0x4  }
0x17a: {  	[tilespmem:$0x390] =	vst v7  }
0x17b: {  	v7 =	vld [tilespmem:s15+$0x200];
	_ =	sdelay $0x4  }
0x17c: {  	[tilespmem:v3+s24+$0x0] =	vst.idx.msk $0xffff, v7  }
0x17d: {  	v7 =	vld [tilespmem:$0x170];
	_ =	sdelay $0x4  }
0x17e: {  	[tilespmem:$0x3A0] =	vst v7  }
0x17f: {  	v7 =	vld [tilespmem:s15+$0x210];
	_ =	sdelay $0x4  }
0x180: {  	[tilespmem:v4+s24+$0x0] =	vst.idx.msk $0xffff, v7  }
0x181: {  	v7 =	vld [tilespmem:$0x180];
	_ =	sdelay $0x4  }
0x182: {  	[tilespmem:$0x3B0] =	vst v7  }
0x183: {  	v7 =	vld [tilespmem:s15+$0x220];
	_ =	sdelay $0x4  }
0x184: {  	s0 =	simm.s32 $0x3100;
	[tilespmem:v5+s24+$0x0] =	vst.idx.msk $0xffff, v7  }
0x185: {  	s31 =	simm.s32 $0x18C0;
	v7 =	vld.msk [tilespmem:s0+$0xFFFFFFC0 ss:$0x0], $0xffff  }
0x186: {  	v8 =	vld [tilespmem:s31+$0xFFFFFF30]  }
0x187: {  	v9 =	vld [tilespmem:s31+$0xFFFFFF00]  }
0x188: {  	v10 =	vld [tilespmem:s31+$0xFFFFFF10]  }
0x189: {  	v11 =	vld [tilespmem:s31+$0xFFFFFF20];
	_ =	sdelay $0x1  }
0x18a: {  	v8 =	vmul.f32 v8, v7  }
0x18b: {  	v9 =	vmul.f32 v7, v9  }
0x18c: {  	v10 =	vmul.f32 v10, v7;
	[tilespmem:s31+$0xFFFFFF30] =	vst v8  }
0x18d: {  	v7 =	vmul.f32 v11, v7;
	[tilespmem:s31+$0xFFFFFF00] =	vst v9  }
0x18e: {  	[tilespmem:s31+$0xFFFFFF10] =	vst v10  }
0x18f: {  	[tilespmem:s31+$0xFFFFFF20] =	vst v7;
	v8 =	vld [tilespmem:s31+$0xFFFFFF40]  }
0x190: {  	v7 =	vld.msk [tilespmem:s0+$0xFFFFFFD0 ss:$0x0], $0xffff  }
0x191: {  	v9 =	vld [tilespmem:s31+$0xFFFFFF50]  }
0x192: {  	v10 =	vld [tilespmem:s31+$0xFFFFFF70]  }
0x193: {  	v11 =	vld [tilespmem:s31+$0xFFFFFF60];
	_ =	sdelay $0x1  }
0x194: {  	v8 =	vmul.f32 v7, v8  }
0x195: {  	v9 =	vmul.f32 v9, v7  }
0x196: {  	v10 =	vmul.f32 v10, v7;
	[tilespmem:s31+$0xFFFFFF40] =	vst v8  }
0x197: {  	v7 =	vmul.f32 v11, v7;
	[tilespmem:s31+$0xFFFFFF50] =	vst v9  }
0x198: {  	[tilespmem:s31+$0xFFFFFF70] =	vst v10  }
0x199: {  	[tilespmem:s31+$0xFFFFFF60] =	vst v7;
	v8 =	vld [tilespmem:s31+$0xFFFFFF80]  }
0x19a: {  	v7 =	vld.msk [tilespmem:s0+$0xFFFFFFE0 ss:$0x0], $0xffff  }
0x19b: {  	v9 =	vld [tilespmem:s31+$0xFFFFFFB0]  }
0x19c: {  	v10 =	vld [tilespmem:s31+$0xFFFFFF90]  }
0x19d: {  	v11 =	vld [tilespmem:s31+$0xFFFFFFA0];
	_ =	sdelay $0x1  }
0x19e: {  	v8 =	vmul.f32 v7, v8  }
0x19f: {  	v9 =	vmul.f32 v9, v7  }
0x1a0: {  	v10 =	vmul.f32 v10, v7;
	[tilespmem:s31+$0xFFFFFF80] =	vst v8  }
0x1a1: {  	v7 =	vmul.f32 v11, v7;
	[tilespmem:s31+$0xFFFFFFB0] =	vst v9  }
0x1a2: {  	[tilespmem:s31+$0xFFFFFF90] =	vst v10  }
0x1a3: {  	[tilespmem:s31+$0xFFFFFFA0] =	vst v7;
	v8 =	vld [tilespmem:s31+$0xFFFFFFC0]  }
0x1a4: {  	v7 =	vld.msk [tilespmem:s0+$0xFFFFFFF0 ss:$0x0], $0xffff  }
0x1a5: {  	v9 =	vld [tilespmem:s31+$0xFFFFFFD0]  }
0x1a6: {  	v10 =	vld [tilespmem:s31+$0xFFFFFFF0]  }
0x1a7: {  	v11 =	vld [tilespmem:s31+$0xFFFFFFE0];
	_ =	sdelay $0x1  }
0x1a8: {  	v8 =	vmul.f32 v7, v8  }
0x1a9: {  	v9 =	vmul.f32 v9, v7  }
0x1aa: {  	v10 =	vmul.f32 v10, v7;
	[tilespmem:s31+$0xFFFFFFC0] =	vst v8  }
0x1ab: {  	v7 =	vmul.f32 v11, v7;
	[tilespmem:s31+$0xFFFFFFD0] =	vst v9  }
0x1ac: {  	[tilespmem:s31+$0xFFFFFFF0] =	vst v10  }
0x1ad: {  	[tilespmem:s31+$0xFFFFFFE0] =	vst v7;
	v8 =	vld [tilespmem:s31+$0x0]  }
0x1ae: {  	v7 =	vld.msk [tilespmem:s0+$0x0 ss:$0x0], $0xffff  }
0x1af: {  	v9 =	vld [tilespmem:s31+$0x30]  }
0x1b0: {  	v10 =	vld [tilespmem:s31+$0x10]  }
0x1b1: {  	v11 =	vld [tilespmem:s31+$0x20];
	_ =	sdelay $0x1  }
0x1b2: {  	v8 =	vmul.f32 v7, v8  }
0x1b3: {  	v9 =	vmul.f32 v9, v7  }
0x1b4: {  	v10 =	vmul.f32 v10, v7;
	[tilespmem:s31+$0x0] =	vst v8  }
0x1b5: {  	v7 =	vmul.f32 v11, v7;
	[tilespmem:s31+$0x30] =	vst v9  }
0x1b6: {  	[tilespmem:s31+$0x10] =	vst v10  }
0x1b7: {  	[tilespmem:s31+$0x20] =	vst v7;
	v8 =	vld [tilespmem:s31+$0x40]  }
0x1b8: {  	v7 =	vld.msk [tilespmem:s0+$0x10 ss:$0x0], $0xffff  }
0x1b9: {  	v9 =	vld [tilespmem:s31+$0x50]  }
0x1ba: {  	v10 =	vld [tilespmem:s31+$0x70]  }
0x1bb: {  	v11 =	vld [tilespmem:s31+$0x60];
	_ =	sdelay $0x1  }
0x1bc: {  	v8 =	vmul.f32 v7, v8  }
0x1bd: {  	v9 =	vmul.f32 v9, v7  }
0x1be: {  	v10 =	vmul.f32 v10, v7;
	[tilespmem:s31+$0x40] =	vst v8  }
0x1bf: {  	[tilespmem:s31+$0x50] =	vst v9;
	v8 =	vmul.f32 v11, v7  }
0x1c0: {  	s28 =	simm.s32 $0x0;
	s14 =	simm.s32 $0x3100;
	s26 =	simm.s32 $0x18C0;
	[tilespmem:s31+$0x70] =	vst v10;
	v7 =	vld [tilespmem:s31+$0x80]  }
.LBB2_8:
0x1c1: {  	s28 =	sadd.s32 $0x8, s28;
	[tilespmem:s31+$0x60] =	vst v8;
	v8 =	vld [tilespmem:s31+$0xB0];
	s0 =	sadd.s32 $0x80, s0;
	s26 =	sadd.s32 $0x200, s26  }
0x1c2: {  	p1 =	slt.u32 s28, $0x48;
	v9 =	vld.msk [tilespmem:s14+$0x20 ss:$0x0], $0xffff  }
0x1c3: {  	v10 =	vld [tilespmem:s31+$0x90]  }
0x1c4: {  	v11 =	vld [tilespmem:s31+$0xA0];
	_ =	sdelay $0x3  }
0x1c5: {  	v7 =	vmul.f32 v9, v7;
	v10 =	vmul.f32 v10, v9  }
0x1c6: {  	v8 =	vmul.f32 v8, v9;
	v11 =	vmul.f32 v11, v9  }
0x1c7: {  	[tilespmem:s31+$0x80] =	vst v7  }
0x1c8: {  	[tilespmem:s31+$0xB0] =	vst v8  }
0x1c9: {  	[tilespmem:s31+$0x90] =	vst v10;
	v7 =	vld [tilespmem:s31+$0xC0]  }
0x1ca: {  	[tilespmem:s31+$0xA0] =	vst v11;
	v8 =	vld [tilespmem:s31+$0xF0]  }
0x1cb: {  	v9 =	vld.msk [tilespmem:s14+$0x30 ss:$0x0], $0xffff;
	s14 =	smov.u32 s0  }
0x1cc: {  	v10 =	vld [tilespmem:s31+$0xD0]  }
0x1cd: {  	v11 =	vld [tilespmem:s31+$0xE0];
	_ =	sdelay $0x3  }
0x1ce: {  	v7 =	vmul.f32 v9, v7;
	v10 =	vmul.f32 v10, v9  }
0x1cf: {  	v8 =	vmul.f32 v8, v9;
	v11 =	vmul.f32 v11, v9  }
0x1d0: {  	[tilespmem:s31+$0xC0] =	vst v7  }
0x1d1: {  	[tilespmem:s31+$0xD0] =	vst v10  }
0x1d2: {  	v7 =	vld [tilespmem:s26+$0xFFFFFF20];
	[tilespmem:s31+$0xF0] =	vst v8  }
0x1d3: {  	v8 =	vld [tilespmem:s26+$0xFFFFFF00];
	[tilespmem:s31+$0xE0] =	vst v11;
	s31 =	smov.u32 s26  }
0x1d4: {  	v9 =	vld.msk [tilespmem:s0+$0xFFFFFFC0 ss:$0x0], $0xffff  }
0x1d5: {  	v10 =	vld [tilespmem:s26+$0xFFFFFF30]  }
0x1d6: {  	v11 =	vld [tilespmem:s26+$0xFFFFFF10];
	_ =	sdelay $0x3  }
0x1d7: {  	v8 =	vmul.f32 v9, v8;
	v10 =	vmul.f32 v10, v9  }
0x1d8: {  	v7 =	vmul.f32 v7, v9;
	v11 =	vmul.f32 v11, v9  }
0x1d9: {  	[tilespmem:s26+$0xFFFFFF30] =	vst v10  }
0x1da: {  	[tilespmem:s26+$0xFFFFFF00] =	vst v8  }
0x1db: {  	[tilespmem:s26+$0xFFFFFF10] =	vst v11;
	v8 =	vld [tilespmem:s26+$0xFFFFFF70]  }
0x1dc: {  	[tilespmem:s26+$0xFFFFFF20] =	vst v7;
	v7 =	vld [tilespmem:s26+$0xFFFFFF50]  }
0x1dd: {  	v9 =	vld.msk [tilespmem:s0+$0xFFFFFFD0 ss:$0x0], $0xffff  }
0x1de: {  	v10 =	vld [tilespmem:s26+$0xFFFFFF40]  }
0x1df: {  	v11 =	vld [tilespmem:s26+$0xFFFFFF60];
	_ =	sdelay $0x3  }
0x1e0: {  	v7 =	vmul.f32 v7, v9;
	v10 =	vmul.f32 v9, v10  }
0x1e1: {  	v8 =	vmul.f32 v8, v9;
	v11 =	vmul.f32 v11, v9  }
0x1e2: {  	[tilespmem:s26+$0xFFFFFF40] =	vst v10  }
0x1e3: {  	[tilespmem:s26+$0xFFFFFF50] =	vst v7  }
0x1e4: {  	[tilespmem:s26+$0xFFFFFF70] =	vst v8;
	v7 =	vld [tilespmem:s26+$0xFFFFFFB0]  }
0x1e5: {  	[tilespmem:s26+$0xFFFFFF60] =	vst v11;
	v8 =	vld [tilespmem:s26+$0xFFFFFF90]  }
0x1e6: {  	v9 =	vld.msk [tilespmem:s0+$0xFFFFFFE0 ss:$0x0], $0xffff  }
0x1e7: {  	v10 =	vld [tilespmem:s26+$0xFFFFFF80]  }
0x1e8: {  	v11 =	vld [tilespmem:s26+$0xFFFFFFA0];
	_ =	sdelay $0x3  }
0x1e9: {  	v8 =	vmul.f32 v8, v9;
	v10 =	vmul.f32 v9, v10  }
0x1ea: {  	v7 =	vmul.f32 v7, v9;
	v11 =	vmul.f32 v11, v9  }
0x1eb: {  	[tilespmem:s26+$0xFFFFFF80] =	vst v10  }
0x1ec: {  	[tilespmem:s26+$0xFFFFFFB0] =	vst v7  }
0x1ed: {  	[tilespmem:s26+$0xFFFFFF90] =	vst v8;
	v7 =	vld [tilespmem:s26+$0xFFFFFFF0]  }
0x1ee: {  	[tilespmem:s26+$0xFFFFFFA0] =	vst v11;
	v8 =	vld [tilespmem:s26+$0xFFFFFFD0]  }
0x1ef: {  	v9 =	vld.msk [tilespmem:s0+$0xFFFFFFF0 ss:$0x0], $0xffff  }
0x1f0: {  	v10 =	vld [tilespmem:s26+$0xFFFFFFC0]  }
0x1f1: {  	v11 =	vld [tilespmem:s26+$0xFFFFFFE0];
	_ =	sdelay $0x3  }
0x1f2: {  	v8 =	vmul.f32 v8, v9;
	v10 =	vmul.f32 v9, v10  }
0x1f3: {  	v7 =	vmul.f32 v7, v9;
	v11 =	vmul.f32 v11, v9  }
0x1f4: {  	[tilespmem:s26+$0xFFFFFFC0] =	vst v10  }
0x1f5: {  	[tilespmem:s26+$0xFFFFFFD0] =	vst v8  }
0x1f6: {  	[tilespmem:s26+$0xFFFFFFF0] =	vst v7;
	v7 =	vld [tilespmem:s26+$0x30]  }
0x1f7: {  	[tilespmem:s26+$0xFFFFFFE0] =	vst v11;
	v8 =	vld [tilespmem:s26+$0x10]  }
0x1f8: {  	v9 =	vld.msk [tilespmem:s0+$0x0 ss:$0x0], $0xffff  }
0x1f9: {  	v10 =	vld [tilespmem:s26+$0x0]  }
0x1fa: {  	v11 =	vld [tilespmem:s26+$0x20];
	_ =	sdelay $0x3  }
0x1fb: {  	v8 =	vmul.f32 v8, v9;
	v10 =	vmul.f32 v9, v10  }
0x1fc: {  	v7 =	vmul.f32 v7, v9;
	v11 =	vmul.f32 v11, v9  }
0x1fd: {  	[tilespmem:s26+$0x0] =	vst v10  }
0x1fe: {  	[tilespmem:s26+$0x30] =	vst v7  }
0x1ff: {  	[tilespmem:s26+$0x10] =	vst v8;
	v7 =	vld [tilespmem:s26+$0x70]  }
0x200: {  	[tilespmem:s26+$0x20] =	vst v11;
	v8 =	vld [tilespmem:s26+$0x50]  }
0x201: {  	v9 =	vld.msk [tilespmem:s0+$0x10 ss:$0x0], $0xffff  }
0x202: {  	v10 =	vld [tilespmem:s26+$0x40]  }
0x203: {  	v11 =	vld [tilespmem:s26+$0x60];
	_ =	sdelay $0x3  }
.Ltmp2:
0x204: {  	v12 =	vmul.f32 v8, v9;
	v10 =	vmul.f32 v9, v10;
	(pc) =	sbr.rel @p1 .LBB2_8-.Ltmp2, $4  }
0x205: {  	v7 =	vmul.f32 v7, v9;
	v8 =	vmul.f32 v11, v9  }
0x206: {  	[tilespmem:s26+$0x40] =	vst v10  }
0x207: {  	[tilespmem:s26+$0x50] =	vst v12  }
0x208: {  	[tilespmem:s26+$0x70] =	vst v7;
	v7 =	vld [tilespmem:s26+$0x80]  }
0x209: {  	[tilespmem:s31+$0x60] =	vst v8  }
0x20a: {  	v8 =	vld.msk [tilespmem:s14+$0x20 ss:$0x0], $0xffff  }
0x20b: {  	v9 =	vld [tilespmem:s31+$0xB0]  }
0x20c: {  	v10 =	vld [tilespmem:s31+$0x90]  }
0x20d: {  	v11 =	vld [tilespmem:s31+$0xA0];
	_ =	sdelay $0x1  }
0x20e: {  	v7 =	vmul.f32 v8, v7  }
0x20f: {  	v9 =	vmul.f32 v9, v8  }
0x210: {  	v10 =	vmul.f32 v10, v8;
	[tilespmem:s31+$0x80] =	vst v7  }
0x211: {  	[tilespmem:s31+$0xB0] =	vst v9;
	v7 =	vmul.f32 v11, v8  }
0x212: {  	[tilespmem:s31+$0x90] =	vst v10  }
0x213: {  	v8 =	vld [tilespmem:s31+$0xC0];
	[tilespmem:s31+$0xA0] =	vst v7  }
0x214: {  	v7 =	vld.msk [tilespmem:s14+$0x30 ss:$0x0], $0xffff  }
0x215: {  	v61 =	vld [tilespmem:s31+$0xD0]  }
0x216: {  	v62 =	vld [tilespmem:s31+$0xF0]  }
0x217: {  	v63 =	vld [tilespmem:s31+$0xE0];
	_ =	sdelay $0x1  }
0x218: {  	v8 =	vmul.f32 v7, v8  }
0x219: {  	v9 =	vmul.f32 v61, v7  }
0x21a: {  	v10 =	vmul.f32 v62, v7;
	[tilespmem:s31+$0xC0] =	vst v8  }
0x21b: {  	v7 =	vmul.f32 v63, v7;
	[tilespmem:s31+$0xD0] =	vst v9  }
0x21c: {  	s29 =	sadd.s32 $0x1, s29;
	[tilespmem:s31+$0xF0] =	vst v10  }
0x21d: {  	p1 =	sne.s32 s29, $0x3E;
	[tilespmem:s31+$0xE0] =	vst v7  }
0x21e: {  	[spmem:s2] =	stream.indirect.scatter.add.f32 [tilespmem:s18], [sflag:$0x4], $0x40, s25, s8, $0xb8;
	[tilespmem:$0xFDC0] =	vst v63  }
.Ltmp3:
0x21f: {  	s0 =	sadd.s32 s30, s13;
	(pc) =	sbr.rel @p1 .LBB2_5-.Ltmp3, $4  }
0x220: {  	s0 =	sshrl.u32 s0, $0x3  }
0x221: {  	[spmem:s3] =	stream.indirect.scatter.add.f32 [tilespmem:s24], [sflag:$0x4], $0x10, s25, s8, $0xb8;
	[tilespmem:$0xFDC0] =	vst v63  }
0x222: {  	s0 =	sadd.s32 s6, s0  }
0x223: {  	[tilespmem:s11], [sflag:$0x6] =	stream.linear.gather [hbm4b:s0+s4], $0x140, $0x38;
	[tilespmem:$0xFDC0] =	vst v63  }
0x224: {  	s31 =	simm.s32 $0x4  }
0x225: {  	_ =	swait.ge [sflag:s31], $0x1400  }
0x226: {  	[sflag:s31] =	ssyncset.done $0x0  }
0x227: {  	[sflag:s31] =	ssyncadd.s32 $0xFFFFEC00  }
0x228: {  	_ =	swait.ge [sflag:s31], $0x500  }
0x229: {  	[sflag:s31] =	ssyncset.done $0x0  }
0x22a: {  	[sflag:s31] =	ssyncadd.s32 $0xFFFFFB00  }
0x22b: {  	_ =	swait.ge [sflag:s10], $0x140  }
0x22c: {  	[sflag:s10] =	ssyncset.done $0x0  }
0x22d: {  	[sflag:s10] =	ssyncadd.s32 $0xFFFFFEC0  }
0x22e: {  	v7 =	vld [tilespmem:$0x190]  }
0x22f: {  	v8 =	vld [tilespmem:$0x1A0]  }
0x230: {  	v9 =	vld [tilespmem:$0x1B0]  }
0x231: {  	v10 =	vld [tilespmem:$0x1C0]  }
0x232: {  	v11 =	vld [tilespmem:$0x1D0]  }
0x233: {  	v7 =	vadd.s32 v6, v7  }
0x234: {  	[tilespmem:$0x2D0] =	vst v7;
	v7 =	vadd.s32 v6, v8  }
0x235: {  	[tilespmem:$0x2E0] =	vst v7;
	v7 =	vadd.s32 v6, v9  }
0x236: {  	[tilespmem:$0x2F0] =	vst v7;
	v7 =	vadd.s32 v6, v10  }
0x237: {  	v6 =	vadd.s32 v6, v11;
	[tilespmem:$0x300] =	vst v7  }
0x238: {  	[tilespmem:$0x310] =	vst v6  }
0x239: {  	[tilespmem:s18], [sflag:$0x2] =	stream.indirect.gather [hbm4b:s1+s8], $0x40, s17, s8, $0xb8;
	[tilespmem:$0xFDC0] =	vst v63  }
0x23a: {  	_ =	swait.ge [sflag:s19], $0x1400  }
0x23b: {  	[sflag:s19] =	ssyncset.done $0x0  }
0x23c: {  	[sflag:s19] =	ssyncadd.s32 $0xFFFFEC00  }
0x23d: {  	v6 =	vld [tilespmem:$0x0];
	_ =	sdelay $0x4  }
0x23e: {  	[tilespmem:$0x320] =	vst v6  }
0x23f: {  	v6 =	vld [tilespmem:s15+$0xA0];
	_ =	sdelay $0x4  }
0x240: {  	[tilespmem:v0+s7+$0x0] =	vst.idx.msk $0xffff, v6  }
0x241: {  	v6 =	vld [tilespmem:$0x10];
	_ =	sdelay $0x4  }
0x242: {  	[tilespmem:$0x330] =	vst v6  }
0x243: {  	v6 =	vld [tilespmem:s15+$0xB0];
	_ =	sdelay $0x4  }
0x244: {  	[tilespmem:v2+s7+$0x0] =	vst.idx.msk $0xffff, v6  }
0x245: {  	v6 =	vld [tilespmem:$0x20];
	_ =	sdelay $0x4  }
0x246: {  	[tilespmem:$0x340] =	vst v6  }
0x247: {  	v6 =	vld [tilespmem:s15+$0xC0];
	_ =	sdelay $0x4  }
0x248: {  	[tilespmem:v3+s7+$0x0] =	vst.idx.msk $0xffff, v6  }
0x249: {  	v6 =	vld [tilespmem:$0x30];
	_ =	sdelay $0x4  }
0x24a: {  	[tilespmem:$0x350] =	vst v6  }
0x24b: {  	v6 =	vld [tilespmem:s15+$0xD0];
	_ =	sdelay $0x4  }
0x24c: {  	[tilespmem:v4+s7+$0x0] =	vst.idx.msk $0xffff, v6  }
0x24d: {  	v6 =	vld [tilespmem:$0x40];
	_ =	sdelay $0x4  }
0x24e: {  	[tilespmem:$0x360] =	vst v6  }
0x24f: {  	v6 =	vld [tilespmem:s15+$0xE0];
	_ =	sdelay $0x4  }
0x250: {  	s0 =	simm.s32 $0x2C00;
	[tilespmem:v5+s7+$0x0] =	vst.idx.msk $0xffff, v6  }
0x251: {  	s15 =	simm.s32 $0x4C0;
	v6 =	vld.msk [tilespmem:s0+$0xFFFFFFC0 ss:$0x0], $0xffff  }
0x252: {  	v7 =	vld [tilespmem:s15+$0xFFFFFF30]  }
0x253: {  	v8 =	vld [tilespmem:s15+$0xFFFFFF00]  }
0x254: {  	v52 =	vld [tilespmem:s15+$0xFFFFFF10]  }
0x255: {  	v53 =	vld [tilespmem:s15+$0xFFFFFF20];
	_ =	sdelay $0x1  }
0x256: {  	v7 =	vmul.f32 v7, v6  }
0x257: {  	v8 =	vmul.f32 v6, v8  }
0x258: {  	v9 =	vmul.f32 v52, v6;
	[tilespmem:s15+$0xFFFFFF30] =	vst v7  }
0x259: {  	v6 =	vmul.f32 v53, v6;
	[tilespmem:s15+$0xFFFFFF00] =	vst v8  }
0x25a: {  	[tilespmem:s15+$0xFFFFFF10] =	vst v9  }
0x25b: {  	[tilespmem:s15+$0xFFFFFF20] =	vst v6;
	v7 =	vld [tilespmem:s15+$0xFFFFFF40]  }
0x25c: {  	v6 =	vld.msk [tilespmem:s0+$0xFFFFFFD0 ss:$0x0], $0xffff  }
0x25d: {  	v8 =	vld [tilespmem:s15+$0xFFFFFF50]  }
0x25e: {  	v54 =	vld [tilespmem:s15+$0xFFFFFF70]  }
0x25f: {  	v55 =	vld [tilespmem:s15+$0xFFFFFF60];
	_ =	sdelay $0x1  }
0x260: {  	v7 =	vmul.f32 v6, v7  }
0x261: {  	v8 =	vmul.f32 v8, v6  }
0x262: {  	v9 =	vmul.f32 v54, v6;
	[tilespmem:s15+$0xFFFFFF40] =	vst v7  }
0x263: {  	v6 =	vmul.f32 v55, v6;
	[tilespmem:s15+$0xFFFFFF50] =	vst v8  }
0x264: {  	[tilespmem:s15+$0xFFFFFF70] =	vst v9  }
0x265: {  	[tilespmem:s15+$0xFFFFFF60] =	vst v6;
	v7 =	vld [tilespmem:s15+$0xFFFFFF80]  }
0x266: {  	v6 =	vld.msk [tilespmem:s0+$0xFFFFFFE0 ss:$0x0], $0xffff  }
0x267: {  	v8 =	vld [tilespmem:s15+$0xFFFFFFB0]  }
0x268: {  	v56 =	vld [tilespmem:s15+$0xFFFFFF90]  }
0x269: {  	v57 =	vld [tilespmem:s15+$0xFFFFFFA0];
	_ =	sdelay $0x1  }
0x26a: {  	v7 =	vmul.f32 v6, v7  }
0x26b: {  	v8 =	vmul.f32 v8, v6  }
0x26c: {  	v9 =	vmul.f32 v56, v6;
	[tilespmem:s15+$0xFFFFFF80] =	vst v7  }
0x26d: {  	v6 =	vmul.f32 v57, v6;
	[tilespmem:s15+$0xFFFFFFB0] =	vst v8  }
0x26e: {  	[tilespmem:s15+$0xFFFFFF90] =	vst v9  }
0x26f: {  	[tilespmem:s15+$0xFFFFFFA0] =	vst v6;
	v7 =	vld [tilespmem:s15+$0xFFFFFFC0]  }
0x270: {  	v6 =	vld.msk [tilespmem:s0+$0xFFFFFFF0 ss:$0x0], $0xffff  }
0x271: {  	v8 =	vld [tilespmem:s15+$0xFFFFFFD0]  }
0x272: {  	v58 =	vld [tilespmem:s15+$0xFFFFFFF0]  }
0x273: {  	v59 =	vld [tilespmem:s15+$0xFFFFFFE0];
	_ =	sdelay $0x1  }
0x274: {  	v7 =	vmul.f32 v6, v7  }
0x275: {  	v8 =	vmul.f32 v8, v6  }
0x276: {  	v9 =	vmul.f32 v58, v6;
	[tilespmem:s15+$0xFFFFFFC0] =	vst v7  }
0x277: {  	v6 =	vmul.f32 v59, v6;
	[tilespmem:s15+$0xFFFFFFD0] =	vst v8  }
0x278: {  	[tilespmem:s15+$0xFFFFFFF0] =	vst v9  }
0x279: {  	[tilespmem:s15+$0xFFFFFFE0] =	vst v6;
	v7 =	vld [tilespmem:s15+$0x0]  }
0x27a: {  	v6 =	vld.msk [tilespmem:s0+$0x0 ss:$0x0], $0xffff  }
0x27b: {  	v8 =	vld [tilespmem:s15+$0x30]  }
0x27c: {  	v60 =	vld [tilespmem:s15+$0x10]  }
0x27d: {  	v61 =	vld [tilespmem:s15+$0x20];
	_ =	sdelay $0x1  }
0x27e: {  	v7 =	vmul.f32 v6, v7  }
0x27f: {  	v8 =	vmul.f32 v8, v6  }
0x280: {  	v9 =	vmul.f32 v60, v6;
	[tilespmem:s15+$0x0] =	vst v7  }
0x281: {  	v6 =	vmul.f32 v61, v6;
	[tilespmem:s15+$0x30] =	vst v8  }
0x282: {  	[tilespmem:s15+$0x10] =	vst v9  }
0x283: {  	[tilespmem:s15+$0x20] =	vst v6;
	v7 =	vld [tilespmem:s15+$0x40]  }
0x284: {  	v6 =	vld.msk [tilespmem:s0+$0x10 ss:$0x0], $0xffff  }
0x285: {  	v8 =	vld [tilespmem:s15+$0x50]  }
0x286: {  	v62 =	vld [tilespmem:s15+$0x70]  }
0x287: {  	v63 =	vld [tilespmem:s15+$0x60];
	_ =	sdelay $0x1  }
0x288: {  	v7 =	vmul.f32 v6, v7  }
0x289: {  	v8 =	vmul.f32 v8, v6  }
0x28a: {  	v9 =	vmul.f32 v62, v6;
	[tilespmem:s15+$0x40] =	vst v7  }
0x28b: {  	[tilespmem:s15+$0x50] =	vst v8;
	v7 =	vmul.f32 v63, v6  }
0x28c: {  	s28 =	simm.s32 $0x0;
	s26 =	simm.s32 $0x4C0;
	s14 =	simm.s32 $0x2C00;
	[tilespmem:s15+$0x70] =	vst v9;
	v6 =	vld [tilespmem:s15+$0x80]  }
.LBB2_11:
0x28d: {  	s28 =	sadd.s32 $0x8, s28;
	[tilespmem:s15+$0x60] =	vst v7;
	v7 =	vld [tilespmem:s15+$0xB0];
	s0 =	sadd.s32 $0x80, s0;
	s26 =	sadd.s32 $0x200, s26  }
0x28e: {  	p1 =	slt.u32 s28, $0x48;
	v8 =	vld.msk [tilespmem:s14+$0x20 ss:$0x0], $0xffff  }
0x28f: {  	v9 =	vld [tilespmem:s15+$0x90]  }
0x290: {  	v10 =	vld [tilespmem:s15+$0xA0];
	_ =	sdelay $0x3  }
0x291: {  	v6 =	vmul.f32 v8, v6;
	v9 =	vmul.f32 v9, v8  }
0x292: {  	v7 =	vmul.f32 v7, v8;
	v10 =	vmul.f32 v10, v8  }
0x293: {  	[tilespmem:s15+$0x80] =	vst v6  }
0x294: {  	[tilespmem:s15+$0xB0] =	vst v7  }
0x295: {  	[tilespmem:s15+$0x90] =	vst v9;
	v6 =	vld [tilespmem:s15+$0xC0]  }
0x296: {  	[tilespmem:s15+$0xA0] =	vst v10;
	v7 =	vld [tilespmem:s15+$0xF0]  }
0x297: {  	v8 =	vld.msk [tilespmem:s14+$0x30 ss:$0x0], $0xffff;
	s14 =	smov.u32 s0  }
0x298: {  	v9 =	vld [tilespmem:s15+$0xD0]  }
0x299: {  	v10 =	vld [tilespmem:s15+$0xE0];
	_ =	sdelay $0x3  }
0x29a: {  	v6 =	vmul.f32 v8, v6;
	v9 =	vmul.f32 v9, v8  }
0x29b: {  	v7 =	vmul.f32 v7, v8;
	v10 =	vmul.f32 v10, v8  }
0x29c: {  	[tilespmem:s15+$0xC0] =	vst v6  }
0x29d: {  	[tilespmem:s15+$0xD0] =	vst v9  }
0x29e: {  	v6 =	vld [tilespmem:s26+$0xFFFFFF20];
	[tilespmem:s15+$0xF0] =	vst v7  }
0x29f: {  	v7 =	vld [tilespmem:s26+$0xFFFFFF00];
	[tilespmem:s15+$0xE0] =	vst v10;
	s15 =	smov.u32 s26  }
0x2a0: {  	v8 =	vld.msk [tilespmem:s0+$0xFFFFFFC0 ss:$0x0], $0xffff  }
0x2a1: {  	v9 =	vld [tilespmem:s26+$0xFFFFFF30]  }
0x2a2: {  	v10 =	vld [tilespmem:s26+$0xFFFFFF10];
	_ =	sdelay $0x3  }
0x2a3: {  	v7 =	vmul.f32 v8, v7;
	v9 =	vmul.f32 v9, v8  }
0x2a4: {  	v6 =	vmul.f32 v6, v8;
	v10 =	vmul.f32 v10, v8  }
0x2a5: {  	[tilespmem:s26+$0xFFFFFF30] =	vst v9  }
0x2a6: {  	[tilespmem:s26+$0xFFFFFF00] =	vst v7  }
0x2a7: {  	[tilespmem:s26+$0xFFFFFF10] =	vst v10;
	v7 =	vld [tilespmem:s26+$0xFFFFFF70]  }
0x2a8: {  	[tilespmem:s26+$0xFFFFFF20] =	vst v6;
	v6 =	vld [tilespmem:s26+$0xFFFFFF50]  }
0x2a9: {  	v8 =	vld.msk [tilespmem:s0+$0xFFFFFFD0 ss:$0x0], $0xffff  }
0x2aa: {  	v9 =	vld [tilespmem:s26+$0xFFFFFF40]  }
0x2ab: {  	v10 =	vld [tilespmem:s26+$0xFFFFFF60];
	_ =	sdelay $0x3  }
0x2ac: {  	v6 =	vmul.f32 v6, v8;
	v9 =	vmul.f32 v8, v9  }
0x2ad: {  	v7 =	vmul.f32 v7, v8;
	v10 =	vmul.f32 v10, v8  }
0x2ae: {  	[tilespmem:s26+$0xFFFFFF40] =	vst v9  }
0x2af: {  	[tilespmem:s26+$0xFFFFFF50] =	vst v6  }
0x2b0: {  	[tilespmem:s26+$0xFFFFFF70] =	vst v7;
	v6 =	vld [tilespmem:s26+$0xFFFFFFB0]  }
0x2b1: {  	[tilespmem:s26+$0xFFFFFF60] =	vst v10;
	v7 =	vld [tilespmem:s26+$0xFFFFFF90]  }
0x2b2: {  	v8 =	vld.msk [tilespmem:s0+$0xFFFFFFE0 ss:$0x0], $0xffff  }
0x2b3: {  	v9 =	vld [tilespmem:s26+$0xFFFFFF80]  }
0x2b4: {  	v10 =	vld [tilespmem:s26+$0xFFFFFFA0];
	_ =	sdelay $0x3  }
0x2b5: {  	v7 =	vmul.f32 v7, v8;
	v9 =	vmul.f32 v8, v9  }
0x2b6: {  	v6 =	vmul.f32 v6, v8;
	v10 =	vmul.f32 v10, v8  }
0x2b7: {  	[tilespmem:s26+$0xFFFFFF80] =	vst v9  }
0x2b8: {  	[tilespmem:s26+$0xFFFFFFB0] =	vst v6  }
0x2b9: {  	[tilespmem:s26+$0xFFFFFF90] =	vst v7;
	v6 =	vld [tilespmem:s26+$0xFFFFFFF0]  }
0x2ba: {  	[tilespmem:s26+$0xFFFFFFA0] =	vst v10;
	v7 =	vld [tilespmem:s26+$0xFFFFFFD0]  }
0x2bb: {  	v8 =	vld.msk [tilespmem:s0+$0xFFFFFFF0 ss:$0x0], $0xffff  }
0x2bc: {  	v9 =	vld [tilespmem:s26+$0xFFFFFFC0]  }
0x2bd: {  	v10 =	vld [tilespmem:s26+$0xFFFFFFE0];
	_ =	sdelay $0x3  }
0x2be: {  	v7 =	vmul.f32 v7, v8;
	v9 =	vmul.f32 v8, v9  }
0x2bf: {  	v6 =	vmul.f32 v6, v8;
	v10 =	vmul.f32 v10, v8  }
0x2c0: {  	[tilespmem:s26+$0xFFFFFFC0] =	vst v9  }
0x2c1: {  	[tilespmem:s26+$0xFFFFFFD0] =	vst v7  }
0x2c2: {  	[tilespmem:s26+$0xFFFFFFF0] =	vst v6;
	v6 =	vld [tilespmem:s26+$0x30]  }
0x2c3: {  	[tilespmem:s26+$0xFFFFFFE0] =	vst v10;
	v7 =	vld [tilespmem:s26+$0x10]  }
0x2c4: {  	v8 =	vld.msk [tilespmem:s0+$0x0 ss:$0x0], $0xffff  }
0x2c5: {  	v9 =	vld [tilespmem:s26+$0x0]  }
0x2c6: {  	v10 =	vld [tilespmem:s26+$0x20];
	_ =	sdelay $0x3  }
0x2c7: {  	v7 =	vmul.f32 v7, v8;
	v9 =	vmul.f32 v8, v9  }
0x2c8: {  	v6 =	vmul.f32 v6, v8;
	v10 =	vmul.f32 v10, v8  }
0x2c9: {  	[tilespmem:s26+$0x0] =	vst v9  }
0x2ca: {  	[tilespmem:s26+$0x30] =	vst v6  }
0x2cb: {  	[tilespmem:s26+$0x10] =	vst v7;
	v6 =	vld [tilespmem:s26+$0x70]  }
0x2cc: {  	[tilespmem:s26+$0x20] =	vst v10;
	v7 =	vld [tilespmem:s26+$0x50]  }
0x2cd: {  	v8 =	vld.msk [tilespmem:s0+$0x10 ss:$0x0], $0xffff  }
0x2ce: {  	v9 =	vld [tilespmem:s26+$0x40]  }
0x2cf: {  	v10 =	vld [tilespmem:s26+$0x60];
	_ =	sdelay $0x3  }
.Ltmp4:
0x2d0: {  	v11 =	vmul.f32 v7, v8;
	v9 =	vmul.f32 v8, v9;
	(pc) =	sbr.rel @p1 .LBB2_11-.Ltmp4, $4  }
0x2d1: {  	v6 =	vmul.f32 v6, v8;
	v7 =	vmul.f32 v10, v8  }
0x2d2: {  	[tilespmem:s26+$0x40] =	vst v9  }
0x2d3: {  	[tilespmem:s26+$0x50] =	vst v11  }
0x2d4: {  	[tilespmem:s26+$0x70] =	vst v6;
	v6 =	vld [tilespmem:s26+$0x80]  }
0x2d5: {  	[tilespmem:s15+$0x60] =	vst v7  }
0x2d6: {  	v7 =	vld.msk [tilespmem:s14+$0x20 ss:$0x0], $0xffff  }
0x2d7: {  	v8 =	vld [tilespmem:s15+$0xB0]  }
0x2d8: {  	v9 =	vld [tilespmem:s15+$0x90]  }
0x2d9: {  	v10 =	vld [tilespmem:s15+$0xA0];
	_ =	sdelay $0x1  }
0x2da: {  	v6 =	vmul.f32 v7, v6  }
0x2db: {  	v8 =	vmul.f32 v8, v7  }
0x2dc: {  	v9 =	vmul.f32 v9, v7;
	[tilespmem:s15+$0x80] =	vst v6  }
0x2dd: {  	[tilespmem:s15+$0xB0] =	vst v8;
	v6 =	vmul.f32 v10, v7  }
0x2de: {  	[tilespmem:s15+$0x90] =	vst v9  }
0x2df: {  	v7 =	vld [tilespmem:s15+$0xC0];
	[tilespmem:s15+$0xA0] =	vst v6  }
0x2e0: {  	v6 =	vld.msk [tilespmem:s14+$0x30 ss:$0x0], $0xffff  }
0x2e1: {  	v8 =	vld [tilespmem:s15+$0xD0]  }
0x2e2: {  	v50 =	vld [tilespmem:s15+$0xF0]  }
0x2e3: {  	v51 =	vld [tilespmem:s15+$0xE0];
	_ =	sdelay $0x1  }
0x2e4: {  	v7 =	vmul.f32 v6, v7  }
0x2e5: {  	v8 =	vmul.f32 v8, v6  }
0x2e6: {  	v9 =	vmul.f32 v50, v6;
	[tilespmem:s15+$0xC0] =	vst v7  }
0x2e7: {  	v6 =	vmul.f32 v51, v6;
	[tilespmem:s15+$0xD0] =	vst v8  }
0x2e8: {  	[tilespmem:s15+$0xF0] =	vst v9  }
0x2e9: {  	[tilespmem:s15+$0xE0] =	vst v6  }
0x2ea: {  	[spmem:s2] =	stream.indirect.scatter.add.f32 [tilespmem:s16], [sflag:$0x3], $0x40, s20, s8, $0xb8;
	[tilespmem:$0xFDC0] =	vst v63  }
0x2eb: {  	_ = 	snop  }
0x2ec: {  	[spmem:s3] =	stream.indirect.scatter.add.f32 [tilespmem:s7], [sflag:$0x3], $0x10, s20, s8, $0xb8;
	[tilespmem:$0xFDC0] =	vst v63  }
0x2ed: {  	_ =	swait.ge [sflag:s21], $0x1400  }
0x2ee: {  	[sflag:s21] =	ssyncset.done $0x0  }
0x2ef: {  	[sflag:s21] =	ssyncadd.s32 $0xFFFFEC00  }
0x2f0: {  	_ =	swait.ge [sflag:s21], $0x500  }
0x2f1: {  	[sflag:s21] =	ssyncset.done $0x0  }
0x2f2: {  	[sflag:s21] =	ssyncadd.s32 $0xFFFFFB00  }
0x2f3: {  	_ =	swait.ge [sflag:s23], $0x1400  }
0x2f4: {  	[sflag:s23] =	ssyncset.done $0x0  }
0x2f5: {  	[sflag:s23] =	ssyncadd.s32 $0xFFFFEC00  }
0x2f6: {  	v6 =	vld [tilespmem:$0x140];
	_ =	sdelay $0x2  }
0x2f7: {  	s0 =	sld [smem:$0x7FB];
	_ =	sdelay $0x1  }
0x2f8: {  	[tilespmem:$0x370] =	vst v6  }
0x2f9: {  	v6 =	vld [tilespmem:s0+$0x140];
	_ =	sdelay $0x4  }
0x2fa: {  	[tilespmem:v0+s24+$0x0] =	vst.idx.msk $0xffff, v6  }
0x2fb: {  	v6 =	vld [tilespmem:$0x150];
	_ =	sdelay $0x2  }
0x2fc: {  	s26 =	sld [smem:$0x7FC];
	_ =	sdelay $0x1  }
0x2fd: {  	[tilespmem:$0x380] =	vst v6  }
0x2fe: {  	v6 =	vld [tilespmem:s26+$0x140];
	_ =	sdelay $0x4  }
0x2ff: {  	[tilespmem:v2+s24+$0x0] =	vst.idx.msk $0xffff, v6  }
0x300: {  	v6 =	vld [tilespmem:$0x160];
	_ =	sdelay $0x2  }
0x301: {  	s14 =	sld [smem:$0x7FD];
	_ =	sdelay $0x1  }
0x302: {  	[tilespmem:$0x390] =	vst v6  }
0x303: {  	v6 =	vld [tilespmem:s14+$0x140];
	_ =	sdelay $0x4  }
0x304: {  	[tilespmem:v3+s24+$0x0] =	vst.idx.msk $0xffff, v6  }
0x305: {  	v6 =	vld [tilespmem:$0x170];
	_ =	sdelay $0x4  }
0x306: {  	s15 =	rddreg [dreg:$0x1f];
	[tilespmem:$0x3A0] =	vst v6  }
0x307: {  	v6 =	vld [tilespmem:s15+$0x140];
	_ =	sdelay $0x4  }
0x308: {  	[tilespmem:v4+s24+$0x0] =	vst.idx.msk $0xffff, v6  }
0x309: {  	v6 =	vld [tilespmem:$0x180];
	_ =	sdelay $0x4  }
0x30a: {  	s26 =	rddreg [dreg:$0x1e];
	[tilespmem:$0x3B0] =	vst v6  }
0x30b: {  	v6 =	vld [tilespmem:s26+$0x140];
	_ =	sdelay $0x4  }
0x30c: {  	s14 =	simm.s32 $0x3100;
	[tilespmem:v5+s24+$0x0] =	vst.idx.msk $0xffff, v6  }
0x30d: {  	s0 =	simm.s32 $0x18C0;
	v6 =	vld.msk [tilespmem:s14+$0xFFFFFFC0 ss:$0x0], $0xffff  }
0x30e: {  	v7 =	vld [tilespmem:s0+$0xFFFFFF30]  }
0x30f: {  	v8 =	vld [tilespmem:s0+$0xFFFFFF00]  }
0x310: {  	v52 =	vld [tilespmem:s0+$0xFFFFFF10]  }
0x311: {  	v53 =	vld [tilespmem:s0+$0xFFFFFF20];
	_ =	sdelay $0x1  }
0x312: {  	v7 =	vmul.f32 v7, v6  }
0x313: {  	v8 =	vmul.f32 v6, v8  }
0x314: {  	v9 =	vmul.f32 v52, v6;
	[tilespmem:s0+$0xFFFFFF30] =	vst v7  }
0x315: {  	v6 =	vmul.f32 v53, v6;
	[tilespmem:s0+$0xFFFFFF00] =	vst v8  }
0x316: {  	[tilespmem:s0+$0xFFFFFF10] =	vst v9  }
0x317: {  	[tilespmem:s0+$0xFFFFFF20] =	vst v6;
	v7 =	vld [tilespmem:s0+$0xFFFFFF40]  }
0x318: {  	v6 =	vld.msk [tilespmem:s14+$0xFFFFFFD0 ss:$0x0], $0xffff  }
0x319: {  	v8 =	vld [tilespmem:s0+$0xFFFFFF50]  }
0x31a: {  	v54 =	vld [tilespmem:s0+$0xFFFFFF70]  }
0x31b: {  	v55 =	vld [tilespmem:s0+$0xFFFFFF60];
	_ =	sdelay $0x1  }
0x31c: {  	v7 =	vmul.f32 v6, v7  }
0x31d: {  	v8 =	vmul.f32 v8, v6  }
0x31e: {  	v9 =	vmul.f32 v54, v6;
	[tilespmem:s0+$0xFFFFFF40] =	vst v7  }
0x31f: {  	v6 =	vmul.f32 v55, v6;
	[tilespmem:s0+$0xFFFFFF50] =	vst v8  }
0x320: {  	[tilespmem:s0+$0xFFFFFF70] =	vst v9  }
0x321: {  	[tilespmem:s0+$0xFFFFFF60] =	vst v6;
	v7 =	vld [tilespmem:s0+$0xFFFFFF80]  }
0x322: {  	v6 =	vld.msk [tilespmem:s14+$0xFFFFFFE0 ss:$0x0], $0xffff  }
0x323: {  	v8 =	vld [tilespmem:s0+$0xFFFFFFB0]  }
0x324: {  	v56 =	vld [tilespmem:s0+$0xFFFFFF90]  }
0x325: {  	v57 =	vld [tilespmem:s0+$0xFFFFFFA0];
	_ =	sdelay $0x1  }
0x326: {  	v7 =	vmul.f32 v6, v7  }
0x327: {  	v8 =	vmul.f32 v8, v6  }
0x328: {  	v9 =	vmul.f32 v56, v6;
	[tilespmem:s0+$0xFFFFFF80] =	vst v7  }
0x329: {  	v6 =	vmul.f32 v57, v6;
	[tilespmem:s0+$0xFFFFFFB0] =	vst v8  }
0x32a: {  	[tilespmem:s0+$0xFFFFFF90] =	vst v9  }
0x32b: {  	[tilespmem:s0+$0xFFFFFFA0] =	vst v6;
	v7 =	vld [tilespmem:s0+$0xFFFFFFC0]  }
0x32c: {  	v6 =	vld.msk [tilespmem:s14+$0xFFFFFFF0 ss:$0x0], $0xffff  }
0x32d: {  	v8 =	vld [tilespmem:s0+$0xFFFFFFD0]  }
0x32e: {  	v58 =	vld [tilespmem:s0+$0xFFFFFFF0]  }
0x32f: {  	v59 =	vld [tilespmem:s0+$0xFFFFFFE0];
	_ =	sdelay $0x1  }
0x330: {  	v7 =	vmul.f32 v6, v7  }
0x331: {  	v8 =	vmul.f32 v8, v6  }
0x332: {  	v9 =	vmul.f32 v58, v6;
	[tilespmem:s0+$0xFFFFFFC0] =	vst v7  }
0x333: {  	v6 =	vmul.f32 v59, v6;
	[tilespmem:s0+$0xFFFFFFD0] =	vst v8  }
0x334: {  	[tilespmem:s0+$0xFFFFFFF0] =	vst v9  }
0x335: {  	[tilespmem:s0+$0xFFFFFFE0] =	vst v6;
	v7 =	vld [tilespmem:s0+$0x0]  }
0x336: {  	v6 =	vld.msk [tilespmem:s14+$0x0 ss:$0x0], $0xffff  }
0x337: {  	v8 =	vld [tilespmem:s0+$0x30]  }
0x338: {  	v60 =	vld [tilespmem:s0+$0x10]  }
0x339: {  	v61 =	vld [tilespmem:s0+$0x20];
	_ =	sdelay $0x1  }
0x33a: {  	v7 =	vmul.f32 v6, v7  }
0x33b: {  	v8 =	vmul.f32 v8, v6  }
0x33c: {  	v9 =	vmul.f32 v60, v6;
	[tilespmem:s0+$0x0] =	vst v7  }
0x33d: {  	v6 =	vmul.f32 v61, v6;
	[tilespmem:s0+$0x30] =	vst v8  }
0x33e: {  	[tilespmem:s0+$0x10] =	vst v9  }
0x33f: {  	[tilespmem:s0+$0x20] =	vst v6;
	v7 =	vld [tilespmem:s0+$0x40]  }
0x340: {  	v6 =	vld.msk [tilespmem:s14+$0x10 ss:$0x0], $0xffff  }
0x341: {  	v8 =	vld [tilespmem:s0+$0x50]  }
0x342: {  	v62 =	vld [tilespmem:s0+$0x70]  }
0x343: {  	v63 =	vld [tilespmem:s0+$0x60];
	_ =	sdelay $0x1  }
0x344: {  	v7 =	vmul.f32 v6, v7  }
0x345: {  	v8 =	vmul.f32 v8, v6  }
0x346: {  	v9 =	vmul.f32 v62, v6;
	[tilespmem:s0+$0x40] =	vst v7  }
0x347: {  	s28 =	simm.s32 $0x0;
	s29 =	rddreg [dreg:$0xa];
	[tilespmem:s0+$0x50] =	vst v8;
	v7 =	vmul.f32 v63, v6  }
0x348: {  	s30 =	rddreg [dreg:$0xb];
	s15 =	simm.s32 $0x3100;
	s26 =	simm.s32 $0x18C0;
	[tilespmem:s0+$0x70] =	vst v9;
	v6 =	vld [tilespmem:s0+$0x80]  }
.LBB2_13:
0x349: {  	s28 =	sadd.s32 $0x8, s28;
	[tilespmem:s0+$0x60] =	vst v7;
	v7 =	vld [tilespmem:s0+$0xB0];
	s14 =	sadd.s32 $0x80, s14;
	s26 =	sadd.s32 $0x200, s26  }
0x34a: {  	p1 =	slt.u32 s28, $0x48;
	v8 =	vld.msk [tilespmem:s15+$0x20 ss:$0x0], $0xffff  }
0x34b: {  	v9 =	vld [tilespmem:s0+$0x90]  }
0x34c: {  	v10 =	vld [tilespmem:s0+$0xA0];
	_ =	sdelay $0x3  }
0x34d: {  	v6 =	vmul.f32 v8, v6;
	v9 =	vmul.f32 v9, v8  }
0x34e: {  	v7 =	vmul.f32 v7, v8;
	v10 =	vmul.f32 v10, v8  }
0x34f: {  	[tilespmem:s0+$0x80] =	vst v6  }
0x350: {  	[tilespmem:s0+$0xB0] =	vst v7  }
0x351: {  	[tilespmem:s0+$0x90] =	vst v9;
	v6 =	vld [tilespmem:s0+$0xC0]  }
0x352: {  	[tilespmem:s0+$0xA0] =	vst v10;
	v7 =	vld [tilespmem:s0+$0xF0]  }
0x353: {  	v8 =	vld.msk [tilespmem:s15+$0x30 ss:$0x0], $0xffff;
	s15 =	smov.u32 s14  }
0x354: {  	v9 =	vld [tilespmem:s0+$0xD0]  }
0x355: {  	v10 =	vld [tilespmem:s0+$0xE0];
	_ =	sdelay $0x3  }
0x356: {  	v6 =	vmul.f32 v8, v6;
	v9 =	vmul.f32 v9, v8  }
0x357: {  	v7 =	vmul.f32 v7, v8;
	v10 =	vmul.f32 v10, v8  }
0x358: {  	[tilespmem:s0+$0xC0] =	vst v6  }
0x359: {  	[tilespmem:s0+$0xD0] =	vst v9  }
0x35a: {  	v6 =	vld [tilespmem:s26+$0xFFFFFF20];
	[tilespmem:s0+$0xF0] =	vst v7  }
0x35b: {  	v7 =	vld [tilespmem:s26+$0xFFFFFF00];
	[tilespmem:s0+$0xE0] =	vst v10;
	s0 =	smov.u32 s26  }
0x35c: {  	v8 =	vld.msk [tilespmem:s14+$0xFFFFFFC0 ss:$0x0], $0xffff  }
0x35d: {  	v9 =	vld [tilespmem:s26+$0xFFFFFF30]  }
0x35e: {  	v10 =	vld [tilespmem:s26+$0xFFFFFF10];
	_ =	sdelay $0x3  }
0x35f: {  	v7 =	vmul.f32 v8, v7;
	v9 =	vmul.f32 v9, v8  }
0x360: {  	v6 =	vmul.f32 v6, v8;
	v10 =	vmul.f32 v10, v8  }
0x361: {  	[tilespmem:s26+$0xFFFFFF30] =	vst v9  }
0x362: {  	[tilespmem:s26+$0xFFFFFF00] =	vst v7  }
0x363: {  	[tilespmem:s26+$0xFFFFFF10] =	vst v10;
	v7 =	vld [tilespmem:s26+$0xFFFFFF70]  }
0x364: {  	[tilespmem:s26+$0xFFFFFF20] =	vst v6;
	v6 =	vld [tilespmem:s26+$0xFFFFFF50]  }
0x365: {  	v8 =	vld.msk [tilespmem:s14+$0xFFFFFFD0 ss:$0x0], $0xffff  }
0x366: {  	v9 =	vld [tilespmem:s26+$0xFFFFFF40]  }
0x367: {  	v10 =	vld [tilespmem:s26+$0xFFFFFF60];
	_ =	sdelay $0x3  }
0x368: {  	v6 =	vmul.f32 v6, v8;
	v9 =	vmul.f32 v8, v9  }
0x369: {  	v7 =	vmul.f32 v7, v8;
	v10 =	vmul.f32 v10, v8  }
0x36a: {  	[tilespmem:s26+$0xFFFFFF40] =	vst v9  }
0x36b: {  	[tilespmem:s26+$0xFFFFFF50] =	vst v6  }
0x36c: {  	[tilespmem:s26+$0xFFFFFF70] =	vst v7;
	v6 =	vld [tilespmem:s26+$0xFFFFFFB0]  }
0x36d: {  	[tilespmem:s26+$0xFFFFFF60] =	vst v10;
	v7 =	vld [tilespmem:s26+$0xFFFFFF90]  }
0x36e: {  	v8 =	vld.msk [tilespmem:s14+$0xFFFFFFE0 ss:$0x0], $0xffff  }
0x36f: {  	v9 =	vld [tilespmem:s26+$0xFFFFFF80]  }
0x370: {  	v10 =	vld [tilespmem:s26+$0xFFFFFFA0];
	_ =	sdelay $0x3  }
0x371: {  	v7 =	vmul.f32 v7, v8;
	v9 =	vmul.f32 v8, v9  }
0x372: {  	v6 =	vmul.f32 v6, v8;
	v10 =	vmul.f32 v10, v8  }
0x373: {  	[tilespmem:s26+$0xFFFFFF80] =	vst v9  }
0x374: {  	[tilespmem:s26+$0xFFFFFFB0] =	vst v6  }
0x375: {  	[tilespmem:s26+$0xFFFFFF90] =	vst v7;
	v6 =	vld [tilespmem:s26+$0xFFFFFFF0]  }
0x376: {  	[tilespmem:s26+$0xFFFFFFA0] =	vst v10;
	v7 =	vld [tilespmem:s26+$0xFFFFFFD0]  }
0x377: {  	v8 =	vld.msk [tilespmem:s14+$0xFFFFFFF0 ss:$0x0], $0xffff  }
0x378: {  	v9 =	vld [tilespmem:s26+$0xFFFFFFC0]  }
0x379: {  	v10 =	vld [tilespmem:s26+$0xFFFFFFE0];
	_ =	sdelay $0x3  }
0x37a: {  	v7 =	vmul.f32 v7, v8;
	v9 =	vmul.f32 v8, v9  }
0x37b: {  	v6 =	vmul.f32 v6, v8;
	v10 =	vmul.f32 v10, v8  }
0x37c: {  	[tilespmem:s26+$0xFFFFFFC0] =	vst v9  }
0x37d: {  	[tilespmem:s26+$0xFFFFFFD0] =	vst v7  }
0x37e: {  	[tilespmem:s26+$0xFFFFFFF0] =	vst v6;
	v6 =	vld [tilespmem:s26+$0x30]  }
0x37f: {  	[tilespmem:s26+$0xFFFFFFE0] =	vst v10;
	v7 =	vld [tilespmem:s26+$0x10]  }
0x380: {  	v8 =	vld.msk [tilespmem:s14+$0x0 ss:$0x0], $0xffff  }
0x381: {  	v9 =	vld [tilespmem:s26+$0x0]  }
0x382: {  	v10 =	vld [tilespmem:s26+$0x20];
	_ =	sdelay $0x3  }
0x383: {  	v7 =	vmul.f32 v7, v8;
	v9 =	vmul.f32 v8, v9  }
0x384: {  	v6 =	vmul.f32 v6, v8;
	v10 =	vmul.f32 v10, v8  }
0x385: {  	[tilespmem:s26+$0x0] =	vst v9  }
0x386: {  	[tilespmem:s26+$0x30] =	vst v6  }
0x387: {  	[tilespmem:s26+$0x10] =	vst v7;
	v6 =	vld [tilespmem:s26+$0x70]  }
0x388: {  	[tilespmem:s26+$0x20] =	vst v10;
	v7 =	vld [tilespmem:s26+$0x50]  }
0x389: {  	v8 =	vld.msk [tilespmem:s14+$0x10 ss:$0x0], $0xffff  }
0x38a: {  	v9 =	vld [tilespmem:s26+$0x40]  }
0x38b: {  	v10 =	vld [tilespmem:s26+$0x60];
	_ =	sdelay $0x3  }
.Ltmp5:
0x38c: {  	v11 =	vmul.f32 v7, v8;
	v9 =	vmul.f32 v8, v9;
	(pc) =	sbr.rel @p1 .LBB2_13-.Ltmp5, $4  }
0x38d: {  	v6 =	vmul.f32 v6, v8;
	v7 =	vmul.f32 v10, v8  }
0x38e: {  	[tilespmem:s26+$0x40] =	vst v9  }
0x38f: {  	[tilespmem:s26+$0x50] =	vst v11  }
0x390: {  	[tilespmem:s26+$0x70] =	vst v6;
	v6 =	vld [tilespmem:s26+$0x80]  }
0x391: {  	[tilespmem:s0+$0x60] =	vst v7  }
0x392: {  	v7 =	vld.msk [tilespmem:s15+$0x20 ss:$0x0], $0xffff  }
0x393: {  	v8 =	vld [tilespmem:s0+$0xB0]  }
0x394: {  	v9 =	vld [tilespmem:s0+$0x90]  }
0x395: {  	v10 =	vld [tilespmem:s0+$0xA0];
	_ =	sdelay $0x1  }
0x396: {  	v6 =	vmul.f32 v7, v6  }
0x397: {  	v8 =	vmul.f32 v8, v7  }
0x398: {  	v9 =	vmul.f32 v9, v7;
	[tilespmem:s0+$0x80] =	vst v6  }
0x399: {  	[tilespmem:s0+$0xB0] =	vst v8;
	v6 =	vmul.f32 v10, v7  }
0x39a: {  	[tilespmem:s0+$0x90] =	vst v9  }
0x39b: {  	v7 =	vld [tilespmem:s0+$0xC0];
	[tilespmem:s0+$0xA0] =	vst v6  }
0x39c: {  	v6 =	vld.msk [tilespmem:s15+$0x30 ss:$0x0], $0xffff  }
0x39d: {  	v61 =	vld [tilespmem:s0+$0xD0]  }
0x39e: {  	v62 =	vld [tilespmem:s0+$0xF0]  }
0x39f: {  	v63 =	vld [tilespmem:s0+$0xE0];
	_ =	sdelay $0x1  }
0x3a0: {  	v7 =	vmul.f32 v6, v7  }
0x3a1: {  	v8 =	vmul.f32 v61, v6  }
0x3a2: {  	v9 =	vmul.f32 v62, v6;
	[tilespmem:s0+$0xC0] =	vst v7  }
0x3a3: {  	v6 =	vmul.f32 v63, v6;
	[tilespmem:s0+$0xD0] =	vst v8  }
0x3a4: {  	[tilespmem:s0+$0xF0] =	vst v9  }
0x3a5: {  	[tilespmem:s0+$0xE0] =	vst v6  }
0x3a6: {  	[spmem:s2] =	stream.indirect.scatter.add.f32 [tilespmem:s18], [sflag:$0x4], $0x40, s25, s8, $0xb8;
	[tilespmem:$0xFDC0] =	vst v63  }
0x3a7: {  	_ = 	snop  }
0x3a8: {  	[spmem:s3] =	stream.indirect.scatter.add.f32 [tilespmem:s24], [sflag:$0x4], $0x10, s25, s8, $0xb8;
	[tilespmem:$0xFDC0] =	vst v63  }
0x3a9: {  	_ =	swait.ge [sflag:s31], $0x1400  }
0x3aa: {  	[sflag:s31] =	ssyncset.done $0x0  }
0x3ab: {  	[sflag:s31] =	ssyncadd.s32 $0xFFFFEC00  }
0x3ac: {  	_ =	swait.ge [sflag:s31], $0x500  }
0x3ad: {  	s26 =	rddreg [dreg:$0x1d]  }
0x3ae: {  	[sflag:s31] =	ssyncset.done $0x0;
	s0 =	smul.u32 $0x2800, s26  }
0x3af: {  	s14 =	rddreg [dreg:$0x8];
	[sflag:s31] =	ssyncadd.s32 $0xFFFFFB00  }
0x3b0: {  	s28 =	stileid.u32;
	[bflag:$0x0] =	sbarrier.arrive $0xFFFF;
	s0 =	sadd.s32 s14, s0  }
0x3b1: {  	s15 =	sshll.u32 s28, $0x6;
	s26 =	rddreg [dreg:$0x5];
	s14 =	sshll.u32 s0, $0x3  }
0x3b2: {  	s15 =	sor.u32 $0x1C07, s15;
	s31 =	sshrl.u32 s29, $0x3;
	s14 =	sadd.s32 s26, s14  }
0x3b3: {  	[hbm:s14], [sflag:s15] =	dma.local [spmem:s31], $0x1400  }
0x3b4: {  	s0 =	sshll.u32 s0, $0x1;
	_ =	swait.ge [sflag:s5], $0x1400  }
0x3b5: {  	s31 =	sshrl.u32 s30, $0x3;
	[sflag:s5] =	ssyncset.done $0x0;
	s28 =	rddreg [dreg:$0x6]  }
.Ltmp6:
0x3b6: {  	[sflag:s5] =	ssyncadd.s32 $0xFFFFEC00;
	s0 =	sadd.s32 s28, s0;
	(pc) =	sbr.rel @p0 .LBB2_2-.Ltmp6, $4  }
0x3b7: {  	[hbm:s0], [sflag:s15] =	dma.local [spmem:s31], $0x500  }
0x3b8: {  	_ =	swait.ge [sflag:s5], $0x500  }
0x3b9: {  	[sflag:s5] =	ssyncset.done $0x0  }
0x3ba: {  	p1 =	por $0x0, $0x0;
	s0 =	simm.s32 $0x1;
	[sflag:s5] =	ssyncadd.s32 $0xFFFFFB00  }
0x3bb: {  	s14 =	rddreg [dreg:$0x1c]  }
0x3bc: {  	s0 =	rddreg [dreg:$0xc];
	s14 =	sadd.s32 $0x1, s14  }
0x3bd: {  	p0 =	sne.s32 s14, s0  }
.Ltmp7:
0x3be: {  	_ = 	snop;
	(pc) =	sbr.rel @p0 .LBB2_1-.Ltmp7, $1  }
0x3bf: {  	_ =	sdelay $0x3  }
0x3c0: {  	_ =	sfence.sel $0x180000  }
0x3c1: {  	[bflag:$0x0] =	sbarrier.arrive $0xFFFF  }
0x3c2: {  	_ =	strace $0x9000004A  }
0x3c3: {  	s0 =	stileid.u32;
	[bflag:$0x2] =	sbarrier.arrive $0xFFFF  }
0x3c4: {  	p0 =	sne.s32 s0, $0x0;
	s0 =	rddreg [dreg:$0x4]  }
0x3c5: {  	s0 =	sadd.s32 @!p0 $0x100000, s0  }
0x3c6: {  	[sflag:s0] =	ssyncadd.tile.s32 @!p0 $0x1;
	_ =	shalt  }
.Lfunc_end2:
_tile_overlayer_lowered:
.L_overlay_start_2:
0x3c7: {  	(tag) =	ssettag $0x2  }
0x3c8: {  	s0 =	rddreg [dreg:$0x0];
	s2 =	stileid.u32  }
0x3c9: {  	s1 =	rddreg [dreg:$0x1];
	p0 =	sne.s32 s2, $0x0  }
0x3ca: {  	s3 =	rddreg [dreg:$0x2];
	[bflag:$0x3] =	sbarrier.arrive $0xFFFF;
	s2 =	simm.s32 @!p0 $0x1C07  }
0x3cb: {  	[timem:s3], [sflag:s2] =	dma.local @!p0 [hbm:s0], s1  }
0x3cc: {  	s0 =	simm.s32 @!p0 $0x7  }
0x3cd: {  	_ =	swait.ge @!p0 [sflag:s0], s1  }
0x3ce: {  	s1 =	ssub.s32 @!p0 $0x0, s1;
	[sflag:s0] =	ssyncset.done @!p0 $0x0  }
0x3cf: {  	[sflag:s0] =	ssyncadd.s32 @!p0 s1  }
0x3d0: {  	[bflag:$0x3] =	sbarrier.arrive $0xFFFF  }
0x3d1: {  	_ =	shalt  }

</sc_bundles>
